<compile_context>
chip_gen: v7x
topology: tpu7x:2x2x1
jax: 0.10.2.dev20260603
libtpu: 0.0.44.dev20260713+nightly
codegen_flags: <defaults>
</compile_context>

<pallas_src>
import functools

import jax
import jax.numpy as jnp
from jax import lax
from jax.experimental import pallas as pl
from jax.experimental.pallas import tpu as pltpu
from jax.experimental.pallas import tpu_sc as plsc

_E = 320000
_N = 10000
_D = 128
_L = 16
_NC = 2
_NS = 16
_NW = _NC * _NS
_EPW = _E // _NW
_B = 400
_NCHUNK = _EPW // _B
_SPLITS = ((0, 128), (128, 128), (256, 128), (384, 16))
_NG = _B // _L

_mesh = plsc.VectorSubcoreMesh(
    core_axis_name="c", subcore_axis_name="s", num_cores=_NC, num_subcores=_NS
)


@functools.partial(
    pl.kernel,
    out_type=jax.ShapeDtypeStruct((_E,), jnp.float32),
    mesh=_mesh,
    compiler_params=pltpu.CompilerParams(needs_layout_passes=False,
                                         use_tc_tiling_on_sc=False),
    scratch_types=[
        [pltpu.VMEM((_B,), jnp.int32)] * 2,
        [pltpu.VMEM((_B,), jnp.int32)] * 2,
        [pltpu.VMEM((_B, _D // 2), jnp.int32)] * 2,
        [pltpu.VMEM((_B, _D // 2), jnp.int32)] * 2,
        pltpu.VMEM((_NG * _L * _L,), jnp.float32),
        pltpu.VMEM((_EPW,), jnp.float32),
        [pltpu.SemaphoreType.DMA] * 2,
        [pltpu.SemaphoreType.DMA] * 2,
    ],
)
def _edge_dot(h_hbm, src_hbm, dst_hbm, out_hbm, sidx, didx, srows, drows, pbuf,
              outbuf, gsem, isem):
    wid = lax.axis_index("s") * _NC + lax.axis_index("c")
    lanes = lax.iota(jnp.int32, _L)

    def fire_idx(p, c):
        base = wid * _EPW + c * _B
        pltpu.async_copy(src_hbm.at[pl.ds(base, _B)], sidx[p], isem[p])
        pltpu.async_copy(dst_hbm.at[pl.ds(base, _B)], didx[p], isem[p])

    def wait_idx(p):
        pltpu.make_async_copy(src_hbm.at[pl.ds(0, _B)], sidx[p], isem[p]).wait()
        pltpu.make_async_copy(dst_hbm.at[pl.ds(0, _B)], didx[p], isem[p]).wait()

    def fire_rows(p):
        for off, n in _SPLITS:
            sl = pl.ds(off, n)
            pltpu.async_copy(h_hbm.at[sidx[p].at[sl]], srows[p].at[sl], gsem[p])
            pltpu.async_copy(h_hbm.at[didx[p].at[sl]], drows[p].at[sl], gsem[p])

    def drain_rows(p):
        pltpu.make_async_copy(h_hbm.at[sidx[p]], srows[p], gsem[p]).wait()
        pltpu.make_async_copy(h_hbm.at[didx[p]], drows[p], gsem[p]).wait()

    def compute(p, c):
        sr, dr = srows[p], drows[p]

        @plsc.parallel_loop(0, _NG, unroll=3)
        def _group(g):
            start = g * _L
            for e in range(_L):
                row = start + e
                prods = []
                for t in range(_D // (2 * _L)):
                    a = plsc.bitcast(sr[row, pl.ds(t * _L, _L)], jnp.bfloat16)
                    b = plsc.bitcast(dr[row, pl.ds(t * _L, _L)], jnp.bfloat16)
                    lo, hi = plsc.unpack(a * b,
                                         format=plsc.PackFormat.INTERLEAVED,
                                         preferred_element_type=jnp.float32)
                    prods += [lo, hi]
                while len(prods) > 1:
                    prods = [prods[i] + prods[i + 1]
                             for i in range(0, len(prods), 2)]
                pbuf[pl.ds(g * _L * _L + e * _L, _L)] = prods[0]
            gb = g * _L * _L
            cols = [plsc.load_gather(pbuf, [gb + lanes * _L + j])
                    for j in range(_L)]
            while len(cols) > 1:
                cols = [cols[i] + cols[i + 1] for i in range(0, len(cols), 2)]
            outbuf[pl.ds(c * _B + start, _L)] = cols[0]

    fire_idx(0, 0)
    wait_idx(0)
    fire_rows(0)
    fire_idx(1, 1)

    @pl.loop(0, (_NCHUNK + 1) // 2)
    def _cc(cc):
        for b in range(2):
            c = cc * 2 + b
            np_ = 1 - b

            @pl.when(c + 1 < _NCHUNK)
            def _():
                wait_idx(np_)
                fire_rows(np_)

            @pl.when(c < _NCHUNK)
            def _():
                drain_rows(b)

                @pl.when(c + 2 < _NCHUNK)
                def _():
                    fire_idx(b, c + 2)

                compute(b, c)

    pltpu.sync_copy(outbuf, out_hbm.at[pl.ds(wid * _EPW, _EPW)])


def kernel(h, edge_index):
    src = edge_index[0].astype(jnp.int32)
    dst = edge_index[1].astype(jnp.int32)
    h32 = jax.lax.bitcast_convert_type(
        h.astype(jnp.bfloat16).reshape(_N, _D // 2, 2), jnp.int32)
    return _edge_dot(h32, src, dst).reshape(_E, 1)

# --- scband reference (transcript-rebuilt; emitter-appended) ---
"""Pipeline reference for scband-hetero-dot-product-predictor-28217935134750 (READ-ONLY COPY).

The authoritative reference and input builder live on the scoring server;
editing this copy changes nothing except your own understanding.
"""

import jax, jax.numpy as jnp
import numpy as np

N_NODES = 10000
N_EDGES = 320000
D_FEAT = 128


def setup_inputs(seed: int = 0) -> dict:
    key = jax.random.key(seed)
    k1, k2 = jax.random.split(key, 2)
    h = jax.random.normal(k1, (N_NODES, D_FEAT), dtype=jnp.float32)
    edge_index = jax.random.randint(k2, (2, N_EDGES), 0, N_NODES, dtype=jnp.int64)
    return {"h": h, "edge_index": edge_index}


def reference(h, edge_index):
    # HeteroDotProductPredictor: for each edge (u, v) of the given etype,
    # score = dot(h[u], h[v])  (dgl fn.u_dot_v produces shape [E, 1]).
    src = edge_index[0]
    dst = edge_index[1]
    h_src = jnp.take(h, src, axis=0)   # gather [E, d]
    h_dst = jnp.take(h, dst, axis=0)   # gather [E, d]
    score = jnp.sum(h_src * h_dst, axis=-1, keepdims=True)  # [E, 1]
    return score

if __name__ == "__main__":
    import jax
    _d = setup_inputs()
    print(jax.jit(kernel)(*tuple(_d.values())))

</pallas_src>

<mosaic_0001>
#map = affine_map<(d0, d1) -> (0, 0)>
#map1 = affine_map<(d0, d1) -> (0)>
module attributes {stable_mosaic.version = 14 : i64} {
  func.func @_edge_dot(%arg0: i32, %arg1: i32, %arg2: memref<10000x64xi32, #tpu.memory_space<hbm>>, %arg3: memref<320000xi32, #tpu.memory_space<hbm>>, %arg4: memref<320000xi32, #tpu.memory_space<hbm>>, %arg5: memref<320000xf32, #tpu.memory_space<hbm>>, %arg6: memref<400xi32, #tpu.memory_space<vmem>>, %arg7: memref<400xi32, #tpu.memory_space<vmem>>, %arg8: memref<400xi32, #tpu.memory_space<vmem>>, %arg9: memref<400xi32, #tpu.memory_space<vmem>>, %arg10: memref<400x64xi32, #tpu.memory_space<vmem>>, %arg11: memref<400x64xi32, #tpu.memory_space<vmem>>, %arg12: memref<400x64xi32, #tpu.memory_space<vmem>>, %arg13: memref<400x64xi32, #tpu.memory_space<vmem>>, %arg14: memref<6400xf32, #tpu.memory_space<vmem>>, %arg15: memref<10000xf32, #tpu.memory_space<vmem>>, %arg16: memref<!tpu.dma_semaphore, #tpu.memory_space<semaphore_mem>>, %arg17: memref<!tpu.dma_semaphore, #tpu.memory_space<semaphore_mem>>, %arg18: memref<!tpu.dma_semaphore, #tpu.memory_space<semaphore_mem>>, %arg19: memref<!tpu.dma_semaphore, #tpu.memory_space<semaphore_mem>>) attributes {dimension_semantics = [#tpu.dimension_semantics<core_parallel>, #tpu.dimension_semantics<subcore_parallel>], iteration_bounds = array<i64: 2, 16>, scalar_prefetch = 0 : i64, scratch_operands = 14 : i64, tpu.core_type = #tpu.core_type<sc_vector_subcore>, window_params = [{transform_indices = #map}, {transform_indices = #map1}, {transform_indices = #map1}, {transform_indices = #map1}]} {
    %mul3A = arith.constant 2 : i32
    %mul3A_0 = arith.muli %arg1, %mul3A : i32
    %add3A = arith.addi %mul3A_0, %arg0 : i32
    %iota3A = tpu.iota {dimensions = array<i32: 0>} : vector<16xi32>
    %mul3A_1 = arith.constant 10000 : i32
    %mul3A_2 = arith.muli %add3A, %mul3A_1 : i32
    %add3A_3 = arith.constant 0 : i32
    %add3A_4 = arith.addi %mul3A_2, %add3A_3 : i32
    %dma_start3A = tpu.memref_slice %arg3[%add3A_4] : memref<320000xi32, #tpu.memory_space<hbm>> -> memref<400xi32, #tpu.memory_space<hbm>>
    %dma_start3A_5 = tpu.memref_slice %arg3[%add3A_4] : memref<320000xi32, #tpu.memory_space<hbm>> -> memref<400xi32, #tpu.memory_space<hbm>>
    tpu.enqueue_dma source(%dma_start3A_5 : memref<400xi32, #tpu.memory_space<hbm>>) target(%arg6 : memref<400xi32, #tpu.memory_space<vmem>>) target_semaphore(%arg18 : memref<!tpu.dma_semaphore, #tpu.memory_space<semaphore_mem>>)
    %dma_start3A_6 = tpu.memref_slice %arg4[%add3A_4] : memref<320000xi32, #tpu.memory_space<hbm>> -> memref<400xi32, #tpu.memory_space<hbm>>
    %dma_start3A_7 = tpu.memref_slice %arg4[%add3A_4] : memref<320000xi32, #tpu.memory_space<hbm>> -> memref<400xi32, #tpu.memory_space<hbm>>
    tpu.enqueue_dma source(%dma_start3A_7 : memref<400xi32, #tpu.memory_space<hbm>>) target(%arg8 : memref<400xi32, #tpu.memory_space<vmem>>) target_semaphore(%arg18 : memref<!tpu.dma_semaphore, #tpu.memory_space<semaphore_mem>>)
    %dma_wait3A = arith.constant 0 : i32
    %dma_wait3A_8 = tpu.memref_slice %arg3[%dma_wait3A] : memref<320000xi32, #tpu.memory_space<hbm>> -> memref<400xi32, #tpu.memory_space<hbm>>
    %dma_wait3A_9 = arith.constant 0 : i32
    %dma_wait3A_10 = tpu.memref_slice %arg3[%dma_wait3A_9] : memref<320000xi32, #tpu.memory_space<hbm>> -> memref<400xi32, #tpu.memory_space<hbm>>
    tpu.wait_dma2 semaphore(%arg18 : memref<!tpu.dma_semaphore, #tpu.memory_space<semaphore_mem>>) src(%dma_wait3A_10 : memref<400xi32, #tpu.memory_space<hbm>>) dst(%arg6 : memref<400xi32, #tpu.memory_space<vmem>>)
    %dma_wait3A_11 = arith.constant 0 : i32
    %dma_wait3A_12 = tpu.memref_slice %arg4[%dma_wait3A_11] : memref<320000xi32, #tpu.memory_space<hbm>> -> memref<400xi32, #tpu.memory_space<hbm>>
    %dma_wait3A_13 = arith.constant 0 : i32
    %dma_wait3A_14 = tpu.memref_slice %arg4[%dma_wait3A_13] : memref<320000xi32, #tpu.memory_space<hbm>> -> memref<400xi32, #tpu.memory_space<hbm>>
    tpu.wait_dma2 semaphore(%arg18 : memref<!tpu.dma_semaphore, #tpu.memory_space<semaphore_mem>>) src(%dma_wait3A_14 : memref<400xi32, #tpu.memory_space<hbm>>) dst(%arg8 : memref<400xi32, #tpu.memory_space<vmem>>)
    %dma_start3A_15 = arith.constant 0 : i32
    %dma_start3A_16 = arith.constant 0 : i32
    %dma_start3A_17 = tpu.memref_slice %arg10[%dma_start3A_15, %dma_start3A_16] : memref<400x64xi32, #tpu.memory_space<vmem>> -> memref<128x64xi32, #tpu.memory_space<vmem>>
    %dma_start3A_18 = arith.constant 0 : i32
    %dma_start3A_19 = tpu.memref_slice %arg6[%dma_start3A_18] : memref<400xi32, #tpu.memory_space<vmem>> -> memref<128xi32, #tpu.memory_space<vmem>>
    %dma_start3A_20 = arith.constant 0 : i32
    %dma_start3A_21 = arith.constant 0 : i32
    %dma_start3A_22 = tpu.memref_slice %arg2[%dma_start3A_20, %dma_start3A_21] : memref<10000x64xi32, #tpu.memory_space<hbm>> -> memref<10000x64xi32, #tpu.memory_space<hbm>>
    tpu.enqueue_indirect_dma source(%dma_start3A_22 : memref<10000x64xi32, #tpu.memory_space<hbm>>) target(%dma_start3A_17 : memref<128x64xi32, #tpu.memory_space<vmem>>) offsets(%dma_start3A_19 : memref<128xi32, #tpu.memory_space<vmem>>) semaphore(%arg16 : memref<!tpu.dma_semaphore, #tpu.memory_space<semaphore_mem>>)
    %dma_start3A_23 = arith.constant 0 : i32
    %dma_start3A_24 = arith.constant 0 : i32
    %dma_start3A_25 = tpu.memref_slice %arg12[%dma_start3A_23, %dma_start3A_24] : memref<400x64xi32, #tpu.memory_space<vmem>> -> memref<128x64xi32, #tpu.memory_space<vmem>>
    %dma_start3A_26 = arith.constant 0 : i32
    %dma_start3A_27 = tpu.memref_slice %arg8[%dma_start3A_26] : memref<400xi32, #tpu.memory_space<vmem>> -> memref<128xi32, #tpu.memory_space<vmem>>
    %dma_start3A_28 = arith.constant 0 : i32
    %dma_start3A_29 = arith.constant 0 : i32
    %dma_start3A_30 = tpu.memref_slice %arg2[%dma_start3A_28, %dma_start3A_29] : memref<10000x64xi32, #tpu.memory_space<hbm>> -> memref<10000x64xi32, #tpu.memory_space<hbm>>
    tpu.enqueue_indirect_dma source(%dma_start3A_30 : memref<10000x64xi32, #tpu.memory_space<hbm>>) target(%dma_start3A_25 : memref<128x64xi32, #tpu.memory_space<vmem>>) offsets(%dma_start3A_27 : memref<128xi32, #tpu.memory_space<vmem>>) semaphore(%arg16 : memref<!tpu.dma_semaphore, #tpu.memory_space<semaphore_mem>>)
    %dma_start3A_31 = arith.constant 128 : i32
    %dma_start3A_32 = arith.constant 0 : i32
    %dma_start3A_33 = tpu.memref_slice %arg10[%dma_start3A_31, %dma_start3A_32] : memref<400x64xi32, #tpu.memory_space<vmem>> -> memref<128x64xi32, #tpu.memory_space<vmem>>
    %dma_start3A_34 = arith.constant 128 : i32
    %dma_start3A_35 = tpu.memref_slice %arg6[%dma_start3A_34] : memref<400xi32, #tpu.memory_space<vmem>> -> memref<128xi32, #tpu.memory_space<vmem>>
    %dma_start3A_36 = arith.constant 0 : i32
    %dma_start3A_37 = arith.constant 0 : i32
    %dma_start3A_38 = tpu.memref_slice %arg2[%dma_start3A_36, %dma_start3A_37] : memref<10000x64xi32, #tpu.memory_space<hbm>> -> memref<10000x64xi32, #tpu.memory_space<hbm>>
    tpu.enqueue_indirect_dma source(%dma_start3A_38 : memref<10000x64xi32, #tpu.memory_space<hbm>>) target(%dma_start3A_33 : memref<128x64xi32, #tpu.memory_space<vmem>>) offsets(%dma_start3A_35 : memref<128xi32, #tpu.memory_space<vmem>>) semaphore(%arg16 : memref<!tpu.dma_semaphore, #tpu.memory_space<semaphore_mem>>)
    %dma_start3A_39 = arith.constant 128 : i32
    %dma_start3A_40 = arith.constant 0 : i32
    %dma_start3A_41 = tpu.memref_slice %arg12[%dma_start3A_39, %dma_start3A_40] : memref<400x64xi32, #tpu.memory_space<vmem>> -> memref<128x64xi32, #tpu.memory_space<vmem>>
    %dma_start3A_42 = arith.constant 128 : i32
    %dma_start3A_43 = tpu.memref_slice %arg8[%dma_start3A_42] : memref<400xi32, #tpu.memory_space<vmem>> -> memref<128xi32, #tpu.memory_space<vmem>>
    %dma_start3A_44 = arith.constant 0 : i32
    %dma_start3A_45 = arith.constant 0 : i32
    %dma_start3A_46 = tpu.memref_slice %arg2[%dma_start3A_44, %dma_start3A_45] : memref<10000x64xi32, #tpu.memory_space<hbm>> -> memref<10000x64xi32, #tpu.memory_space<hbm>>
    tpu.enqueue_indirect_dma source(%dma_start3A_46 : memref<10000x64xi32, #tpu.memory_space<hbm>>) target(%dma_start3A_41 : memref<128x64xi32, #tpu.memory_space<vmem>>) offsets(%dma_start3A_43 : memref<128xi32, #tpu.memory_space<vmem>>) semaphore(%arg16 : memref<!tpu.dma_semaphore, #tpu.memory_space<semaphore_mem>>)
    %dma_start3A_47 = arith.constant 256 : i32
    %dma_start3A_48 = arith.constant 0 : i32
    %dma_start3A_49 = tpu.memref_slice %arg10[%dma_start3A_47, %dma_start3A_48] : memref<400x64xi32, #tpu.memory_space<vmem>> -> memref<128x64xi32, #tpu.memory_space<vmem>>
    %dma_start3A_50 = arith.constant 256 : i32
    %dma_start3A_51 = tpu.memref_slice %arg6[%dma_start3A_50] : memref<400xi32, #tpu.memory_space<vmem>> -> memref<128xi32, #tpu.memory_space<vmem>>
    %dma_start3A_52 = arith.constant 0 : i32
    %dma_start3A_53 = arith.constant 0 : i32
    %dma_start3A_54 = tpu.memref_slice %arg2[%dma_start3A_52, %dma_start3A_53] : memref<10000x64xi32, #tpu.memory_space<hbm>> -> memref<10000x64xi32, #tpu.memory_space<hbm>>
    tpu.enqueue_indirect_dma source(%dma_start3A_54 : memref<10000x64xi32, #tpu.memory_space<hbm>>) target(%dma_start3A_49 : memref<128x64xi32, #tpu.memory_space<vmem>>) offsets(%dma_start3A_51 : memref<128xi32, #tpu.memory_space<vmem>>) semaphore(%arg16 : memref<!tpu.dma_semaphore, #tpu.memory_space<semaphore_mem>>)
    %dma_start3A_55 = arith.constant 256 : i32
    %dma_start3A_56 = arith.constant 0 : i32
    %dma_start3A_57 = tpu.memref_slice %arg12[%dma_start3A_55, %dma_start3A_56] : memref<400x64xi32, #tpu.memory_space<vmem>> -> memref<128x64xi32, #tpu.memory_space<vmem>>
    %dma_start3A_58 = arith.constant 256 : i32
    %dma_start3A_59 = tpu.memref_slice %arg8[%dma_start3A_58] : memref<400xi32, #tpu.memory_space<vmem>> -> memref<128xi32, #tpu.memory_space<vmem>>
    %dma_start3A_60 = arith.constant 0 : i32
    %dma_start3A_61 = arith.constant 0 : i32
    %dma_start3A_62 = tpu.memref_slice %arg2[%dma_start3A_60, %dma_start3A_61] : memref<10000x64xi32, #tpu.memory_space<hbm>> -> memref<10000x64xi32, #tpu.memory_space<hbm>>
    tpu.enqueue_indirect_dma source(%dma_start3A_62 : memref<10000x64xi32, #tpu.memory_space<hbm>>) target(%dma_start3A_57 : memref<128x64xi32, #tpu.memory_space<vmem>>) offsets(%dma_start3A_59 : memref<128xi32, #tpu.memory_space<vmem>>) semaphore(%arg16 : memref<!tpu.dma_semaphore, #tpu.memory_space<semaphore_mem>>)
    %dma_start3A_63 = arith.constant 384 : i32
    %dma_start3A_64 = arith.constant 0 : i32
    %dma_start3A_65 = tpu.memref_slice %arg10[%dma_start3A_63, %dma_start3A_64] : memref<400x64xi32, #tpu.memory_space<vmem>> -> memref<16x64xi32, #tpu.memory_space<vmem>>
    %dma_start3A_66 = arith.constant 384 : i32
    %dma_start3A_67 = tpu.memref_slice %arg6[%dma_start3A_66] : memref<400xi32, #tpu.memory_space<vmem>> -> memref<16xi32, #tpu.memory_space<vmem>>
    %dma_start3A_68 = arith.constant 0 : i32
    %dma_start3A_69 = arith.constant 0 : i32
    %dma_start3A_70 = tpu.memref_slice %arg2[%dma_start3A_68, %dma_start3A_69] : memref<10000x64xi32, #tpu.memory_space<hbm>> -> memref<10000x64xi32, #tpu.memory_space<hbm>>
    tpu.enqueue_indirect_dma source(%dma_start3A_70 : memref<10000x64xi32, #tpu.memory_space<hbm>>) target(%dma_start3A_65 : memref<16x64xi32, #tpu.memory_space<vmem>>) offsets(%dma_start3A_67 : memref<16xi32, #tpu.memory_space<vmem>>) semaphore(%arg16 : memref<!tpu.dma_semaphore, #tpu.memory_space<semaphore_mem>>)
    %dma_start3A_71 = arith.constant 384 : i32
    %dma_start3A_72 = arith.constant 0 : i32
    %dma_start3A_73 = tpu.memref_slice %arg12[%dma_start3A_71, %dma_start3A_72] : memref<400x64xi32, #tpu.memory_space<vmem>> -> memref<16x64xi32, #tpu.memory_space<vmem>>
    %dma_start3A_74 = arith.constant 384 : i32
    %dma_start3A_75 = tpu.memref_slice %arg8[%dma_start3A_74] : memref<400xi32, #tpu.memory_space<vmem>> -> memref<16xi32, #tpu.memory_space<vmem>>
    %dma_start3A_76 = arith.constant 0 : i32
    %dma_start3A_77 = arith.constant 0 : i32
    %dma_start3A_78 = tpu.memref_slice %arg2[%dma_start3A_76, %dma_start3A_77] : memref<10000x64xi32, #tpu.memory_space<hbm>> -> memref<10000x64xi32, #tpu.memory_space<hbm>>
    tpu.enqueue_indirect_dma source(%dma_start3A_78 : memref<10000x64xi32, #tpu.memory_space<hbm>>) target(%dma_start3A_73 : memref<16x64xi32, #tpu.memory_space<vmem>>) offsets(%dma_start3A_75 : memref<16xi32, #tpu.memory_space<vmem>>) semaphore(%arg16 : memref<!tpu.dma_semaphore, #tpu.memory_space<semaphore_mem>>)
    %mul3A_79 = arith.constant 10000 : i32
    %mul3A_80 = arith.muli %add3A, %mul3A_79 : i32
    %add3A_81 = arith.constant 400 : i32
    %add3A_82 = arith.addi %mul3A_80, %add3A_81 : i32
    %dma_start3A_83 = tpu.memref_slice %arg3[%add3A_82] : memref<320000xi32, #tpu.memory_space<hbm>> -> memref<400xi32, #tpu.memory_space<hbm>>
    %dma_start3A_84 = tpu.memref_slice %arg3[%add3A_82] : memref<320000xi32, #tpu.memory_space<hbm>> -> memref<400xi32, #tpu.memory_space<hbm>>
    tpu.enqueue_dma source(%dma_start3A_84 : memref<400xi32, #tpu.memory_space<hbm>>) target(%arg7 : memref<400xi32, #tpu.memory_space<vmem>>) target_semaphore(%arg19 : memref<!tpu.dma_semaphore, #tpu.memory_space<semaphore_mem>>)
    %dma_start3A_85 = tpu.memref_slice %arg4[%add3A_82] : memref<320000xi32, #tpu.memory_space<hbm>> -> memref<400xi32, #tpu.memory_space<hbm>>
    %dma_start3A_86 = tpu.memref_slice %arg4[%add3A_82] : memref<320000xi32, #tpu.memory_space<hbm>> -> memref<400xi32, #tpu.memory_space<hbm>>
    tpu.enqueue_dma source(%dma_start3A_86 : memref<400xi32, #tpu.memory_space<hbm>>) target(%arg9 : memref<400xi32, #tpu.memory_space<vmem>>) target_semaphore(%arg19 : memref<!tpu.dma_semaphore, #tpu.memory_space<semaphore_mem>>)
    %scan3A = arith.constant 0 : i32
    %scan3A_87 = arith.constant 13 : i32
    %scan3A_88 = arith.addi %scan3A, %scan3A_87 : i32
    %scan3A_89 = arith.constant 1 : i32
    scf.for %scan3A_93 = %scan3A to %scan3A_88 step %scan3A_89  : i32 {
      %mul3A_94 = arith.constant 1 : i32
      %mul3A_95 = arith.muli %scan3A_93, %mul3A_94 : i32
      %add3A_96 = arith.constant 0 : i32
      %add3A_97 = arith.addi %add3A_96, %mul3A_95 : i32
      %mul3A_98 = arith.constant 2 : i32
      %mul3A_99 = arith.muli %add3A_97, %mul3A_98 : i32
      %add3A_100 = arith.constant 0 : i32
      %add3A_101 = arith.addi %mul3A_99, %add3A_100 : i32
      %add3A_102 = arith.constant 1 : i32
      %add3A_103 = arith.addi %add3A_101, %add3A_102 : i32
      %lt3A = arith.constant 25 : i32
      %lt3A_104 = arith.cmpi slt, %add3A_103, %lt3A : i32
      %convert_element_type3A = arith.extui %lt3A_104 : i1 to i32
      %cond3A = arith.constant 0 : i32
      %cond3A_105 = arith.cmpi ne, %convert_element_type3A, %cond3A : i32
      scf.if %cond3A_105 {
        %dma_wait3A_127 = arith.constant 0 : i32
        %dma_wait3A_128 = tpu.memref_slice %arg3[%dma_wait3A_127] : memref<320000xi32, #tpu.memory_space<hbm>> -> memref<400xi32, #tpu.memory_space<hbm>>
        %dma_wait3A_129 = arith.constant 0 : i32
        %dma_wait3A_130 = tpu.memref_slice %arg3[%dma_wait3A_129] : memref<320000xi32, #tpu.memory_space<hbm>> -> memref<400xi32, #tpu.memory_space<hbm>>
        tpu.wait_dma2 semaphore(%arg19 : memref<!tpu.dma_semaphore, #tpu.memory_space<semaphore_mem>>) src(%dma_wait3A_130 : memref<400xi32, #tpu.memory_space<hbm>>) dst(%arg7 : memref<400xi32, #tpu.memory_space<vmem>>)
        %dma_wait3A_131 = arith.constant 0 : i32
        %dma_wait3A_132 = tpu.memref_slice %arg4[%dma_wait3A_131] : memref<320000xi32, #tpu.memory_space<hbm>> -> memref<400xi32, #tpu.memory_space<hbm>>
        %dma_wait3A_133 = arith.constant 0 : i32
        %dma_wait3A_134 = tpu.memref_slice %arg4[%dma_wait3A_133] : memref<320000xi32, #tpu.memory_space<hbm>> -> memref<400xi32, #tpu.memory_space<hbm>>
        tpu.wait_dma2 semaphore(%arg19 : memref<!tpu.dma_semaphore, #tpu.memory_space<semaphore_mem>>) src(%dma_wait3A_134 : memref<400xi32, #tpu.memory_space<hbm>>) dst(%arg9 : memref<400xi32, #tpu.memory_space<vmem>>)
        %dma_start3A_135 = arith.constant 0 : i32
        %dma_start3A_136 = arith.constant 0 : i32
        %dma_start3A_137 = tpu.memref_slice %arg11[%dma_start3A_135, %dma_start3A_136] : memref<400x64xi32, #tpu.memory_space<vmem>> -> memref<128x64xi32, #tpu.memory_space<vmem>>
        %dma_start3A_138 = arith.constant 0 : i32
        %dma_start3A_139 = tpu.memref_slice %arg7[%dma_start3A_138] : memref<400xi32, #tpu.memory_space<vmem>> -> memref<128xi32, #tpu.memory_space<vmem>>
        %dma_start3A_140 = arith.constant 0 : i32
        %dma_start3A_141 = arith.constant 0 : i32
        %dma_start3A_142 = tpu.memref_slice %arg2[%dma_start3A_140, %dma_start3A_141] : memref<10000x64xi32, #tpu.memory_space<hbm>> -> memref<10000x64xi32, #tpu.memory_space<hbm>>
        tpu.enqueue_indirect_dma source(%dma_start3A_142 : memref<10000x64xi32, #tpu.memory_space<hbm>>) target(%dma_start3A_137 : memref<128x64xi32, #tpu.memory_space<vmem>>) offsets(%dma_start3A_139 : memref<128xi32, #tpu.memory_space<vmem>>) semaphore(%arg17 : memref<!tpu.dma_semaphore, #tpu.memory_space<semaphore_mem>>)
        %dma_start3A_143 = arith.constant 0 : i32
        %dma_start3A_144 = arith.constant 0 : i32
        %dma_start3A_145 = tpu.memref_slice %arg13[%dma_start3A_143, %dma_start3A_144] : memref<400x64xi32, #tpu.memory_space<vmem>> -> memref<128x64xi32, #tpu.memory_space<vmem>>
        %dma_start3A_146 = arith.constant 0 : i32
        %dma_start3A_147 = tpu.memref_slice %arg9[%dma_start3A_146] : memref<400xi32, #tpu.memory_space<vmem>> -> memref<128xi32, #tpu.memory_space<vmem>>
        %dma_start3A_148 = arith.constant 0 : i32
        %dma_start3A_149 = arith.constant 0 : i32
        %dma_start3A_150 = tpu.memref_slice %arg2[%dma_start3A_148, %dma_start3A_149] : memref<10000x64xi32, #tpu.memory_space<hbm>> -> memref<10000x64xi32, #tpu.memory_space<hbm>>
        tpu.enqueue_indirect_dma source(%dma_start3A_150 : memref<10000x64xi32, #tpu.memory_space<hbm>>) target(%dma_start3A_145 : memref<128x64xi32, #tpu.memory_space<vmem>>) offsets(%dma_start3A_147 : memref<128xi32, #tpu.memory_space<vmem>>) semaphore(%arg17 : memref<!tpu.dma_semaphore, #tpu.memory_space<semaphore_mem>>)
        %dma_start3A_151 = arith.constant 128 : i32
        %dma_start3A_152 = arith.constant 0 : i32
        %dma_start3A_153 = tpu.memref_slice %arg11[%dma_start3A_151, %dma_start3A_152] : memref<400x64xi32, #tpu.memory_space<vmem>> -> memref<128x64xi32, #tpu.memory_space<vmem>>
        %dma_start3A_154 = arith.constant 128 : i32
        %dma_start3A_155 = tpu.memref_slice %arg7[%dma_start3A_154] : memref<400xi32, #tpu.memory_space<vmem>> -> memref<128xi32, #tpu.memory_space<vmem>>
        %dma_start3A_156 = arith.constant 0 : i32
        %dma_start3A_157 = arith.constant 0 : i32
        %dma_start3A_158 = tpu.memref_slice %arg2[%dma_start3A_156, %dma_start3A_157] : memref<10000x64xi32, #tpu.memory_space<hbm>> -> memref<10000x64xi32, #tpu.memory_space<hbm>>
        tpu.enqueue_indirect_dma source(%dma_start3A_158 : memref<10000x64xi32, #tpu.memory_space<hbm>>) target(%dma_start3A_153 : memref<128x64xi32, #tpu.memory_space<vmem>>) offsets(%dma_start3A_155 : memref<128xi32, #tpu.memory_space<vmem>>) semaphore(%arg17 : memref<!tpu.dma_semaphore, #tpu.memory_space<semaphore_mem>>)
        %dma_start3A_159 = arith.constant 128 : i32
        %dma_start3A_160 = arith.constant 0 : i32
        %dma_start3A_161 = tpu.memref_slice %arg13[%dma_start3A_159, %dma_start3A_160] : memref<400x64xi32, #tpu.memory_space<vmem>> -> memref<128x64xi32, #tpu.memory_space<vmem>>
        %dma_start3A_162 = arith.constant 128 : i32
        %dma_start3A_163 = tpu.memref_slice %arg9[%dma_start3A_162] : memref<400xi32, #tpu.memory_space<vmem>> -> memref<128xi32, #tpu.memory_space<vmem>>
        %dma_start3A_164 = arith.constant 0 : i32
        %dma_start3A_165 = arith.constant 0 : i32
        %dma_start3A_166 = tpu.memref_slice %arg2[%dma_start3A_164, %dma_start3A_165] : memref<10000x64xi32, #tpu.memory_space<hbm>> -> memref<10000x64xi32, #tpu.memory_space<hbm>>
        tpu.enqueue_indirect_dma source(%dma_start3A_166 : memref<10000x64xi32, #tpu.memory_space<hbm>>) target(%dma_start3A_161 : memref<128x64xi32, #tpu.memory_space<vmem>>) offsets(%dma_start3A_163 : memref<128xi32, #tpu.memory_space<vmem>>) semaphore(%arg17 : memref<!tpu.dma_semaphore, #tpu.memory_space<semaphore_mem>>)
        %dma_start3A_167 = arith.constant 256 : i32
        %dma_start3A_168 = arith.constant 0 : i32
        %dma_start3A_169 = tpu.memref_slice %arg11[%dma_start3A_167, %dma_start3A_168] : memref<400x64xi32, #tpu.memory_space<vmem>> -> memref<128x64xi32, #tpu.memory_space<vmem>>
        %dma_start3A_170 = arith.constant 256 : i32
        %dma_start3A_171 = tpu.memref_slice %arg7[%dma_start3A_170] : memref<400xi32, #tpu.memory_space<vmem>> -> memref<128xi32, #tpu.memory_space<vmem>>
        %dma_start3A_172 = arith.constant 0 : i32
        %dma_start3A_173 = arith.constant 0 : i32
        %dma_start3A_174 = tpu.memref_slice %arg2[%dma_start3A_172, %dma_start3A_173] : memref<10000x64xi32, #tpu.memory_space<hbm>> -> memref<10000x64xi32, #tpu.memory_space<hbm>>
        tpu.enqueue_indirect_dma source(%dma_start3A_174 : memref<10000x64xi32, #tpu.memory_space<hbm>>) target(%dma_start3A_169 : memref<128x64xi32, #tpu.memory_space<vmem>>) offsets(%dma_start3A_171 : memref<128xi32, #tpu.memory_space<vmem>>) semaphore(%arg17 : memref<!tpu.dma_semaphore, #tpu.memory_space<semaphore_mem>>)
        %dma_start3A_175 = arith.constant 256 : i32
        %dma_start3A_176 = arith.constant 0 : i32
        %dma_start3A_177 = tpu.memref_slice %arg13[%dma_start3A_175, %dma_start3A_176] : memref<400x64xi32, #tpu.memory_space<vmem>> -> memref<128x64xi32, #tpu.memory_space<vmem>>
        %dma_start3A_178 = arith.constant 256 : i32
        %dma_start3A_179 = tpu.memref_slice %arg9[%dma_start3A_178] : memref<400xi32, #tpu.memory_space<vmem>> -> memref<128xi32, #tpu.memory_space<vmem>>
        %dma_start3A_180 = arith.constant 0 : i32
        %dma_start3A_181 = arith.constant 0 : i32
        %dma_start3A_182 = tpu.memref_slice %arg2[%dma_start3A_180, %dma_start3A_181] : memref<10000x64xi32, #tpu.memory_space<hbm>> -> memref<10000x64xi32, #tpu.memory_space<hbm>>
        tpu.enqueue_indirect_dma source(%dma_start3A_182 : memref<10000x64xi32, #tpu.memory_space<hbm>>) target(%dma_start3A_177 : memref<128x64xi32, #tpu.memory_space<vmem>>) offsets(%dma_start3A_179 : memref<128xi32, #tpu.memory_space<vmem>>) semaphore(%arg17 : memref<!tpu.dma_semaphore, #tpu.memory_space<semaphore_mem>>)
        %dma_start3A_183 = arith.constant 384 : i32
        %dma_start3A_184 = arith.constant 0 : i32
        %dma_start3A_185 = tpu.memref_slice %arg11[%dma_start3A_183, %dma_start3A_184] : memref<400x64xi32, #tpu.memory_space<vmem>> -> memref<16x64xi32, #tpu.memory_space<vmem>>
        %dma_start3A_186 = arith.constant 384 : i32
        %dma_start3A_187 = tpu.memref_slice %arg7[%dma_start3A_186] : memref<400xi32, #tpu.memory_space<vmem>> -> memref<16xi32, #tpu.memory_space<vmem>>
        %dma_start3A_188 = arith.constant 0 : i32
        %dma_start3A_189 = arith.constant 0 : i32
        %dma_start3A_190 = tpu.memref_slice %arg2[%dma_start3A_188, %dma_start3A_189] : memref<10000x64xi32, #tpu.memory_space<hbm>> -> memref<10000x64xi32, #tpu.memory_space<hbm>>
        tpu.enqueue_indirect_dma source(%dma_start3A_190 : memref<10000x64xi32, #tpu.memory_space<hbm>>) target(%dma_start3A_185 : memref<16x64xi32, #tpu.memory_space<vmem>>) offsets(%dma_start3A_187 : memref<16xi32, #tpu.memory_space<vmem>>) semaphore(%arg17 : memref<!tpu.dma_semaphore, #tpu.memory_space<semaphore_mem>>)
        %dma_start3A_191 = arith.constant 384 : i32
        %dma_start3A_192 = arith.constant 0 : i32
        %dma_start3A_193 = tpu.memref_slice %arg13[%dma_start3A_191, %dma_start3A_192] : memref<400x64xi32, #tpu.memory_space<vmem>> -> memref<16x64xi32, #tpu.memory_space<vmem>>
        %dma_start3A_194 = arith.constant 384 : i32
        %dma_start3A_195 = tpu.memref_slice %arg9[%dma_start3A_194] : memref<400xi32, #tpu.memory_space<vmem>> -> memref<16xi32, #tpu.memory_space<vmem>>
        %dma_start3A_196 = arith.constant 0 : i32
        %dma_start3A_197 = arith.constant 0 : i32
        %dma_start3A_198 = tpu.memref_slice %arg2[%dma_start3A_196, %dma_start3A_197] : memref<10000x64xi32, #tpu.memory_space<hbm>> -> memref<10000x64xi32, #tpu.memory_space<hbm>>
        tpu.enqueue_indirect_dma source(%dma_start3A_198 : memref<10000x64xi32, #tpu.memory_space<hbm>>) target(%dma_start3A_193 : memref<16x64xi32, #tpu.memory_space<vmem>>) offsets(%dma_start3A_195 : memref<16xi32, #tpu.memory_space<vmem>>) semaphore(%arg17 : memref<!tpu.dma_semaphore, #tpu.memory_space<semaphore_mem>>)
      } else {
      }
      %lt3A_106 = arith.constant 25 : i32
      %lt3A_107 = arith.cmpi slt, %add3A_101, %lt3A_106 : i32
      %convert_element_type3A_108 = arith.extui %lt3A_107 : i1 to i32
      %cond3A_109 = arith.constant 0 : i32
      %cond3A_110 = arith.cmpi ne, %convert_element_type3A_108, %cond3A_109 : i32
      scf.if %cond3A_110 {
        %dma_wait3A_127 = arith.constant 0 : i32
        %dma_wait3A_128 = arith.constant 0 : i32
        %dma_wait3A_129 = tpu.memref_slice %arg2[%dma_wait3A_127, %dma_wait3A_128] : memref<10000x64xi32, #tpu.memory_space<hbm>> -> memref<10000x64xi32, #tpu.memory_space<hbm>>
        tpu.wait_indirect_dma semaphore(%arg16 : memref<!tpu.dma_semaphore, #tpu.memory_space<semaphore_mem>>) src(%dma_wait3A_129 : memref<10000x64xi32, #tpu.memory_space<hbm>>) dst(%arg10 : memref<400x64xi32, #tpu.memory_space<vmem>>)
        %dma_wait3A_130 = arith.constant 0 : i32
        %dma_wait3A_131 = arith.constant 0 : i32
        %dma_wait3A_132 = tpu.memref_slice %arg2[%dma_wait3A_130, %dma_wait3A_131] : memref<10000x64xi32, #tpu.memory_space<hbm>> -> memref<10000x64xi32, #tpu.memory_space<hbm>>
        tpu.wait_indirect_dma semaphore(%arg16 : memref<!tpu.dma_semaphore, #tpu.memory_space<semaphore_mem>>) src(%dma_wait3A_132 : memref<10000x64xi32, #tpu.memory_space<hbm>>) dst(%arg12 : memref<400x64xi32, #tpu.memory_space<vmem>>)
        %add3A_133 = arith.constant 2 : i32
        %add3A_134 = arith.addi %add3A_101, %add3A_133 : i32
        %lt3A_135 = arith.constant 25 : i32
        %lt3A_136 = arith.cmpi slt, %add3A_134, %lt3A_135 : i32
        %convert_element_type3A_137 = arith.extui %lt3A_136 : i1 to i32
        %cond3A_138 = arith.constant 0 : i32
        %cond3A_139 = arith.cmpi ne, %convert_element_type3A_137, %cond3A_138 : i32
        scf.if %cond3A_139 {
          %add3A_142 = arith.constant 2 : i32
          %add3A_143 = arith.addi %add3A_101, %add3A_142 : i32
          %mul3A_144 = arith.constant 10000 : i32
          %mul3A_145 = arith.muli %add3A, %mul3A_144 : i32
          %mul3A_146 = arith.constant 400 : i32
          %mul3A_147 = arith.muli %add3A_143, %mul3A_146 : i32
          %add3A_148 = arith.addi %mul3A_145, %mul3A_147 : i32
          %dma_start3A_149 = tpu.memref_slice %arg3[%add3A_148] : memref<320000xi32, #tpu.memory_space<hbm>> -> memref<400xi32, #tpu.memory_space<hbm>>
          %dma_start3A_150 = tpu.memref_slice %arg3[%add3A_148] : memref<320000xi32, #tpu.memory_space<hbm>> -> memref<400xi32, #tpu.memory_space<hbm>>
          tpu.enqueue_dma source(%dma_start3A_150 : memref<400xi32, #tpu.memory_space<hbm>>) target(%arg6 : memref<400xi32, #tpu.memory_space<vmem>>) target_semaphore(%arg18 : memref<!tpu.dma_semaphore, #tpu.memory_space<semaphore_mem>>)
          %dma_start3A_151 = tpu.memref_slice %arg4[%add3A_148] : memref<320000xi32, #tpu.memory_space<hbm>> -> memref<400xi32, #tpu.memory_space<hbm>>
          %dma_start3A_152 = tpu.memref_slice %arg4[%add3A_148] : memref<320000xi32, #tpu.memory_space<hbm>> -> memref<400xi32, #tpu.memory_space<hbm>>
          tpu.enqueue_dma source(%dma_start3A_152 : memref<400xi32, #tpu.memory_space<hbm>>) target(%arg8 : memref<400xi32, #tpu.memory_space<vmem>>) target_semaphore(%arg18 : memref<!tpu.dma_semaphore, #tpu.memory_space<semaphore_mem>>)
        } else {
        }
        %parallel_loop3A = arith.constant 0 : i32
        %parallel_loop3A_140 = arith.constant 25 : i32
        %parallel_loop3A_141 = arith.constant 1 : i32
        scf.for %parallel_loop3A_142 = %parallel_loop3A to %parallel_loop3A_140 step %parallel_loop3A_141  : i32 {
          %parallel_loop3A_143 = arith.constant 16 : i32
          %parallel_loop3A_144 = arith.muli %parallel_loop3A_142, %parallel_loop3A_143 : i32
          %parallel_loop3A_145 = arith.constant 0 : i32
          %parallel_loop3A_146 = arith.addi %parallel_loop3A_144, %parallel_loop3A_145 : i32
          %parallel_loop3A_147 = arith.index_cast %parallel_loop3A_146 : i32 to index
          %parallel_loop3A_148 = arith.constant 0 : index
          %parallel_loop3A_149 = tpu.vector_load %arg10[%parallel_loop3A_147, %parallel_loop3A_148] {strides = array<i32>} : memref<400x64xi32, #tpu.memory_space<vmem>>, vector<16xi32>,
          %parallel_loop3A_150 = vector.bitcast %parallel_loop3A_149 : vector<16xi32> to vector<32xbf16>
          %parallel_loop3A_151 = arith.index_cast %parallel_loop3A_146 : i32 to index
          %parallel_loop3A_152 = arith.constant 0 : index
          %parallel_loop3A_153 = tpu.vector_load %arg12[%parallel_loop3A_151, %parallel_loop3A_152] {strides = array<i32>} : memref<400x64xi32, #tpu.memory_space<vmem>>, vector<16xi32>,
          %parallel_loop3A_154 = vector.bitcast %parallel_loop3A_153 : vector<16xi32> to vector<32xbf16>
          %parallel_loop3A_155 = arith.mulf %parallel_loop3A_150, %parallel_loop3A_154 : vector<32xbf16>
          %parallel_loop3A_156 = tpu.unpack_subelements %parallel_loop3A_155, 0 {pack_format = #tpu.pack_format<interleaved>} : vector<32xbf16> -> vector<16xf32>
          %parallel_loop3A_157 = tpu.unpack_subelements %parallel_loop3A_155, 1 {pack_format = #tpu.pack_format<interleaved>} : vector<32xbf16> -> vector<16xf32>
          %parallel_loop3A_158 = arith.index_cast %parallel_loop3A_146 : i32 to index
          %parallel_loop3A_159 = arith.constant 16 : index
          %parallel_loop3A_160 = tpu.vector_load %arg10[%parallel_loop3A_158, %parallel_loop3A_159] {strides = array<i32>} : memref<400x64xi32, #tpu.memory_space<vmem>>, vector<16xi32>,
          %parallel_loop3A_161 = vector.bitcast %parallel_loop3A_160 : vector<16xi32> to vector<32xbf16>
          %parallel_loop3A_162 = arith.index_cast %parallel_loop3A_146 : i32 to index
          %parallel_loop3A_163 = arith.constant 16 : index
          %parallel_loop3A_164 = tpu.vector_load %arg12[%parallel_loop3A_162, %parallel_loop3A_163] {strides = array<i32>} : memref<400x64xi32, #tpu.memory_space<vmem>>, vector<16xi32>,
          %parallel_loop3A_165 = vector.bitcast %parallel_loop3A_164 : vector<16xi32> to vector<32xbf16>
          %parallel_loop3A_166 = arith.mulf %parallel_loop3A_161, %parallel_loop3A_165 : vector<32xbf16>
          %parallel_loop3A_167 = tpu.unpack_subelements %parallel_loop3A_166, 0 {pack_format = #tpu.pack_format<interleaved>} : vector<32xbf16> -> vector<16xf32>
          %parallel_loop3A_168 = tpu.unpack_subelements %parallel_loop3A_166, 1 {pack_format = #tpu.pack_format<interleaved>} : vector<32xbf16> -> vector<16xf32>
          %parallel_loop3A_169 = arith.index_cast %parallel_loop3A_146 : i32 to index
          %parallel_loop3A_170 = arith.constant 32 : index
          %parallel_loop3A_171 = tpu.vector_load %arg10[%parallel_loop3A_169, %parallel_loop3A_170] {strides = array<i32>} : memref<400x64xi32, #tpu.memory_space<vmem>>, vector<16xi32>,
          %parallel_loop3A_172 = vector.bitcast %parallel_loop3A_171 : vector<16xi32> to vector<32xbf16>
          %parallel_loop3A_173 = arith.index_cast %parallel_loop3A_146 : i32 to index
          %parallel_loop3A_174 = arith.constant 32 : index
          %parallel_loop3A_175 = tpu.vector_load %arg12[%parallel_loop3A_173, %parallel_loop3A_174] {strides = array<i32>} : memref<400x64xi32, #tpu.memory_space<vmem>>, vector<16xi32>,
          %parallel_loop3A_176 = vector.bitcast %parallel_loop3A_175 : vector<16xi32> to vector<32xbf16>
          %parallel_loop3A_177 = arith.mulf %parallel_loop3A_172, %parallel_loop3A_176 : vector<32xbf16>
          %parallel_loop3A_178 = tpu.unpack_subelements %parallel_loop3A_177, 0 {pack_format = #tpu.pack_format<interleaved>} : vector<32xbf16> -> vector<16xf32>
          %parallel_loop3A_179 = tpu.unpack_subelements %parallel_loop3A_177, 1 {pack_format = #tpu.pack_format<interleaved>} : vector<32xbf16> -> vector<16xf32>
          %parallel_loop3A_180 = arith.index_cast %parallel_loop3A_146 : i32 to index
          %parallel_loop3A_181 = arith.constant 48 : index
          %parallel_loop3A_182 = tpu.vector_load %arg10[%parallel_loop3A_180, %parallel_loop3A_181] {strides = array<i32>} : memref<400x64xi32, #tpu.memory_space<vmem>>, vector<16xi32>,
          %parallel_loop3A_183 = vector.bitcast %parallel_loop3A_182 : vector<16xi32> to vector<32xbf16>
          %parallel_loop3A_184 = arith.index_cast %parallel_loop3A_146 : i32 to index
          %parallel_loop3A_185 = arith.constant 48 : index
          %parallel_loop3A_186 = tpu.vector_load %arg12[%parallel_loop3A_184, %parallel_loop3A_185] {strides = array<i32>} : memref<400x64xi32, #tpu.memory_space<vmem>>, vector<16xi32>,
          %parallel_loop3A_187 = vector.bitcast %parallel_loop3A_186 : vector<16xi32> to vector<32xbf16>
          %parallel_loop3A_188 = arith.mulf %parallel_loop3A_183, %parallel_loop3A_187 : vector<32xbf16>
          %parallel_loop3A_189 = tpu.unpack_subelements %parallel_loop3A_188, 0 {pack_format = #tpu.pack_format<interleaved>} : vector<32xbf16> -> vector<16xf32>
          %parallel_loop3A_190 = tpu.unpack_subelements %parallel_loop3A_188, 1 {pack_format = #tpu.pack_format<interleaved>} : vector<32xbf16> -> vector<16xf32>
          %parallel_loop3A_191 = arith.addf %parallel_loop3A_156, %parallel_loop3A_157 : vector<16xf32>
          %parallel_loop3A_192 = arith.addf %parallel_loop3A_167, %parallel_loop3A_168 : vector<16xf32>
          %parallel_loop3A_193 = arith.addf %parallel_loop3A_178, %parallel_loop3A_179 : vector<16xf32>
          %parallel_loop3A_194 = arith.addf %parallel_loop3A_189, %parallel_loop3A_190 : vector<16xf32>
          %parallel_loop3A_195 = arith.addf %parallel_loop3A_191, %parallel_loop3A_192 : vector<16xf32>
          %parallel_loop3A_196 = arith.addf %parallel_loop3A_193, %parallel_loop3A_194 : vector<16xf32>
          %parallel_loop3A_197 = arith.addf %parallel_loop3A_195, %parallel_loop3A_196 : vector<16xf32>
          %parallel_loop3A_198 = arith.constant 16 : i32
          %parallel_loop3A_199 = arith.muli %parallel_loop3A_142, %parallel_loop3A_198 : i32
          %parallel_loop3A_200 = arith.constant 16 : i32
          %parallel_loop3A_201 = arith.muli %parallel_loop3A_199, %parallel_loop3A_200 : i32
          %parallel_loop3A_202 = arith.constant 0 : i32
          %parallel_loop3A_203 = arith.addi %parallel_loop3A_201, %parallel_loop3A_202 : i32
          %parallel_loop3A_204 = arith.index_cast %parallel_loop3A_203 : i32 to index
          %parallel_loop3A_205 = tpu.vector_load %arg14[%parallel_loop3A_204] {strides = array<i32>} : memref<6400xf32, #tpu.memory_space<vmem>>, vector<16xf32>,
          tpu.vector_store %arg14[%parallel_loop3A_204], %parallel_loop3A_197 {strides = array<i32>} : memref<6400xf32, #tpu.memory_space<vmem>>, vector<16xf32>,
          %parallel_loop3A_206 = arith.constant 1 : i32
          %parallel_loop3A_207 = arith.addi %parallel_loop3A_144, %parallel_loop3A_206 : i32
          %parallel_loop3A_208 = arith.index_cast %parallel_loop3A_207 : i32 to index
          %parallel_loop3A_209 = arith.constant 0 : index
          %parallel_loop3A_210 = tpu.vector_load %arg10[%parallel_loop3A_208, %parallel_loop3A_209] {strides = array<i32>} : memref<400x64xi32, #tpu.memory_space<vmem>>, vector<16xi32>,
          %parallel_loop3A_211 = vector.bitcast %parallel_loop3A_210 : vector<16xi32> to vector<32xbf16>
          %parallel_loop3A_212 = arith.index_cast %parallel_loop3A_207 : i32 to index
          %parallel_loop3A_213 = arith.constant 0 : index
          %parallel_loop3A_214 = tpu.vector_load %arg12[%parallel_loop3A_212, %parallel_loop3A_213] {strides = array<i32>} : memref<400x64xi32, #tpu.memory_space<vmem>>, vector<16xi32>,
          %parallel_loop3A_215 = vector.bitcast %parallel_loop3A_214 : vector<16xi32> to vector<32xbf16>
          %parallel_loop3A_216 = arith.mulf %parallel_loop3A_211, %parallel_loop3A_215 : vector<32xbf16>
          %parallel_loop3A_217 = tpu.unpack_subelements %parallel_loop3A_216, 0 {pack_format = #tpu.pack_format<interleaved>} : vector<32xbf16> -> vector<16xf32>
          %parallel_loop3A_218 = tpu.unpack_subelements %parallel_loop3A_216, 1 {pack_format = #tpu.pack_format<interleaved>} : vector<32xbf16> -> vector<16xf32>
          %parallel_loop3A_219 = arith.index_cast %parallel_loop3A_207 : i32 to index
          %parallel_loop3A_220 = arith.constant 16 : index
          %parallel_loop3A_221 = tpu.vector_load %arg10[%parallel_loop3A_219, %parallel_loop3A_220] {strides = array<i32>} : memref<400x64xi32, #tpu.memory_space<vmem>>, vector<16xi32>,
          %parallel_loop3A_222 = vector.bitcast %parallel_loop3A_221 : vector<16xi32> to vector<32xbf16>
          %parallel_loop3A_223 = arith.index_cast %parallel_loop3A_207 : i32 to index
          %parallel_loop3A_224 = arith.constant 16 : index
          %parallel_loop3A_225 = tpu.vector_load %arg12[%parallel_loop3A_223, %parallel_loop3A_224] {strides = array<i32>} : memref<400x64xi32, #tpu.memory_space<vmem>>, vector<16xi32>,
          %parallel_loop3A_226 = vector.bitcast %parallel_loop3A_225 : vector<16xi32> to vector<32xbf16>
          %parallel_loop3A_227 = arith.mulf %parallel_loop3A_222, %parallel_loop3A_226 : vector<32xbf16>
          %parallel_loop3A_228 = tpu.unpack_subelements %parallel_loop3A_227, 0 {pack_format = #tpu.pack_format<interleaved>} : vector<32xbf16> -> vector<16xf32>
          %parallel_loop3A_229 = tpu.unpack_subelements %parallel_loop3A_227, 1 {pack_format = #tpu.pack_format<interleaved>} : vector<32xbf16> -> vector<16xf32>
          %parallel_loop3A_230 = arith.index_cast %parallel_loop3A_207 : i32 to index
          %parallel_loop3A_231 = arith.constant 32 : index
          %parallel_loop3A_232 = tpu.vector_load %arg10[%parallel_loop3A_230, %parallel_loop3A_231] {strides = array<i32>} : memref<400x64xi32, #tpu.memory_space<vmem>>, vector<16xi32>,
          %parallel_loop3A_233 = vector.bitcast %parallel_loop3A_232 : vector<16xi32> to vector<32xbf16>
          %parallel_loop3A_234 = arith.index_cast %parallel_loop3A_207 : i32 to index
          %parallel_loop3A_235 = arith.constant 32 : index
          %parallel_loop3A_236 = tpu.vector_load %arg12[%parallel_loop3A_234, %parallel_loop3A_235] {strides = array<i32>} : memref<400x64xi32, #tpu.memory_space<vmem>>, vector<16xi32>,
          %parallel_loop3A_237 = vector.bitcast %parallel_loop3A_236 : vector<16xi32> to vector<32xbf16>
          %parallel_loop3A_238 = arith.mulf %parallel_loop3A_233, %parallel_loop3A_237 : vector<32xbf16>
          %parallel_loop3A_239 = tpu.unpack_subelements %parallel_loop3A_238, 0 {pack_format = #tpu.pack_format<interleaved>} : vector<32xbf16> -> vector<16xf32>
          %parallel_loop3A_240 = tpu.unpack_subelements %parallel_loop3A_238, 1 {pack_format = #tpu.pack_format<interleaved>} : vector<32xbf16> -> vector<16xf32>
          %parallel_loop3A_241 = arith.index_cast %parallel_loop3A_207 : i32 to index
          %parallel_loop3A_242 = arith.constant 48 : index
          %parallel_loop3A_243 = tpu.vector_load %arg10[%parallel_loop3A_241, %parallel_loop3A_242] {strides = array<i32>} : memref<400x64xi32, #tpu.memory_space<vmem>>, vector<16xi32>,
          %parallel_loop3A_244 = vector.bitcast %parallel_loop3A_243 : vector<16xi32> to vector<32xbf16>
          %parallel_loop3A_245 = arith.index_cast %parallel_loop3A_207 : i32 to index
          %parallel_loop3A_246 = arith.constant 48 : index
          %parallel_loop3A_247 = tpu.vector_load %arg12[%parallel_loop3A_245, %parallel_loop3A_246] {strides = array<i32>} : memref<400x64xi32, #tpu.memory_space<vmem>>, vector<16xi32>,
          %parallel_loop3A_248 = vector.bitcast %parallel_loop3A_247 : vector<16xi32> to vector<32xbf16>
          %parallel_loop3A_249 = arith.mulf %parallel_loop3A_244, %parallel_loop3A_248 : vector<32xbf16>
          %parallel_loop3A_250 = tpu.unpack_subelements %parallel_loop3A_249, 0 {pack_format = #tpu.pack_format<interleaved>} : vector<32xbf16> -> vector<16xf32>
          %parallel_loop3A_251 = tpu.unpack_subelements %parallel_loop3A_249, 1 {pack_format = #tpu.pack_format<interleaved>} : vector<32xbf16> -> vector<16xf32>
          %parallel_loop3A_252 = arith.addf %parallel_loop3A_217, %parallel_loop3A_218 : vector<16xf32>
          %parallel_loop3A_253 = arith.addf %parallel_loop3A_228, %parallel_loop3A_229 : vector<16xf32>
          %parallel_loop3A_254 = arith.addf %parallel_loop3A_239, %parallel_loop3A_240 : vector<16xf32>
          %parallel_loop3A_255 = arith.addf %parallel_loop3A_250, %parallel_loop3A_251 : vector<16xf32>
          %parallel_loop3A_256 = arith.addf %parallel_loop3A_252, %parallel_loop3A_253 : vector<16xf32>
          %parallel_loop3A_257 = arith.addf %parallel_loop3A_254, %parallel_loop3A_255 : vector<16xf32>
          %parallel_loop3A_258 = arith.addf %parallel_loop3A_256, %parallel_loop3A_257 : vector<16xf32>
          %parallel_loop3A_259 = arith.constant 16 : i32
          %parallel_loop3A_260 = arith.muli %parallel_loop3A_142, %parallel_loop3A_259 : i32
          %parallel_loop3A_261 = arith.constant 16 : i32
          %parallel_loop3A_262 = arith.muli %parallel_loop3A_260, %parallel_loop3A_261 : i32
          %parallel_loop3A_263 = arith.constant 16 : i32
          %parallel_loop3A_264 = arith.addi %parallel_loop3A_262, %parallel_loop3A_263 : i32
          %parallel_loop3A_265 = arith.index_cast %parallel_loop3A_264 : i32 to index
          %parallel_loop3A_266 = tpu.vector_load %arg14[%parallel_loop3A_265] {strides = array<i32>} : memref<6400xf32, #tpu.memory_space<vmem>>, vector<16xf32>,
          tpu.vector_store %arg14[%parallel_loop3A_265], %parallel_loop3A_258 {strides = array<i32>} : memref<6400xf32, #tpu.memory_space<vmem>>, vector<16xf32>,
          %parallel_loop3A_267 = arith.constant 2 : i32
          %parallel_loop3A_268 = arith.addi %parallel_loop3A_144, %parallel_loop3A_267 : i32
          %parallel_loop3A_269 = arith.index_cast %parallel_loop3A_268 : i32 to index
          %parallel_loop3A_270 = arith.constant 0 : index
          %parallel_loop3A_271 = tpu.vector_load %arg10[%parallel_loop3A_269, %parallel_loop3A_270] {strides = array<i32>} : memref<400x64xi32, #tpu.memory_space<vmem>>, vector<16xi32>,
          %parallel_loop3A_272 = vector.bitcast %parallel_loop3A_271 : vector<16xi32> to vector<32xbf16>
          %parallel_loop3A_273 = arith.index_cast %parallel_loop3A_268 : i32 to index
          %parallel_loop3A_274 = arith.constant 0 : index
          %parallel_loop3A_275 = tpu.vector_load %arg12[%parallel_loop3A_273, %parallel_loop3A_274] {strides = array<i32>} : memref<400x64xi32, #tpu.memory_space<vmem>>, vector<16xi32>,
          %parallel_loop3A_276 = vector.bitcast %parallel_loop3A_275 : vector<16xi32> to vector<32xbf16>
          %parallel_loop3A_277 = arith.mulf %parallel_loop3A_272, %parallel_loop3A_276 : vector<32xbf16>
          %parallel_loop3A_278 = tpu.unpack_subelements %parallel_loop3A_277, 0 {pack_format = #tpu.pack_format<interleaved>} : vector<32xbf16> -> vector<16xf32>
          %parallel_loop3A_279 = tpu.unpack_subelements %parallel_loop3A_277, 1 {pack_format = #tpu.pack_format<interleaved>} : vector<32xbf16> -> vector<16xf32>
          %parallel_loop3A_280 = arith.index_cast %parallel_loop3A_268 : i32 to index
          %parallel_loop3A_281 = arith.constant 16 : index
          %parallel_loop3A_282 = tpu.vector_load %arg10[%parallel_loop3A_280, %parallel_loop3A_281] {strides = array<i32>} : memref<400x64xi32, #tpu.memory_space<vmem>>, vector<16xi32>,
          %parallel_loop3A_283 = vector.bitcast %parallel_loop3A_282 : vector<16xi32> to vector<32xbf16>
          %parallel_loop3A_284 = arith.index_cast %parallel_loop3A_268 : i32 to index
          %parallel_loop3A_285 = arith.constant 16 : index
          %parallel_loop3A_286 = tpu.vector_load %arg12[%parallel_loop3A_284, %parallel_loop3A_285] {strides = array<i32>} : memref<400x64xi32, #tpu.memory_space<vmem>>, vector<16xi32>,
          %parallel_loop3A_287 = vector.bitcast %parallel_loop3A_286 : vector<16xi32> to vector<32xbf16>
          %parallel_loop3A_288 = arith.mulf %parallel_loop3A_283, %parallel_loop3A_287 : vector<32xbf16>
          %parallel_loop3A_289 = tpu.unpack_subelements %parallel_loop3A_288, 0 {pack_format = #tpu.pack_format<interleaved>} : vector<32xbf16> -> vector<16xf32>
          %parallel_loop3A_290 = tpu.unpack_subelements %parallel_loop3A_288, 1 {pack_format = #tpu.pack_format<interleaved>} : vector<32xbf16> -> vector<16xf32>
          %parallel_loop3A_291 = arith.index_cast %parallel_loop3A_268 : i32 to index
          %parallel_loop3A_292 = arith.constant 32 : index
          %parallel_loop3A_293 = tpu.vector_load %arg10[%parallel_loop3A_291, %parallel_loop3A_292] {strides = array<i32>} : memref<400x64xi32, #tpu.memory_space<vmem>>, vector<16xi32>,
          %parallel_loop3A_294 = vector.bitcast %parallel_loop3A_293 : vector<16xi32> to vector<32xbf16>
          %parallel_loop3A_295 = arith.index_cast %parallel_loop3A_268 : i32 to index
          %parallel_loop3A_296 = arith.constant 32 : index
          %parallel_loop3A_297 = tpu.vector_load %arg12[%parallel_loop3A_295, %parallel_loop3A_296] {strides = array<i32>} : memref<400x64xi32, #tpu.memory_space<vmem>>, vector<16xi32>,
          %parallel_loop3A_298 = vector.bitcast %parallel_loop3A_297 : vector<16xi32> to vector<32xbf16>
          %parallel_loop3A_299 = arith.mulf %parallel_loop3A_294, %parallel_loop3A_298 : vector<32xbf16>
          %parallel_loop3A_300 = tpu.unpack_subelements %parallel_loop3A_299, 0 {pack_format = #tpu.pack_format<interleaved>} : vector<32xbf16> -> vector<16xf32>
          %parallel_loop3A_301 = tpu.unpack_subelements %parallel_loop3A_299, 1 {pack_format = #tpu.pack_format<interleaved>} : vector<32xbf16> -> vector<16xf32>
          %parallel_loop3A_302 = arith.index_cast %parallel_loop3A_268 : i32 to index
          %parallel_loop3A_303 = arith.constant 48 : index
          %parallel_loop3A_304 = tpu.vector_load %arg10[%parallel_loop3A_302, %parallel_loop3A_303] {strides = array<i32>} : memref<400x64xi32, #tpu.memory_space<vmem>>, vector<16xi32>,
          %parallel_loop3A_305 = vector.bitcast %parallel_loop3A_304 : vector<16xi32> to vector<32xbf16>
          %parallel_loop3A_306 = arith.index_cast %parallel_loop3A_268 : i32 to index
          %parallel_loop3A_307 = arith.constant 48 : index
          %parallel_loop3A_308 = tpu.vector_load %arg12[%parallel_loop3A_306, %parallel_loop3A_307] {strides = array<i32>} : memref<400x64xi32, #tpu.memory_space<vmem>>, vector<16xi32>,
          %parallel_loop3A_309 = vector.bitcast %parallel_loop3A_308 : vector<16xi32> to vector<32xbf16>
          %parallel_loop3A_310 = arith.mulf %parallel_loop3A_305, %parallel_loop3A_309 : vector<32xbf16>
          %parallel_loop3A_311 = tpu.unpack_subelements %parallel_loop3A_310, 0 {pack_format = #tpu.pack_format<interleaved>} : vector<32xbf16> -> vector<16xf32>
          %parallel_loop3A_312 = tpu.unpack_subelements %parallel_loop3A_310, 1 {pack_format = #tpu.pack_format<interleaved>} : vector<32xbf16> -> vector<16xf32>
          %parallel_loop3A_313 = arith.addf %parallel_loop3A_278, %parallel_loop3A_279 : vector<16xf32>
          %parallel_loop3A_314 = arith.addf %parallel_loop3A_289, %parallel_loop3A_290 : vector<16xf32>
          %parallel_loop3A_315 = arith.addf %parallel_loop3A_300, %parallel_loop3A_301 : vector<16xf32>
          %parallel_loop3A_316 = arith.addf %parallel_loop3A_311, %parallel_loop3A_312 : vector<16xf32>
          %parallel_loop3A_317 = arith.addf %parallel_loop3A_313, %parallel_loop3A_314 : vector<16xf32>
          %parallel_loop3A_318 = arith.addf %parallel_loop3A_315, %parallel_loop3A_316 : vector<16xf32>
          %parallel_loop3A_319 = arith.addf %parallel_loop3A_317, %parallel_loop3A_318 : vector<16xf32>
          %parallel_loop3A_320 = arith.constant 16 : i32
          %parallel_loop3A_321 = arith.muli %parallel_loop3A_142, %parallel_loop3A_320 : i32
          %parallel_loop3A_322 = arith.constant 16 : i32
          %parallel_loop3A_323 = arith.muli %parallel_loop3A_321, %parallel_loop3A_322 : i32
          %parallel_loop3A_324 = arith.constant 32 : i32
          %parallel_loop3A_325 = arith.addi %parallel_loop3A_323, %parallel_loop3A_324 : i32
          %parallel_loop3A_326 = arith.index_cast %parallel_loop3A_325 : i32 to index
          %parallel_loop3A_327 = tpu.vector_load %arg14[%parallel_loop3A_326] {strides = array<i32>} : memref<6400xf32, #tpu.memory_space<vmem>>, vector<16xf32>,
          tpu.vector_store %arg14[%parallel_loop3A_326], %parallel_loop3A_319 {strides = array<i32>} : memref<6400xf32, #tpu.memory_space<vmem>>, vector<16xf32>,
          %parallel_loop3A_328 = arith.constant 3 : i32
          %parallel_loop3A_329 = arith.addi %parallel_loop3A_144, %parallel_loop3A_328 : i32
          %parallel_loop3A_330 = arith.index_cast %parallel_loop3A_329 : i32 to index
          %parallel_loop3A_331 = arith.constant 0 : index
          %parallel_loop3A_332 = tpu.vector_load %arg10[%parallel_loop3A_330, %parallel_loop3A_331] {strides = array<i32>} : memref<400x64xi32, #tpu.memory_space<vmem>>, vector<16xi32>,
          %parallel_loop3A_333 = vector.bitcast %parallel_loop3A_332 : vector<16xi32> to vector<32xbf16>
          %parallel_loop3A_334 = arith.index_cast %parallel_loop3A_329 : i32 to index
          %parallel_loop3A_335 = arith.constant 0 : index
          %parallel_loop3A_336 = tpu.vector_load %arg12[%parallel_loop3A_334, %parallel_loop3A_335] {strides = array<i32>} : memref<400x64xi32, #tpu.memory_space<vmem>>, vector<16xi32>,
          %parallel_loop3A_337 = vector.bitcast %parallel_loop3A_336 : vector<16xi32> to vector<32xbf16>
          %parallel_loop3A_338 = arith.mulf %parallel_loop3A_333, %parallel_loop3A_337 : vector<32xbf16>
          %parallel_loop3A_339 = tpu.unpack_subelements %parallel_loop3A_338, 0 {pack_format = #tpu.pack_format<interleaved>} : vector<32xbf16> -> vector<16xf32>
          %parallel_loop3A_340 = tpu.unpack_subelements %parallel_loop3A_338, 1 {pack_format = #tpu.pack_format<interleaved>} : vector<32xbf16> -> vector<16xf32>
          %parallel_loop3A_341 = arith.index_cast %parallel_loop3A_329 : i32 to index
          %parallel_loop3A_342 = arith.constant 16 : index
          %parallel_loop3A_343 = tpu.vector_load %arg10[%parallel_loop3A_341, %parallel_loop3A_342] {strides = array<i32>} : memref<400x64xi32, #tpu.memory_space<vmem>>, vector<16xi32>,
          %parallel_loop3A_344 = vector.bitcast %parallel_loop3A_343 : vector<16xi32> to vector<32xbf16>
          %parallel_loop3A_345 = arith.index_cast %parallel_loop3A_329 : i32 to index
          %parallel_loop3A_346 = arith.constant 16 : index
          %parallel_loop3A_347 = tpu.vector_load %arg12[%parallel_loop3A_345, %parallel_loop3A_346] {strides = array<i32>} : memref<400x64xi32, #tpu.memory_space<vmem>>, vector<16xi32>,
          %parallel_loop3A_348 = vector.bitcast %parallel_loop3A_347 : vector<16xi32> to vector<32xbf16>
          %parallel_loop3A_349 = arith.mulf %parallel_loop3A_344, %parallel_loop3A_348 : vector<32xbf16>
          %parallel_loop3A_350 = tpu.unpack_subelements %parallel_loop3A_349, 0 {pack_format = #tpu.pack_format<interleaved>} : vector<32xbf16> -> vector<16xf32>
          %parallel_loop3A_351 = tpu.unpack_subelements %parallel_loop3A_349, 1 {pack_format = #tpu.pack_format<interleaved>} : vector<32xbf16> -> vector<16xf32>
          %parallel_loop3A_352 = arith.index_cast %parallel_loop3A_329 : i32 to index
          %parallel_loop3A_353 = arith.constant 32 : index
          %parallel_loop3A_354 = tpu.vector_load %arg10[%parallel_loop3A_352, %parallel_loop3A_353] {strides = array<i32>} : memref<400x64xi32, #tpu.memory_space<vmem>>, vector<16xi32>,
          %parallel_loop3A_355 = vector.bitcast %parallel_loop3A_354 : vector<16xi32> to vector<32xbf16>
          %parallel_loop3A_356 = arith.index_cast %parallel_loop3A_329 : i32 to index
          %parallel_loop3A_357 = arith.constant 32 : index
          %parallel_loop3A_358 = tpu.vector_load %arg12[%parallel_loop3A_356, %parallel_loop3A_357] {strides = array<i32>} : memref<400x64xi32, #tpu.memory_space<vmem>>, vector<16xi32>,
          %parallel_loop3A_359 = vector.bitcast %parallel_loop3A_358 : vector<16xi32> to vector<32xbf16>
          %parallel_loop3A_360 = arith.mulf %parallel_loop3A_355, %parallel_loop3A_359 : vector<32xbf16>
          %parallel_loop3A_361 = tpu.unpack_subelements %parallel_loop3A_360, 0 {pack_format = #tpu.pack_format<interleaved>} : vector<32xbf16> -> vector<16xf32>
          %parallel_loop3A_362 = tpu.unpack_subelements %parallel_loop3A_360, 1 {pack_format = #tpu.pack_format<interleaved>} : vector<32xbf16> -> vector<16xf32>
          %parallel_loop3A_363 = arith.index_cast %parallel_loop3A_329 : i32 to index
          %parallel_loop3A_364 = arith.constant 48 : index
          %parallel_loop3A_365 = tpu.vector_load %arg10[%parallel_loop3A_363, %parallel_loop3A_364] {strides = array<i32>} : memref<400x64xi32, #tpu.memory_space<vmem>>, vector<16xi32>,
          %parallel_loop3A_366 = vector.bitcast %parallel_loop3A_365 : vector<16xi32> to vector<32xbf16>
          %parallel_loop3A_367 = arith.index_cast %parallel_loop3A_329 : i32 to index
          %parallel_loop3A_368 = arith.constant 48 : index
          %parallel_loop3A_369 = tpu.vector_load %arg12[%parallel_loop3A_367, %parallel_loop3A_368] {strides = array<i32>} : memref<400x64xi32, #tpu.memory_space<vmem>>, vector<16xi32>,
          %parallel_loop3A_370 = vector.bitcast %parallel_loop3A_369 : vector<16xi32> to vector<32xbf16>
          %parallel_loop3A_371 = arith.mulf %parallel_loop3A_366, %parallel_loop3A_370 : vector<32xbf16>
          %parallel_loop3A_372 = tpu.unpack_subelements %parallel_loop3A_371, 0 {pack_format = #tpu.pack_format<interleaved>} : vector<32xbf16> -> vector<16xf32>
          %parallel_loop3A_373 = tpu.unpack_subelements %parallel_loop3A_371, 1 {pack_format = #tpu.pack_format<interleaved>} : vector<32xbf16> -> vector<16xf32>
          %parallel_loop3A_374 = arith.addf %parallel_loop3A_339, %parallel_loop3A_340 : vector<16xf32>
          %parallel_loop3A_375 = arith.addf %parallel_loop3A_350, %parallel_loop3A_351 : vector<16xf32>
          %parallel_loop3A_376 = arith.addf %parallel_loop3A_361, %parallel_loop3A_362 : vector<16xf32>
          %parallel_loop3A_377 = arith.addf %parallel_loop3A_372, %parallel_loop3A_373 : vector<16xf32>
          %parallel_loop3A_378 = arith.addf %parallel_loop3A_374, %parallel_loop3A_375 : vector<16xf32>
          %parallel_loop3A_379 = arith.addf %parallel_loop3A_376, %parallel_loop3A_377 : vector<16xf32>
          %parallel_loop3A_380 = arith.addf %parallel_loop3A_378, %parallel_loop3A_379 : vector<16xf32>
          %parallel_loop3A_381 = arith.constant 16 : i32
          %parallel_loop3A_382 = arith.muli %parallel_loop3A_142, %parallel_loop3A_381 : i32
          %parallel_loop3A_383 = arith.constant 16 : i32
          %parallel_loop3A_384 = arith.muli %parallel_loop3A_382, %parallel_loop3A_383 : i32
          %parallel_loop3A_385 = arith.constant 48 : i32
          %parallel_loop3A_386 = arith.addi %parallel_loop3A_384, %parallel_loop3A_385 : i32
          %parallel_loop3A_387 = arith.index_cast %parallel_loop3A_386 : i32 to index
          %parallel_loop3A_388 = tpu.vector_load %arg14[%parallel_loop3A_387] {strides = array<i32>} : memref<6400xf32, #tpu.memory_space<vmem>>, vector<16xf32>,
          tpu.vector_store %arg14[%parallel_loop3A_387], %parallel_loop3A_380 {strides = array<i32>} : memref<6400xf32, #tpu.memory_space<vmem>>, vector<16xf32>,
          %parallel_loop3A_389 = arith.constant 4 : i32
          %parallel_loop3A_390 = arith.addi %parallel_loop3A_144, %parallel_loop3A_389 : i32
          %parallel_loop3A_391 = arith.index_cast %parallel_loop3A_390 : i32 to index
          %parallel_loop3A_392 = arith.constant 0 : index
          %parallel_loop3A_393 = tpu.vector_load %arg10[%parallel_loop3A_391, %parallel_loop3A_392] {strides = array<i32>} : memref<400x64xi32, #tpu.memory_space<vmem>>, vector<16xi32>,
          %parallel_loop3A_394 = vector.bitcast %parallel_loop3A_393 : vector<16xi32> to vector<32xbf16>
          %parallel_loop3A_395 = arith.index_cast %parallel_loop3A_390 : i32 to index
          %parallel_loop3A_396 = arith.constant 0 : index
          %parallel_loop3A_397 = tpu.vector_load %arg12[%parallel_loop3A_395, %parallel_loop3A_396] {strides = array<i32>} : memref<400x64xi32, #tpu.memory_space<vmem>>, vector<16xi32>,
          %parallel_loop3A_398 = vector.bitcast %parallel_loop3A_397 : vector<16xi32> to vector<32xbf16>
          %parallel_loop3A_399 = arith.mulf %parallel_loop3A_394, %parallel_loop3A_398 : vector<32xbf16>
          %parallel_loop3A_400 = tpu.unpack_subelements %parallel_loop3A_399, 0 {pack_format = #tpu.pack_format<interleaved>} : vector<32xbf16> -> vector<16xf32>
          %parallel_loop3A_401 = tpu.unpack_subelements %parallel_loop3A_399, 1 {pack_format = #tpu.pack_format<interleaved>} : vector<32xbf16> -> vector<16xf32>
          %parallel_loop3A_402 = arith.index_cast %parallel_loop3A_390 : i32 to index
          %parallel_loop3A_403 = arith.constant 16 : index
          %parallel_loop3A_404 = tpu.vector_load %arg10[%parallel_loop3A_402, %parallel_loop3A_403] {strides = array<i32>} : memref<400x64xi32, #tpu.memory_space<vmem>>, vector<16xi32>,
          %parallel_loop3A_405 = vector.bitcast %parallel_loop3A_404 : vector<16xi32> to vector<32xbf16>
          %parallel_loop3A_406 = arith.index_cast %parallel_loop3A_390 : i32 to index
          %parallel_loop3A_407 = arith.constant 16 : index
          %parallel_loop3A_408 = tpu.vector_load %arg12[%parallel_loop3A_406, %parallel_loop3A_407] {strides = array<i32>} : memref<400x64xi32, #tpu.memory_space<vmem>>, vector<16xi32>,
          %parallel_loop3A_409 = vector.bitcast %parallel_loop3A_408 : vector<16xi32> to vector<32xbf16>
          %parallel_loop3A_410 = arith.mulf %parallel_loop3A_405, %parallel_loop3A_409 : vector<32xbf16>
          %parallel_loop3A_411 = tpu.unpack_subelements %parallel_loop3A_410, 0 {pack_format = #tpu.pack_format<interleaved>} : vector<32xbf16> -> vector<16xf32>
          %parallel_loop3A_412 = tpu.unpack_subelements %parallel_loop3A_410, 1 {pack_format = #tpu.pack_format<interleaved>} : vector<32xbf16> -> vector<16xf32>
          %parallel_loop3A_413 = arith.index_cast %parallel_loop3A_390 : i32 to index
          %parallel_loop3A_414 = arith.constant 32 : index
          %parallel_loop3A_415 = tpu.vector_load %arg10[%parallel_loop3A_413, %parallel_loop3A_414] {strides = array<i32>} : memref<400x64xi32, #tpu.memory_space<vmem>>, vector<16xi32>,
          %parallel_loop3A_416 = vector.bitcast %parallel_loop3A_415 : vector<16xi32> to vector<32xbf16>
          %parallel_loop3A_417 = arith.index_cast %parallel_loop3A_390 : i32 to index
          %parallel_loop3A_418 = arith.constant 32 : index
          %parallel_loop3A_419 = tpu.vector_load %arg12[%parallel_loop3A_417, %parallel_loop3A_418] {strides = array<i32>} : memref<400x64xi32, #tpu.memory_space<vmem>>, vector<16xi32>,
          %parallel_loop3A_420 = vector.bitcast %parallel_loop3A_419 : vector<16xi32> to vector<32xbf16>
          %parallel_loop3A_421 = arith.mulf %parallel_loop3A_416, %parallel_loop3A_420 : vector<32xbf16>
          %parallel_loop3A_422 = tpu.unpack_subelements %parallel_loop3A_421, 0 {pack_format = #tpu.pack_format<interleaved>} : vector<32xbf16> -> vector<16xf32>
          %parallel_loop3A_423 = tpu.unpack_subelements %parallel_loop3A_421, 1 {pack_format = #tpu.pack_format<interleaved>} : vector<32xbf16> -> vector<16xf32>
          %parallel_loop3A_424 = arith.index_cast %parallel_loop3A_390 : i32 to index
          %parallel_loop3A_425 = arith.constant 48 : index
          %parallel_loop3A_426 = tpu.vector_load %arg10[%parallel_loop3A_424, %parallel_loop3A_425] {strides = array<i32>} : memref<400x64xi32, #tpu.memory_space<vmem>>, vector<16xi32>,
          %parallel_loop3A_427 = vector.bitcast %parallel_loop3A_426 : vector<16xi32> to vector<32xbf16>
          %parallel_loop3A_428 = arith.index_cast %parallel_loop3A_390 : i32 to index
          %parallel_loop3A_429 = arith.constant 48 : index
          %parallel_loop3A_430 = tpu.vector_load %arg12[%parallel_loop3A_428, %parallel_loop3A_429] {strides = array<i32>} : memref<400x64xi32, #tpu.memory_space<vmem>>, vector<16xi32>,
          %parallel_loop3A_431 = vector.bitcast %parallel_loop3A_430 : vector<16xi32> to vector<32xbf16>
          %parallel_loop3A_432 = arith.mulf %parallel_loop3A_427, %parallel_loop3A_431 : vector<32xbf16>
          %parallel_loop3A_433 = tpu.unpack_subelements %parallel_loop3A_432, 0 {pack_format = #tpu.pack_format<interleaved>} : vector<32xbf16> -> vector<16xf32>
          %parallel_loop3A_434 = tpu.unpack_subelements %parallel_loop3A_432, 1 {pack_format = #tpu.pack_format<interleaved>} : vector<32xbf16> -> vector<16xf32>
          %parallel_loop3A_435 = arith.addf %parallel_loop3A_400, %parallel_loop3A_401 : vector<16xf32>
          %parallel_loop3A_436 = arith.addf %parallel_loop3A_411, %parallel_loop3A_412 : vector<16xf32>
          %parallel_loop3A_437 = arith.addf %parallel_loop3A_422, %parallel_loop3A_423 : vector<16xf32>
          %parallel_loop3A_438 = arith.addf %parallel_loop3A_433, %parallel_loop3A_434 : vector<16xf32>
          %parallel_loop3A_439 = arith.addf %parallel_loop3A_435, %parallel_loop3A_436 : vector<16xf32>
          %parallel_loop3A_440 = arith.addf %parallel_loop3A_437, %parallel_loop3A_438 : vector<16xf32>
          %parallel_loop3A_441 = arith.addf %parallel_loop3A_439, %parallel_loop3A_440 : vector<16xf32>
          %parallel_loop3A_442 = arith.constant 16 : i32
          %parallel_loop3A_443 = arith.muli %parallel_loop3A_142, %parallel_loop3A_442 : i32
          %parallel_loop3A_444 = arith.constant 16 : i32
          %parallel_loop3A_445 = arith.muli %parallel_loop3A_443, %parallel_loop3A_444 : i32
          %parallel_loop3A_446 = arith.constant 64 : i32
          %parallel_loop3A_447 = arith.addi %parallel_loop3A_445, %parallel_loop3A_446 : i32
          %parallel_loop3A_448 = arith.index_cast %parallel_loop3A_447 : i32 to index
          %parallel_loop3A_449 = tpu.vector_load %arg14[%parallel_loop3A_448] {strides = array<i32>} : memref<6400xf32, #tpu.memory_space<vmem>>, vector<16xf32>,
          tpu.vector_store %arg14[%parallel_loop3A_448], %parallel_loop3A_441 {strides = array<i32>} : memref<6400xf32, #tpu.memory_space<vmem>>, vector<16xf32>,
          %parallel_loop3A_450 = arith.constant 5 : i32
          %parallel_loop3A_451 = arith.addi %parallel_loop3A_144, %parallel_loop3A_450 : i32
          %parallel_loop3A_452 = arith.index_cast %parallel_loop3A_451 : i32 to index
          %parallel_loop3A_453 = arith.constant 0 : index
          %parallel_loop3A_454 = tpu.vector_load %arg10[%parallel_loop3A_452, %parallel_loop3A_453] {strides = array<i32>} : memref<400x64xi32, #tpu.memory_space<vmem>>, vector<16xi32>,
          %parallel_loop3A_455 = vector.bitcast %parallel_loop3A_454 : vector<16xi32> to vector<32xbf16>
          %parallel_loop3A_456 = arith.index_cast %parallel_loop3A_451 : i32 to index
          %parallel_loop3A_457 = arith.constant 0 : index
          %parallel_loop3A_458 = tpu.vector_load %arg12[%parallel_loop3A_456, %parallel_loop3A_457] {strides = array<i32>} : memref<400x64xi32, #tpu.memory_space<vmem>>, vector<16xi32>,
          %parallel_loop3A_459 = vector.bitcast %parallel_loop3A_458 : vector<16xi32> to vector<32xbf16>
          %parallel_loop3A_460 = arith.mulf %parallel_loop3A_455, %parallel_loop3A_459 : vector<32xbf16>
          %parallel_loop3A_461 = tpu.unpack_subelements %parallel_loop3A_460, 0 {pack_format = #tpu.pack_format<interleaved>} : vector<32xbf16> -> vector<16xf32>
          %parallel_loop3A_462 = tpu.unpack_subelements %parallel_loop3A_460, 1 {pack_format = #tpu.pack_format<interleaved>} : vector<32xbf16> -> vector<16xf32>
          %parallel_loop3A_463 = arith.index_cast %parallel_loop3A_451 : i32 to index
          %parallel_loop3A_464 = arith.constant 16 : index
          %parallel_loop3A_465 = tpu.vector_load %arg10[%parallel_loop3A_463, %parallel_loop3A_464] {strides = array<i32>} : memref<400x64xi32, #tpu.memory_space<vmem>>, vector<16xi32>,
          %parallel_loop3A_466 = vector.bitcast %parallel_loop3A_465 : vector<16xi32> to vector<32xbf16>
          %parallel_loop3A_467 = arith.index_cast %parallel_loop3A_451 : i32 to index
          %parallel_loop3A_468 = arith.constant 16 : index
          %parallel_loop3A_469 = tpu.vector_load %arg12[%parallel_loop3A_467, %parallel_loop3A_468] {strides = array<i32>} : memref<400x64xi32, #tpu.memory_space<vmem>>, vector<16xi32>,
          %parallel_loop3A_470 = vector.bitcast %parallel_loop3A_469 : vector<16xi32> to vector<32xbf16>
          %parallel_loop3A_471 = arith.mulf %parallel_loop3A_466, %parallel_loop3A_470 : vector<32xbf16>
          %parallel_loop3A_472 = tpu.unpack_subelements %parallel_loop3A_471, 0 {pack_format = #tpu.pack_format<interleaved>} : vector<32xbf16> -> vector<16xf32>
          %parallel_loop3A_473 = tpu.unpack_subelements %parallel_loop3A_471, 1 {pack_format = #tpu.pack_format<interleaved>} : vector<32xbf16> -> vector<16xf32>
          %parallel_loop3A_474 = arith.index_cast %parallel_loop3A_451 : i32 to index
          %parallel_loop3A_475 = arith.constant 32 : index
          %parallel_loop3A_476 = tpu.vector_load %arg10[%parallel_loop3A_474, %parallel_loop3A_475] {strides = array<i32>} : memref<400x64xi32, #tpu.memory_space<vmem>>, vector<16xi32>,
          %parallel_loop3A_477 = vector.bitcast %parallel_loop3A_476 : vector<16xi32> to vector<32xbf16>
          %parallel_loop3A_478 = arith.index_cast %parallel_loop3A_451 : i32 to index
          %parallel_loop3A_479 = arith.constant 32 : index
          %parallel_loop3A_480 = tpu.vector_load %arg12[%parallel_loop3A_478, %parallel_loop3A_479] {strides = array<i32>} : memref<400x64xi32, #tpu.memory_space<vmem>>, vector<16xi32>,
          %parallel_loop3A_481 = vector.bitcast %parallel_loop3A_480 : vector<16xi32> to vector<32xbf16>
          %parallel_loop3A_482 = arith.mulf %parallel_loop3A_477, %parallel_loop3A_481 : vector<32xbf16>
          %parallel_loop3A_483 = tpu.unpack_subelements %parallel_loop3A_482, 0 {pack_format = #tpu.pack_format<interleaved>} : vector<32xbf16> -> vector<16xf32>
          %parallel_loop3A_484 = tpu.unpack_subelements %parallel_loop3A_482, 1 {pack_format = #tpu.pack_format<interleaved>} : vector<32xbf16> -> vector<16xf32>
          %parallel_loop3A_485 = arith.index_cast %parallel_loop3A_451 : i32 to index
          %parallel_loop3A_486 = arith.constant 48 : index
          %parallel_loop3A_487 = tpu.vector_load %arg10[%parallel_loop3A_485, %parallel_loop3A_486] {strides = array<i32>} : memref<400x64xi32, #tpu.memory_space<vmem>>, vector<16xi32>,
          %parallel_loop3A_488 = vector.bitcast %parallel_loop3A_487 : vector<16xi32> to vector<32xbf16>
          %parallel_loop3A_489 = arith.index_cast %parallel_loop3A_451 : i32 to index
          %parallel_loop3A_490 = arith.constant 48 : index
          %parallel_loop3A_491 = tpu.vector_load %arg12[%parallel_loop3A_489, %parallel_loop3A_490] {strides = array<i32>} : memref<400x64xi32, #tpu.memory_space<vmem>>, vector<16xi32>,
          %parallel_loop3A_492 = vector.bitcast %parallel_loop3A_491 : vector<16xi32> to vector<32xbf16>
          %parallel_loop3A_493 = arith.mulf %parallel_loop3A_488, %parallel_loop3A_492 : vector<32xbf16>
          %parallel_loop3A_494 = tpu.unpack_subelements %parallel_loop3A_493, 0 {pack_format = #tpu.pack_format<interleaved>} : vector<32xbf16> -> vector<16xf32>
          %parallel_loop3A_495 = tpu.unpack_subelements %parallel_loop3A_493, 1 {pack_format = #tpu.pack_format<interleaved>} : vector<32xbf16> -> vector<16xf32>
          %parallel_loop3A_496 = arith.addf %parallel_loop3A_461, %parallel_loop3A_462 : vector<16xf32>
          %parallel_loop3A_497 = arith.addf %parallel_loop3A_472, %parallel_loop3A_473 : vector<16xf32>
          %parallel_loop3A_498 = arith.addf %parallel_loop3A_483, %parallel_loop3A_484 : vector<16xf32>
          %parallel_loop3A_499 = arith.addf %parallel_loop3A_494, %parallel_loop3A_495 : vector<16xf32>
          %parallel_loop3A_500 = arith.addf %parallel_loop3A_496, %parallel_loop3A_497 : vector<16xf32>
          %parallel_loop3A_501 = arith.addf %parallel_loop3A_498, %parallel_loop3A_499 : vector<16xf32>
          %parallel_loop3A_502 = arith.addf %parallel_loop3A_500, %parallel_loop3A_501 : vector<16xf32>
          %parallel_loop3A_503 = arith.constant 16 : i32
          %parallel_loop3A_504 = arith.muli %parallel_loop3A_142, %parallel_loop3A_503 : i32
          %parallel_loop3A_505 = arith.constant 16 : i32
          %parallel_loop3A_506 = arith.muli %parallel_loop3A_504, %parallel_loop3A_505 : i32
          %parallel_loop3A_507 = arith.constant 80 : i32
          %parallel_loop3A_508 = arith.addi %parallel_loop3A_506, %parallel_loop3A_507 : i32
          %parallel_loop3A_509 = arith.index_cast %parallel_loop3A_508 : i32 to index
          %parallel_loop3A_510 = tpu.vector_load %arg14[%parallel_loop3A_509] {strides = array<i32>} : memref<6400xf32, #tpu.memory_space<vmem>>, vector<16xf32>,
          tpu.vector_store %arg14[%parallel_loop3A_509], %parallel_loop3A_502 {strides = array<i32>} : memref<6400xf32, #tpu.memory_space<vmem>>, vector<16xf32>,
          %parallel_loop3A_511 = arith.constant 6 : i32
          %parallel_loop3A_512 = arith.addi %parallel_loop3A_144, %parallel_loop3A_511 : i32
          %parallel_loop3A_513 = arith.index_cast %parallel_loop3A_512 : i32 to index
          %parallel_loop3A_514 = arith.constant 0 : index
          %parallel_loop3A_515 = tpu.vector_load %arg10[%parallel_loop3A_513, %parallel_loop3A_514] {strides = array<i32>} : memref<400x64xi32, #tpu.memory_space<vmem>>, vector<16xi32>,
          %parallel_loop3A_516 = vector.bitcast %parallel_loop3A_515 : vector<16xi32> to vector<32xbf16>
          %parallel_loop3A_517 = arith.index_cast %parallel_loop3A_512 : i32 to index
          %parallel_loop3A_518 = arith.constant 0 : index
          %parallel_loop3A_519 = tpu.vector_load %arg12[%parallel_loop3A_517, %parallel_loop3A_518] {strides = array<i32>} : memref<400x64xi32, #tpu.memory_space<vmem>>, vector<16xi32>,
          %parallel_loop3A_520 = vector.bitcast %parallel_loop3A_519 : vector<16xi32> to vector<32xbf16>
          %parallel_loop3A_521 = arith.mulf %parallel_loop3A_516, %parallel_loop3A_520 : vector<32xbf16>
          %parallel_loop3A_522 = tpu.unpack_subelements %parallel_loop3A_521, 0 {pack_format = #tpu.pack_format<interleaved>} : vector<32xbf16> -> vector<16xf32>
          %parallel_loop3A_523 = tpu.unpack_subelements %parallel_loop3A_521, 1 {pack_format = #tpu.pack_format<interleaved>} : vector<32xbf16> -> vector<16xf32>
          %parallel_loop3A_524 = arith.index_cast %parallel_loop3A_512 : i32 to index
          %parallel_loop3A_525 = arith.constant 16 : index
          %parallel_loop3A_526 = tpu.vector_load %arg10[%parallel_loop3A_524, %parallel_loop3A_525] {strides = array<i32>} : memref<400x64xi32, #tpu.memory_space<vmem>>, vector<16xi32>,
          %parallel_loop3A_527 = vector.bitcast %parallel_loop3A_526 : vector<16xi32> to vector<32xbf16>
          %parallel_loop3A_528 = arith.index_cast %parallel_loop3A_512 : i32 to index
          %parallel_loop3A_529 = arith.constant 16 : index
          %parallel_loop3A_530 = tpu.vector_load %arg12[%parallel_loop3A_528, %parallel_loop3A_529] {strides = array<i32>} : memref<400x64xi32, #tpu.memory_space<vmem>>, vector<16xi32>,
          %parallel_loop3A_531 = vector.bitcast %parallel_loop3A_530 : vector<16xi32> to vector<32xbf16>
          %parallel_loop3A_532 = arith.mulf %parallel_loop3A_527, %parallel_loop3A_531 : vector<32xbf16>
          %parallel_loop3A_533 = tpu.unpack_subelements %parallel_loop3A_532, 0 {pack_format = #tpu.pack_format<interleaved>} : vector<32xbf16> -> vector<16xf32>
          %parallel_loop3A_534 = tpu.unpack_subelements %parallel_loop3A_532, 1 {pack_format = #tpu.pack_format<interleaved>} : vector<32xbf16> -> vector<16xf32>
          %parallel_loop3A_535 = arith.index_cast %parallel_loop3A_512 : i32 to index
          %parallel_loop3A_536 = arith.constant 32 : index
          %parallel_loop3A_537 = tpu.vector_load %arg10[%parallel_loop3A_535, %parallel_loop3A_536] {strides = array<i32>} : memref<400x64xi32, #tpu.memory_space<vmem>>, vector<16xi32>,
          %parallel_loop3A_538 = vector.bitcast %parallel_loop3A_537 : vector<16xi32> to vector<32xbf16>
          %parallel_loop3A_539 = arith.index_cast %parallel_loop3A_512 : i32 to index
          %parallel_loop3A_540 = arith.constant 32 : index
          %parallel_loop3A_541 = tpu.vector_load %arg12[%parallel_loop3A_539, %parallel_loop3A_540] {strides = array<i32>} : memref<400x64xi32, #tpu.memory_space<vmem>>, vector<16xi32>,
          %parallel_loop3A_542 = vector.bitcast %parallel_loop3A_541 : vector<16xi32> to vector<32xbf16>
          %parallel_loop3A_543 = arith.mulf %parallel_loop3A_538, %parallel_loop3A_542 : vector<32xbf16>
          %parallel_loop3A_544 = tpu.unpack_subelements %parallel_loop3A_543, 0 {pack_format = #tpu.pack_format<interleaved>} : vector<32xbf16> -> vector<16xf32>
          %parallel_loop3A_545 = tpu.unpack_subelements %parallel_loop3A_543, 1 {pack_format = #tpu.pack_format<interleaved>} : vector<32xbf16> -> vector<16xf32>
          %parallel_loop3A_546 = arith.index_cast %parallel_loop3A_512 : i32 to index
          %parallel_loop3A_547 = arith.constant 48 : index
          %parallel_loop3A_548 = tpu.vector_load %arg10[%parallel_loop3A_546, %parallel_loop3A_547] {strides = array<i32>} : memref<400x64xi32, #tpu.memory_space<vmem>>, vector<16xi32>,
          %parallel_loop3A_549 = vector.bitcast %parallel_loop3A_548 : vector<16xi32> to vector<32xbf16>
          %parallel_loop3A_550 = arith.index_cast %parallel_loop3A_512 : i32 to index
          %parallel_loop3A_551 = arith.constant 48 : index
          %parallel_loop3A_552 = tpu.vector_load %arg12[%parallel_loop3A_550, %parallel_loop3A_551] {strides = array<i32>} : memref<400x64xi32, #tpu.memory_space<vmem>>, vector<16xi32>,
          %parallel_loop3A_553 = vector.bitcast %parallel_loop3A_552 : vector<16xi32> to vector<32xbf16>
          %parallel_loop3A_554 = arith.mulf %parallel_loop3A_549, %parallel_loop3A_553 : vector<32xbf16>
          %parallel_loop3A_555 = tpu.unpack_subelements %parallel_loop3A_554, 0 {pack_format = #tpu.pack_format<interleaved>} : vector<32xbf16> -> vector<16xf32>
          %parallel_loop3A_556 = tpu.unpack_subelements %parallel_loop3A_554, 1 {pack_format = #tpu.pack_format<interleaved>} : vector<32xbf16> -> vector<16xf32>
          %parallel_loop3A_557 = arith.addf %parallel_loop3A_522, %parallel_loop3A_523 : vector<16xf32>
          %parallel_loop3A_558 = arith.addf %parallel_loop3A_533, %parallel_loop3A_534 : vector<16xf32>
          %parallel_loop3A_559 = arith.addf %parallel_loop3A_544, %parallel_loop3A_545 : vector<16xf32>
          %parallel_loop3A_560 = arith.addf %parallel_loop3A_555, %parallel_loop3A_556 : vector<16xf32>
          %parallel_loop3A_561 = arith.addf %parallel_loop3A_557, %parallel_loop3A_558 : vector<16xf32>
          %parallel_loop3A_562 = arith.addf %parallel_loop3A_559, %parallel_loop3A_560 : vector<16xf32>
          %parallel_loop3A_563 = arith.addf %parallel_loop3A_561, %parallel_loop3A_562 : vector<16xf32>
          %parallel_loop3A_564 = arith.constant 16 : i32
          %parallel_loop3A_565 = arith.muli %parallel_loop3A_142, %parallel_loop3A_564 : i32
          %parallel_loop3A_566 = arith.constant 16 : i32
          %parallel_loop3A_567 = arith.muli %parallel_loop3A_565, %parallel_loop3A_566 : i32
          %parallel_loop3A_568 = arith.constant 96 : i32
          %parallel_loop3A_569 = arith.addi %parallel_loop3A_567, %parallel_loop3A_568 : i32
          %parallel_loop3A_570 = arith.index_cast %parallel_loop3A_569 : i32 to index
          %parallel_loop3A_571 = tpu.vector_load %arg14[%parallel_loop3A_570] {strides = array<i32>} : memref<6400xf32, #tpu.memory_space<vmem>>, vector<16xf32>,
          tpu.vector_store %arg14[%parallel_loop3A_570], %parallel_loop3A_563 {strides = array<i32>} : memref<6400xf32, #tpu.memory_space<vmem>>, vector<16xf32>,
          %parallel_loop3A_572 = arith.constant 7 : i32
          %parallel_loop3A_573 = arith.addi %parallel_loop3A_144, %parallel_loop3A_572 : i32
          %parallel_loop3A_574 = arith.index_cast %parallel_loop3A_573 : i32 to index
          %parallel_loop3A_575 = arith.constant 0 : index
          %parallel_loop3A_576 = tpu.vector_load %arg10[%parallel_loop3A_574, %parallel_loop3A_575] {strides = array<i32>} : memref<400x64xi32, #tpu.memory_space<vmem>>, vector<16xi32>,
          %parallel_loop3A_577 = vector.bitcast %parallel_loop3A_576 : vector<16xi32> to vector<32xbf16>
          %parallel_loop3A_578 = arith.index_cast %parallel_loop3A_573 : i32 to index
          %parallel_loop3A_579 = arith.constant 0 : index
          %parallel_loop3A_580 = tpu.vector_load %arg12[%parallel_loop3A_578, %parallel_loop3A_579] {strides = array<i32>} : memref<400x64xi32, #tpu.memory_space<vmem>>, vector<16xi32>,
          %parallel_loop3A_581 = vector.bitcast %parallel_loop3A_580 : vector<16xi32> to vector<32xbf16>
          %parallel_loop3A_582 = arith.mulf %parallel_loop3A_577, %parallel_loop3A_581 : vector<32xbf16>
          %parallel_loop3A_583 = tpu.unpack_subelements %parallel_loop3A_582, 0 {pack_format = #tpu.pack_format<interleaved>} : vector<32xbf16> -> vector<16xf32>
          %parallel_loop3A_584 = tpu.unpack_subelements %parallel_loop3A_582, 1 {pack_format = #tpu.pack_format<interleaved>} : vector<32xbf16> -> vector<16xf32>
          %parallel_loop3A_585 = arith.index_cast %parallel_loop3A_573 : i32 to index
          %parallel_loop3A_586 = arith.constant 16 : index
          %parallel_loop3A_587 = tpu.vector_load %arg10[%parallel_loop3A_585, %parallel_loop3A_586] {strides = array<i32>} : memref<400x64xi32, #tpu.memory_space<vmem>>, vector<16xi32>,
          %parallel_loop3A_588 = vector.bitcast %parallel_loop3A_587 : vector<16xi32> to vector<32xbf16>
          %parallel_loop3A_589 = arith.index_cast %parallel_loop3A_573 : i32 to index
          %parallel_loop3A_590 = arith.constant 16 : index
          %parallel_loop3A_591 = tpu.vector_load %arg12[%parallel_loop3A_589, %parallel_loop3A_590] {strides = array<i32>} : memref<400x64xi32, #tpu.memory_space<vmem>>, vector<16xi32>,
          %parallel_loop3A_592 = vector.bitcast %parallel_loop3A_591 : vector<16xi32> to vector<32xbf16>
          %parallel_loop3A_593 = arith.mulf %parallel_loop3A_588, %parallel_loop3A_592 : vector<32xbf16>
          %parallel_loop3A_594 = tpu.unpack_subelements %parallel_loop3A_593, 0 {pack_format = #tpu.pack_format<interleaved>} : vector<32xbf16> -> vector<16xf32>
          %parallel_loop3A_595 = tpu.unpack_subelements %parallel_loop3A_593, 1 {pack_format = #tpu.pack_format<interleaved>} : vector<32xbf16> -> vector<16xf32>
          %parallel_loop3A_596 = arith.index_cast %parallel_loop3A_573 : i32 to index
          %parallel_loop3A_597 = arith.constant 32 : index
          %parallel_loop3A_598 = tpu.vector_load %arg10[%parallel_loop3A_596, %parallel_loop3A_597] {strides = array<i32>} : memref<400x64xi32, #tpu.memory_space<vmem>>, vector<16xi32>,
          %parallel_loop3A_599 = vector.bitcast %parallel_loop3A_598 : vector<16xi32> to vector<32xbf16>
          %parallel_loop3A_600 = arith.index_cast %parallel_loop3A_573 : i32 to index
          %parallel_loop3A_601 = arith.constant 32 : index
          %parallel_loop3A_602 = tpu.vector_load %arg12[%parallel_loop3A_600, %parallel_loop3A_601] {strides = array<i32>} : memref<400x64xi32, #tpu.memory_space<vmem>>, vector<16xi32>,
          %parallel_loop3A_603 = vector.bitcast %parallel_loop3A_602 : vector<16xi32> to vector<32xbf16>
          %parallel_loop3A_604 = arith.mulf %parallel_loop3A_599, %parallel_loop3A_603 : vector<32xbf16>
          %parallel_loop3A_605 = tpu.unpack_subelements %parallel_loop3A_604, 0 {pack_format = #tpu.pack_format<interleaved>} : vector<32xbf16> -> vector<16xf32>
          %parallel_loop3A_606 = tpu.unpack_subelements %parallel_loop3A_604, 1 {pack_format = #tpu.pack_format<interleaved>} : vector<32xbf16> -> vector<16xf32>
          %parallel_loop3A_607 = arith.index_cast %parallel_loop3A_573 : i32 to index
          %parallel_loop3A_608 = arith.constant 48 : index
          %parallel_loop3A_609 = tpu.vector_load %arg10[%parallel_loop3A_607, %parallel_loop3A_608] {strides = array<i32>} : memref<400x64xi32, #tpu.memory_space<vmem>>, vector<16xi32>,
          %parallel_loop3A_610 = vector.bitcast %parallel_loop3A_609 : vector<16xi32> to vector<32xbf16>
          %parallel_loop3A_611 = arith.index_cast %parallel_loop3A_573 : i32 to index
          %parallel_loop3A_612 = arith.constant 48 : index
          %parallel_loop3A_613 = tpu.vector_load %arg12[%parallel_loop3A_611, %parallel_loop3A_612] {strides = array<i32>} : memref<400x64xi32, #tpu.memory_space<vmem>>, vector<16xi32>,
          %parallel_loop3A_614 = vector.bitcast %parallel_loop3A_613 : vector<16xi32> to vector<32xbf16>
          %parallel_loop3A_615 = arith.mulf %parallel_loop3A_610, %parallel_loop3A_614 : vector<32xbf16>
          %parallel_loop3A_616 = tpu.unpack_subelements %parallel_loop3A_615, 0 {pack_format = #tpu.pack_format<interleaved>} : vector<32xbf16> -> vector<16xf32>
          %parallel_loop3A_617 = tpu.unpack_subelements %parallel_loop3A_615, 1 {pack_format = #tpu.pack_format<interleaved>} : vector<32xbf16> -> vector<16xf32>
          %parallel_loop3A_618 = arith.addf %parallel_loop3A_583, %parallel_loop3A_584 : vector<16xf32>
          %parallel_loop3A_619 = arith.addf %parallel_loop3A_594, %parallel_loop3A_595 : vector<16xf32>
          %parallel_loop3A_620 = arith.addf %parallel_loop3A_605, %parallel_loop3A_606 : vector<16xf32>
          %parallel_loop3A_621 = arith.addf %parallel_loop3A_616, %parallel_loop3A_617 : vector<16xf32>
          %parallel_loop3A_622 = arith.addf %parallel_loop3A_618, %parallel_loop3A_619 : vector<16xf32>
          %parallel_loop3A_623 = arith.addf %parallel_loop3A_620, %parallel_loop3A_621 : vector<16xf32>
          %parallel_loop3A_624 = arith.addf %parallel_loop3A_622, %parallel_loop3A_623 : vector<16xf32>
          %parallel_loop3A_625 = arith.constant 16 : i32
          %parallel_loop3A_626 = arith.muli %parallel_loop3A_142, %parallel_loop3A_625 : i32
          %parallel_loop3A_627 = arith.constant 16 : i32
          %parallel_loop3A_628 = arith.muli %parallel_loop3A_626, %parallel_loop3A_627 : i32
          %parallel_loop3A_629 = arith.constant 112 : i32
          %parallel_loop3A_630 = arith.addi %parallel_loop3A_628, %parallel_loop3A_629 : i32
          %parallel_loop3A_631 = arith.index_cast %parallel_loop3A_630 : i32 to index
          %parallel_loop3A_632 = tpu.vector_load %arg14[%parallel_loop3A_631] {strides = array<i32>} : memref<6400xf32, #tpu.memory_space<vmem>>, vector<16xf32>,
          tpu.vector_store %arg14[%parallel_loop3A_631], %parallel_loop3A_624 {strides = array<i32>} : memref<6400xf32, #tpu.memory_space<vmem>>, vector<16xf32>,
          %parallel_loop3A_633 = arith.constant 8 : i32
          %parallel_loop3A_634 = arith.addi %parallel_loop3A_144, %parallel_loop3A_633 : i32
          %parallel_loop3A_635 = arith.index_cast %parallel_loop3A_634 : i32 to index
          %parallel_loop3A_636 = arith.constant 0 : index
          %parallel_loop3A_637 = tpu.vector_load %arg10[%parallel_loop3A_635, %parallel_loop3A_636] {strides = array<i32>} : memref<400x64xi32, #tpu.memory_space<vmem>>, vector<16xi32>,
          %parallel_loop3A_638 = vector.bitcast %parallel_loop3A_637 : vector<16xi32> to vector<32xbf16>
          %parallel_loop3A_639 = arith.index_cast %parallel_loop3A_634 : i32 to index
          %parallel_loop3A_640 = arith.constant 0 : index
          %parallel_loop3A_641 = tpu.vector_load %arg12[%parallel_loop3A_639, %parallel_loop3A_640] {strides = array<i32>} : memref<400x64xi32, #tpu.memory_space<vmem>>, vector<16xi32>,
          %parallel_loop3A_642 = vector.bitcast %parallel_loop3A_641 : vector<16xi32> to vector<32xbf16>
          %parallel_loop3A_643 = arith.mulf %parallel_loop3A_638, %parallel_loop3A_642 : vector<32xbf16>
          %parallel_loop3A_644 = tpu.unpack_subelements %parallel_loop3A_643, 0 {pack_format = #tpu.pack_format<interleaved>} : vector<32xbf16> -> vector<16xf32>
          %parallel_loop3A_645 = tpu.unpack_subelements %parallel_loop3A_643, 1 {pack_format = #tpu.pack_format<interleaved>} : vector<32xbf16> -> vector<16xf32>
          %parallel_loop3A_646 = arith.index_cast %parallel_loop3A_634 : i32 to index
          %parallel_loop3A_647 = arith.constant 16 : index
          %parallel_loop3A_648 = tpu.vector_load %arg10[%parallel_loop3A_646, %parallel_loop3A_647] {strides = array<i32>} : memref<400x64xi32, #tpu.memory_space<vmem>>, vector<16xi32>,
          %parallel_loop3A_649 = vector.bitcast %parallel_loop3A_648 : vector<16xi32> to vector<32xbf16>
          %parallel_loop3A_650 = arith.index_cast %parallel_loop3A_634 : i32 to index
          %parallel_loop3A_651 = arith.constant 16 : index
          %parallel_loop3A_652 = tpu.vector_load %arg12[%parallel_loop3A_650, %parallel_loop3A_651] {strides = array<i32>} : memref<400x64xi32, #tpu.memory_space<vmem>>, vector<16xi32>,
          %parallel_loop3A_653 = vector.bitcast %parallel_loop3A_652 : vector<16xi32> to vector<32xbf16>
          %parallel_loop3A_654 = arith.mulf %parallel_loop3A_649, %parallel_loop3A_653 : vector<32xbf16>
          %parallel_loop3A_655 = tpu.unpack_subelements %parallel_loop3A_654, 0 {pack_format = #tpu.pack_format<interleaved>} : vector<32xbf16> -> vector<16xf32>
          %parallel_loop3A_656 = tpu.unpack_subelements %parallel_loop3A_654, 1 {pack_format = #tpu.pack_format<interleaved>} : vector<32xbf16> -> vector<16xf32>
          %parallel_loop3A_657 = arith.index_cast %parallel_loop3A_634 : i32 to index
          %parallel_loop3A_658 = arith.constant 32 : index
          %parallel_loop3A_659 = tpu.vector_load %arg10[%parallel_loop3A_657, %parallel_loop3A_658] {strides = array<i32>} : memref<400x64xi32, #tpu.memory_space<vmem>>, vector<16xi32>,
          %parallel_loop3A_660 = vector.bitcast %parallel_loop3A_659 : vector<16xi32> to vector<32xbf16>
          %parallel_loop3A_661 = arith.index_cast %parallel_loop3A_634 : i32 to index
          %parallel_loop3A_662 = arith.constant 32 : index
          %parallel_loop3A_663 = tpu.vector_load %arg12[%parallel_loop3A_661, %parallel_loop3A_662] {strides = array<i32>} : memref<400x64xi32, #tpu.memory_space<vmem>>, vector<16xi32>,
          %parallel_loop3A_664 = vector.bitcast %parallel_loop3A_663 : vector<16xi32> to vector<32xbf16>
          %parallel_loop3A_665 = arith.mulf %parallel_loop3A_660, %parallel_loop3A_664 : vector<32xbf16>
          %parallel_loop3A_666 = tpu.unpack_subelements %parallel_loop3A_665, 0 {pack_format = #tpu.pack_format<interleaved>} : vector<32xbf16> -> vector<16xf32>
          %parallel_loop3A_667 = tpu.unpack_subelements %parallel_loop3A_665, 1 {pack_format = #tpu.pack_format<interleaved>} : vector<32xbf16> -> vector<16xf32>
          %parallel_loop3A_668 = arith.index_cast %parallel_loop3A_634 : i32 to index
          %parallel_loop3A_669 = arith.constant 48 : index
          %parallel_loop3A_670 = tpu.vector_load %arg10[%parallel_loop3A_668, %parallel_loop3A_669] {strides = array<i32>} : memref<400x64xi32, #tpu.memory_space<vmem>>, vector<16xi32>,
          %parallel_loop3A_671 = vector.bitcast %parallel_loop3A_670 : vector<16xi32> to vector<32xbf16>
          %parallel_loop3A_672 = arith.index_cast %parallel_loop3A_634 : i32 to index
          %parallel_loop3A_673 = arith.constant 48 : index
          %parallel_loop3A_674 = tpu.vector_load %arg12[%parallel_loop3A_672, %parallel_loop3A_673] {strides = array<i32>} : memref<400x64xi32, #tpu.memory_space<vmem>>, vector<16xi32>,
          %parallel_loop3A_675 = vector.bitcast %parallel_loop3A_674 : vector<16xi32> to vector<32xbf16>
          %parallel_loop3A_676 = arith.mulf %parallel_loop3A_671, %parallel_loop3A_675 : vector<32xbf16>
          %parallel_loop3A_677 = tpu.unpack_subelements %parallel_loop3A_676, 0 {pack_format = #tpu.pack_format<interleaved>} : vector<32xbf16> -> vector<16xf32>
          %parallel_loop3A_678 = tpu.unpack_subelements %parallel_loop3A_676, 1 {pack_format = #tpu.pack_format<interleaved>} : vector<32xbf16> -> vector<16xf32>
          %parallel_loop3A_679 = arith.addf %parallel_loop3A_644, %parallel_loop3A_645 : vector<16xf32>
          %parallel_loop3A_680 = arith.addf %parallel_loop3A_655, %parallel_loop3A_656 : vector<16xf32>
          %parallel_loop3A_681 = arith.addf %parallel_loop3A_666, %parallel_loop3A_667 : vector<16xf32>
          %parallel_loop3A_682 = arith.addf %parallel_loop3A_677, %parallel_loop3A_678 : vector<16xf32>
          %parallel_loop3A_683 = arith.addf %parallel_loop3A_679, %parallel_loop3A_680 : vector<16xf32>
          %parallel_loop3A_684 = arith.addf %parallel_loop3A_681, %parallel_loop3A_682 : vector<16xf32>
          %parallel_loop3A_685 = arith.addf %parallel_loop3A_683, %parallel_loop3A_684 : vector<16xf32>
          %parallel_loop3A_686 = arith.constant 16 : i32
          %parallel_loop3A_687 = arith.muli %parallel_loop3A_142, %parallel_loop3A_686 : i32
          %parallel_loop3A_688 = arith.constant 16 : i32
          %parallel_loop3A_689 = arith.muli %parallel_loop3A_687, %parallel_loop3A_688 : i32
          %parallel_loop3A_690 = arith.constant 128 : i32
          %parallel_loop3A_691 = arith.addi %parallel_loop3A_689, %parallel_loop3A_690 : i32
          %parallel_loop3A_692 = arith.index_cast %parallel_loop3A_691 : i32 to index
          %parallel_loop3A_693 = tpu.vector_load %arg14[%parallel_loop3A_692] {strides = array<i32>} : memref<6400xf32, #tpu.memory_space<vmem>>, vector<16xf32>,
          tpu.vector_store %arg14[%parallel_loop3A_692], %parallel_loop3A_685 {strides = array<i32>} : memref<6400xf32, #tpu.memory_space<vmem>>, vector<16xf32>,
          %parallel_loop3A_694 = arith.constant 9 : i32
          %parallel_loop3A_695 = arith.addi %parallel_loop3A_144, %parallel_loop3A_694 : i32
          %parallel_loop3A_696 = arith.index_cast %parallel_loop3A_695 : i32 to index
          %parallel_loop3A_697 = arith.constant 0 : index
          %parallel_loop3A_698 = tpu.vector_load %arg10[%parallel_loop3A_696, %parallel_loop3A_697] {strides = array<i32>} : memref<400x64xi32, #tpu.memory_space<vmem>>, vector<16xi32>,
          %parallel_loop3A_699 = vector.bitcast %parallel_loop3A_698 : vector<16xi32> to vector<32xbf16>
          %parallel_loop3A_700 = arith.index_cast %parallel_loop3A_695 : i32 to index
          %parallel_loop3A_701 = arith.constant 0 : index
          %parallel_loop3A_702 = tpu.vector_load %arg12[%parallel_loop3A_700, %parallel_loop3A_701] {strides = array<i32>} : memref<400x64xi32, #tpu.memory_space<vmem>>, vector<16xi32>,
          %parallel_loop3A_703 = vector.bitcast %parallel_loop3A_702 : vector<16xi32> to vector<32xbf16>
          %parallel_loop3A_704 = arith.mulf %parallel_loop3A_699, %parallel_loop3A_703 : vector<32xbf16>
          %parallel_loop3A_705 = tpu.unpack_subelements %parallel_loop3A_704, 0 {pack_format = #tpu.pack_format<interleaved>} : vector<32xbf16> -> vector<16xf32>
          %parallel_loop3A_706 = tpu.unpack_subelements %parallel_loop3A_704, 1 {pack_format = #tpu.pack_format<interleaved>} : vector<32xbf16> -> vector<16xf32>
          %parallel_loop3A_707 = arith.index_cast %parallel_loop3A_695 : i32 to index
          %parallel_loop3A_708 = arith.constant 16 : index
          %parallel_loop3A_709 = tpu.vector_load %arg10[%parallel_loop3A_707, %parallel_loop3A_708] {strides = array<i32>} : memref<400x64xi32, #tpu.memory_space<vmem>>, vector<16xi32>,
          %parallel_loop3A_710 = vector.bitcast %parallel_loop3A_709 : vector<16xi32> to vector<32xbf16>
          %parallel_loop3A_711 = arith.index_cast %parallel_loop3A_695 : i32 to index
          %parallel_loop3A_712 = arith.constant 16 : index
          %parallel_loop3A_713 = tpu.vector_load %arg12[%parallel_loop3A_711, %parallel_loop3A_712] {strides = array<i32>} : memref<400x64xi32, #tpu.memory_space<vmem>>, vector<16xi32>,
          %parallel_loop3A_714 = vector.bitcast %parallel_loop3A_713 : vector<16xi32> to vector<32xbf16>
          %parallel_loop3A_715 = arith.mulf %parallel_loop3A_710, %parallel_loop3A_714 : vector<32xbf16>
          %parallel_loop3A_716 = tpu.unpack_subelements %parallel_loop3A_715, 0 {pack_format = #tpu.pack_format<interleaved>} : vector<32xbf16> -> vector<16xf32>
          %parallel_loop3A_717 = tpu.unpack_subelements %parallel_loop3A_715, 1 {pack_format = #tpu.pack_format<interleaved>} : vector<32xbf16> -> vector<16xf32>
          %parallel_loop3A_718 = arith.index_cast %parallel_loop3A_695 : i32 to index
          %parallel_loop3A_719 = arith.constant 32 : index
          %parallel_loop3A_720 = tpu.vector_load %arg10[%parallel_loop3A_718, %parallel_loop3A_719] {strides = array<i32>} : memref<400x64xi32, #tpu.memory_space<vmem>>, vector<16xi32>,
          %parallel_loop3A_721 = vector.bitcast %parallel_loop3A_720 : vector<16xi32> to vector<32xbf16>
          %parallel_loop3A_722 = arith.index_cast %parallel_loop3A_695 : i32 to index
          %parallel_loop3A_723 = arith.constant 32 : index
          %parallel_loop3A_724 = tpu.vector_load %arg12[%parallel_loop3A_722, %parallel_loop3A_723] {strides = array<i32>} : memref<400x64xi32, #tpu.memory_space<vmem>>, vector<16xi32>,
          %parallel_loop3A_725 = vector.bitcast %parallel_loop3A_724 : vector<16xi32> to vector<32xbf16>
          %parallel_loop3A_726 = arith.mulf %parallel_loop3A_721, %parallel_loop3A_725 : vector<32xbf16>
          %parallel_loop3A_727 = tpu.unpack_subelements %parallel_loop3A_726, 0 {pack_format = #tpu.pack_format<interleaved>} : vector<32xbf16> -> vector<16xf32>
          %parallel_loop3A_728 = tpu.unpack_subelements %parallel_loop3A_726, 1 {pack_format = #tpu.pack_format<interleaved>} : vector<32xbf16> -> vector<16xf32>
          %parallel_loop3A_729 = arith.index_cast %parallel_loop3A_695 : i32 to index
          %parallel_loop3A_730 = arith.constant 48 : index
          %parallel_loop3A_731 = tpu.vector_load %arg10[%parallel_loop3A_729, %parallel_loop3A_730] {strides = array<i32>} : memref<400x64xi32, #tpu.memory_space<vmem>>, vector<16xi32>,
          %parallel_loop3A_732 = vector.bitcast %parallel_loop3A_731 : vector<16xi32> to vector<32xbf16>
          %parallel_loop3A_733 = arith.index_cast %parallel_loop3A_695 : i32 to index
          %parallel_loop3A_734 = arith.constant 48 : index
          %parallel_loop3A_735 = tpu.vector_load %arg12[%parallel_loop3A_733, %parallel_loop3A_734] {strides = array<i32>} : memref<400x64xi32, #tpu.memory_space<vmem>>, vector<16xi32>,
          %parallel_loop3A_736 = vector.bitcast %parallel_loop3A_735 : vector<16xi32> to vector<32xbf16>
          %parallel_loop3A_737 = arith.mulf %parallel_loop3A_732, %parallel_loop3A_736 : vector<32xbf16>
          %parallel_loop3A_738 = tpu.unpack_subelements %parallel_loop3A_737, 0 {pack_format = #tpu.pack_format<interleaved>} : vector<32xbf16> -> vector<16xf32>
          %parallel_loop3A_739 = tpu.unpack_subelements %parallel_loop3A_737, 1 {pack_format = #tpu.pack_format<interleaved>} : vector<32xbf16> -> vector<16xf32>
          %parallel_loop3A_740 = arith.addf %parallel_loop3A_705, %parallel_loop3A_706 : vector<16xf32>
          %parallel_loop3A_741 = arith.addf %parallel_loop3A_716, %parallel_loop3A_717 : vector<16xf32>
          %parallel_loop3A_742 = arith.addf %parallel_loop3A_727, %parallel_loop3A_728 : vector<16xf32>
          %parallel_loop3A_743 = arith.addf %parallel_loop3A_738, %parallel_loop3A_739 : vector<16xf32>
          %parallel_loop3A_744 = arith.addf %parallel_loop3A_740, %parallel_loop3A_741 : vector<16xf32>
          %parallel_loop3A_745 = arith.addf %parallel_loop3A_742, %parallel_loop3A_743 : vector<16xf32>
          %parallel_loop3A_746 = arith.addf %parallel_loop3A_744, %parallel_loop3A_745 : vector<16xf32>
          %parallel_loop3A_747 = arith.constant 16 : i32
          %parallel_loop3A_748 = arith.muli %parallel_loop3A_142, %parallel_loop3A_747 : i32
          %parallel_loop3A_749 = arith.constant 16 : i32
          %parallel_loop3A_750 = arith.muli %parallel_loop3A_748, %parallel_loop3A_749 : i32
          %parallel_loop3A_751 = arith.constant 144 : i32
          %parallel_loop3A_752 = arith.addi %parallel_loop3A_750, %parallel_loop3A_751 : i32
          %parallel_loop3A_753 = arith.index_cast %parallel_loop3A_752 : i32 to index
          %parallel_loop3A_754 = tpu.vector_load %arg14[%parallel_loop3A_753] {strides = array<i32>} : memref<6400xf32, #tpu.memory_space<vmem>>, vector<16xf32>,
          tpu.vector_store %arg14[%parallel_loop3A_753], %parallel_loop3A_746 {strides = array<i32>} : memref<6400xf32, #tpu.memory_space<vmem>>, vector<16xf32>,
          %parallel_loop3A_755 = arith.constant 10 : i32
          %parallel_loop3A_756 = arith.addi %parallel_loop3A_144, %parallel_loop3A_755 : i32
          %parallel_loop3A_757 = arith.index_cast %parallel_loop3A_756 : i32 to index
          %parallel_loop3A_758 = arith.constant 0 : index
          %parallel_loop3A_759 = tpu.vector_load %arg10[%parallel_loop3A_757, %parallel_loop3A_758] {strides = array<i32>} : memref<400x64xi32, #tpu.memory_space<vmem>>, vector<16xi32>,
          %parallel_loop3A_760 = vector.bitcast %parallel_loop3A_759 : vector<16xi32> to vector<32xbf16>
          %parallel_loop3A_761 = arith.index_cast %parallel_loop3A_756 : i32 to index
          %parallel_loop3A_762 = arith.constant 0 : index
          %parallel_loop3A_763 = tpu.vector_load %arg12[%parallel_loop3A_761, %parallel_loop3A_762] {strides = array<i32>} : memref<400x64xi32, #tpu.memory_space<vmem>>, vector<16xi32>,
          %parallel_loop3A_764 = vector.bitcast %parallel_loop3A_763 : vector<16xi32> to vector<32xbf16>
          %parallel_loop3A_765 = arith.mulf %parallel_loop3A_760, %parallel_loop3A_764 : vector<32xbf16>
          %parallel_loop3A_766 = tpu.unpack_subelements %parallel_loop3A_765, 0 {pack_format = #tpu.pack_format<interleaved>} : vector<32xbf16> -> vector<16xf32>
          %parallel_loop3A_767 = tpu.unpack_subelements %parallel_loop3A_765, 1 {pack_format = #tpu.pack_format<interleaved>} : vector<32xbf16> -> vector<16xf32>
          %parallel_loop3A_768 = arith.index_cast %parallel_loop3A_756 : i32 to index
          %parallel_loop3A_769 = arith.constant 16 : index
          %parallel_loop3A_770 = tpu.vector_load %arg10[%parallel_loop3A_768, %parallel_loop3A_769] {strides = array<i32>} : memref<400x64xi32, #tpu.memory_space<vmem>>, vector<16xi32>,
          %parallel_loop3A_771 = vector.bitcast %parallel_loop3A_770 : vector<16xi32> to vector<32xbf16>
          %parallel_loop3A_772 = arith.index_cast %parallel_loop3A_756 : i32 to index
          %parallel_loop3A_773 = arith.constant 16 : index
          %parallel_loop3A_774 = tpu.vector_load %arg12[%parallel_loop3A_772, %parallel_loop3A_773] {strides = array<i32>} : memref<400x64xi32, #tpu.memory_space<vmem>>, vector<16xi32>,
          %parallel_loop3A_775 = vector.bitcast %parallel_loop3A_774 : vector<16xi32> to vector<32xbf16>
          %parallel_loop3A_776 = arith.mulf %parallel_loop3A_771, %parallel_loop3A_775 : vector<32xbf16>
          %parallel_loop3A_777 = tpu.unpack_subelements %parallel_loop3A_776, 0 {pack_format = #tpu.pack_format<interleaved>} : vector<32xbf16> -> vector<16xf32>
          %parallel_loop3A_778 = tpu.unpack_subelements %parallel_loop3A_776, 1 {pack_format = #tpu.pack_format<interleaved>} : vector<32xbf16> -> vector<16xf32>
          %parallel_loop3A_779 = arith.index_cast %parallel_loop3A_756 : i32 to index
          %parallel_loop3A_780 = arith.constant 32 : index
          %parallel_loop3A_781 = tpu.vector_load %arg10[%parallel_loop3A_779, %parallel_loop3A_780] {strides = array<i32>} : memref<400x64xi32, #tpu.memory_space<vmem>>, vector<16xi32>,
          %parallel_loop3A_782 = vector.bitcast %parallel_loop3A_781 : vector<16xi32> to vector<32xbf16>
          %parallel_loop3A_783 = arith.index_cast %parallel_loop3A_756 : i32 to index
          %parallel_loop3A_784 = arith.constant 32 : index
          %parallel_loop3A_785 = tpu.vector_load %arg12[%parallel_loop3A_783, %parallel_loop3A_784] {strides = array<i32>} : memref<400x64xi32, #tpu.memory_space<vmem>>, vector<16xi32>,
          %parallel_loop3A_786 = vector.bitcast %parallel_loop3A_785 : vector<16xi32> to vector<32xbf16>
          %parallel_loop3A_787 = arith.mulf %parallel_loop3A_782, %parallel_loop3A_786 : vector<32xbf16>
          %parallel_loop3A_788 = tpu.unpack_subelements %parallel_loop3A_787, 0 {pack_format = #tpu.pack_format<interleaved>} : vector<32xbf16> -> vector<16xf32>
          %parallel_loop3A_789 = tpu.unpack_subelements %parallel_loop3A_787, 1 {pack_format = #tpu.pack_format<interleaved>} : vector<32xbf16> -> vector<16xf32>
          %parallel_loop3A_790 = arith.index_cast %parallel_loop3A_756 : i32 to index
          %parallel_loop3A_791 = arith.constant 48 : index
          %parallel_loop3A_792 = tpu.vector_load %arg10[%parallel_loop3A_790, %parallel_loop3A_791] {strides = array<i32>} : memref<400x64xi32, #tpu.memory_space<vmem>>, vector<16xi32>,
          %parallel_loop3A_793 = vector.bitcast %parallel_loop3A_792 : vector<16xi32> to vector<32xbf16>
          %parallel_loop3A_794 = arith.index_cast %parallel_loop3A_756 : i32 to index
          %parallel_loop3A_795 = arith.constant 48 : index
          %parallel_loop3A_796 = tpu.vector_load %arg12[%parallel_loop3A_794, %parallel_loop3A_795] {strides = array<i32>} : memref<400x64xi32, #tpu.memory_space<vmem>>, vector<16xi32>,
          %parallel_loop3A_797 = vector.bitcast %parallel_loop3A_796 : vector<16xi32> to vector<32xbf16>
          %parallel_loop3A_798 = arith.mulf %parallel_loop3A_793, %parallel_loop3A_797 : vector<32xbf16>
          %parallel_loop3A_799 = tpu.unpack_subelements %parallel_loop3A_798, 0 {pack_format = #tpu.pack_format<interleaved>} : vector<32xbf16> -> vector<16xf32>
          %parallel_loop3A_800 = tpu.unpack_subelements %parallel_loop3A_798, 1 {pack_format = #tpu.pack_format<interleaved>} : vector<32xbf16> -> vector<16xf32>
          %parallel_loop3A_801 = arith.addf %parallel_loop3A_766, %parallel_loop3A_767 : vector<16xf32>
          %parallel_loop3A_802 = arith.addf %parallel_loop3A_777, %parallel_loop3A_778 : vector<16xf32>
          %parallel_loop3A_803 = arith.addf %parallel_loop3A_788, %parallel_loop3A_789 : vector<16xf32>
          %parallel_loop3A_804 = arith.addf %parallel_loop3A_799, %parallel_loop3A_800 : vector<16xf32>
          %parallel_loop3A_805 = arith.addf %parallel_loop3A_801, %parallel_loop3A_802 : vector<16xf32>
          %parallel_loop3A_806 = arith.addf %parallel_loop3A_803, %parallel_loop3A_804 : vector<16xf32>
          %parallel_loop3A_807 = arith.addf %parallel_loop3A_805, %parallel_loop3A_806 : vector<16xf32>
          %parallel_loop3A_808 = arith.constant 16 : i32
          %parallel_loop3A_809 = arith.muli %parallel_loop3A_142, %parallel_loop3A_808 : i32
          %parallel_loop3A_810 = arith.constant 16 : i32
          %parallel_loop3A_811 = arith.muli %parallel_loop3A_809, %parallel_loop3A_810 : i32
          %parallel_loop3A_812 = arith.constant 160 : i32
          %parallel_loop3A_813 = arith.addi %parallel_loop3A_811, %parallel_loop3A_812 : i32
          %parallel_loop3A_814 = arith.index_cast %parallel_loop3A_813 : i32 to index
          %parallel_loop3A_815 = tpu.vector_load %arg14[%parallel_loop3A_814] {strides = array<i32>} : memref<6400xf32, #tpu.memory_space<vmem>>, vector<16xf32>,
          tpu.vector_store %arg14[%parallel_loop3A_814], %parallel_loop3A_807 {strides = array<i32>} : memref<6400xf32, #tpu.memory_space<vmem>>, vector<16xf32>,
          %parallel_loop3A_816 = arith.constant 11 : i32
          %parallel_loop3A_817 = arith.addi %parallel_loop3A_144, %parallel_loop3A_816 : i32
          %parallel_loop3A_818 = arith.index_cast %parallel_loop3A_817 : i32 to index
          %parallel_loop3A_819 = arith.constant 0 : index
          %parallel_loop3A_820 = tpu.vector_load %arg10[%parallel_loop3A_818, %parallel_loop3A_819] {strides = array<i32>} : memref<400x64xi32, #tpu.memory_space<vmem>>, vector<16xi32>,
          %parallel_loop3A_821 = vector.bitcast %parallel_loop3A_820 : vector<16xi32> to vector<32xbf16>
          %parallel_loop3A_822 = arith.index_cast %parallel_loop3A_817 : i32 to index
          %parallel_loop3A_823 = arith.constant 0 : index
          %parallel_loop3A_824 = tpu.vector_load %arg12[%parallel_loop3A_822, %parallel_loop3A_823] {strides = array<i32>} : memref<400x64xi32, #tpu.memory_space<vmem>>, vector<16xi32>,
          %parallel_loop3A_825 = vector.bitcast %parallel_loop3A_824 : vector<16xi32> to vector<32xbf16>
          %parallel_loop3A_826 = arith.mulf %parallel_loop3A_821, %parallel_loop3A_825 : vector<32xbf16>
          %parallel_loop3A_827 = tpu.unpack_subelements %parallel_loop3A_826, 0 {pack_format = #tpu.pack_format<interleaved>} : vector<32xbf16> -> vector<16xf32>
          %parallel_loop3A_828 = tpu.unpack_subelements %parallel_loop3A_826, 1 {pack_format = #tpu.pack_format<interleaved>} : vector<32xbf16> -> vector<16xf32>
          %parallel_loop3A_829 = arith.index_cast %parallel_loop3A_817 : i32 to index
          %parallel_loop3A_830 = arith.constant 16 : index
          %parallel_loop3A_831 = tpu.vector_load %arg10[%parallel_loop3A_829, %parallel_loop3A_830] {strides = array<i32>} : memref<400x64xi32, #tpu.memory_space<vmem>>, vector<16xi32>,
          %parallel_loop3A_832 = vector.bitcast %parallel_loop3A_831 : vector<16xi32> to vector<32xbf16>
          %parallel_loop3A_833 = arith.index_cast %parallel_loop3A_817 : i32 to index
          %parallel_loop3A_834 = arith.constant 16 : index
          %parallel_loop3A_835 = tpu.vector_load %arg12[%parallel_loop3A_833, %parallel_loop3A_834] {strides = array<i32>} : memref<400x64xi32, #tpu.memory_space<vmem>>, vector<16xi32>,
          %parallel_loop3A_836 = vector.bitcast %parallel_loop3A_835 : vector<16xi32> to vector<32xbf16>
          %parallel_loop3A_837 = arith.mulf %parallel_loop3A_832, %parallel_loop3A_836 : vector<32xbf16>
          %parallel_loop3A_838 = tpu.unpack_subelements %parallel_loop3A_837, 0 {pack_format = #tpu.pack_format<interleaved>} : vector<32xbf16> -> vector<16xf32>
          %parallel_loop3A_839 = tpu.unpack_subelements %parallel_loop3A_837, 1 {pack_format = #tpu.pack_format<interleaved>} : vector<32xbf16> -> vector<16xf32>
          %parallel_loop3A_840 = arith.index_cast %parallel_loop3A_817 : i32 to index
          %parallel_loop3A_841 = arith.constant 32 : index
          %parallel_loop3A_842 = tpu.vector_load %arg10[%parallel_loop3A_840, %parallel_loop3A_841] {strides = array<i32>} : memref<400x64xi32, #tpu.memory_space<vmem>>, vector<16xi32>,
          %parallel_loop3A_843 = vector.bitcast %parallel_loop3A_842 : vector<16xi32> to vector<32xbf16>
          %parallel_loop3A_844 = arith.index_cast %parallel_loop3A_817 : i32 to index
          %parallel_loop3A_845 = arith.constant 32 : index
          %parallel_loop3A_846 = tpu.vector_load %arg12[%parallel_loop3A_844, %parallel_loop3A_845] {strides = array<i32>} : memref<400x64xi32, #tpu.memory_space<vmem>>, vector<16xi32>,
          %parallel_loop3A_847 = vector.bitcast %parallel_loop3A_846 : vector<16xi32> to vector<32xbf16>
          %parallel_loop3A_848 = arith.mulf %parallel_loop3A_843, %parallel_loop3A_847 : vector<32xbf16>
          %parallel_loop3A_849 = tpu.unpack_subelements %parallel_loop3A_848, 0 {pack_format = #tpu.pack_format<interleaved>} : vector<32xbf16> -> vector<16xf32>
          %parallel_loop3A_850 = tpu.unpack_subelements %parallel_loop3A_848, 1 {pack_format = #tpu.pack_format<interleaved>} : vector<32xbf16> -> vector<16xf32>
          %parallel_loop3A_851 = arith.index_cast %parallel_loop3A_817 : i32 to index
          %parallel_loop3A_852 = arith.constant 48 : index
          %parallel_loop3A_853 = tpu.vector_load %arg10[%parallel_loop3A_851, %parallel_loop3A_852] {strides = array<i32>} : memref<400x64xi32, #tpu.memory_space<vmem>>, vector<16xi32>,
          %parallel_loop3A_854 = vector.bitcast %parallel_loop3A_853 : vector<16xi32> to vector<32xbf16>
          %parallel_loop3A_855 = arith.index_cast %parallel_loop3A_817 : i32 to index
          %parallel_loop3A_856 = arith.constant 48 : index
          %parallel_loop3A_857 = tpu.vector_load %arg12[%parallel_loop3A_855, %parallel_loop3A_856] {strides = array<i32>} : memref<400x64xi32, #tpu.memory_space<vmem>>, vector<16xi32>,
          %parallel_loop3A_858 = vector.bitcast %parallel_loop3A_857 : vector<16xi32> to vector<32xbf16>
          %parallel_loop3A_859 = arith.mulf %parallel_loop3A_854, %parallel_loop3A_858 : vector<32xbf16>
          %parallel_loop3A_860 = tpu.unpack_subelements %parallel_loop3A_859, 0 {pack_format = #tpu.pack_format<interleaved>} : vector<32xbf16> -> vector<16xf32>
          %parallel_loop3A_861 = tpu.unpack_subelements %parallel_loop3A_859, 1 {pack_format = #tpu.pack_format<interleaved>} : vector<32xbf16> -> vector<16xf32>
          %parallel_loop3A_862 = arith.addf %parallel_loop3A_827, %parallel_loop3A_828 : vector<16xf32>
          %parallel_loop3A_863 = arith.addf %parallel_loop3A_838, %parallel_loop3A_839 : vector<16xf32>
          %parallel_loop3A_864 = arith.addf %parallel_loop3A_849, %parallel_loop3A_850 : vector<16xf32>
          %parallel_loop3A_865 = arith.addf %parallel_loop3A_860, %parallel_loop3A_861 : vector<16xf32>
          %parallel_loop3A_866 = arith.addf %parallel_loop3A_862, %parallel_loop3A_863 : vector<16xf32>
          %parallel_loop3A_867 = arith.addf %parallel_loop3A_864, %parallel_loop3A_865 : vector<16xf32>
          %parallel_loop3A_868 = arith.addf %parallel_loop3A_866, %parallel_loop3A_867 : vector<16xf32>
          %parallel_loop3A_869 = arith.constant 16 : i32
          %parallel_loop3A_870 = arith.muli %parallel_loop3A_142, %parallel_loop3A_869 : i32
          %parallel_loop3A_871 = arith.constant 16 : i32
          %parallel_loop3A_872 = arith.muli %parallel_loop3A_870, %parallel_loop3A_871 : i32
          %parallel_loop3A_873 = arith.constant 176 : i32
          %parallel_loop3A_874 = arith.addi %parallel_loop3A_872, %parallel_loop3A_873 : i32
          %parallel_loop3A_875 = arith.index_cast %parallel_loop3A_874 : i32 to index
          %parallel_loop3A_876 = tpu.vector_load %arg14[%parallel_loop3A_875] {strides = array<i32>} : memref<6400xf32, #tpu.memory_space<vmem>>, vector<16xf32>,
          tpu.vector_store %arg14[%parallel_loop3A_875], %parallel_loop3A_868 {strides = array<i32>} : memref<6400xf32, #tpu.memory_space<vmem>>, vector<16xf32>,
          %parallel_loop3A_877 = arith.constant 12 : i32
          %parallel_loop3A_878 = arith.addi %parallel_loop3A_144, %parallel_loop3A_877 : i32
          %parallel_loop3A_879 = arith.index_cast %parallel_loop3A_878 : i32 to index
          %parallel_loop3A_880 = arith.constant 0 : index
          %parallel_loop3A_881 = tpu.vector_load %arg10[%parallel_loop3A_879, %parallel_loop3A_880] {strides = array<i32>} : memref<400x64xi32, #tpu.memory_space<vmem>>, vector<16xi32>,
          %parallel_loop3A_882 = vector.bitcast %parallel_loop3A_881 : vector<16xi32> to vector<32xbf16>
          %parallel_loop3A_883 = arith.index_cast %parallel_loop3A_878 : i32 to index
          %parallel_loop3A_884 = arith.constant 0 : index
          %parallel_loop3A_885 = tpu.vector_load %arg12[%parallel_loop3A_883, %parallel_loop3A_884] {strides = array<i32>} : memref<400x64xi32, #tpu.memory_space<vmem>>, vector<16xi32>,
          %parallel_loop3A_886 = vector.bitcast %parallel_loop3A_885 : vector<16xi32> to vector<32xbf16>
          %parallel_loop3A_887 = arith.mulf %parallel_loop3A_882, %parallel_loop3A_886 : vector<32xbf16>
          %parallel_loop3A_888 = tpu.unpack_subelements %parallel_loop3A_887, 0 {pack_format = #tpu.pack_format<interleaved>} : vector<32xbf16> -> vector<16xf32>
          %parallel_loop3A_889 = tpu.unpack_subelements %parallel_loop3A_887, 1 {pack_format = #tpu.pack_format<interleaved>} : vector<32xbf16> -> vector<16xf32>
          %parallel_loop3A_890 = arith.index_cast %parallel_loop3A_878 : i32 to index
          %parallel_loop3A_891 = arith.constant 16 : index
          %parallel_loop3A_892 = tpu.vector_load %arg10[%parallel_loop3A_890, %parallel_loop3A_891] {strides = array<i32>} : memref<400x64xi32, #tpu.memory_space<vmem>>, vector<16xi32>,
          %parallel_loop3A_893 = vector.bitcast %parallel_loop3A_892 : vector<16xi32> to vector<32xbf16>
          %parallel_loop3A_894 = arith.index_cast %parallel_loop3A_878 : i32 to index
          %parallel_loop3A_895 = arith.constant 16 : index
          %parallel_loop3A_896 = tpu.vector_load %arg12[%parallel_loop3A_894, %parallel_loop3A_895] {strides = array<i32>} : memref<400x64xi32, #tpu.memory_space<vmem>>, vector<16xi32>,
          %parallel_loop3A_897 = vector.bitcast %parallel_loop3A_896 : vector<16xi32> to vector<32xbf16>
          %parallel_loop3A_898 = arith.mulf %parallel_loop3A_893, %parallel_loop3A_897 : vector<32xbf16>
          %parallel_loop3A_899 = tpu.unpack_subelements %parallel_loop3A_898, 0 {pack_format = #tpu.pack_format<interleaved>} : vector<32xbf16> -> vector<16xf32>
          %parallel_loop3A_900 = tpu.unpack_subelements %parallel_loop3A_898, 1 {pack_format = #tpu.pack_format<interleaved>} : vector<32xbf16> -> vector<16xf32>
          %parallel_loop3A_901 = arith.index_cast %parallel_loop3A_878 : i32 to index
          %parallel_loop3A_902 = arith.constant 32 : index
          %parallel_loop3A_903 = tpu.vector_load %arg10[%parallel_loop3A_901, %parallel_loop3A_902] {strides = array<i32>} : memref<400x64xi32, #tpu.memory_space<vmem>>, vector<16xi32>,
          %parallel_loop3A_904 = vector.bitcast %parallel_loop3A_903 : vector<16xi32> to vector<32xbf16>
          %parallel_loop3A_905 = arith.index_cast %parallel_loop3A_878 : i32 to index
          %parallel_loop3A_906 = arith.constant 32 : index
          %parallel_loop3A_907 = tpu.vector_load %arg12[%parallel_loop3A_905, %parallel_loop3A_906] {strides = array<i32>} : memref<400x64xi32, #tpu.memory_space<vmem>>, vector<16xi32>,
          %parallel_loop3A_908 = vector.bitcast %parallel_loop3A_907 : vector<16xi32> to vector<32xbf16>
          %parallel_loop3A_909 = arith.mulf %parallel_loop3A_904, %parallel_loop3A_908 : vector<32xbf16>
          %parallel_loop3A_910 = tpu.unpack_subelements %parallel_loop3A_909, 0 {pack_format = #tpu.pack_format<interleaved>} : vector<32xbf16> -> vector<16xf32>
          %parallel_loop3A_911 = tpu.unpack_subelements %parallel_loop3A_909, 1 {pack_format = #tpu.pack_format<interleaved>} : vector<32xbf16> -> vector<16xf32>
          %parallel_loop3A_912 = arith.index_cast %parallel_loop3A_878 : i32 to index
          %parallel_loop3A_913 = arith.constant 48 : index
          %parallel_loop3A_914 = tpu.vector_load %arg10[%parallel_loop3A_912, %parallel_loop3A_913] {strides = array<i32>} : memref<400x64xi32, #tpu.memory_space<vmem>>, vector<16xi32>,
          %parallel_loop3A_915 = vector.bitcast %parallel_loop3A_914 : vector<16xi32> to vector<32xbf16>
          %parallel_loop3A_916 = arith.index_cast %parallel_loop3A_878 : i32 to index
          %parallel_loop3A_917 = arith.constant 48 : index
          %parallel_loop3A_918 = tpu.vector_load %arg12[%parallel_loop3A_916, %parallel_loop3A_917] {strides = array<i32>} : memref<400x64xi32, #tpu.memory_space<vmem>>, vector<16xi32>,
          %parallel_loop3A_919 = vector.bitcast %parallel_loop3A_918 : vector<16xi32> to vector<32xbf16>
          %parallel_loop3A_920 = arith.mulf %parallel_loop3A_915, %parallel_loop3A_919 : vector<32xbf16>
          %parallel_loop3A_921 = tpu.unpack_subelements %parallel_loop3A_920, 0 {pack_format = #tpu.pack_format<interleaved>} : vector<32xbf16> -> vector<16xf32>
          %parallel_loop3A_922 = tpu.unpack_subelements %parallel_loop3A_920, 1 {pack_format = #tpu.pack_format<interleaved>} : vector<32xbf16> -> vector<16xf32>
          %parallel_loop3A_923 = arith.addf %parallel_loop3A_888, %parallel_loop3A_889 : vector<16xf32>
          %parallel_loop3A_924 = arith.addf %parallel_loop3A_899, %parallel_loop3A_900 : vector<16xf32>
          %parallel_loop3A_925 = arith.addf %parallel_loop3A_910, %parallel_loop3A_911 : vector<16xf32>
          %parallel_loop3A_926 = arith.addf %parallel_loop3A_921, %parallel_loop3A_922 : vector<16xf32>
          %parallel_loop3A_927 = arith.addf %parallel_loop3A_923, %parallel_loop3A_924 : vector<16xf32>
          %parallel_loop3A_928 = arith.addf %parallel_loop3A_925, %parallel_loop3A_926 : vector<16xf32>
          %parallel_loop3A_929 = arith.addf %parallel_loop3A_927, %parallel_loop3A_928 : vector<16xf32>
          %parallel_loop3A_930 = arith.constant 16 : i32
          %parallel_loop3A_931 = arith.muli %parallel_loop3A_142, %parallel_loop3A_930 : i32
          %parallel_loop3A_932 = arith.constant 16 : i32
          %parallel_loop3A_933 = arith.muli %parallel_loop3A_931, %parallel_loop3A_932 : i32
          %parallel_loop3A_934 = arith.constant 192 : i32
          %parallel_loop3A_935 = arith.addi %parallel_loop3A_933, %parallel_loop3A_934 : i32
          %parallel_loop3A_936 = arith.index_cast %parallel_loop3A_935 : i32 to index
          %parallel_loop3A_937 = tpu.vector_load %arg14[%parallel_loop3A_936] {strides = array<i32>} : memref<6400xf32, #tpu.memory_space<vmem>>, vector<16xf32>,
          tpu.vector_store %arg14[%parallel_loop3A_936], %parallel_loop3A_929 {strides = array<i32>} : memref<6400xf32, #tpu.memory_space<vmem>>, vector<16xf32>,
          %parallel_loop3A_938 = arith.constant 13 : i32
          %parallel_loop3A_939 = arith.addi %parallel_loop3A_144, %parallel_loop3A_938 : i32
          %parallel_loop3A_940 = arith.index_cast %parallel_loop3A_939 : i32 to index
          %parallel_loop3A_941 = arith.constant 0 : index
          %parallel_loop3A_942 = tpu.vector_load %arg10[%parallel_loop3A_940, %parallel_loop3A_941] {strides = array<i32>} : memref<400x64xi32, #tpu.memory_space<vmem>>, vector<16xi32>,
          %parallel_loop3A_943 = vector.bitcast %parallel_loop3A_942 : vector<16xi32> to vector<32xbf16>
          %parallel_loop3A_944 = arith.index_cast %parallel_loop3A_939 : i32 to index
          %parallel_loop3A_945 = arith.constant 0 : index
          %parallel_loop3A_946 = tpu.vector_load %arg12[%parallel_loop3A_944, %parallel_loop3A_945] {strides = array<i32>} : memref<400x64xi32, #tpu.memory_space<vmem>>, vector<16xi32>,
          %parallel_loop3A_947 = vector.bitcast %parallel_loop3A_946 : vector<16xi32> to vector<32xbf16>
          %parallel_loop3A_948 = arith.mulf %parallel_loop3A_943, %parallel_loop3A_947 : vector<32xbf16>
          %parallel_loop3A_949 = tpu.unpack_subelements %parallel_loop3A_948, 0 {pack_format = #tpu.pack_format<interleaved>} : vector<32xbf16> -> vector<16xf32>
          %parallel_loop3A_950 = tpu.unpack_subelements %parallel_loop3A_948, 1 {pack_format = #tpu.pack_format<interleaved>} : vector<32xbf16> -> vector<16xf32>
          %parallel_loop3A_951 = arith.index_cast %parallel_loop3A_939 : i32 to index
          %parallel_loop3A_952 = arith.constant 16 : index
          %parallel_loop3A_953 = tpu.vector_load %arg10[%parallel_loop3A_951, %parallel_loop3A_952] {strides = array<i32>} : memref<400x64xi32, #tpu.memory_space<vmem>>, vector<16xi32>,
          %parallel_loop3A_954 = vector.bitcast %parallel_loop3A_953 : vector<16xi32> to vector<32xbf16>
          %parallel_loop3A_955 = arith.index_cast %parallel_loop3A_939 : i32 to index
          %parallel_loop3A_956 = arith.constant 16 : index
          %parallel_loop3A_957 = tpu.vector_load %arg12[%parallel_loop3A_955, %parallel_loop3A_956] {strides = array<i32>} : memref<400x64xi32, #tpu.memory_space<vmem>>, vector<16xi32>,
          %parallel_loop3A_958 = vector.bitcast %parallel_loop3A_957 : vector<16xi32> to vector<32xbf16>
          %parallel_loop3A_959 = arith.mulf %parallel_loop3A_954, %parallel_loop3A_958 : vector<32xbf16>
          %parallel_loop3A_960 = tpu.unpack_subelements %parallel_loop3A_959, 0 {pack_format = #tpu.pack_format<interleaved>} : vector<32xbf16> -> vector<16xf32>
          %parallel_loop3A_961 = tpu.unpack_subelements %parallel_loop3A_959, 1 {pack_format = #tpu.pack_format<interleaved>} : vector<32xbf16> -> vector<16xf32>
          %parallel_loop3A_962 = arith.index_cast %parallel_loop3A_939 : i32 to index
          %parallel_loop3A_963 = arith.constant 32 : index
          %parallel_loop3A_964 = tpu.vector_load %arg10[%parallel_loop3A_962, %parallel_loop3A_963] {strides = array<i32>} : memref<400x64xi32, #tpu.memory_space<vmem>>, vector<16xi32>,
          %parallel_loop3A_965 = vector.bitcast %parallel_loop3A_964 : vector<16xi32> to vector<32xbf16>
          %parallel_loop3A_966 = arith.index_cast %parallel_loop3A_939 : i32 to index
          %parallel_loop3A_967 = arith.constant 32 : index
          %parallel_loop3A_968 = tpu.vector_load %arg12[%parallel_loop3A_966, %parallel_loop3A_967] {strides = array<i32>} : memref<400x64xi32, #tpu.memory_space<vmem>>, vector<16xi32>,
          %parallel_loop3A_969 = vector.bitcast %parallel_loop3A_968 : vector<16xi32> to vector<32xbf16>
          %parallel_loop3A_970 = arith.mulf %parallel_loop3A_965, %parallel_loop3A_969 : vector<32xbf16>
          %parallel_loop3A_971 = tpu.unpack_subelements %parallel_loop3A_970, 0 {pack_format = #tpu.pack_format<interleaved>} : vector<32xbf16> -> vector<16xf32>
          %parallel_loop3A_972 = tpu.unpack_subelements %parallel_loop3A_970, 1 {pack_format = #tpu.pack_format<interleaved>} : vector<32xbf16> -> vector<16xf32>
          %parallel_loop3A_973 = arith.index_cast %parallel_loop3A_939 : i32 to index
          %parallel_loop3A_974 = arith.constant 48 : index
          %parallel_loop3A_975 = tpu.vector_load %arg10[%parallel_loop3A_973, %parallel_loop3A_974] {strides = array<i32>} : memref<400x64xi32, #tpu.memory_space<vmem>>, vector<16xi32>,
          %parallel_loop3A_976 = vector.bitcast %parallel_loop3A_975 : vector<16xi32> to vector<32xbf16>
          %parallel_loop3A_977 = arith.index_cast %parallel_loop3A_939 : i32 to index
          %parallel_loop3A_978 = arith.constant 48 : index
          %parallel_loop3A_979 = tpu.vector_load %arg12[%parallel_loop3A_977, %parallel_loop3A_978] {strides = array<i32>} : memref<400x64xi32, #tpu.memory_space<vmem>>, vector<16xi32>,
          %parallel_loop3A_980 = vector.bitcast %parallel_loop3A_979 : vector<16xi32> to vector<32xbf16>
          %parallel_loop3A_981 = arith.mulf %parallel_loop3A_976, %parallel_loop3A_980 : vector<32xbf16>
          %parallel_loop3A_982 = tpu.unpack_subelements %parallel_loop3A_981, 0 {pack_format = #tpu.pack_format<interleaved>} : vector<32xbf16> -> vector<16xf32>
          %parallel_loop3A_983 = tpu.unpack_subelements %parallel_loop3A_981, 1 {pack_format = #tpu.pack_format<interleaved>} : vector<32xbf16> -> vector<16xf32>
          %parallel_loop3A_984 = arith.addf %parallel_loop3A_949, %parallel_loop3A_950 : vector<16xf32>
          %parallel_loop3A_985 = arith.addf %parallel_loop3A_960, %parallel_loop3A_961 : vector<16xf32>
          %parallel_loop3A_986 = arith.addf %parallel_loop3A_971, %parallel_loop3A_972 : vector<16xf32>
          %parallel_loop3A_987 = arith.addf %parallel_loop3A_982, %parallel_loop3A_983 : vector<16xf32>
          %parallel_loop3A_988 = arith.addf %parallel_loop3A_984, %parallel_loop3A_985 : vector<16xf32>
          %parallel_loop3A_989 = arith.addf %parallel_loop3A_986, %parallel_loop3A_987 : vector<16xf32>
          %parallel_loop3A_990 = arith.addf %parallel_loop3A_988, %parallel_loop3A_989 : vector<16xf32>
          %parallel_loop3A_991 = arith.constant 16 : i32
          %parallel_loop3A_992 = arith.muli %parallel_loop3A_142, %parallel_loop3A_991 : i32
          %parallel_loop3A_993 = arith.constant 16 : i32
          %parallel_loop3A_994 = arith.muli %parallel_loop3A_992, %parallel_loop3A_993 : i32
          %parallel_loop3A_995 = arith.constant 208 : i32
          %parallel_loop3A_996 = arith.addi %parallel_loop3A_994, %parallel_loop3A_995 : i32
          %parallel_loop3A_997 = arith.index_cast %parallel_loop3A_996 : i32 to index
          %parallel_loop3A_998 = tpu.vector_load %arg14[%parallel_loop3A_997] {strides = array<i32>} : memref<6400xf32, #tpu.memory_space<vmem>>, vector<16xf32>,
          tpu.vector_store %arg14[%parallel_loop3A_997], %parallel_loop3A_990 {strides = array<i32>} : memref<6400xf32, #tpu.memory_space<vmem>>, vector<16xf32>,
          %parallel_loop3A_999 = arith.constant 14 : i32
          %parallel_loop3A_1000 = arith.addi %parallel_loop3A_144, %parallel_loop3A_999 : i32
          %parallel_loop3A_1001 = arith.index_cast %parallel_loop3A_1000 : i32 to index
          %parallel_loop3A_1002 = arith.constant 0 : index
          %parallel_loop3A_1003 = tpu.vector_load %arg10[%parallel_loop3A_1001, %parallel_loop3A_1002] {strides = array<i32>} : memref<400x64xi32, #tpu.memory_space<vmem>>, vector<16xi32>,
          %parallel_loop3A_1004 = vector.bitcast %parallel_loop3A_1003 : vector<16xi32> to vector<32xbf16>
          %parallel_loop3A_1005 = arith.index_cast %parallel_loop3A_1000 : i32 to index
          %parallel_loop3A_1006 = arith.constant 0 : index
          %parallel_loop3A_1007 = tpu.vector_load %arg12[%parallel_loop3A_1005, %parallel_loop3A_1006] {strides = array<i32>} : memref<400x64xi32, #tpu.memory_space<vmem>>, vector<16xi32>,
          %parallel_loop3A_1008 = vector.bitcast %parallel_loop3A_1007 : vector<16xi32> to vector<32xbf16>
          %parallel_loop3A_1009 = arith.mulf %parallel_loop3A_1004, %parallel_loop3A_1008 : vector<32xbf16>
          %parallel_loop3A_1010 = tpu.unpack_subelements %parallel_loop3A_1009, 0 {pack_format = #tpu.pack_format<interleaved>} : vector<32xbf16> -> vector<16xf32>
          %parallel_loop3A_1011 = tpu.unpack_subelements %parallel_loop3A_1009, 1 {pack_format = #tpu.pack_format<interleaved>} : vector<32xbf16> -> vector<16xf32>
          %parallel_loop3A_1012 = arith.index_cast %parallel_loop3A_1000 : i32 to index
          %parallel_loop3A_1013 = arith.constant 16 : index
          %parallel_loop3A_1014 = tpu.vector_load %arg10[%parallel_loop3A_1012, %parallel_loop3A_1013] {strides = array<i32>} : memref<400x64xi32, #tpu.memory_space<vmem>>, vector<16xi32>,
          %parallel_loop3A_1015 = vector.bitcast %parallel_loop3A_1014 : vector<16xi32> to vector<32xbf16>
          %parallel_loop3A_1016 = arith.index_cast %parallel_loop3A_1000 : i32 to index
          %parallel_loop3A_1017 = arith.constant 16 : index
          %parallel_loop3A_1018 = tpu.vector_load %arg12[%parallel_loop3A_1016, %parallel_loop3A_1017] {strides = array<i32>} : memref<400x64xi32, #tpu.memory_space<vmem>>, vector<16xi32>,
          %parallel_loop3A_1019 = vector.bitcast %parallel_loop3A_1018 : vector<16xi32> to vector<32xbf16>
          %parallel_loop3A_1020 = arith.mulf %parallel_loop3A_1015, %parallel_loop3A_1019 : vector<32xbf16>
          %parallel_loop3A_1021 = tpu.unpack_subelements %parallel_loop3A_1020, 0 {pack_format = #tpu.pack_format<interleaved>} : vector<32xbf16> -> vector<16xf32>
          %parallel_loop3A_1022 = tpu.unpack_subelements %parallel_loop3A_1020, 1 {pack_format = #tpu.pack_format<interleaved>} : vector<32xbf16> -> vector<16xf32>
          %parallel_loop3A_1023 = arith.index_cast %parallel_loop3A_1000 : i32 to index
          %parallel_loop3A_1024 = arith.constant 32 : index
          %parallel_loop3A_1025 = tpu.vector_load %arg10[%parallel_loop3A_1023, %parallel_loop3A_1024] {strides = array<i32>} : memref<400x64xi32, #tpu.memory_space<vmem>>, vector<16xi32>,
          %parallel_loop3A_1026 = vector.bitcast %parallel_loop3A_1025 : vector<16xi32> to vector<32xbf16>
          %parallel_loop3A_1027 = arith.index_cast %parallel_loop3A_1000 : i32 to index
          %parallel_loop3A_1028 = arith.constant 32 : index
          %parallel_loop3A_1029 = tpu.vector_load %arg12[%parallel_loop3A_1027, %parallel_loop3A_1028] {strides = array<i32>} : memref<400x64xi32, #tpu.memory_space<vmem>>, vector<16xi32>,
          %parallel_loop3A_1030 = vector.bitcast %parallel_loop3A_1029 : vector<16xi32> to vector<32xbf16>
          %parallel_loop3A_1031 = arith.mulf %parallel_loop3A_1026, %parallel_loop3A_1030 : vector<32xbf16>
          %parallel_loop3A_1032 = tpu.unpack_subelements %parallel_loop3A_1031, 0 {pack_format = #tpu.pack_format<interleaved>} : vector<32xbf16> -> vector<16xf32>
          %parallel_loop3A_1033 = tpu.unpack_subelements %parallel_loop3A_1031, 1 {pack_format = #tpu.pack_format<interleaved>} : vector<32xbf16> -> vector<16xf32>
          %parallel_loop3A_1034 = arith.index_cast %parallel_loop3A_1000 : i32 to index
          %parallel_loop3A_1035 = arith.constant 48 : index
          %parallel_loop3A_1036 = tpu.vector_load %arg10[%parallel_loop3A_1034, %parallel_loop3A_1035] {strides = array<i32>} : memref<400x64xi32, #tpu.memory_space<vmem>>, vector<16xi32>,
          %parallel_loop3A_1037 = vector.bitcast %parallel_loop3A_1036 : vector<16xi32> to vector<32xbf16>
          %parallel_loop3A_1038 = arith.index_cast %parallel_loop3A_1000 : i32 to index
          %parallel_loop3A_1039 = arith.constant 48 : index
          %parallel_loop3A_1040 = tpu.vector_load %arg12[%parallel_loop3A_1038, %parallel_loop3A_1039] {strides = array<i32>} : memref<400x64xi32, #tpu.memory_space<vmem>>, vector<16xi32>,
          %parallel_loop3A_1041 = vector.bitcast %parallel_loop3A_1040 : vector<16xi32> to vector<32xbf16>
          %parallel_loop3A_1042 = arith.mulf %parallel_loop3A_1037, %parallel_loop3A_1041 : vector<32xbf16>
          %parallel_loop3A_1043 = tpu.unpack_subelements %parallel_loop3A_1042, 0 {pack_format = #tpu.pack_format<interleaved>} : vector<32xbf16> -> vector<16xf32>
          %parallel_loop3A_1044 = tpu.unpack_subelements %parallel_loop3A_1042, 1 {pack_format = #tpu.pack_format<interleaved>} : vector<32xbf16> -> vector<16xf32>
          %parallel_loop3A_1045 = arith.addf %parallel_loop3A_1010, %parallel_loop3A_1011 : vector<16xf32>
          %parallel_loop3A_1046 = arith.addf %parallel_loop3A_1021, %parallel_loop3A_1022 : vector<16xf32>
          %parallel_loop3A_1047 = arith.addf %parallel_loop3A_1032, %parallel_loop3A_1033 : vector<16xf32>
          %parallel_loop3A_1048 = arith.addf %parallel_loop3A_1043, %parallel_loop3A_1044 : vector<16xf32>
          %parallel_loop3A_1049 = arith.addf %parallel_loop3A_1045, %parallel_loop3A_1046 : vector<16xf32>
          %parallel_loop3A_1050 = arith.addf %parallel_loop3A_1047, %parallel_loop3A_1048 : vector<16xf32>
          %parallel_loop3A_1051 = arith.addf %parallel_loop3A_1049, %parallel_loop3A_1050 : vector<16xf32>
          %parallel_loop3A_1052 = arith.constant 16 : i32
          %parallel_loop3A_1053 = arith.muli %parallel_loop3A_142, %parallel_loop3A_1052 : i32
          %parallel_loop3A_1054 = arith.constant 16 : i32
          %parallel_loop3A_1055 = arith.muli %parallel_loop3A_1053, %parallel_loop3A_1054 : i32
          %parallel_loop3A_1056 = arith.constant 224 : i32
          %parallel_loop3A_1057 = arith.addi %parallel_loop3A_1055, %parallel_loop3A_1056 : i32
          %parallel_loop3A_1058 = arith.index_cast %parallel_loop3A_1057 : i32 to index
          %parallel_loop3A_1059 = tpu.vector_load %arg14[%parallel_loop3A_1058] {strides = array<i32>} : memref<6400xf32, #tpu.memory_space<vmem>>, vector<16xf32>,
          tpu.vector_store %arg14[%parallel_loop3A_1058], %parallel_loop3A_1051 {strides = array<i32>} : memref<6400xf32, #tpu.memory_space<vmem>>, vector<16xf32>,
          %parallel_loop3A_1060 = arith.constant 15 : i32
          %parallel_loop3A_1061 = arith.addi %parallel_loop3A_144, %parallel_loop3A_1060 : i32
          %parallel_loop3A_1062 = arith.index_cast %parallel_loop3A_1061 : i32 to index
          %parallel_loop3A_1063 = arith.constant 0 : index
          %parallel_loop3A_1064 = tpu.vector_load %arg10[%parallel_loop3A_1062, %parallel_loop3A_1063] {strides = array<i32>} : memref<400x64xi32, #tpu.memory_space<vmem>>, vector<16xi32>,
          %parallel_loop3A_1065 = vector.bitcast %parallel_loop3A_1064 : vector<16xi32> to vector<32xbf16>
          %parallel_loop3A_1066 = arith.index_cast %parallel_loop3A_1061 : i32 to index
          %parallel_loop3A_1067 = arith.constant 0 : index
          %parallel_loop3A_1068 = tpu.vector_load %arg12[%parallel_loop3A_1066, %parallel_loop3A_1067] {strides = array<i32>} : memref<400x64xi32, #tpu.memory_space<vmem>>, vector<16xi32>,
          %parallel_loop3A_1069 = vector.bitcast %parallel_loop3A_1068 : vector<16xi32> to vector<32xbf16>
          %parallel_loop3A_1070 = arith.mulf %parallel_loop3A_1065, %parallel_loop3A_1069 : vector<32xbf16>
          %parallel_loop3A_1071 = tpu.unpack_subelements %parallel_loop3A_1070, 0 {pack_format = #tpu.pack_format<interleaved>} : vector<32xbf16> -> vector<16xf32>
          %parallel_loop3A_1072 = tpu.unpack_subelements %parallel_loop3A_1070, 1 {pack_format = #tpu.pack_format<interleaved>} : vector<32xbf16> -> vector<16xf32>
          %parallel_loop3A_1073 = arith.index_cast %parallel_loop3A_1061 : i32 to index
          %parallel_loop3A_1074 = arith.constant 16 : index
          %parallel_loop3A_1075 = tpu.vector_load %arg10[%parallel_loop3A_1073, %parallel_loop3A_1074] {strides = array<i32>} : memref<400x64xi32, #tpu.memory_space<vmem>>, vector<16xi32>,
          %parallel_loop3A_1076 = vector.bitcast %parallel_loop3A_1075 : vector<16xi32> to vector<32xbf16>
          %parallel_loop3A_1077 = arith.index_cast %parallel_loop3A_1061 : i32 to index
          %parallel_loop3A_1078 = arith.constant 16 : index
          %parallel_loop3A_1079 = tpu.vector_load %arg12[%parallel_loop3A_1077, %parallel_loop3A_1078] {strides = array<i32>} : memref<400x64xi32, #tpu.memory_space<vmem>>, vector<16xi32>,
          %parallel_loop3A_1080 = vector.bitcast %parallel_loop3A_1079 : vector<16xi32> to vector<32xbf16>
          %parallel_loop3A_1081 = arith.mulf %parallel_loop3A_1076, %parallel_loop3A_1080 : vector<32xbf16>
          %parallel_loop3A_1082 = tpu.unpack_subelements %parallel_loop3A_1081, 0 {pack_format = #tpu.pack_format<interleaved>} : vector<32xbf16> -> vector<16xf32>
          %parallel_loop3A_1083 = tpu.unpack_subelements %parallel_loop3A_1081, 1 {pack_format = #tpu.pack_format<interleaved>} : vector<32xbf16> -> vector<16xf32>
          %parallel_loop3A_1084 = arith.index_cast %parallel_loop3A_1061 : i32 to index
          %parallel_loop3A_1085 = arith.constant 32 : index
          %parallel_loop3A_1086 = tpu.vector_load %arg10[%parallel_loop3A_1084, %parallel_loop3A_1085] {strides = array<i32>} : memref<400x64xi32, #tpu.memory_space<vmem>>, vector<16xi32>,
          %parallel_loop3A_1087 = vector.bitcast %parallel_loop3A_1086 : vector<16xi32> to vector<32xbf16>
          %parallel_loop3A_1088 = arith.index_cast %parallel_loop3A_1061 : i32 to index
          %parallel_loop3A_1089 = arith.constant 32 : index
          %parallel_loop3A_1090 = tpu.vector_load %arg12[%parallel_loop3A_1088, %parallel_loop3A_1089] {strides = array<i32>} : memref<400x64xi32, #tpu.memory_space<vmem>>, vector<16xi32>,
          %parallel_loop3A_1091 = vector.bitcast %parallel_loop3A_1090 : vector<16xi32> to vector<32xbf16>
          %parallel_loop3A_1092 = arith.mulf %parallel_loop3A_1087, %parallel_loop3A_1091 : vector<32xbf16>
          %parallel_loop3A_1093 = tpu.unpack_subelements %parallel_loop3A_1092, 0 {pack_format = #tpu.pack_format<interleaved>} : vector<32xbf16> -> vector<16xf32>
          %parallel_loop3A_1094 = tpu.unpack_subelements %parallel_loop3A_1092, 1 {pack_format = #tpu.pack_format<interleaved>} : vector<32xbf16> -> vector<16xf32>
          %parallel_loop3A_1095 = arith.index_cast %parallel_loop3A_1061 : i32 to index
          %parallel_loop3A_1096 = arith.constant 48 : index
          %parallel_loop3A_1097 = tpu.vector_load %arg10[%parallel_loop3A_1095, %parallel_loop3A_1096] {strides = array<i32>} : memref<400x64xi32, #tpu.memory_space<vmem>>, vector<16xi32>,
          %parallel_loop3A_1098 = vector.bitcast %parallel_loop3A_1097 : vector<16xi32> to vector<32xbf16>
          %parallel_loop3A_1099 = arith.index_cast %parallel_loop3A_1061 : i32 to index
          %parallel_loop3A_1100 = arith.constant 48 : index
          %parallel_loop3A_1101 = tpu.vector_load %arg12[%parallel_loop3A_1099, %parallel_loop3A_1100] {strides = array<i32>} : memref<400x64xi32, #tpu.memory_space<vmem>>, vector<16xi32>,
          %parallel_loop3A_1102 = vector.bitcast %parallel_loop3A_1101 : vector<16xi32> to vector<32xbf16>
          %parallel_loop3A_1103 = arith.mulf %parallel_loop3A_1098, %parallel_loop3A_1102 : vector<32xbf16>
          %parallel_loop3A_1104 = tpu.unpack_subelements %parallel_loop3A_1103, 0 {pack_format = #tpu.pack_format<interleaved>} : vector<32xbf16> -> vector<16xf32>
          %parallel_loop3A_1105 = tpu.unpack_subelements %parallel_loop3A_1103, 1 {pack_format = #tpu.pack_format<interleaved>} : vector<32xbf16> -> vector<16xf32>
          %parallel_loop3A_1106 = arith.addf %parallel_loop3A_1071, %parallel_loop3A_1072 : vector<16xf32>
          %parallel_loop3A_1107 = arith.addf %parallel_loop3A_1082, %parallel_loop3A_1083 : vector<16xf32>
          %parallel_loop3A_1108 = arith.addf %parallel_loop3A_1093, %parallel_loop3A_1094 : vector<16xf32>
          %parallel_loop3A_1109 = arith.addf %parallel_loop3A_1104, %parallel_loop3A_1105 : vector<16xf32>
          %parallel_loop3A_1110 = arith.addf %parallel_loop3A_1106, %parallel_loop3A_1107 : vector<16xf32>
          %parallel_loop3A_1111 = arith.addf %parallel_loop3A_1108, %parallel_loop3A_1109 : vector<16xf32>
          %parallel_loop3A_1112 = arith.addf %parallel_loop3A_1110, %parallel_loop3A_1111 : vector<16xf32>
          %parallel_loop3A_1113 = arith.constant 16 : i32
          %parallel_loop3A_1114 = arith.muli %parallel_loop3A_142, %parallel_loop3A_1113 : i32
          %parallel_loop3A_1115 = arith.constant 16 : i32
          %parallel_loop3A_1116 = arith.muli %parallel_loop3A_1114, %parallel_loop3A_1115 : i32
          %parallel_loop3A_1117 = arith.constant 240 : i32
          %parallel_loop3A_1118 = arith.addi %parallel_loop3A_1116, %parallel_loop3A_1117 : i32
          %parallel_loop3A_1119 = arith.index_cast %parallel_loop3A_1118 : i32 to index
          %parallel_loop3A_1120 = tpu.vector_load %arg14[%parallel_loop3A_1119] {strides = array<i32>} : memref<6400xf32, #tpu.memory_space<vmem>>, vector<16xf32>,
          tpu.vector_store %arg14[%parallel_loop3A_1119], %parallel_loop3A_1112 {strides = array<i32>} : memref<6400xf32, #tpu.memory_space<vmem>>, vector<16xf32>,
          %parallel_loop3A_1121 = arith.constant 16 : i32
          %parallel_loop3A_1122 = arith.muli %parallel_loop3A_142, %parallel_loop3A_1121 : i32
          %parallel_loop3A_1123 = arith.constant 16 : i32
          %parallel_loop3A_1124 = arith.muli %parallel_loop3A_1122, %parallel_loop3A_1123 : i32
          %parallel_loop3A_1125 = arith.constant 16 : i32
          %parallel_loop3A_1126 = vector.broadcast %parallel_loop3A_1125 : i32 to vector<16xi32>
          %parallel_loop3A_1127 = arith.muli %iota3A, %parallel_loop3A_1126 : vector<16xi32>
          %parallel_loop3A_1128 = vector.broadcast %parallel_loop3A_1124 : i32 to vector<16xi32>
          %parallel_loop3A_1129 = arith.addi %parallel_loop3A_1128, %parallel_loop3A_1127 : vector<16xi32>
          %parallel_loop3A_1130 = arith.constant 0 : i32
          %parallel_loop3A_1131 = vector.broadcast %parallel_loop3A_1130 : i32 to vector<16xi32>
          %parallel_loop3A_1132 = arith.addi %parallel_loop3A_1129, %parallel_loop3A_1131 : vector<16xi32>
          %parallel_loop3A_1133 = tpu.vector_load_idx %arg14[%parallel_loop3A_1132] : memref<6400xf32, #tpu.memory_space<vmem>>[vector<16xi32>], vector<16xf32>,
          %parallel_loop3A_1134 = arith.constant 16 : i32
          %parallel_loop3A_1135 = vector.broadcast %parallel_loop3A_1134 : i32 to vector<16xi32>
          %parallel_loop3A_1136 = arith.muli %iota3A, %parallel_loop3A_1135 : vector<16xi32>
          %parallel_loop3A_1137 = vector.broadcast %parallel_loop3A_1124 : i32 to vector<16xi32>
          %parallel_loop3A_1138 = arith.addi %parallel_loop3A_1137, %parallel_loop3A_1136 : vector<16xi32>
          %parallel_loop3A_1139 = arith.constant 1 : i32
          %parallel_loop3A_1140 = vector.broadcast %parallel_loop3A_1139 : i32 to vector<16xi32>
          %parallel_loop3A_1141 = arith.addi %parallel_loop3A_1138, %parallel_loop3A_1140 : vector<16xi32>
          %parallel_loop3A_1142 = tpu.vector_load_idx %arg14[%parallel_loop3A_1141] : memref<6400xf32, #tpu.memory_space<vmem>>[vector<16xi32>], vector<16xf32>,
          %parallel_loop3A_1143 = arith.constant 16 : i32
          %parallel_loop3A_1144 = vector.broadcast %parallel_loop3A_1143 : i32 to vector<16xi32>
          %parallel_loop3A_1145 = arith.muli %iota3A, %parallel_loop3A_1144 : vector<16xi32>
          %parallel_loop3A_1146 = vector.broadcast %parallel_loop3A_1124 : i32 to vector<16xi32>
          %parallel_loop3A_1147 = arith.addi %parallel_loop3A_1146, %parallel_loop3A_1145 : vector<16xi32>
          %parallel_loop3A_1148 = arith.constant 2 : i32
          %parallel_loop3A_1149 = vector.broadcast %parallel_loop3A_1148 : i32 to vector<16xi32>
          %parallel_loop3A_1150 = arith.addi %parallel_loop3A_1147, %parallel_loop3A_1149 : vector<16xi32>
          %parallel_loop3A_1151 = tpu.vector_load_idx %arg14[%parallel_loop3A_1150] : memref<6400xf32, #tpu.memory_space<vmem>>[vector<16xi32>], vector<16xf32>,
          %parallel_loop3A_1152 = arith.constant 16 : i32
          %parallel_loop3A_1153 = vector.broadcast %parallel_loop3A_1152 : i32 to vector<16xi32>
          %parallel_loop3A_1154 = arith.muli %iota3A, %parallel_loop3A_1153 : vector<16xi32>
          %parallel_loop3A_1155 = vector.broadcast %parallel_loop3A_1124 : i32 to vector<16xi32>
          %parallel_loop3A_1156 = arith.addi %parallel_loop3A_1155, %parallel_loop3A_1154 : vector<16xi32>
          %parallel_loop3A_1157 = arith.constant 3 : i32
          %parallel_loop3A_1158 = vector.broadcast %parallel_loop3A_1157 : i32 to vector<16xi32>
          %parallel_loop3A_1159 = arith.addi %parallel_loop3A_1156, %parallel_loop3A_1158 : vector<16xi32>
          %parallel_loop3A_1160 = tpu.vector_load_idx %arg14[%parallel_loop3A_1159] : memref<6400xf32, #tpu.memory_space<vmem>>[vector<16xi32>], vector<16xf32>,
          %parallel_loop3A_1161 = arith.constant 16 : i32
          %parallel_loop3A_1162 = vector.broadcast %parallel_loop3A_1161 : i32 to vector<16xi32>
          %parallel_loop3A_1163 = arith.muli %iota3A, %parallel_loop3A_1162 : vector<16xi32>
          %parallel_loop3A_1164 = vector.broadcast %parallel_loop3A_1124 : i32 to vector<16xi32>
          %parallel_loop3A_1165 = arith.addi %parallel_loop3A_1164, %parallel_loop3A_1163 : vector<16xi32>
          %parallel_loop3A_1166 = arith.constant 4 : i32
          %parallel_loop3A_1167 = vector.broadcast %parallel_loop3A_1166 : i32 to vector<16xi32>
          %parallel_loop3A_1168 = arith.addi %parallel_loop3A_1165, %parallel_loop3A_1167 : vector<16xi32>
          %parallel_loop3A_1169 = tpu.vector_load_idx %arg14[%parallel_loop3A_1168] : memref<6400xf32, #tpu.memory_space<vmem>>[vector<16xi32>], vector<16xf32>,
          %parallel_loop3A_1170 = arith.constant 16 : i32
          %parallel_loop3A_1171 = vector.broadcast %parallel_loop3A_1170 : i32 to vector<16xi32>
          %parallel_loop3A_1172 = arith.muli %iota3A, %parallel_loop3A_1171 : vector<16xi32>
          %parallel_loop3A_1173 = vector.broadcast %parallel_loop3A_1124 : i32 to vector<16xi32>
          %parallel_loop3A_1174 = arith.addi %parallel_loop3A_1173, %parallel_loop3A_1172 : vector<16xi32>
          %parallel_loop3A_1175 = arith.constant 5 : i32
          %parallel_loop3A_1176 = vector.broadcast %parallel_loop3A_1175 : i32 to vector<16xi32>
          %parallel_loop3A_1177 = arith.addi %parallel_loop3A_1174, %parallel_loop3A_1176 : vector<16xi32>
          %parallel_loop3A_1178 = tpu.vector_load_idx %arg14[%parallel_loop3A_1177] : memref<6400xf32, #tpu.memory_space<vmem>>[vector<16xi32>], vector<16xf32>,
          %parallel_loop3A_1179 = arith.constant 16 : i32
          %parallel_loop3A_1180 = vector.broadcast %parallel_loop3A_1179 : i32 to vector<16xi32>
          %parallel_loop3A_1181 = arith.muli %iota3A, %parallel_loop3A_1180 : vector<16xi32>
          %parallel_loop3A_1182 = vector.broadcast %parallel_loop3A_1124 : i32 to vector<16xi32>
          %parallel_loop3A_1183 = arith.addi %parallel_loop3A_1182, %parallel_loop3A_1181 : vector<16xi32>
          %parallel_loop3A_1184 = arith.constant 6 : i32
          %parallel_loop3A_1185 = vector.broadcast %parallel_loop3A_1184 : i32 to vector<16xi32>
          %parallel_loop3A_1186 = arith.addi %parallel_loop3A_1183, %parallel_loop3A_1185 : vector<16xi32>
          %parallel_loop3A_1187 = tpu.vector_load_idx %arg14[%parallel_loop3A_1186] : memref<6400xf32, #tpu.memory_space<vmem>>[vector<16xi32>], vector<16xf32>,
          %parallel_loop3A_1188 = arith.constant 16 : i32
          %parallel_loop3A_1189 = vector.broadcast %parallel_loop3A_1188 : i32 to vector<16xi32>
          %parallel_loop3A_1190 = arith.muli %iota3A, %parallel_loop3A_1189 : vector<16xi32>
          %parallel_loop3A_1191 = vector.broadcast %parallel_loop3A_1124 : i32 to vector<16xi32>
          %parallel_loop3A_1192 = arith.addi %parallel_loop3A_1191, %parallel_loop3A_1190 : vector<16xi32>
          %parallel_loop3A_1193 = arith.constant 7 : i32
          %parallel_loop3A_1194 = vector.broadcast %parallel_loop3A_1193 : i32 to vector<16xi32>
          %parallel_loop3A_1195 = arith.addi %parallel_loop3A_1192, %parallel_loop3A_1194 : vector<16xi32>
          %parallel_loop3A_1196 = tpu.vector_load_idx %arg14[%parallel_loop3A_1195] : memref<6400xf32, #tpu.memory_space<vmem>>[vector<16xi32>], vector<16xf32>,
          %parallel_loop3A_1197 = arith.constant 16 : i32
          %parallel_loop3A_1198 = vector.broadcast %parallel_loop3A_1197 : i32 to vector<16xi32>
          %parallel_loop3A_1199 = arith.muli %iota3A, %parallel_loop3A_1198 : vector<16xi32>
          %parallel_loop3A_1200 = vector.broadcast %parallel_loop3A_1124 : i32 to vector<16xi32>
          %parallel_loop3A_1201 = arith.addi %parallel_loop3A_1200, %parallel_loop3A_1199 : vector<16xi32>
          %parallel_loop3A_1202 = arith.constant 8 : i32
          %parallel_loop3A_1203 = vector.broadcast %parallel_loop3A_1202 : i32 to vector<16xi32>
          %parallel_loop3A_1204 = arith.addi %parallel_loop3A_1201, %parallel_loop3A_1203 : vector<16xi32>
          %parallel_loop3A_1205 = tpu.vector_load_idx %arg14[%parallel_loop3A_1204] : memref<6400xf32, #tpu.memory_space<vmem>>[vector<16xi32>], vector<16xf32>,
          %parallel_loop3A_1206 = arith.constant 16 : i32
          %parallel_loop3A_1207 = vector.broadcast %parallel_loop3A_1206 : i32 to vector<16xi32>
          %parallel_loop3A_1208 = arith.muli %iota3A, %parallel_loop3A_1207 : vector<16xi32>
          %parallel_loop3A_1209 = vector.broadcast %parallel_loop3A_1124 : i32 to vector<16xi32>
          %parallel_loop3A_1210 = arith.addi %parallel_loop3A_1209, %parallel_loop3A_1208 : vector<16xi32>
          %parallel_loop3A_1211 = arith.constant 9 : i32
          %parallel_loop3A_1212 = vector.broadcast %parallel_loop3A_1211 : i32 to vector<16xi32>
          %parallel_loop3A_1213 = arith.addi %parallel_loop3A_1210, %parallel_loop3A_1212 : vector<16xi32>
          %parallel_loop3A_1214 = tpu.vector_load_idx %arg14[%parallel_loop3A_1213] : memref<6400xf32, #tpu.memory_space<vmem>>[vector<16xi32>], vector<16xf32>,
          %parallel_loop3A_1215 = arith.constant 16 : i32
          %parallel_loop3A_1216 = vector.broadcast %parallel_loop3A_1215 : i32 to vector<16xi32>
          %parallel_loop3A_1217 = arith.muli %iota3A, %parallel_loop3A_1216 : vector<16xi32>
          %parallel_loop3A_1218 = vector.broadcast %parallel_loop3A_1124 : i32 to vector<16xi32>
          %parallel_loop3A_1219 = arith.addi %parallel_loop3A_1218, %parallel_loop3A_1217 : vector<16xi32>
          %parallel_loop3A_1220 = arith.constant 10 : i32
          %parallel_loop3A_1221 = vector.broadcast %parallel_loop3A_1220 : i32 to vector<16xi32>
          %parallel_loop3A_1222 = arith.addi %parallel_loop3A_1219, %parallel_loop3A_1221 : vector<16xi32>
          %parallel_loop3A_1223 = tpu.vector_load_idx %arg14[%parallel_loop3A_1222] : memref<6400xf32, #tpu.memory_space<vmem>>[vector<16xi32>], vector<16xf32>,
          %parallel_loop3A_1224 = arith.constant 16 : i32
          %parallel_loop3A_1225 = vector.broadcast %parallel_loop3A_1224 : i32 to vector<16xi32>
          %parallel_loop3A_1226 = arith.muli %iota3A, %parallel_loop3A_1225 : vector<16xi32>
          %parallel_loop3A_1227 = vector.broadcast %parallel_loop3A_1124 : i32 to vector<16xi32>
          %parallel_loop3A_1228 = arith.addi %parallel_loop3A_1227, %parallel_loop3A_1226 : vector<16xi32>
          %parallel_loop3A_1229 = arith.constant 11 : i32
          %parallel_loop3A_1230 = vector.broadcast %parallel_loop3A_1229 : i32 to vector<16xi32>
          %parallel_loop3A_1231 = arith.addi %parallel_loop3A_1228, %parallel_loop3A_1230 : vector<16xi32>
          %parallel_loop3A_1232 = tpu.vector_load_idx %arg14[%parallel_loop3A_1231] : memref<6400xf32, #tpu.memory_space<vmem>>[vector<16xi32>], vector<16xf32>,
          %parallel_loop3A_1233 = arith.constant 16 : i32
          %parallel_loop3A_1234 = vector.broadcast %parallel_loop3A_1233 : i32 to vector<16xi32>
          %parallel_loop3A_1235 = arith.muli %iota3A, %parallel_loop3A_1234 : vector<16xi32>
          %parallel_loop3A_1236 = vector.broadcast %parallel_loop3A_1124 : i32 to vector<16xi32>
          %parallel_loop3A_1237 = arith.addi %parallel_loop3A_1236, %parallel_loop3A_1235 : vector<16xi32>
          %parallel_loop3A_1238 = arith.constant 12 : i32
          %parallel_loop3A_1239 = vector.broadcast %parallel_loop3A_1238 : i32 to vector<16xi32>
          %parallel_loop3A_1240 = arith.addi %parallel_loop3A_1237, %parallel_loop3A_1239 : vector<16xi32>
          %parallel_loop3A_1241 = tpu.vector_load_idx %arg14[%parallel_loop3A_1240] : memref<6400xf32, #tpu.memory_space<vmem>>[vector<16xi32>], vector<16xf32>,
          %parallel_loop3A_1242 = arith.constant 16 : i32
          %parallel_loop3A_1243 = vector.broadcast %parallel_loop3A_1242 : i32 to vector<16xi32>
          %parallel_loop3A_1244 = arith.muli %iota3A, %parallel_loop3A_1243 : vector<16xi32>
          %parallel_loop3A_1245 = vector.broadcast %parallel_loop3A_1124 : i32 to vector<16xi32>
          %parallel_loop3A_1246 = arith.addi %parallel_loop3A_1245, %parallel_loop3A_1244 : vector<16xi32>
          %parallel_loop3A_1247 = arith.constant 13 : i32
          %parallel_loop3A_1248 = vector.broadcast %parallel_loop3A_1247 : i32 to vector<16xi32>
          %parallel_loop3A_1249 = arith.addi %parallel_loop3A_1246, %parallel_loop3A_1248 : vector<16xi32>
          %parallel_loop3A_1250 = tpu.vector_load_idx %arg14[%parallel_loop3A_1249] : memref<6400xf32, #tpu.memory_space<vmem>>[vector<16xi32>], vector<16xf32>,
          %parallel_loop3A_1251 = arith.constant 16 : i32
          %parallel_loop3A_1252 = vector.broadcast %parallel_loop3A_1251 : i32 to vector<16xi32>
          %parallel_loop3A_1253 = arith.muli %iota3A, %parallel_loop3A_1252 : vector<16xi32>
          %parallel_loop3A_1254 = vector.broadcast %parallel_loop3A_1124 : i32 to vector<16xi32>
          %parallel_loop3A_1255 = arith.addi %parallel_loop3A_1254, %parallel_loop3A_1253 : vector<16xi32>
          %parallel_loop3A_1256 = arith.constant 14 : i32
          %parallel_loop3A_1257 = vector.broadcast %parallel_loop3A_1256 : i32 to vector<16xi32>
          %parallel_loop3A_1258 = arith.addi %parallel_loop3A_1255, %parallel_loop3A_1257 : vector<16xi32>
          %parallel_loop3A_1259 = tpu.vector_load_idx %arg14[%parallel_loop3A_1258] : memref<6400xf32, #tpu.memory_space<vmem>>[vector<16xi32>], vector<16xf32>,
          %parallel_loop3A_1260 = arith.constant 16 : i32
          %parallel_loop3A_1261 = vector.broadcast %parallel_loop3A_1260 : i32 to vector<16xi32>
          %parallel_loop3A_1262 = arith.muli %iota3A, %parallel_loop3A_1261 : vector<16xi32>
          %parallel_loop3A_1263 = vector.broadcast %parallel_loop3A_1124 : i32 to vector<16xi32>
          %parallel_loop3A_1264 = arith.addi %parallel_loop3A_1263, %parallel_loop3A_1262 : vector<16xi32>
          %parallel_loop3A_1265 = arith.constant 15 : i32
          %parallel_loop3A_1266 = vector.broadcast %parallel_loop3A_1265 : i32 to vector<16xi32>
          %parallel_loop3A_1267 = arith.addi %parallel_loop3A_1264, %parallel_loop3A_1266 : vector<16xi32>
          %parallel_loop3A_1268 = tpu.vector_load_idx %arg14[%parallel_loop3A_1267] : memref<6400xf32, #tpu.memory_space<vmem>>[vector<16xi32>], vector<16xf32>,
          %parallel_loop3A_1269 = arith.addf %parallel_loop3A_1133, %parallel_loop3A_1142 : vector<16xf32>
          %parallel_loop3A_1270 = arith.addf %parallel_loop3A_1151, %parallel_loop3A_1160 : vector<16xf32>
          %parallel_loop3A_1271 = arith.addf %parallel_loop3A_1169, %parallel_loop3A_1178 : vector<16xf32>
          %parallel_loop3A_1272 = arith.addf %parallel_loop3A_1187, %parallel_loop3A_1196 : vector<16xf32>
          %parallel_loop3A_1273 = arith.addf %parallel_loop3A_1205, %parallel_loop3A_1214 : vector<16xf32>
          %parallel_loop3A_1274 = arith.addf %parallel_loop3A_1223, %parallel_loop3A_1232 : vector<16xf32>
          %parallel_loop3A_1275 = arith.addf %parallel_loop3A_1241, %parallel_loop3A_1250 : vector<16xf32>
          %parallel_loop3A_1276 = arith.addf %parallel_loop3A_1259, %parallel_loop3A_1268 : vector<16xf32>
          %parallel_loop3A_1277 = arith.addf %parallel_loop3A_1269, %parallel_loop3A_1270 : vector<16xf32>
          %parallel_loop3A_1278 = arith.addf %parallel_loop3A_1271, %parallel_loop3A_1272 : vector<16xf32>
          %parallel_loop3A_1279 = arith.addf %parallel_loop3A_1273, %parallel_loop3A_1274 : vector<16xf32>
          %parallel_loop3A_1280 = arith.addf %parallel_loop3A_1275, %parallel_loop3A_1276 : vector<16xf32>
          %parallel_loop3A_1281 = arith.addf %parallel_loop3A_1277, %parallel_loop3A_1278 : vector<16xf32>
          %parallel_loop3A_1282 = arith.addf %parallel_loop3A_1279, %parallel_loop3A_1280 : vector<16xf32>
          %parallel_loop3A_1283 = arith.addf %parallel_loop3A_1281, %parallel_loop3A_1282 : vector<16xf32>
          %parallel_loop3A_1284 = arith.constant 400 : i32
          %parallel_loop3A_1285 = arith.muli %add3A_101, %parallel_loop3A_1284 : i32
          %parallel_loop3A_1286 = arith.addi %parallel_loop3A_1285, %parallel_loop3A_144 : i32
          %parallel_loop3A_1287 = arith.index_cast %parallel_loop3A_1286 : i32 to index
          %parallel_loop3A_1288 = tpu.vector_load %arg15[%parallel_loop3A_1287] {strides = array<i32>} : memref<10000xf32, #tpu.memory_space<vmem>>, vector<16xf32>,
          tpu.vector_store %arg15[%parallel_loop3A_1287], %parallel_loop3A_1283 {strides = array<i32>} : memref<10000xf32, #tpu.memory_space<vmem>>, vector<16xf32>,
        } {sc.loop_unroll_factor = 3 : i64, sc.parallel_access}
      } else {
      }
      %mul3A_111 = arith.constant 2 : i32
      %mul3A_112 = arith.muli %add3A_97, %mul3A_111 : i32
      %add3A_113 = arith.constant 1 : i32
      %add3A_114 = arith.addi %mul3A_112, %add3A_113 : i32
      %add3A_115 = arith.constant 1 : i32
      %add3A_116 = arith.addi %add3A_114, %add3A_115 : i32
      %lt3A_117 = arith.constant 25 : i32
      %lt3A_118 = arith.cmpi slt, %add3A_116, %lt3A_117 : i32
      %convert_element_type3A_119 = arith.extui %lt3A_118 : i1 to i32
      %cond3A_120 = arith.constant 0 : i32
      %cond3A_121 = arith.cmpi ne, %convert_element_type3A_119, %cond3A_120 : i32
      scf.if %cond3A_121 {
        %dma_wait3A_127 = arith.constant 0 : i32
        %dma_wait3A_128 = tpu.memref_slice %arg3[%dma_wait3A_127] : memref<320000xi32, #tpu.memory_space<hbm>> -> memref<400xi32, #tpu.memory_space<hbm>>
        %dma_wait3A_129 = arith.constant 0 : i32
        %dma_wait3A_130 = tpu.memref_slice %arg3[%dma_wait3A_129] : memref<320000xi32, #tpu.memory_space<hbm>> -> memref<400xi32, #tpu.memory_space<hbm>>
        tpu.wait_dma2 semaphore(%arg18 : memref<!tpu.dma_semaphore, #tpu.memory_space<semaphore_mem>>) src(%dma_wait3A_130 : memref<400xi32, #tpu.memory_space<hbm>>) dst(%arg6 : memref<400xi32, #tpu.memory_space<vmem>>)
        %dma_wait3A_131 = arith.constant 0 : i32
        %dma_wait3A_132 = tpu.memref_slice %arg4[%dma_wait3A_131] : memref<320000xi32, #tpu.memory_space<hbm>> -> memref<400xi32, #tpu.memory_space<hbm>>
        %dma_wait3A_133 = arith.constant 0 : i32
        %dma_wait3A_134 = tpu.memref_slice %arg4[%dma_wait3A_133] : memref<320000xi32, #tpu.memory_space<hbm>> -> memref<400xi32, #tpu.memory_space<hbm>>
        tpu.wait_dma2 semaphore(%arg18 : memref<!tpu.dma_semaphore, #tpu.memory_space<semaphore_mem>>) src(%dma_wait3A_134 : memref<400xi32, #tpu.memory_space<hbm>>) dst(%arg8 : memref<400xi32, #tpu.memory_space<vmem>>)
        %dma_start3A_135 = arith.constant 0 : i32
        %dma_start3A_136 = arith.constant 0 : i32
        %dma_start3A_137 = tpu.memref_slice %arg10[%dma_start3A_135, %dma_start3A_136] : memref<400x64xi32, #tpu.memory_space<vmem>> -> memref<128x64xi32, #tpu.memory_space<vmem>>
        %dma_start3A_138 = arith.constant 0 : i32
        %dma_start3A_139 = tpu.memref_slice %arg6[%dma_start3A_138] : memref<400xi32, #tpu.memory_space<vmem>> -> memref<128xi32, #tpu.memory_space<vmem>>
        %dma_start3A_140 = arith.constant 0 : i32
        %dma_start3A_141 = arith.constant 0 : i32
        %dma_start3A_142 = tpu.memref_slice %arg2[%dma_start3A_140, %dma_start3A_141] : memref<10000x64xi32, #tpu.memory_space<hbm>> -> memref<10000x64xi32, #tpu.memory_space<hbm>>
        tpu.enqueue_indirect_dma source(%dma_start3A_142 : memref<10000x64xi32, #tpu.memory_space<hbm>>) target(%dma_start3A_137 : memref<128x64xi32, #tpu.memory_space<vmem>>) offsets(%dma_start3A_139 : memref<128xi32, #tpu.memory_space<vmem>>) semaphore(%arg16 : memref<!tpu.dma_semaphore, #tpu.memory_space<semaphore_mem>>)
        %dma_start3A_143 = arith.constant 0 : i32
        %dma_start3A_144 = arith.constant 0 : i32
        %dma_start3A_145 = tpu.memref_slice %arg12[%dma_start3A_143, %dma_start3A_144] : memref<400x64xi32, #tpu.memory_space<vmem>> -> memref<128x64xi32, #tpu.memory_space<vmem>>
        %dma_start3A_146 = arith.constant 0 : i32
        %dma_start3A_147 = tpu.memref_slice %arg8[%dma_start3A_146] : memref<400xi32, #tpu.memory_space<vmem>> -> memref<128xi32, #tpu.memory_space<vmem>>
        %dma_start3A_148 = arith.constant 0 : i32
        %dma_start3A_149 = arith.constant 0 : i32
        %dma_start3A_150 = tpu.memref_slice %arg2[%dma_start3A_148, %dma_start3A_149] : memref<10000x64xi32, #tpu.memory_space<hbm>> -> memref<10000x64xi32, #tpu.memory_space<hbm>>
        tpu.enqueue_indirect_dma source(%dma_start3A_150 : memref<10000x64xi32, #tpu.memory_space<hbm>>) target(%dma_start3A_145 : memref<128x64xi32, #tpu.memory_space<vmem>>) offsets(%dma_start3A_147 : memref<128xi32, #tpu.memory_space<vmem>>) semaphore(%arg16 : memref<!tpu.dma_semaphore, #tpu.memory_space<semaphore_mem>>)
        %dma_start3A_151 = arith.constant 128 : i32
        %dma_start3A_152 = arith.constant 0 : i32
        %dma_start3A_153 = tpu.memref_slice %arg10[%dma_start3A_151, %dma_start3A_152] : memref<400x64xi32, #tpu.memory_space<vmem>> -> memref<128x64xi32, #tpu.memory_space<vmem>>
        %dma_start3A_154 = arith.constant 128 : i32
        %dma_start3A_155 = tpu.memref_slice %arg6[%dma_start3A_154] : memref<400xi32, #tpu.memory_space<vmem>> -> memref<128xi32, #tpu.memory_space<vmem>>
        %dma_start3A_156 = arith.constant 0 : i32
        %dma_start3A_157 = arith.constant 0 : i32
        %dma_start3A_158 = tpu.memref_slice %arg2[%dma_start3A_156, %dma_start3A_157] : memref<10000x64xi32, #tpu.memory_space<hbm>> -> memref<10000x64xi32, #tpu.memory_space<hbm>>
        tpu.enqueue_indirect_dma source(%dma_start3A_158 : memref<10000x64xi32, #tpu.memory_space<hbm>>) target(%dma_start3A_153 : memref<128x64xi32, #tpu.memory_space<vmem>>) offsets(%dma_start3A_155 : memref<128xi32, #tpu.memory_space<vmem>>) semaphore(%arg16 : memref<!tpu.dma_semaphore, #tpu.memory_space<semaphore_mem>>)
        %dma_start3A_159 = arith.constant 128 : i32
        %dma_start3A_160 = arith.constant 0 : i32
        %dma_start3A_161 = tpu.memref_slice %arg12[%dma_start3A_159, %dma_start3A_160] : memref<400x64xi32, #tpu.memory_space<vmem>> -> memref<128x64xi32, #tpu.memory_space<vmem>>
        %dma_start3A_162 = arith.constant 128 : i32
        %dma_start3A_163 = tpu.memref_slice %arg8[%dma_start3A_162] : memref<400xi32, #tpu.memory_space<vmem>> -> memref<128xi32, #tpu.memory_space<vmem>>
        %dma_start3A_164 = arith.constant 0 : i32
        %dma_start3A_165 = arith.constant 0 : i32
        %dma_start3A_166 = tpu.memref_slice %arg2[%dma_start3A_164, %dma_start3A_165] : memref<10000x64xi32, #tpu.memory_space<hbm>> -> memref<10000x64xi32, #tpu.memory_space<hbm>>
        tpu.enqueue_indirect_dma source(%dma_start3A_166 : memref<10000x64xi32, #tpu.memory_space<hbm>>) target(%dma_start3A_161 : memref<128x64xi32, #tpu.memory_space<vmem>>) offsets(%dma_start3A_163 : memref<128xi32, #tpu.memory_space<vmem>>) semaphore(%arg16 : memref<!tpu.dma_semaphore, #tpu.memory_space<semaphore_mem>>)
        %dma_start3A_167 = arith.constant 256 : i32
        %dma_start3A_168 = arith.constant 0 : i32
        %dma_start3A_169 = tpu.memref_slice %arg10[%dma_start3A_167, %dma_start3A_168] : memref<400x64xi32, #tpu.memory_space<vmem>> -> memref<128x64xi32, #tpu.memory_space<vmem>>
        %dma_start3A_170 = arith.constant 256 : i32
        %dma_start3A_171 = tpu.memref_slice %arg6[%dma_start3A_170] : memref<400xi32, #tpu.memory_space<vmem>> -> memref<128xi32, #tpu.memory_space<vmem>>
        %dma_start3A_172 = arith.constant 0 : i32
        %dma_start3A_173 = arith.constant 0 : i32
        %dma_start3A_174 = tpu.memref_slice %arg2[%dma_start3A_172, %dma_start3A_173] : memref<10000x64xi32, #tpu.memory_space<hbm>> -> memref<10000x64xi32, #tpu.memory_space<hbm>>
        tpu.enqueue_indirect_dma source(%dma_start3A_174 : memref<10000x64xi32, #tpu.memory_space<hbm>>) target(%dma_start3A_169 : memref<128x64xi32, #tpu.memory_space<vmem>>) offsets(%dma_start3A_171 : memref<128xi32, #tpu.memory_space<vmem>>) semaphore(%arg16 : memref<!tpu.dma_semaphore, #tpu.memory_space<semaphore_mem>>)
        %dma_start3A_175 = arith.constant 256 : i32
        %dma_start3A_176 = arith.constant 0 : i32
        %dma_start3A_177 = tpu.memref_slice %arg12[%dma_start3A_175, %dma_start3A_176] : memref<400x64xi32, #tpu.memory_space<vmem>> -> memref<128x64xi32, #tpu.memory_space<vmem>>
        %dma_start3A_178 = arith.constant 256 : i32
        %dma_start3A_179 = tpu.memref_slice %arg8[%dma_start3A_178] : memref<400xi32, #tpu.memory_space<vmem>> -> memref<128xi32, #tpu.memory_space<vmem>>
        %dma_start3A_180 = arith.constant 0 : i32
        %dma_start3A_181 = arith.constant 0 : i32
        %dma_start3A_182 = tpu.memref_slice %arg2[%dma_start3A_180, %dma_start3A_181] : memref<10000x64xi32, #tpu.memory_space<hbm>> -> memref<10000x64xi32, #tpu.memory_space<hbm>>
        tpu.enqueue_indirect_dma source(%dma_start3A_182 : memref<10000x64xi32, #tpu.memory_space<hbm>>) target(%dma_start3A_177 : memref<128x64xi32, #tpu.memory_space<vmem>>) offsets(%dma_start3A_179 : memref<128xi32, #tpu.memory_space<vmem>>) semaphore(%arg16 : memref<!tpu.dma_semaphore, #tpu.memory_space<semaphore_mem>>)
        %dma_start3A_183 = arith.constant 384 : i32
        %dma_start3A_184 = arith.constant 0 : i32
        %dma_start3A_185 = tpu.memref_slice %arg10[%dma_start3A_183, %dma_start3A_184] : memref<400x64xi32, #tpu.memory_space<vmem>> -> memref<16x64xi32, #tpu.memory_space<vmem>>
        %dma_start3A_186 = arith.constant 384 : i32
        %dma_start3A_187 = tpu.memref_slice %arg6[%dma_start3A_186] : memref<400xi32, #tpu.memory_space<vmem>> -> memref<16xi32, #tpu.memory_space<vmem>>
        %dma_start3A_188 = arith.constant 0 : i32
        %dma_start3A_189 = arith.constant 0 : i32
        %dma_start3A_190 = tpu.memref_slice %arg2[%dma_start3A_188, %dma_start3A_189] : memref<10000x64xi32, #tpu.memory_space<hbm>> -> memref<10000x64xi32, #tpu.memory_space<hbm>>
        tpu.enqueue_indirect_dma source(%dma_start3A_190 : memref<10000x64xi32, #tpu.memory_space<hbm>>) target(%dma_start3A_185 : memref<16x64xi32, #tpu.memory_space<vmem>>) offsets(%dma_start3A_187 : memref<16xi32, #tpu.memory_space<vmem>>) semaphore(%arg16 : memref<!tpu.dma_semaphore, #tpu.memory_space<semaphore_mem>>)
        %dma_start3A_191 = arith.constant 384 : i32
        %dma_start3A_192 = arith.constant 0 : i32
        %dma_start3A_193 = tpu.memref_slice %arg12[%dma_start3A_191, %dma_start3A_192] : memref<400x64xi32, #tpu.memory_space<vmem>> -> memref<16x64xi32, #tpu.memory_space<vmem>>
        %dma_start3A_194 = arith.constant 384 : i32
        %dma_start3A_195 = tpu.memref_slice %arg8[%dma_start3A_194] : memref<400xi32, #tpu.memory_space<vmem>> -> memref<16xi32, #tpu.memory_space<vmem>>
        %dma_start3A_196 = arith.constant 0 : i32
        %dma_start3A_197 = arith.constant 0 : i32
        %dma_start3A_198 = tpu.memref_slice %arg2[%dma_start3A_196, %dma_start3A_197] : memref<10000x64xi32, #tpu.memory_space<hbm>> -> memref<10000x64xi32, #tpu.memory_space<hbm>>
        tpu.enqueue_indirect_dma source(%dma_start3A_198 : memref<10000x64xi32, #tpu.memory_space<hbm>>) target(%dma_start3A_193 : memref<16x64xi32, #tpu.memory_space<vmem>>) offsets(%dma_start3A_195 : memref<16xi32, #tpu.memory_space<vmem>>) semaphore(%arg16 : memref<!tpu.dma_semaphore, #tpu.memory_space<semaphore_mem>>)
      } else {
      }
      %lt3A_122 = arith.constant 25 : i32
      %lt3A_123 = arith.cmpi slt, %add3A_114, %lt3A_122 : i32
      %convert_element_type3A_124 = arith.extui %lt3A_123 : i1 to i32
      %cond3A_125 = arith.constant 0 : i32
      %cond3A_126 = arith.cmpi ne, %convert_element_type3A_124, %cond3A_125 : i32
      scf.if %cond3A_126 {
        %dma_wait3A_127 = arith.constant 0 : i32
        %dma_wait3A_128 = arith.constant 0 : i32
        %dma_wait3A_129 = tpu.memref_slice %arg2[%dma_wait3A_127, %dma_wait3A_128] : memref<10000x64xi32, #tpu.memory_space<hbm>> -> memref<10000x64xi32, #tpu.memory_space<hbm>>
        tpu.wait_indirect_dma semaphore(%arg17 : memref<!tpu.dma_semaphore, #tpu.memory_space<semaphore_mem>>) src(%dma_wait3A_129 : memref<10000x64xi32, #tpu.memory_space<hbm>>) dst(%arg11 : memref<400x64xi32, #tpu.memory_space<vmem>>)
        %dma_wait3A_130 = arith.constant 0 : i32
        %dma_wait3A_131 = arith.constant 0 : i32
        %dma_wait3A_132 = tpu.memref_slice %arg2[%dma_wait3A_130, %dma_wait3A_131] : memref<10000x64xi32, #tpu.memory_space<hbm>> -> memref<10000x64xi32, #tpu.memory_space<hbm>>
        tpu.wait_indirect_dma semaphore(%arg17 : memref<!tpu.dma_semaphore, #tpu.memory_space<semaphore_mem>>) src(%dma_wait3A_132 : memref<10000x64xi32, #tpu.memory_space<hbm>>) dst(%arg13 : memref<400x64xi32, #tpu.memory_space<vmem>>)
        %add3A_133 = arith.constant 2 : i32
        %add3A_134 = arith.addi %add3A_114, %add3A_133 : i32
        %lt3A_135 = arith.constant 25 : i32
        %lt3A_136 = arith.cmpi slt, %add3A_134, %lt3A_135 : i32
        %convert_element_type3A_137 = arith.extui %lt3A_136 : i1 to i32
        %cond3A_138 = arith.constant 0 : i32
        %cond3A_139 = arith.cmpi ne, %convert_element_type3A_137, %cond3A_138 : i32
        scf.if %cond3A_139 {
          %add3A_142 = arith.constant 2 : i32
          %add3A_143 = arith.addi %add3A_114, %add3A_142 : i32
          %mul3A_144 = arith.constant 10000 : i32
          %mul3A_145 = arith.muli %add3A, %mul3A_144 : i32
          %mul3A_146 = arith.constant 400 : i32
          %mul3A_147 = arith.muli %add3A_143, %mul3A_146 : i32
          %add3A_148 = arith.addi %mul3A_145, %mul3A_147 : i32
          %dma_start3A_149 = tpu.memref_slice %arg3[%add3A_148] : memref<320000xi32, #tpu.memory_space<hbm>> -> memref<400xi32, #tpu.memory_space<hbm>>
          %dma_start3A_150 = tpu.memref_slice %arg3[%add3A_148] : memref<320000xi32, #tpu.memory_space<hbm>> -> memref<400xi32, #tpu.memory_space<hbm>>
          tpu.enqueue_dma source(%dma_start3A_150 : memref<400xi32, #tpu.memory_space<hbm>>) target(%arg7 : memref<400xi32, #tpu.memory_space<vmem>>) target_semaphore(%arg19 : memref<!tpu.dma_semaphore, #tpu.memory_space<semaphore_mem>>)
          %dma_start3A_151 = tpu.memref_slice %arg4[%add3A_148] : memref<320000xi32, #tpu.memory_space<hbm>> -> memref<400xi32, #tpu.memory_space<hbm>>
          %dma_start3A_152 = tpu.memref_slice %arg4[%add3A_148] : memref<320000xi32, #tpu.memory_space<hbm>> -> memref<400xi32, #tpu.memory_space<hbm>>
          tpu.enqueue_dma source(%dma_start3A_152 : memref<400xi32, #tpu.memory_space<hbm>>) target(%arg9 : memref<400xi32, #tpu.memory_space<vmem>>) target_semaphore(%arg19 : memref<!tpu.dma_semaphore, #tpu.memory_space<semaphore_mem>>)
        } else {
        }
        %parallel_loop3A = arith.constant 0 : i32
        %parallel_loop3A_140 = arith.constant 25 : i32
        %parallel_loop3A_141 = arith.constant 1 : i32
        scf.for %parallel_loop3A_142 = %parallel_loop3A to %parallel_loop3A_140 step %parallel_loop3A_141  : i32 {
          %parallel_loop3A_143 = arith.constant 16 : i32
          %parallel_loop3A_144 = arith.muli %parallel_loop3A_142, %parallel_loop3A_143 : i32
          %parallel_loop3A_145 = arith.constant 0 : i32
          %parallel_loop3A_146 = arith.addi %parallel_loop3A_144, %parallel_loop3A_145 : i32
          %parallel_loop3A_147 = arith.index_cast %parallel_loop3A_146 : i32 to index
          %parallel_loop3A_148 = arith.constant 0 : index
          %parallel_loop3A_149 = tpu.vector_load %arg11[%parallel_loop3A_147, %parallel_loop3A_148] {strides = array<i32>} : memref<400x64xi32, #tpu.memory_space<vmem>>, vector<16xi32>,
          %parallel_loop3A_150 = vector.bitcast %parallel_loop3A_149 : vector<16xi32> to vector<32xbf16>
          %parallel_loop3A_151 = arith.index_cast %parallel_loop3A_146 : i32 to index
          %parallel_loop3A_152 = arith.constant 0 : index
          %parallel_loop3A_153 = tpu.vector_load %arg13[%parallel_loop3A_151, %parallel_loop3A_152] {strides = array<i32>} : memref<400x64xi32, #tpu.memory_space<vmem>>, vector<16xi32>,
          %parallel_loop3A_154 = vector.bitcast %parallel_loop3A_153 : vector<16xi32> to vector<32xbf16>
          %parallel_loop3A_155 = arith.mulf %parallel_loop3A_150, %parallel_loop3A_154 : vector<32xbf16>
          %parallel_loop3A_156 = tpu.unpack_subelements %parallel_loop3A_155, 0 {pack_format = #tpu.pack_format<interleaved>} : vector<32xbf16> -> vector<16xf32>
          %parallel_loop3A_157 = tpu.unpack_subelements %parallel_loop3A_155, 1 {pack_format = #tpu.pack_format<interleaved>} : vector<32xbf16> -> vector<16xf32>
          %parallel_loop3A_158 = arith.index_cast %parallel_loop3A_146 : i32 to index
          %parallel_loop3A_159 = arith.constant 16 : index
          %parallel_loop3A_160 = tpu.vector_load %arg11[%parallel_loop3A_158, %parallel_loop3A_159] {strides = array<i32>} : memref<400x64xi32, #tpu.memory_space<vmem>>, vector<16xi32>,
          %parallel_loop3A_161 = vector.bitcast %parallel_loop3A_160 : vector<16xi32> to vector<32xbf16>
          %parallel_loop3A_162 = arith.index_cast %parallel_loop3A_146 : i32 to index
          %parallel_loop3A_163 = arith.constant 16 : index
          %parallel_loop3A_164 = tpu.vector_load %arg13[%parallel_loop3A_162, %parallel_loop3A_163] {strides = array<i32>} : memref<400x64xi32, #tpu.memory_space<vmem>>, vector<16xi32>,
          %parallel_loop3A_165 = vector.bitcast %parallel_loop3A_164 : vector<16xi32> to vector<32xbf16>
          %parallel_loop3A_166 = arith.mulf %parallel_loop3A_161, %parallel_loop3A_165 : vector<32xbf16>
          %parallel_loop3A_167 = tpu.unpack_subelements %parallel_loop3A_166, 0 {pack_format = #tpu.pack_format<interleaved>} : vector<32xbf16> -> vector<16xf32>
          %parallel_loop3A_168 = tpu.unpack_subelements %parallel_loop3A_166, 1 {pack_format = #tpu.pack_format<interleaved>} : vector<32xbf16> -> vector<16xf32>
          %parallel_loop3A_169 = arith.index_cast %parallel_loop3A_146 : i32 to index
          %parallel_loop3A_170 = arith.constant 32 : index
          %parallel_loop3A_171 = tpu.vector_load %arg11[%parallel_loop3A_169, %parallel_loop3A_170] {strides = array<i32>} : memref<400x64xi32, #tpu.memory_space<vmem>>, vector<16xi32>,
          %parallel_loop3A_172 = vector.bitcast %parallel_loop3A_171 : vector<16xi32> to vector<32xbf16>
          %parallel_loop3A_173 = arith.index_cast %parallel_loop3A_146 : i32 to index
          %parallel_loop3A_174 = arith.constant 32 : index
          %parallel_loop3A_175 = tpu.vector_load %arg13[%parallel_loop3A_173, %parallel_loop3A_174] {strides = array<i32>} : memref<400x64xi32, #tpu.memory_space<vmem>>, vector<16xi32>,
          %parallel_loop3A_176 = vector.bitcast %parallel_loop3A_175 : vector<16xi32> to vector<32xbf16>
          %parallel_loop3A_177 = arith.mulf %parallel_loop3A_172, %parallel_loop3A_176 : vector<32xbf16>
          %parallel_loop3A_178 = tpu.unpack_subelements %parallel_loop3A_177, 0 {pack_format = #tpu.pack_format<interleaved>} : vector<32xbf16> -> vector<16xf32>
          %parallel_loop3A_179 = tpu.unpack_subelements %parallel_loop3A_177, 1 {pack_format = #tpu.pack_format<interleaved>} : vector<32xbf16> -> vector<16xf32>
          %parallel_loop3A_180 = arith.index_cast %parallel_loop3A_146 : i32 to index
          %parallel_loop3A_181 = arith.constant 48 : index
          %parallel_loop3A_182 = tpu.vector_load %arg11[%parallel_loop3A_180, %parallel_loop3A_181] {strides = array<i32>} : memref<400x64xi32, #tpu.memory_space<vmem>>, vector<16xi32>,
          %parallel_loop3A_183 = vector.bitcast %parallel_loop3A_182 : vector<16xi32> to vector<32xbf16>
          %parallel_loop3A_184 = arith.index_cast %parallel_loop3A_146 : i32 to index
          %parallel_loop3A_185 = arith.constant 48 : index
          %parallel_loop3A_186 = tpu.vector_load %arg13[%parallel_loop3A_184, %parallel_loop3A_185] {strides = array<i32>} : memref<400x64xi32, #tpu.memory_space<vmem>>, vector<16xi32>,
          %parallel_loop3A_187 = vector.bitcast %parallel_loop3A_186 : vector<16xi32> to vector<32xbf16>
          %parallel_loop3A_188 = arith.mulf %parallel_loop3A_183, %parallel_loop3A_187 : vector<32xbf16>
          %parallel_loop3A_189 = tpu.unpack_subelements %parallel_loop3A_188, 0 {pack_format = #tpu.pack_format<interleaved>} : vector<32xbf16> -> vector<16xf32>
          %parallel_loop3A_190 = tpu.unpack_subelements %parallel_loop3A_188, 1 {pack_format = #tpu.pack_format<interleaved>} : vector<32xbf16> -> vector<16xf32>
          %parallel_loop3A_191 = arith.addf %parallel_loop3A_156, %parallel_loop3A_157 : vector<16xf32>
          %parallel_loop3A_192 = arith.addf %parallel_loop3A_167, %parallel_loop3A_168 : vector<16xf32>
          %parallel_loop3A_193 = arith.addf %parallel_loop3A_178, %parallel_loop3A_179 : vector<16xf32>
          %parallel_loop3A_194 = arith.addf %parallel_loop3A_189, %parallel_loop3A_190 : vector<16xf32>
          %parallel_loop3A_195 = arith.addf %parallel_loop3A_191, %parallel_loop3A_192 : vector<16xf32>
          %parallel_loop3A_196 = arith.addf %parallel_loop3A_193, %parallel_loop3A_194 : vector<16xf32>
          %parallel_loop3A_197 = arith.addf %parallel_loop3A_195, %parallel_loop3A_196 : vector<16xf32>
          %parallel_loop3A_198 = arith.constant 16 : i32
          %parallel_loop3A_199 = arith.muli %parallel_loop3A_142, %parallel_loop3A_198 : i32
          %parallel_loop3A_200 = arith.constant 16 : i32
          %parallel_loop3A_201 = arith.muli %parallel_loop3A_199, %parallel_loop3A_200 : i32
          %parallel_loop3A_202 = arith.constant 0 : i32
          %parallel_loop3A_203 = arith.addi %parallel_loop3A_201, %parallel_loop3A_202 : i32
          %parallel_loop3A_204 = arith.index_cast %parallel_loop3A_203 : i32 to index
          %parallel_loop3A_205 = tpu.vector_load %arg14[%parallel_loop3A_204] {strides = array<i32>} : memref<6400xf32, #tpu.memory_space<vmem>>, vector<16xf32>,
          tpu.vector_store %arg14[%parallel_loop3A_204], %parallel_loop3A_197 {strides = array<i32>} : memref<6400xf32, #tpu.memory_space<vmem>>, vector<16xf32>,
          %parallel_loop3A_206 = arith.constant 1 : i32
          %parallel_loop3A_207 = arith.addi %parallel_loop3A_144, %parallel_loop3A_206 : i32
          %parallel_loop3A_208 = arith.index_cast %parallel_loop3A_207 : i32 to index
          %parallel_loop3A_209 = arith.constant 0 : index
          %parallel_loop3A_210 = tpu.vector_load %arg11[%parallel_loop3A_208, %parallel_loop3A_209] {strides = array<i32>} : memref<400x64xi32, #tpu.memory_space<vmem>>, vector<16xi32>,
          %parallel_loop3A_211 = vector.bitcast %parallel_loop3A_210 : vector<16xi32> to vector<32xbf16>
          %parallel_loop3A_212 = arith.index_cast %parallel_loop3A_207 : i32 to index
          %parallel_loop3A_213 = arith.constant 0 : index
          %parallel_loop3A_214 = tpu.vector_load %arg13[%parallel_loop3A_212, %parallel_loop3A_213] {strides = array<i32>} : memref<400x64xi32, #tpu.memory_space<vmem>>, vector<16xi32>,
          %parallel_loop3A_215 = vector.bitcast %parallel_loop3A_214 : vector<16xi32> to vector<32xbf16>
          %parallel_loop3A_216 = arith.mulf %parallel_loop3A_211, %parallel_loop3A_215 : vector<32xbf16>
          %parallel_loop3A_217 = tpu.unpack_subelements %parallel_loop3A_216, 0 {pack_format = #tpu.pack_format<interleaved>} : vector<32xbf16> -> vector<16xf32>
          %parallel_loop3A_218 = tpu.unpack_subelements %parallel_loop3A_216, 1 {pack_format = #tpu.pack_format<interleaved>} : vector<32xbf16> -> vector<16xf32>
          %parallel_loop3A_219 = arith.index_cast %parallel_loop3A_207 : i32 to index
          %parallel_loop3A_220 = arith.constant 16 : index
          %parallel_loop3A_221 = tpu.vector_load %arg11[%parallel_loop3A_219, %parallel_loop3A_220] {strides = array<i32>} : memref<400x64xi32, #tpu.memory_space<vmem>>, vector<16xi32>,
          %parallel_loop3A_222 = vector.bitcast %parallel_loop3A_221 : vector<16xi32> to vector<32xbf16>
          %parallel_loop3A_223 = arith.index_cast %parallel_loop3A_207 : i32 to index
          %parallel_loop3A_224 = arith.constant 16 : index
          %parallel_loop3A_225 = tpu.vector_load %arg13[%parallel_loop3A_223, %parallel_loop3A_224] {strides = array<i32>} : memref<400x64xi32, #tpu.memory_space<vmem>>, vector<16xi32>,
          %parallel_loop3A_226 = vector.bitcast %parallel_loop3A_225 : vector<16xi32> to vector<32xbf16>
          %parallel_loop3A_227 = arith.mulf %parallel_loop3A_222, %parallel_loop3A_226 : vector<32xbf16>
          %parallel_loop3A_228 = tpu.unpack_subelements %parallel_loop3A_227, 0 {pack_format = #tpu.pack_format<interleaved>} : vector<32xbf16> -> vector<16xf32>
          %parallel_loop3A_229 = tpu.unpack_subelements %parallel_loop3A_227, 1 {pack_format = #tpu.pack_format<interleaved>} : vector<32xbf16> -> vector<16xf32>
          %parallel_loop3A_230 = arith.index_cast %parallel_loop3A_207 : i32 to index
          %parallel_loop3A_231 = arith.constant 32 : index
          %parallel_loop3A_232 = tpu.vector_load %arg11[%parallel_loop3A_230, %parallel_loop3A_231] {strides = array<i32>} : memref<400x64xi32, #tpu.memory_space<vmem>>, vector<16xi32>,
          %parallel_loop3A_233 = vector.bitcast %parallel_loop3A_232 : vector<16xi32> to vector<32xbf16>
          %parallel_loop3A_234 = arith.index_cast %parallel_loop3A_207 : i32 to index
          %parallel_loop3A_235 = arith.constant 32 : index
          %parallel_loop3A_236 = tpu.vector_load %arg13[%parallel_loop3A_234, %parallel_loop3A_235] {strides = array<i32>} : memref<400x64xi32, #tpu.memory_space<vmem>>, vector<16xi32>,
          %parallel_loop3A_237 = vector.bitcast %parallel_loop3A_236 : vector<16xi32> to vector<32xbf16>
          %parallel_loop3A_238 = arith.mulf %parallel_loop3A_233, %parallel_loop3A_237 : vector<32xbf16>
          %parallel_loop3A_239 = tpu.unpack_subelements %parallel_loop3A_238, 0 {pack_format = #tpu.pack_format<interleaved>} : vector<32xbf16> -> vector<16xf32>
          %parallel_loop3A_240 = tpu.unpack_subelements %parallel_loop3A_238, 1 {pack_format = #tpu.pack_format<interleaved>} : vector<32xbf16> -> vector<16xf32>
          %parallel_loop3A_241 = arith.index_cast %parallel_loop3A_207 : i32 to index
          %parallel_loop3A_242 = arith.constant 48 : index
          %parallel_loop3A_243 = tpu.vector_load %arg11[%parallel_loop3A_241, %parallel_loop3A_242] {strides = array<i32>} : memref<400x64xi32, #tpu.memory_space<vmem>>, vector<16xi32>,
          %parallel_loop3A_244 = vector.bitcast %parallel_loop3A_243 : vector<16xi32> to vector<32xbf16>
          %parallel_loop3A_245 = arith.index_cast %parallel_loop3A_207 : i32 to index
          %parallel_loop3A_246 = arith.constant 48 : index
          %parallel_loop3A_247 = tpu.vector_load %arg13[%parallel_loop3A_245, %parallel_loop3A_246] {strides = array<i32>} : memref<400x64xi32, #tpu.memory_space<vmem>>, vector<16xi32>,
          %parallel_loop3A_248 = vector.bitcast %parallel_loop3A_247 : vector<16xi32> to vector<32xbf16>
          %parallel_loop3A_249 = arith.mulf %parallel_loop3A_244, %parallel_loop3A_248 : vector<32xbf16>
          %parallel_loop3A_250 = tpu.unpack_subelements %parallel_loop3A_249, 0 {pack_format = #tpu.pack_format<interleaved>} : vector<32xbf16> -> vector<16xf32>
          %parallel_loop3A_251 = tpu.unpack_subelements %parallel_loop3A_249, 1 {pack_format = #tpu.pack_format<interleaved>} : vector<32xbf16> -> vector<16xf32>
          %parallel_loop3A_252 = arith.addf %parallel_loop3A_217, %parallel_loop3A_218 : vector<16xf32>
          %parallel_loop3A_253 = arith.addf %parallel_loop3A_228, %parallel_loop3A_229 : vector<16xf32>
          %parallel_loop3A_254 = arith.addf %parallel_loop3A_239, %parallel_loop3A_240 : vector<16xf32>
          %parallel_loop3A_255 = arith.addf %parallel_loop3A_250, %parallel_loop3A_251 : vector<16xf32>
          %parallel_loop3A_256 = arith.addf %parallel_loop3A_252, %parallel_loop3A_253 : vector<16xf32>
          %parallel_loop3A_257 = arith.addf %parallel_loop3A_254, %parallel_loop3A_255 : vector<16xf32>
          %parallel_loop3A_258 = arith.addf %parallel_loop3A_256, %parallel_loop3A_257 : vector<16xf32>
          %parallel_loop3A_259 = arith.constant 16 : i32
          %parallel_loop3A_260 = arith.muli %parallel_loop3A_142, %parallel_loop3A_259 : i32
          %parallel_loop3A_261 = arith.constant 16 : i32
          %parallel_loop3A_262 = arith.muli %parallel_loop3A_260, %parallel_loop3A_261 : i32
          %parallel_loop3A_263 = arith.constant 16 : i32
          %parallel_loop3A_264 = arith.addi %parallel_loop3A_262, %parallel_loop3A_263 : i32
          %parallel_loop3A_265 = arith.index_cast %parallel_loop3A_264 : i32 to index
          %parallel_loop3A_266 = tpu.vector_load %arg14[%parallel_loop3A_265] {strides = array<i32>} : memref<6400xf32, #tpu.memory_space<vmem>>, vector<16xf32>,
          tpu.vector_store %arg14[%parallel_loop3A_265], %parallel_loop3A_258 {strides = array<i32>} : memref<6400xf32, #tpu.memory_space<vmem>>, vector<16xf32>,
          %parallel_loop3A_267 = arith.constant 2 : i32
          %parallel_loop3A_268 = arith.addi %parallel_loop3A_144, %parallel_loop3A_267 : i32
          %parallel_loop3A_269 = arith.index_cast %parallel_loop3A_268 : i32 to index
          %parallel_loop3A_270 = arith.constant 0 : index
          %parallel_loop3A_271 = tpu.vector_load %arg11[%parallel_loop3A_269, %parallel_loop3A_270] {strides = array<i32>} : memref<400x64xi32, #tpu.memory_space<vmem>>, vector<16xi32>,
          %parallel_loop3A_272 = vector.bitcast %parallel_loop3A_271 : vector<16xi32> to vector<32xbf16>
          %parallel_loop3A_273 = arith.index_cast %parallel_loop3A_268 : i32 to index
          %parallel_loop3A_274 = arith.constant 0 : index
          %parallel_loop3A_275 = tpu.vector_load %arg13[%parallel_loop3A_273, %parallel_loop3A_274] {strides = array<i32>} : memref<400x64xi32, #tpu.memory_space<vmem>>, vector<16xi32>,
          %parallel_loop3A_276 = vector.bitcast %parallel_loop3A_275 : vector<16xi32> to vector<32xbf16>
          %parallel_loop3A_277 = arith.mulf %parallel_loop3A_272, %parallel_loop3A_276 : vector<32xbf16>
          %parallel_loop3A_278 = tpu.unpack_subelements %parallel_loop3A_277, 0 {pack_format = #tpu.pack_format<interleaved>} : vector<32xbf16> -> vector<16xf32>
          %parallel_loop3A_279 = tpu.unpack_subelements %parallel_loop3A_277, 1 {pack_format = #tpu.pack_format<interleaved>} : vector<32xbf16> -> vector<16xf32>
          %parallel_loop3A_280 = arith.index_cast %parallel_loop3A_268 : i32 to index
          %parallel_loop3A_281 = arith.constant 16 : index
          %parallel_loop3A_282 = tpu.vector_load %arg11[%parallel_loop3A_280, %parallel_loop3A_281] {strides = array<i32>} : memref<400x64xi32, #tpu.memory_space<vmem>>, vector<16xi32>,
          %parallel_loop3A_283 = vector.bitcast %parallel_loop3A_282 : vector<16xi32> to vector<32xbf16>
          %parallel_loop3A_284 = arith.index_cast %parallel_loop3A_268 : i32 to index
          %parallel_loop3A_285 = arith.constant 16 : index
          %parallel_loop3A_286 = tpu.vector_load %arg13[%parallel_loop3A_284, %parallel_loop3A_285] {strides = array<i32>} : memref<400x64xi32, #tpu.memory_space<vmem>>, vector<16xi32>,
          %parallel_loop3A_287 = vector.bitcast %parallel_loop3A_286 : vector<16xi32> to vector<32xbf16>
          %parallel_loop3A_288 = arith.mulf %parallel_loop3A_283, %parallel_loop3A_287 : vector<32xbf16>
          %parallel_loop3A_289 = tpu.unpack_subelements %parallel_loop3A_288, 0 {pack_format = #tpu.pack_format<interleaved>} : vector<32xbf16> -> vector<16xf32>
          %parallel_loop3A_290 = tpu.unpack_subelements %parallel_loop3A_288, 1 {pack_format = #tpu.pack_format<interleaved>} : vector<32xbf16> -> vector<16xf32>
          %parallel_loop3A_291 = arith.index_cast %parallel_loop3A_268 : i32 to index
          %parallel_loop3A_292 = arith.constant 32 : index
          %parallel_loop3A_293 = tpu.vector_load %arg11[%parallel_loop3A_291, %parallel_loop3A_292] {strides = array<i32>} : memref<400x64xi32, #tpu.memory_space<vmem>>, vector<16xi32>,
          %parallel_loop3A_294 = vector.bitcast %parallel_loop3A_293 : vector<16xi32> to vector<32xbf16>
          %parallel_loop3A_295 = arith.index_cast %parallel_loop3A_268 : i32 to index
          %parallel_loop3A_296 = arith.constant 32 : index
          %parallel_loop3A_297 = tpu.vector_load %arg13[%parallel_loop3A_295, %parallel_loop3A_296] {strides = array<i32>} : memref<400x64xi32, #tpu.memory_space<vmem>>, vector<16xi32>,
          %parallel_loop3A_298 = vector.bitcast %parallel_loop3A_297 : vector<16xi32> to vector<32xbf16>
          %parallel_loop3A_299 = arith.mulf %parallel_loop3A_294, %parallel_loop3A_298 : vector<32xbf16>
          %parallel_loop3A_300 = tpu.unpack_subelements %parallel_loop3A_299, 0 {pack_format = #tpu.pack_format<interleaved>} : vector<32xbf16> -> vector<16xf32>
          %parallel_loop3A_301 = tpu.unpack_subelements %parallel_loop3A_299, 1 {pack_format = #tpu.pack_format<interleaved>} : vector<32xbf16> -> vector<16xf32>
          %parallel_loop3A_302 = arith.index_cast %parallel_loop3A_268 : i32 to index
          %parallel_loop3A_303 = arith.constant 48 : index
          %parallel_loop3A_304 = tpu.vector_load %arg11[%parallel_loop3A_302, %parallel_loop3A_303] {strides = array<i32>} : memref<400x64xi32, #tpu.memory_space<vmem>>, vector<16xi32>,
          %parallel_loop3A_305 = vector.bitcast %parallel_loop3A_304 : vector<16xi32> to vector<32xbf16>
          %parallel_loop3A_306 = arith.index_cast %parallel_loop3A_268 : i32 to index
          %parallel_loop3A_307 = arith.constant 48 : index
          %parallel_loop3A_308 = tpu.vector_load %arg13[%parallel_loop3A_306, %parallel_loop3A_307] {strides = array<i32>} : memref<400x64xi32, #tpu.memory_space<vmem>>, vector<16xi32>,
          %parallel_loop3A_309 = vector.bitcast %parallel_loop3A_308 : vector<16xi32> to vector<32xbf16>
          %parallel_loop3A_310 = arith.mulf %parallel_loop3A_305, %parallel_loop3A_309 : vector<32xbf16>
          %parallel_loop3A_311 = tpu.unpack_subelements %parallel_loop3A_310, 0 {pack_format = #tpu.pack_format<interleaved>} : vector<32xbf16> -> vector<16xf32>
          %parallel_loop3A_312 = tpu.unpack_subelements %parallel_loop3A_310, 1 {pack_format = #tpu.pack_format<interleaved>} : vector<32xbf16> -> vector<16xf32>
          %parallel_loop3A_313 = arith.addf %parallel_loop3A_278, %parallel_loop3A_279 : vector<16xf32>
          %parallel_loop3A_314 = arith.addf %parallel_loop3A_289, %parallel_loop3A_290 : vector<16xf32>
          %parallel_loop3A_315 = arith.addf %parallel_loop3A_300, %parallel_loop3A_301 : vector<16xf32>
          %parallel_loop3A_316 = arith.addf %parallel_loop3A_311, %parallel_loop3A_312 : vector<16xf32>
          %parallel_loop3A_317 = arith.addf %parallel_loop3A_313, %parallel_loop3A_314 : vector<16xf32>
          %parallel_loop3A_318 = arith.addf %parallel_loop3A_315, %parallel_loop3A_316 : vector<16xf32>
          %parallel_loop3A_319 = arith.addf %parallel_loop3A_317, %parallel_loop3A_318 : vector<16xf32>
          %parallel_loop3A_320 = arith.constant 16 : i32
          %parallel_loop3A_321 = arith.muli %parallel_loop3A_142, %parallel_loop3A_320 : i32
          %parallel_loop3A_322 = arith.constant 16 : i32
          %parallel_loop3A_323 = arith.muli %parallel_loop3A_321, %parallel_loop3A_322 : i32
          %parallel_loop3A_324 = arith.constant 32 : i32
          %parallel_loop3A_325 = arith.addi %parallel_loop3A_323, %parallel_loop3A_324 : i32
          %parallel_loop3A_326 = arith.index_cast %parallel_loop3A_325 : i32 to index
          %parallel_loop3A_327 = tpu.vector_load %arg14[%parallel_loop3A_326] {strides = array<i32>} : memref<6400xf32, #tpu.memory_space<vmem>>, vector<16xf32>,
          tpu.vector_store %arg14[%parallel_loop3A_326], %parallel_loop3A_319 {strides = array<i32>} : memref<6400xf32, #tpu.memory_space<vmem>>, vector<16xf32>,
          %parallel_loop3A_328 = arith.constant 3 : i32
          %parallel_loop3A_329 = arith.addi %parallel_loop3A_144, %parallel_loop3A_328 : i32
          %parallel_loop3A_330 = arith.index_cast %parallel_loop3A_329 : i32 to index
          %parallel_loop3A_331 = arith.constant 0 : index
          %parallel_loop3A_332 = tpu.vector_load %arg11[%parallel_loop3A_330, %parallel_loop3A_331] {strides = array<i32>} : memref<400x64xi32, #tpu.memory_space<vmem>>, vector<16xi32>,
          %parallel_loop3A_333 = vector.bitcast %parallel_loop3A_332 : vector<16xi32> to vector<32xbf16>
          %parallel_loop3A_334 = arith.index_cast %parallel_loop3A_329 : i32 to index
          %parallel_loop3A_335 = arith.constant 0 : index
          %parallel_loop3A_336 = tpu.vector_load %arg13[%parallel_loop3A_334, %parallel_loop3A_335] {strides = array<i32>} : memref<400x64xi32, #tpu.memory_space<vmem>>, vector<16xi32>,
          %parallel_loop3A_337 = vector.bitcast %parallel_loop3A_336 : vector<16xi32> to vector<32xbf16>
          %parallel_loop3A_338 = arith.mulf %parallel_loop3A_333, %parallel_loop3A_337 : vector<32xbf16>
          %parallel_loop3A_339 = tpu.unpack_subelements %parallel_loop3A_338, 0 {pack_format = #tpu.pack_format<interleaved>} : vector<32xbf16> -> vector<16xf32>
          %parallel_loop3A_340 = tpu.unpack_subelements %parallel_loop3A_338, 1 {pack_format = #tpu.pack_format<interleaved>} : vector<32xbf16> -> vector<16xf32>
          %parallel_loop3A_341 = arith.index_cast %parallel_loop3A_329 : i32 to index
          %parallel_loop3A_342 = arith.constant 16 : index
          %parallel_loop3A_343 = tpu.vector_load %arg11[%parallel_loop3A_341, %parallel_loop3A_342] {strides = array<i32>} : memref<400x64xi32, #tpu.memory_space<vmem>>, vector<16xi32>,
          %parallel_loop3A_344 = vector.bitcast %parallel_loop3A_343 : vector<16xi32> to vector<32xbf16>
          %parallel_loop3A_345 = arith.index_cast %parallel_loop3A_329 : i32 to index
          %parallel_loop3A_346 = arith.constant 16 : index
          %parallel_loop3A_347 = tpu.vector_load %arg13[%parallel_loop3A_345, %parallel_loop3A_346] {strides = array<i32>} : memref<400x64xi32, #tpu.memory_space<vmem>>, vector<16xi32>,
          %parallel_loop3A_348 = vector.bitcast %parallel_loop3A_347 : vector<16xi32> to vector<32xbf16>
          %parallel_loop3A_349 = arith.mulf %parallel_loop3A_344, %parallel_loop3A_348 : vector<32xbf16>
          %parallel_loop3A_350 = tpu.unpack_subelements %parallel_loop3A_349, 0 {pack_format = #tpu.pack_format<interleaved>} : vector<32xbf16> -> vector<16xf32>
          %parallel_loop3A_351 = tpu.unpack_subelements %parallel_loop3A_349, 1 {pack_format = #tpu.pack_format<interleaved>} : vector<32xbf16> -> vector<16xf32>
          %parallel_loop3A_352 = arith.index_cast %parallel_loop3A_329 : i32 to index
          %parallel_loop3A_353 = arith.constant 32 : index
          %parallel_loop3A_354 = tpu.vector_load %arg11[%parallel_loop3A_352, %parallel_loop3A_353] {strides = array<i32>} : memref<400x64xi32, #tpu.memory_space<vmem>>, vector<16xi32>,
          %parallel_loop3A_355 = vector.bitcast %parallel_loop3A_354 : vector<16xi32> to vector<32xbf16>
          %parallel_loop3A_356 = arith.index_cast %parallel_loop3A_329 : i32 to index
          %parallel_loop3A_357 = arith.constant 32 : index
          %parallel_loop3A_358 = tpu.vector_load %arg13[%parallel_loop3A_356, %parallel_loop3A_357] {strides = array<i32>} : memref<400x64xi32, #tpu.memory_space<vmem>>, vector<16xi32>,
          %parallel_loop3A_359 = vector.bitcast %parallel_loop3A_358 : vector<16xi32> to vector<32xbf16>
          %parallel_loop3A_360 = arith.mulf %parallel_loop3A_355, %parallel_loop3A_359 : vector<32xbf16>
          %parallel_loop3A_361 = tpu.unpack_subelements %parallel_loop3A_360, 0 {pack_format = #tpu.pack_format<interleaved>} : vector<32xbf16> -> vector<16xf32>
          %parallel_loop3A_362 = tpu.unpack_subelements %parallel_loop3A_360, 1 {pack_format = #tpu.pack_format<interleaved>} : vector<32xbf16> -> vector<16xf32>
          %parallel_loop3A_363 = arith.index_cast %parallel_loop3A_329 : i32 to index
          %parallel_loop3A_364 = arith.constant 48 : index
          %parallel_loop3A_365 = tpu.vector_load %arg11[%parallel_loop3A_363, %parallel_loop3A_364] {strides = array<i32>} : memref<400x64xi32, #tpu.memory_space<vmem>>, vector<16xi32>,
          %parallel_loop3A_366 = vector.bitcast %parallel_loop3A_365 : vector<16xi32> to vector<32xbf16>
          %parallel_loop3A_367 = arith.index_cast %parallel_loop3A_329 : i32 to index
          %parallel_loop3A_368 = arith.constant 48 : index
          %parallel_loop3A_369 = tpu.vector_load %arg13[%parallel_loop3A_367, %parallel_loop3A_368] {strides = array<i32>} : memref<400x64xi32, #tpu.memory_space<vmem>>, vector<16xi32>,
          %parallel_loop3A_370 = vector.bitcast %parallel_loop3A_369 : vector<16xi32> to vector<32xbf16>
          %parallel_loop3A_371 = arith.mulf %parallel_loop3A_366, %parallel_loop3A_370 : vector<32xbf16>
          %parallel_loop3A_372 = tpu.unpack_subelements %parallel_loop3A_371, 0 {pack_format = #tpu.pack_format<interleaved>} : vector<32xbf16> -> vector<16xf32>
          %parallel_loop3A_373 = tpu.unpack_subelements %parallel_loop3A_371, 1 {pack_format = #tpu.pack_format<interleaved>} : vector<32xbf16> -> vector<16xf32>
          %parallel_loop3A_374 = arith.addf %parallel_loop3A_339, %parallel_loop3A_340 : vector<16xf32>
          %parallel_loop3A_375 = arith.addf %parallel_loop3A_350, %parallel_loop3A_351 : vector<16xf32>
          %parallel_loop3A_376 = arith.addf %parallel_loop3A_361, %parallel_loop3A_362 : vector<16xf32>
          %parallel_loop3A_377 = arith.addf %parallel_loop3A_372, %parallel_loop3A_373 : vector<16xf32>
          %parallel_loop3A_378 = arith.addf %parallel_loop3A_374, %parallel_loop3A_375 : vector<16xf32>
          %parallel_loop3A_379 = arith.addf %parallel_loop3A_376, %parallel_loop3A_377 : vector<16xf32>
          %parallel_loop3A_380 = arith.addf %parallel_loop3A_378, %parallel_loop3A_379 : vector<16xf32>
          %parallel_loop3A_381 = arith.constant 16 : i32
          %parallel_loop3A_382 = arith.muli %parallel_loop3A_142, %parallel_loop3A_381 : i32
          %parallel_loop3A_383 = arith.constant 16 : i32
          %parallel_loop3A_384 = arith.muli %parallel_loop3A_382, %parallel_loop3A_383 : i32
          %parallel_loop3A_385 = arith.constant 48 : i32
          %parallel_loop3A_386 = arith.addi %parallel_loop3A_384, %parallel_loop3A_385 : i32
          %parallel_loop3A_387 = arith.index_cast %parallel_loop3A_386 : i32 to index
          %parallel_loop3A_388 = tpu.vector_load %arg14[%parallel_loop3A_387] {strides = array<i32>} : memref<6400xf32, #tpu.memory_space<vmem>>, vector<16xf32>,
          tpu.vector_store %arg14[%parallel_loop3A_387], %parallel_loop3A_380 {strides = array<i32>} : memref<6400xf32, #tpu.memory_space<vmem>>, vector<16xf32>,
          %parallel_loop3A_389 = arith.constant 4 : i32
          %parallel_loop3A_390 = arith.addi %parallel_loop3A_144, %parallel_loop3A_389 : i32
          %parallel_loop3A_391 = arith.index_cast %parallel_loop3A_390 : i32 to index
          %parallel_loop3A_392 = arith.constant 0 : index
          %parallel_loop3A_393 = tpu.vector_load %arg11[%parallel_loop3A_391, %parallel_loop3A_392] {strides = array<i32>} : memref<400x64xi32, #tpu.memory_space<vmem>>, vector<16xi32>,
          %parallel_loop3A_394 = vector.bitcast %parallel_loop3A_393 : vector<16xi32> to vector<32xbf16>
          %parallel_loop3A_395 = arith.index_cast %parallel_loop3A_390 : i32 to index
          %parallel_loop3A_396 = arith.constant 0 : index
          %parallel_loop3A_397 = tpu.vector_load %arg13[%parallel_loop3A_395, %parallel_loop3A_396] {strides = array<i32>} : memref<400x64xi32, #tpu.memory_space<vmem>>, vector<16xi32>,
          %parallel_loop3A_398 = vector.bitcast %parallel_loop3A_397 : vector<16xi32> to vector<32xbf16>
          %parallel_loop3A_399 = arith.mulf %parallel_loop3A_394, %parallel_loop3A_398 : vector<32xbf16>
          %parallel_loop3A_400 = tpu.unpack_subelements %parallel_loop3A_399, 0 {pack_format = #tpu.pack_format<interleaved>} : vector<32xbf16> -> vector<16xf32>
          %parallel_loop3A_401 = tpu.unpack_subelements %parallel_loop3A_399, 1 {pack_format = #tpu.pack_format<interleaved>} : vector<32xbf16> -> vector<16xf32>
          %parallel_loop3A_402 = arith.index_cast %parallel_loop3A_390 : i32 to index
          %parallel_loop3A_403 = arith.constant 16 : index
          %parallel_loop3A_404 = tpu.vector_load %arg11[%parallel_loop3A_402, %parallel_loop3A_403] {strides = array<i32>} : memref<400x64xi32, #tpu.memory_space<vmem>>, vector<16xi32>,
          %parallel_loop3A_405 = vector.bitcast %parallel_loop3A_404 : vector<16xi32> to vector<32xbf16>
          %parallel_loop3A_406 = arith.index_cast %parallel_loop3A_390 : i32 to index
          %parallel_loop3A_407 = arith.constant 16 : index
          %parallel_loop3A_408 = tpu.vector_load %arg13[%parallel_loop3A_406, %parallel_loop3A_407] {strides = array<i32>} : memref<400x64xi32, #tpu.memory_space<vmem>>, vector<16xi32>,
          %parallel_loop3A_409 = vector.bitcast %parallel_loop3A_408 : vector<16xi32> to vector<32xbf16>
          %parallel_loop3A_410 = arith.mulf %parallel_loop3A_405, %parallel_loop3A_409 : vector<32xbf16>
          %parallel_loop3A_411 = tpu.unpack_subelements %parallel_loop3A_410, 0 {pack_format = #tpu.pack_format<interleaved>} : vector<32xbf16> -> vector<16xf32>
          %parallel_loop3A_412 = tpu.unpack_subelements %parallel_loop3A_410, 1 {pack_format = #tpu.pack_format<interleaved>} : vector<32xbf16> -> vector<16xf32>
          %parallel_loop3A_413 = arith.index_cast %parallel_loop3A_390 : i32 to index
          %parallel_loop3A_414 = arith.constant 32 : index
          %parallel_loop3A_415 = tpu.vector_load %arg11[%parallel_loop3A_413, %parallel_loop3A_414] {strides = array<i32>} : memref<400x64xi32, #tpu.memory_space<vmem>>, vector<16xi32>,
          %parallel_loop3A_416 = vector.bitcast %parallel_loop3A_415 : vector<16xi32> to vector<32xbf16>
          %parallel_loop3A_417 = arith.index_cast %parallel_loop3A_390 : i32 to index
          %parallel_loop3A_418 = arith.constant 32 : index
          %parallel_loop3A_419 = tpu.vector_load %arg13[%parallel_loop3A_417, %parallel_loop3A_418] {strides = array<i32>} : memref<400x64xi32, #tpu.memory_space<vmem>>, vector<16xi32>,
          %parallel_loop3A_420 = vector.bitcast %parallel_loop3A_419 : vector<16xi32> to vector<32xbf16>
          %parallel_loop3A_421 = arith.mulf %parallel_loop3A_416, %parallel_loop3A_420 : vector<32xbf16>
          %parallel_loop3A_422 = tpu.unpack_subelements %parallel_loop3A_421, 0 {pack_format = #tpu.pack_format<interleaved>} : vector<32xbf16> -> vector<16xf32>
          %parallel_loop3A_423 = tpu.unpack_subelements %parallel_loop3A_421, 1 {pack_format = #tpu.pack_format<interleaved>} : vector<32xbf16> -> vector<16xf32>
          %parallel_loop3A_424 = arith.index_cast %parallel_loop3A_390 : i32 to index
          %parallel_loop3A_425 = arith.constant 48 : index
          %parallel_loop3A_426 = tpu.vector_load %arg11[%parallel_loop3A_424, %parallel_loop3A_425] {strides = array<i32>} : memref<400x64xi32, #tpu.memory_space<vmem>>, vector<16xi32>,
          %parallel_loop3A_427 = vector.bitcast %parallel_loop3A_426 : vector<16xi32> to vector<32xbf16>
          %parallel_loop3A_428 = arith.index_cast %parallel_loop3A_390 : i32 to index
          %parallel_loop3A_429 = arith.constant 48 : index
          %parallel_loop3A_430 = tpu.vector_load %arg13[%parallel_loop3A_428, %parallel_loop3A_429] {strides = array<i32>} : memref<400x64xi32, #tpu.memory_space<vmem>>, vector<16xi32>,
          %parallel_loop3A_431 = vector.bitcast %parallel_loop3A_430 : vector<16xi32> to vector<32xbf16>
          %parallel_loop3A_432 = arith.mulf %parallel_loop3A_427, %parallel_loop3A_431 : vector<32xbf16>
          %parallel_loop3A_433 = tpu.unpack_subelements %parallel_loop3A_432, 0 {pack_format = #tpu.pack_format<interleaved>} : vector<32xbf16> -> vector<16xf32>
          %parallel_loop3A_434 = tpu.unpack_subelements %parallel_loop3A_432, 1 {pack_format = #tpu.pack_format<interleaved>} : vector<32xbf16> -> vector<16xf32>
          %parallel_loop3A_435 = arith.addf %parallel_loop3A_400, %parallel_loop3A_401 : vector<16xf32>
          %parallel_loop3A_436 = arith.addf %parallel_loop3A_411, %parallel_loop3A_412 : vector<16xf32>
          %parallel_loop3A_437 = arith.addf %parallel_loop3A_422, %parallel_loop3A_423 : vector<16xf32>
          %parallel_loop3A_438 = arith.addf %parallel_loop3A_433, %parallel_loop3A_434 : vector<16xf32>
          %parallel_loop3A_439 = arith.addf %parallel_loop3A_435, %parallel_loop3A_436 : vector<16xf32>
          %parallel_loop3A_440 = arith.addf %parallel_loop3A_437, %parallel_loop3A_438 : vector<16xf32>
          %parallel_loop3A_441 = arith.addf %parallel_loop3A_439, %parallel_loop3A_440 : vector<16xf32>
          %parallel_loop3A_442 = arith.constant 16 : i32
          %parallel_loop3A_443 = arith.muli %parallel_loop3A_142, %parallel_loop3A_442 : i32
          %parallel_loop3A_444 = arith.constant 16 : i32
          %parallel_loop3A_445 = arith.muli %parallel_loop3A_443, %parallel_loop3A_444 : i32
          %parallel_loop3A_446 = arith.constant 64 : i32
          %parallel_loop3A_447 = arith.addi %parallel_loop3A_445, %parallel_loop3A_446 : i32
          %parallel_loop3A_448 = arith.index_cast %parallel_loop3A_447 : i32 to index
          %parallel_loop3A_449 = tpu.vector_load %arg14[%parallel_loop3A_448] {strides = array<i32>} : memref<6400xf32, #tpu.memory_space<vmem>>, vector<16xf32>,
          tpu.vector_store %arg14[%parallel_loop3A_448], %parallel_loop3A_441 {strides = array<i32>} : memref<6400xf32, #tpu.memory_space<vmem>>, vector<16xf32>,
          %parallel_loop3A_450 = arith.constant 5 : i32
          %parallel_loop3A_451 = arith.addi %parallel_loop3A_144, %parallel_loop3A_450 : i32
          %parallel_loop3A_452 = arith.index_cast %parallel_loop3A_451 : i32 to index
          %parallel_loop3A_453 = arith.constant 0 : index
          %parallel_loop3A_454 = tpu.vector_load %arg11[%parallel_loop3A_452, %parallel_loop3A_453] {strides = array<i32>} : memref<400x64xi32, #tpu.memory_space<vmem>>, vector<16xi32>,
          %parallel_loop3A_455 = vector.bitcast %parallel_loop3A_454 : vector<16xi32> to vector<32xbf16>
          %parallel_loop3A_456 = arith.index_cast %parallel_loop3A_451 : i32 to index
          %parallel_loop3A_457 = arith.constant 0 : index
          %parallel_loop3A_458 = tpu.vector_load %arg13[%parallel_loop3A_456, %parallel_loop3A_457] {strides = array<i32>} : memref<400x64xi32, #tpu.memory_space<vmem>>, vector<16xi32>,
          %parallel_loop3A_459 = vector.bitcast %parallel_loop3A_458 : vector<16xi32> to vector<32xbf16>
          %parallel_loop3A_460 = arith.mulf %parallel_loop3A_455, %parallel_loop3A_459 : vector<32xbf16>
          %parallel_loop3A_461 = tpu.unpack_subelements %parallel_loop3A_460, 0 {pack_format = #tpu.pack_format<interleaved>} : vector<32xbf16> -> vector<16xf32>
          %parallel_loop3A_462 = tpu.unpack_subelements %parallel_loop3A_460, 1 {pack_format = #tpu.pack_format<interleaved>} : vector<32xbf16> -> vector<16xf32>
          %parallel_loop3A_463 = arith.index_cast %parallel_loop3A_451 : i32 to index
          %parallel_loop3A_464 = arith.constant 16 : index
          %parallel_loop3A_465 = tpu.vector_load %arg11[%parallel_loop3A_463, %parallel_loop3A_464] {strides = array<i32>} : memref<400x64xi32, #tpu.memory_space<vmem>>, vector<16xi32>,
          %parallel_loop3A_466 = vector.bitcast %parallel_loop3A_465 : vector<16xi32> to vector<32xbf16>
          %parallel_loop3A_467 = arith.index_cast %parallel_loop3A_451 : i32 to index
          %parallel_loop3A_468 = arith.constant 16 : index
          %parallel_loop3A_469 = tpu.vector_load %arg13[%parallel_loop3A_467, %parallel_loop3A_468] {strides = array<i32>} : memref<400x64xi32, #tpu.memory_space<vmem>>, vector<16xi32>,
          %parallel_loop3A_470 = vector.bitcast %parallel_loop3A_469 : vector<16xi32> to vector<32xbf16>
          %parallel_loop3A_471 = arith.mulf %parallel_loop3A_466, %parallel_loop3A_470 : vector<32xbf16>
          %parallel_loop3A_472 = tpu.unpack_subelements %parallel_loop3A_471, 0 {pack_format = #tpu.pack_format<interleaved>} : vector<32xbf16> -> vector<16xf32>
          %parallel_loop3A_473 = tpu.unpack_subelements %parallel_loop3A_471, 1 {pack_format = #tpu.pack_format<interleaved>} : vector<32xbf16> -> vector<16xf32>
          %parallel_loop3A_474 = arith.index_cast %parallel_loop3A_451 : i32 to index
          %parallel_loop3A_475 = arith.constant 32 : index
          %parallel_loop3A_476 = tpu.vector_load %arg11[%parallel_loop3A_474, %parallel_loop3A_475] {strides = array<i32>} : memref<400x64xi32, #tpu.memory_space<vmem>>, vector<16xi32>,
          %parallel_loop3A_477 = vector.bitcast %parallel_loop3A_476 : vector<16xi32> to vector<32xbf16>
          %parallel_loop3A_478 = arith.index_cast %parallel_loop3A_451 : i32 to index
          %parallel_loop3A_479 = arith.constant 32 : index
          %parallel_loop3A_480 = tpu.vector_load %arg13[%parallel_loop3A_478, %parallel_loop3A_479] {strides = array<i32>} : memref<400x64xi32, #tpu.memory_space<vmem>>, vector<16xi32>,
          %parallel_loop3A_481 = vector.bitcast %parallel_loop3A_480 : vector<16xi32> to vector<32xbf16>
          %parallel_loop3A_482 = arith.mulf %parallel_loop3A_477, %parallel_loop3A_481 : vector<32xbf16>
          %parallel_loop3A_483 = tpu.unpack_subelements %parallel_loop3A_482, 0 {pack_format = #tpu.pack_format<interleaved>} : vector<32xbf16> -> vector<16xf32>
          %parallel_loop3A_484 = tpu.unpack_subelements %parallel_loop3A_482, 1 {pack_format = #tpu.pack_format<interleaved>} : vector<32xbf16> -> vector<16xf32>
          %parallel_loop3A_485 = arith.index_cast %parallel_loop3A_451 : i32 to index
          %parallel_loop3A_486 = arith.constant 48 : index
          %parallel_loop3A_487 = tpu.vector_load %arg11[%parallel_loop3A_485, %parallel_loop3A_486] {strides = array<i32>} : memref<400x64xi32, #tpu.memory_space<vmem>>, vector<16xi32>,
          %parallel_loop3A_488 = vector.bitcast %parallel_loop3A_487 : vector<16xi32> to vector<32xbf16>
          %parallel_loop3A_489 = arith.index_cast %parallel_loop3A_451 : i32 to index
          %parallel_loop3A_490 = arith.constant 48 : index
          %parallel_loop3A_491 = tpu.vector_load %arg13[%parallel_loop3A_489, %parallel_loop3A_490] {strides = array<i32>} : memref<400x64xi32, #tpu.memory_space<vmem>>, vector<16xi32>,
          %parallel_loop3A_492 = vector.bitcast %parallel_loop3A_491 : vector<16xi32> to vector<32xbf16>
          %parallel_loop3A_493 = arith.mulf %parallel_loop3A_488, %parallel_loop3A_492 : vector<32xbf16>
          %parallel_loop3A_494 = tpu.unpack_subelements %parallel_loop3A_493, 0 {pack_format = #tpu.pack_format<interleaved>} : vector<32xbf16> -> vector<16xf32>
          %parallel_loop3A_495 = tpu.unpack_subelements %parallel_loop3A_493, 1 {pack_format = #tpu.pack_format<interleaved>} : vector<32xbf16> -> vector<16xf32>
          %parallel_loop3A_496 = arith.addf %parallel_loop3A_461, %parallel_loop3A_462 : vector<16xf32>
          %parallel_loop3A_497 = arith.addf %parallel_loop3A_472, %parallel_loop3A_473 : vector<16xf32>
          %parallel_loop3A_498 = arith.addf %parallel_loop3A_483, %parallel_loop3A_484 : vector<16xf32>
          %parallel_loop3A_499 = arith.addf %parallel_loop3A_494, %parallel_loop3A_495 : vector<16xf32>
          %parallel_loop3A_500 = arith.addf %parallel_loop3A_496, %parallel_loop3A_497 : vector<16xf32>
          %parallel_loop3A_501 = arith.addf %parallel_loop3A_498, %parallel_loop3A_499 : vector<16xf32>
          %parallel_loop3A_502 = arith.addf %parallel_loop3A_500, %parallel_loop3A_501 : vector<16xf32>
          %parallel_loop3A_503 = arith.constant 16 : i32
          %parallel_loop3A_504 = arith.muli %parallel_loop3A_142, %parallel_loop3A_503 : i32
          %parallel_loop3A_505 = arith.constant 16 : i32
          %parallel_loop3A_506 = arith.muli %parallel_loop3A_504, %parallel_loop3A_505 : i32
          %parallel_loop3A_507 = arith.constant 80 : i32
          %parallel_loop3A_508 = arith.addi %parallel_loop3A_506, %parallel_loop3A_507 : i32
          %parallel_loop3A_509 = arith.index_cast %parallel_loop3A_508 : i32 to index
          %parallel_loop3A_510 = tpu.vector_load %arg14[%parallel_loop3A_509] {strides = array<i32>} : memref<6400xf32, #tpu.memory_space<vmem>>, vector<16xf32>,
          tpu.vector_store %arg14[%parallel_loop3A_509], %parallel_loop3A_502 {strides = array<i32>} : memref<6400xf32, #tpu.memory_space<vmem>>, vector<16xf32>,
          %parallel_loop3A_511 = arith.constant 6 : i32
          %parallel_loop3A_512 = arith.addi %parallel_loop3A_144, %parallel_loop3A_511 : i32
          %parallel_loop3A_513 = arith.index_cast %parallel_loop3A_512 : i32 to index
          %parallel_loop3A_514 = arith.constant 0 : index
          %parallel_loop3A_515 = tpu.vector_load %arg11[%parallel_loop3A_513, %parallel_loop3A_514] {strides = array<i32>} : memref<400x64xi32, #tpu.memory_space<vmem>>, vector<16xi32>,
          %parallel_loop3A_516 = vector.bitcast %parallel_loop3A_515 : vector<16xi32> to vector<32xbf16>
          %parallel_loop3A_517 = arith.index_cast %parallel_loop3A_512 : i32 to index
          %parallel_loop3A_518 = arith.constant 0 : index
          %parallel_loop3A_519 = tpu.vector_load %arg13[%parallel_loop3A_517, %parallel_loop3A_518] {strides = array<i32>} : memref<400x64xi32, #tpu.memory_space<vmem>>, vector<16xi32>,
          %parallel_loop3A_520 = vector.bitcast %parallel_loop3A_519 : vector<16xi32> to vector<32xbf16>
          %parallel_loop3A_521 = arith.mulf %parallel_loop3A_516, %parallel_loop3A_520 : vector<32xbf16>
          %parallel_loop3A_522 = tpu.unpack_subelements %parallel_loop3A_521, 0 {pack_format = #tpu.pack_format<interleaved>} : vector<32xbf16> -> vector<16xf32>
          %parallel_loop3A_523 = tpu.unpack_subelements %parallel_loop3A_521, 1 {pack_format = #tpu.pack_format<interleaved>} : vector<32xbf16> -> vector<16xf32>
          %parallel_loop3A_524 = arith.index_cast %parallel_loop3A_512 : i32 to index
          %parallel_loop3A_525 = arith.constant 16 : index
          %parallel_loop3A_526 = tpu.vector_load %arg11[%parallel_loop3A_524, %parallel_loop3A_525] {strides = array<i32>} : memref<400x64xi32, #tpu.memory_space<vmem>>, vector<16xi32>,
          %parallel_loop3A_527 = vector.bitcast %parallel_loop3A_526 : vector<16xi32> to vector<32xbf16>
          %parallel_loop3A_528 = arith.index_cast %parallel_loop3A_512 : i32 to index
          %parallel_loop3A_529 = arith.constant 16 : index
          %parallel_loop3A_530 = tpu.vector_load %arg13[%parallel_loop3A_528, %parallel_loop3A_529] {strides = array<i32>} : memref<400x64xi32, #tpu.memory_space<vmem>>, vector<16xi32>,
          %parallel_loop3A_531 = vector.bitcast %parallel_loop3A_530 : vector<16xi32> to vector<32xbf16>
          %parallel_loop3A_532 = arith.mulf %parallel_loop3A_527, %parallel_loop3A_531 : vector<32xbf16>
          %parallel_loop3A_533 = tpu.unpack_subelements %parallel_loop3A_532, 0 {pack_format = #tpu.pack_format<interleaved>} : vector<32xbf16> -> vector<16xf32>
          %parallel_loop3A_534 = tpu.unpack_subelements %parallel_loop3A_532, 1 {pack_format = #tpu.pack_format<interleaved>} : vector<32xbf16> -> vector<16xf32>
          %parallel_loop3A_535 = arith.index_cast %parallel_loop3A_512 : i32 to index
          %parallel_loop3A_536 = arith.constant 32 : index
          %parallel_loop3A_537 = tpu.vector_load %arg11[%parallel_loop3A_535, %parallel_loop3A_536] {strides = array<i32>} : memref<400x64xi32, #tpu.memory_space<vmem>>, vector<16xi32>,
          %parallel_loop3A_538 = vector.bitcast %parallel_loop3A_537 : vector<16xi32> to vector<32xbf16>
          %parallel_loop3A_539 = arith.index_cast %parallel_loop3A_512 : i32 to index
          %parallel_loop3A_540 = arith.constant 32 : index
          %parallel_loop3A_541 = tpu.vector_load %arg13[%parallel_loop3A_539, %parallel_loop3A_540] {strides = array<i32>} : memref<400x64xi32, #tpu.memory_space<vmem>>, vector<16xi32>,
          %parallel_loop3A_542 = vector.bitcast %parallel_loop3A_541 : vector<16xi32> to vector<32xbf16>
          %parallel_loop3A_543 = arith.mulf %parallel_loop3A_538, %parallel_loop3A_542 : vector<32xbf16>
          %parallel_loop3A_544 = tpu.unpack_subelements %parallel_loop3A_543, 0 {pack_format = #tpu.pack_format<interleaved>} : vector<32xbf16> -> vector<16xf32>
          %parallel_loop3A_545 = tpu.unpack_subelements %parallel_loop3A_543, 1 {pack_format = #tpu.pack_format<interleaved>} : vector<32xbf16> -> vector<16xf32>
          %parallel_loop3A_546 = arith.index_cast %parallel_loop3A_512 : i32 to index
          %parallel_loop3A_547 = arith.constant 48 : index
          %parallel_loop3A_548 = tpu.vector_load %arg11[%parallel_loop3A_546, %parallel_loop3A_547] {strides = array<i32>} : memref<400x64xi32, #tpu.memory_space<vmem>>, vector<16xi32>,
          %parallel_loop3A_549 = vector.bitcast %parallel_loop3A_548 : vector<16xi32> to vector<32xbf16>
          %parallel_loop3A_550 = arith.index_cast %parallel_loop3A_512 : i32 to index
          %parallel_loop3A_551 = arith.constant 48 : index
          %parallel_loop3A_552 = tpu.vector_load %arg13[%parallel_loop3A_550, %parallel_loop3A_551] {strides = array<i32>} : memref<400x64xi32, #tpu.memory_space<vmem>>, vector<16xi32>,
          %parallel_loop3A_553 = vector.bitcast %parallel_loop3A_552 : vector<16xi32> to vector<32xbf16>
          %parallel_loop3A_554 = arith.mulf %parallel_loop3A_549, %parallel_loop3A_553 : vector<32xbf16>
          %parallel_loop3A_555 = tpu.unpack_subelements %parallel_loop3A_554, 0 {pack_format = #tpu.pack_format<interleaved>} : vector<32xbf16> -> vector<16xf32>
          %parallel_loop3A_556 = tpu.unpack_subelements %parallel_loop3A_554, 1 {pack_format = #tpu.pack_format<interleaved>} : vector<32xbf16> -> vector<16xf32>
          %parallel_loop3A_557 = arith.addf %parallel_loop3A_522, %parallel_loop3A_523 : vector<16xf32>
          %parallel_loop3A_558 = arith.addf %parallel_loop3A_533, %parallel_loop3A_534 : vector<16xf32>
          %parallel_loop3A_559 = arith.addf %parallel_loop3A_544, %parallel_loop3A_545 : vector<16xf32>
          %parallel_loop3A_560 = arith.addf %parallel_loop3A_555, %parallel_loop3A_556 : vector<16xf32>
          %parallel_loop3A_561 = arith.addf %parallel_loop3A_557, %parallel_loop3A_558 : vector<16xf32>
          %parallel_loop3A_562 = arith.addf %parallel_loop3A_559, %parallel_loop3A_560 : vector<16xf32>
          %parallel_loop3A_563 = arith.addf %parallel_loop3A_561, %parallel_loop3A_562 : vector<16xf32>
          %parallel_loop3A_564 = arith.constant 16 : i32
          %parallel_loop3A_565 = arith.muli %parallel_loop3A_142, %parallel_loop3A_564 : i32
          %parallel_loop3A_566 = arith.constant 16 : i32
          %parallel_loop3A_567 = arith.muli %parallel_loop3A_565, %parallel_loop3A_566 : i32
          %parallel_loop3A_568 = arith.constant 96 : i32
          %parallel_loop3A_569 = arith.addi %parallel_loop3A_567, %parallel_loop3A_568 : i32
          %parallel_loop3A_570 = arith.index_cast %parallel_loop3A_569 : i32 to index
          %parallel_loop3A_571 = tpu.vector_load %arg14[%parallel_loop3A_570] {strides = array<i32>} : memref<6400xf32, #tpu.memory_space<vmem>>, vector<16xf32>,
          tpu.vector_store %arg14[%parallel_loop3A_570], %parallel_loop3A_563 {strides = array<i32>} : memref<6400xf32, #tpu.memory_space<vmem>>, vector<16xf32>,
          %parallel_loop3A_572 = arith.constant 7 : i32
          %parallel_loop3A_573 = arith.addi %parallel_loop3A_144, %parallel_loop3A_572 : i32
          %parallel_loop3A_574 = arith.index_cast %parallel_loop3A_573 : i32 to index
          %parallel_loop3A_575 = arith.constant 0 : index
          %parallel_loop3A_576 = tpu.vector_load %arg11[%parallel_loop3A_574, %parallel_loop3A_575] {strides = array<i32>} : memref<400x64xi32, #tpu.memory_space<vmem>>, vector<16xi32>,
          %parallel_loop3A_577 = vector.bitcast %parallel_loop3A_576 : vector<16xi32> to vector<32xbf16>
          %parallel_loop3A_578 = arith.index_cast %parallel_loop3A_573 : i32 to index
          %parallel_loop3A_579 = arith.constant 0 : index
          %parallel_loop3A_580 = tpu.vector_load %arg13[%parallel_loop3A_578, %parallel_loop3A_579] {strides = array<i32>} : memref<400x64xi32, #tpu.memory_space<vmem>>, vector<16xi32>,
          %parallel_loop3A_581 = vector.bitcast %parallel_loop3A_580 : vector<16xi32> to vector<32xbf16>
          %parallel_loop3A_582 = arith.mulf %parallel_loop3A_577, %parallel_loop3A_581 : vector<32xbf16>
          %parallel_loop3A_583 = tpu.unpack_subelements %parallel_loop3A_582, 0 {pack_format = #tpu.pack_format<interleaved>} : vector<32xbf16> -> vector<16xf32>
          %parallel_loop3A_584 = tpu.unpack_subelements %parallel_loop3A_582, 1 {pack_format = #tpu.pack_format<interleaved>} : vector<32xbf16> -> vector<16xf32>
          %parallel_loop3A_585 = arith.index_cast %parallel_loop3A_573 : i32 to index
          %parallel_loop3A_586 = arith.constant 16 : index
          %parallel_loop3A_587 = tpu.vector_load %arg11[%parallel_loop3A_585, %parallel_loop3A_586] {strides = array<i32>} : memref<400x64xi32, #tpu.memory_space<vmem>>, vector<16xi32>,
          %parallel_loop3A_588 = vector.bitcast %parallel_loop3A_587 : vector<16xi32> to vector<32xbf16>
          %parallel_loop3A_589 = arith.index_cast %parallel_loop3A_573 : i32 to index
          %parallel_loop3A_590 = arith.constant 16 : index
          %parallel_loop3A_591 = tpu.vector_load %arg13[%parallel_loop3A_589, %parallel_loop3A_590] {strides = array<i32>} : memref<400x64xi32, #tpu.memory_space<vmem>>, vector<16xi32>,
          %parallel_loop3A_592 = vector.bitcast %parallel_loop3A_591 : vector<16xi32> to vector<32xbf16>
          %parallel_loop3A_593 = arith.mulf %parallel_loop3A_588, %parallel_loop3A_592 : vector<32xbf16>
          %parallel_loop3A_594 = tpu.unpack_subelements %parallel_loop3A_593, 0 {pack_format = #tpu.pack_format<interleaved>} : vector<32xbf16> -> vector<16xf32>
          %parallel_loop3A_595 = tpu.unpack_subelements %parallel_loop3A_593, 1 {pack_format = #tpu.pack_format<interleaved>} : vector<32xbf16> -> vector<16xf32>
          %parallel_loop3A_596 = arith.index_cast %parallel_loop3A_573 : i32 to index
          %parallel_loop3A_597 = arith.constant 32 : index
          %parallel_loop3A_598 = tpu.vector_load %arg11[%parallel_loop3A_596, %parallel_loop3A_597] {strides = array<i32>} : memref<400x64xi32, #tpu.memory_space<vmem>>, vector<16xi32>,
          %parallel_loop3A_599 = vector.bitcast %parallel_loop3A_598 : vector<16xi32> to vector<32xbf16>
          %parallel_loop3A_600 = arith.index_cast %parallel_loop3A_573 : i32 to index
          %parallel_loop3A_601 = arith.constant 32 : index
          %parallel_loop3A_602 = tpu.vector_load %arg13[%parallel_loop3A_600, %parallel_loop3A_601] {strides = array<i32>} : memref<400x64xi32, #tpu.memory_space<vmem>>, vector<16xi32>,
          %parallel_loop3A_603 = vector.bitcast %parallel_loop3A_602 : vector<16xi32> to vector<32xbf16>
          %parallel_loop3A_604 = arith.mulf %parallel_loop3A_599, %parallel_loop3A_603 : vector<32xbf16>
          %parallel_loop3A_605 = tpu.unpack_subelements %parallel_loop3A_604, 0 {pack_format = #tpu.pack_format<interleaved>} : vector<32xbf16> -> vector<16xf32>
          %parallel_loop3A_606 = tpu.unpack_subelements %parallel_loop3A_604, 1 {pack_format = #tpu.pack_format<interleaved>} : vector<32xbf16> -> vector<16xf32>
          %parallel_loop3A_607 = arith.index_cast %parallel_loop3A_573 : i32 to index
          %parallel_loop3A_608 = arith.constant 48 : index
          %parallel_loop3A_609 = tpu.vector_load %arg11[%parallel_loop3A_607, %parallel_loop3A_608] {strides = array<i32>} : memref<400x64xi32, #tpu.memory_space<vmem>>, vector<16xi32>,
          %parallel_loop3A_610 = vector.bitcast %parallel_loop3A_609 : vector<16xi32> to vector<32xbf16>
          %parallel_loop3A_611 = arith.index_cast %parallel_loop3A_573 : i32 to index
          %parallel_loop3A_612 = arith.constant 48 : index
          %parallel_loop3A_613 = tpu.vector_load %arg13[%parallel_loop3A_611, %parallel_loop3A_612] {strides = array<i32>} : memref<400x64xi32, #tpu.memory_space<vmem>>, vector<16xi32>,
          %parallel_loop3A_614 = vector.bitcast %parallel_loop3A_613 : vector<16xi32> to vector<32xbf16>
          %parallel_loop3A_615 = arith.mulf %parallel_loop3A_610, %parallel_loop3A_614 : vector<32xbf16>
          %parallel_loop3A_616 = tpu.unpack_subelements %parallel_loop3A_615, 0 {pack_format = #tpu.pack_format<interleaved>} : vector<32xbf16> -> vector<16xf32>
          %parallel_loop3A_617 = tpu.unpack_subelements %parallel_loop3A_615, 1 {pack_format = #tpu.pack_format<interleaved>} : vector<32xbf16> -> vector<16xf32>
          %parallel_loop3A_618 = arith.addf %parallel_loop3A_583, %parallel_loop3A_584 : vector<16xf32>
          %parallel_loop3A_619 = arith.addf %parallel_loop3A_594, %parallel_loop3A_595 : vector<16xf32>
          %parallel_loop3A_620 = arith.addf %parallel_loop3A_605, %parallel_loop3A_606 : vector<16xf32>
          %parallel_loop3A_621 = arith.addf %parallel_loop3A_616, %parallel_loop3A_617 : vector<16xf32>
          %parallel_loop3A_622 = arith.addf %parallel_loop3A_618, %parallel_loop3A_619 : vector<16xf32>
          %parallel_loop3A_623 = arith.addf %parallel_loop3A_620, %parallel_loop3A_621 : vector<16xf32>
          %parallel_loop3A_624 = arith.addf %parallel_loop3A_622, %parallel_loop3A_623 : vector<16xf32>
          %parallel_loop3A_625 = arith.constant 16 : i32
          %parallel_loop3A_626 = arith.muli %parallel_loop3A_142, %parallel_loop3A_625 : i32
          %parallel_loop3A_627 = arith.constant 16 : i32
          %parallel_loop3A_628 = arith.muli %parallel_loop3A_626, %parallel_loop3A_627 : i32
          %parallel_loop3A_629 = arith.constant 112 : i32
          %parallel_loop3A_630 = arith.addi %parallel_loop3A_628, %parallel_loop3A_629 : i32
          %parallel_loop3A_631 = arith.index_cast %parallel_loop3A_630 : i32 to index
          %parallel_loop3A_632 = tpu.vector_load %arg14[%parallel_loop3A_631] {strides = array<i32>} : memref<6400xf32, #tpu.memory_space<vmem>>, vector<16xf32>,
          tpu.vector_store %arg14[%parallel_loop3A_631], %parallel_loop3A_624 {strides = array<i32>} : memref<6400xf32, #tpu.memory_space<vmem>>, vector<16xf32>,
          %parallel_loop3A_633 = arith.constant 8 : i32
          %parallel_loop3A_634 = arith.addi %parallel_loop3A_144, %parallel_loop3A_633 : i32
          %parallel_loop3A_635 = arith.index_cast %parallel_loop3A_634 : i32 to index
          %parallel_loop3A_636 = arith.constant 0 : index
          %parallel_loop3A_637 = tpu.vector_load %arg11[%parallel_loop3A_635, %parallel_loop3A_636] {strides = array<i32>} : memref<400x64xi32, #tpu.memory_space<vmem>>, vector<16xi32>,
          %parallel_loop3A_638 = vector.bitcast %parallel_loop3A_637 : vector<16xi32> to vector<32xbf16>
          %parallel_loop3A_639 = arith.index_cast %parallel_loop3A_634 : i32 to index
          %parallel_loop3A_640 = arith.constant 0 : index
          %parallel_loop3A_641 = tpu.vector_load %arg13[%parallel_loop3A_639, %parallel_loop3A_640] {strides = array<i32>} : memref<400x64xi32, #tpu.memory_space<vmem>>, vector<16xi32>,
          %parallel_loop3A_642 = vector.bitcast %parallel_loop3A_641 : vector<16xi32> to vector<32xbf16>
          %parallel_loop3A_643 = arith.mulf %parallel_loop3A_638, %parallel_loop3A_642 : vector<32xbf16>
          %parallel_loop3A_644 = tpu.unpack_subelements %parallel_loop3A_643, 0 {pack_format = #tpu.pack_format<interleaved>} : vector<32xbf16> -> vector<16xf32>
          %parallel_loop3A_645 = tpu.unpack_subelements %parallel_loop3A_643, 1 {pack_format = #tpu.pack_format<interleaved>} : vector<32xbf16> -> vector<16xf32>
          %parallel_loop3A_646 = arith.index_cast %parallel_loop3A_634 : i32 to index
          %parallel_loop3A_647 = arith.constant 16 : index
          %parallel_loop3A_648 = tpu.vector_load %arg11[%parallel_loop3A_646, %parallel_loop3A_647] {strides = array<i32>} : memref<400x64xi32, #tpu.memory_space<vmem>>, vector<16xi32>,
          %parallel_loop3A_649 = vector.bitcast %parallel_loop3A_648 : vector<16xi32> to vector<32xbf16>
          %parallel_loop3A_650 = arith.index_cast %parallel_loop3A_634 : i32 to index
          %parallel_loop3A_651 = arith.constant 16 : index
          %parallel_loop3A_652 = tpu.vector_load %arg13[%parallel_loop3A_650, %parallel_loop3A_651] {strides = array<i32>} : memref<400x64xi32, #tpu.memory_space<vmem>>, vector<16xi32>,
          %parallel_loop3A_653 = vector.bitcast %parallel_loop3A_652 : vector<16xi32> to vector<32xbf16>
          %parallel_loop3A_654 = arith.mulf %parallel_loop3A_649, %parallel_loop3A_653 : vector<32xbf16>
          %parallel_loop3A_655 = tpu.unpack_subelements %parallel_loop3A_654, 0 {pack_format = #tpu.pack_format<interleaved>} : vector<32xbf16> -> vector<16xf32>
          %parallel_loop3A_656 = tpu.unpack_subelements %parallel_loop3A_654, 1 {pack_format = #tpu.pack_format<interleaved>} : vector<32xbf16> -> vector<16xf32>
          %parallel_loop3A_657 = arith.index_cast %parallel_loop3A_634 : i32 to index
          %parallel_loop3A_658 = arith.constant 32 : index
          %parallel_loop3A_659 = tpu.vector_load %arg11[%parallel_loop3A_657, %parallel_loop3A_658] {strides = array<i32>} : memref<400x64xi32, #tpu.memory_space<vmem>>, vector<16xi32>,
          %parallel_loop3A_660 = vector.bitcast %parallel_loop3A_659 : vector<16xi32> to vector<32xbf16>
          %parallel_loop3A_661 = arith.index_cast %parallel_loop3A_634 : i32 to index
          %parallel_loop3A_662 = arith.constant 32 : index
          %parallel_loop3A_663 = tpu.vector_load %arg13[%parallel_loop3A_661, %parallel_loop3A_662] {strides = array<i32>} : memref<400x64xi32, #tpu.memory_space<vmem>>, vector<16xi32>,
          %parallel_loop3A_664 = vector.bitcast %parallel_loop3A_663 : vector<16xi32> to vector<32xbf16>
          %parallel_loop3A_665 = arith.mulf %parallel_loop3A_660, %parallel_loop3A_664 : vector<32xbf16>
          %parallel_loop3A_666 = tpu.unpack_subelements %parallel_loop3A_665, 0 {pack_format = #tpu.pack_format<interleaved>} : vector<32xbf16> -> vector<16xf32>
          %parallel_loop3A_667 = tpu.unpack_subelements %parallel_loop3A_665, 1 {pack_format = #tpu.pack_format<interleaved>} : vector<32xbf16> -> vector<16xf32>
          %parallel_loop3A_668 = arith.index_cast %parallel_loop3A_634 : i32 to index
          %parallel_loop3A_669 = arith.constant 48 : index
          %parallel_loop3A_670 = tpu.vector_load %arg11[%parallel_loop3A_668, %parallel_loop3A_669] {strides = array<i32>} : memref<400x64xi32, #tpu.memory_space<vmem>>, vector<16xi32>,
          %parallel_loop3A_671 = vector.bitcast %parallel_loop3A_670 : vector<16xi32> to vector<32xbf16>
          %parallel_loop3A_672 = arith.index_cast %parallel_loop3A_634 : i32 to index
          %parallel_loop3A_673 = arith.constant 48 : index
          %parallel_loop3A_674 = tpu.vector_load %arg13[%parallel_loop3A_672, %parallel_loop3A_673] {strides = array<i32>} : memref<400x64xi32, #tpu.memory_space<vmem>>, vector<16xi32>,
          %parallel_loop3A_675 = vector.bitcast %parallel_loop3A_674 : vector<16xi32> to vector<32xbf16>
          %parallel_loop3A_676 = arith.mulf %parallel_loop3A_671, %parallel_loop3A_675 : vector<32xbf16>
          %parallel_loop3A_677 = tpu.unpack_subelements %parallel_loop3A_676, 0 {pack_format = #tpu.pack_format<interleaved>} : vector<32xbf16> -> vector<16xf32>
          %parallel_loop3A_678 = tpu.unpack_subelements %parallel_loop3A_676, 1 {pack_format = #tpu.pack_format<interleaved>} : vector<32xbf16> -> vector<16xf32>
          %parallel_loop3A_679 = arith.addf %parallel_loop3A_644, %parallel_loop3A_645 : vector<16xf32>
          %parallel_loop3A_680 = arith.addf %parallel_loop3A_655, %parallel_loop3A_656 : vector<16xf32>
          %parallel_loop3A_681 = arith.addf %parallel_loop3A_666, %parallel_loop3A_667 : vector<16xf32>
          %parallel_loop3A_682 = arith.addf %parallel_loop3A_677, %parallel_loop3A_678 : vector<16xf32>
          %parallel_loop3A_683 = arith.addf %parallel_loop3A_679, %parallel_loop3A_680 : vector<16xf32>
          %parallel_loop3A_684 = arith.addf %parallel_loop3A_681, %parallel_loop3A_682 : vector<16xf32>
          %parallel_loop3A_685 = arith.addf %parallel_loop3A_683, %parallel_loop3A_684 : vector<16xf32>
          %parallel_loop3A_686 = arith.constant 16 : i32
          %parallel_loop3A_687 = arith.muli %parallel_loop3A_142, %parallel_loop3A_686 : i32
          %parallel_loop3A_688 = arith.constant 16 : i32
          %parallel_loop3A_689 = arith.muli %parallel_loop3A_687, %parallel_loop3A_688 : i32
          %parallel_loop3A_690 = arith.constant 128 : i32
          %parallel_loop3A_691 = arith.addi %parallel_loop3A_689, %parallel_loop3A_690 : i32
          %parallel_loop3A_692 = arith.index_cast %parallel_loop3A_691 : i32 to index
          %parallel_loop3A_693 = tpu.vector_load %arg14[%parallel_loop3A_692] {strides = array<i32>} : memref<6400xf32, #tpu.memory_space<vmem>>, vector<16xf32>,
          tpu.vector_store %arg14[%parallel_loop3A_692], %parallel_loop3A_685 {strides = array<i32>} : memref<6400xf32, #tpu.memory_space<vmem>>, vector<16xf32>,
          %parallel_loop3A_694 = arith.constant 9 : i32
          %parallel_loop3A_695 = arith.addi %parallel_loop3A_144, %parallel_loop3A_694 : i32
          %parallel_loop3A_696 = arith.index_cast %parallel_loop3A_695 : i32 to index
          %parallel_loop3A_697 = arith.constant 0 : index
          %parallel_loop3A_698 = tpu.vector_load %arg11[%parallel_loop3A_696, %parallel_loop3A_697] {strides = array<i32>} : memref<400x64xi32, #tpu.memory_space<vmem>>, vector<16xi32>,
          %parallel_loop3A_699 = vector.bitcast %parallel_loop3A_698 : vector<16xi32> to vector<32xbf16>
          %parallel_loop3A_700 = arith.index_cast %parallel_loop3A_695 : i32 to index
          %parallel_loop3A_701 = arith.constant 0 : index
          %parallel_loop3A_702 = tpu.vector_load %arg13[%parallel_loop3A_700, %parallel_loop3A_701] {strides = array<i32>} : memref<400x64xi32, #tpu.memory_space<vmem>>, vector<16xi32>,
          %parallel_loop3A_703 = vector.bitcast %parallel_loop3A_702 : vector<16xi32> to vector<32xbf16>
          %parallel_loop3A_704 = arith.mulf %parallel_loop3A_699, %parallel_loop3A_703 : vector<32xbf16>
          %parallel_loop3A_705 = tpu.unpack_subelements %parallel_loop3A_704, 0 {pack_format = #tpu.pack_format<interleaved>} : vector<32xbf16> -> vector<16xf32>
          %parallel_loop3A_706 = tpu.unpack_subelements %parallel_loop3A_704, 1 {pack_format = #tpu.pack_format<interleaved>} : vector<32xbf16> -> vector<16xf32>
          %parallel_loop3A_707 = arith.index_cast %parallel_loop3A_695 : i32 to index
          %parallel_loop3A_708 = arith.constant 16 : index
          %parallel_loop3A_709 = tpu.vector_load %arg11[%parallel_loop3A_707, %parallel_loop3A_708] {strides = array<i32>} : memref<400x64xi32, #tpu.memory_space<vmem>>, vector<16xi32>,
          %parallel_loop3A_710 = vector.bitcast %parallel_loop3A_709 : vector<16xi32> to vector<32xbf16>
          %parallel_loop3A_711 = arith.index_cast %parallel_loop3A_695 : i32 to index
          %parallel_loop3A_712 = arith.constant 16 : index
          %parallel_loop3A_713 = tpu.vector_load %arg13[%parallel_loop3A_711, %parallel_loop3A_712] {strides = array<i32>} : memref<400x64xi32, #tpu.memory_space<vmem>>, vector<16xi32>,
          %parallel_loop3A_714 = vector.bitcast %parallel_loop3A_713 : vector<16xi32> to vector<32xbf16>
          %parallel_loop3A_715 = arith.mulf %parallel_loop3A_710, %parallel_loop3A_714 : vector<32xbf16>
          %parallel_loop3A_716 = tpu.unpack_subelements %parallel_loop3A_715, 0 {pack_format = #tpu.pack_format<interleaved>} : vector<32xbf16> -> vector<16xf32>
          %parallel_loop3A_717 = tpu.unpack_subelements %parallel_loop3A_715, 1 {pack_format = #tpu.pack_format<interleaved>} : vector<32xbf16> -> vector<16xf32>
          %parallel_loop3A_718 = arith.index_cast %parallel_loop3A_695 : i32 to index
          %parallel_loop3A_719 = arith.constant 32 : index
          %parallel_loop3A_720 = tpu.vector_load %arg11[%parallel_loop3A_718, %parallel_loop3A_719] {strides = array<i32>} : memref<400x64xi32, #tpu.memory_space<vmem>>, vector<16xi32>,
          %parallel_loop3A_721 = vector.bitcast %parallel_loop3A_720 : vector<16xi32> to vector<32xbf16>
          %parallel_loop3A_722 = arith.index_cast %parallel_loop3A_695 : i32 to index
          %parallel_loop3A_723 = arith.constant 32 : index
          %parallel_loop3A_724 = tpu.vector_load %arg13[%parallel_loop3A_722, %parallel_loop3A_723] {strides = array<i32>} : memref<400x64xi32, #tpu.memory_space<vmem>>, vector<16xi32>,
          %parallel_loop3A_725 = vector.bitcast %parallel_loop3A_724 : vector<16xi32> to vector<32xbf16>
          %parallel_loop3A_726 = arith.mulf %parallel_loop3A_721, %parallel_loop3A_725 : vector<32xbf16>
          %parallel_loop3A_727 = tpu.unpack_subelements %parallel_loop3A_726, 0 {pack_format = #tpu.pack_format<interleaved>} : vector<32xbf16> -> vector<16xf32>
          %parallel_loop3A_728 = tpu.unpack_subelements %parallel_loop3A_726, 1 {pack_format = #tpu.pack_format<interleaved>} : vector<32xbf16> -> vector<16xf32>
          %parallel_loop3A_729 = arith.index_cast %parallel_loop3A_695 : i32 to index
          %parallel_loop3A_730 = arith.constant 48 : index
          %parallel_loop3A_731 = tpu.vector_load %arg11[%parallel_loop3A_729, %parallel_loop3A_730] {strides = array<i32>} : memref<400x64xi32, #tpu.memory_space<vmem>>, vector<16xi32>,
          %parallel_loop3A_732 = vector.bitcast %parallel_loop3A_731 : vector<16xi32> to vector<32xbf16>
          %parallel_loop3A_733 = arith.index_cast %parallel_loop3A_695 : i32 to index
          %parallel_loop3A_734 = arith.constant 48 : index
          %parallel_loop3A_735 = tpu.vector_load %arg13[%parallel_loop3A_733, %parallel_loop3A_734] {strides = array<i32>} : memref<400x64xi32, #tpu.memory_space<vmem>>, vector<16xi32>,
          %parallel_loop3A_736 = vector.bitcast %parallel_loop3A_735 : vector<16xi32> to vector<32xbf16>
          %parallel_loop3A_737 = arith.mulf %parallel_loop3A_732, %parallel_loop3A_736 : vector<32xbf16>
          %parallel_loop3A_738 = tpu.unpack_subelements %parallel_loop3A_737, 0 {pack_format = #tpu.pack_format<interleaved>} : vector<32xbf16> -> vector<16xf32>
          %parallel_loop3A_739 = tpu.unpack_subelements %parallel_loop3A_737, 1 {pack_format = #tpu.pack_format<interleaved>} : vector<32xbf16> -> vector<16xf32>
          %parallel_loop3A_740 = arith.addf %parallel_loop3A_705, %parallel_loop3A_706 : vector<16xf32>
          %parallel_loop3A_741 = arith.addf %parallel_loop3A_716, %parallel_loop3A_717 : vector<16xf32>
          %parallel_loop3A_742 = arith.addf %parallel_loop3A_727, %parallel_loop3A_728 : vector<16xf32>
          %parallel_loop3A_743 = arith.addf %parallel_loop3A_738, %parallel_loop3A_739 : vector<16xf32>
          %parallel_loop3A_744 = arith.addf %parallel_loop3A_740, %parallel_loop3A_741 : vector<16xf32>
          %parallel_loop3A_745 = arith.addf %parallel_loop3A_742, %parallel_loop3A_743 : vector<16xf32>
          %parallel_loop3A_746 = arith.addf %parallel_loop3A_744, %parallel_loop3A_745 : vector<16xf32>
          %parallel_loop3A_747 = arith.constant 16 : i32
          %parallel_loop3A_748 = arith.muli %parallel_loop3A_142, %parallel_loop3A_747 : i32
          %parallel_loop3A_749 = arith.constant 16 : i32
          %parallel_loop3A_750 = arith.muli %parallel_loop3A_748, %parallel_loop3A_749 : i32
          %parallel_loop3A_751 = arith.constant 144 : i32
          %parallel_loop3A_752 = arith.addi %parallel_loop3A_750, %parallel_loop3A_751 : i32
          %parallel_loop3A_753 = arith.index_cast %parallel_loop3A_752 : i32 to index
          %parallel_loop3A_754 = tpu.vector_load %arg14[%parallel_loop3A_753] {strides = array<i32>} : memref<6400xf32, #tpu.memory_space<vmem>>, vector<16xf32>,
          tpu.vector_store %arg14[%parallel_loop3A_753], %parallel_loop3A_746 {strides = array<i32>} : memref<6400xf32, #tpu.memory_space<vmem>>, vector<16xf32>,
          %parallel_loop3A_755 = arith.constant 10 : i32
          %parallel_loop3A_756 = arith.addi %parallel_loop3A_144, %parallel_loop3A_755 : i32
          %parallel_loop3A_757 = arith.index_cast %parallel_loop3A_756 : i32 to index
          %parallel_loop3A_758 = arith.constant 0 : index
          %parallel_loop3A_759 = tpu.vector_load %arg11[%parallel_loop3A_757, %parallel_loop3A_758] {strides = array<i32>} : memref<400x64xi32, #tpu.memory_space<vmem>>, vector<16xi32>,
          %parallel_loop3A_760 = vector.bitcast %parallel_loop3A_759 : vector<16xi32> to vector<32xbf16>
          %parallel_loop3A_761 = arith.index_cast %parallel_loop3A_756 : i32 to index
          %parallel_loop3A_762 = arith.constant 0 : index
          %parallel_loop3A_763 = tpu.vector_load %arg13[%parallel_loop3A_761, %parallel_loop3A_762] {strides = array<i32>} : memref<400x64xi32, #tpu.memory_space<vmem>>, vector<16xi32>,
          %parallel_loop3A_764 = vector.bitcast %parallel_loop3A_763 : vector<16xi32> to vector<32xbf16>
          %parallel_loop3A_765 = arith.mulf %parallel_loop3A_760, %parallel_loop3A_764 : vector<32xbf16>
          %parallel_loop3A_766 = tpu.unpack_subelements %parallel_loop3A_765, 0 {pack_format = #tpu.pack_format<interleaved>} : vector<32xbf16> -> vector<16xf32>
          %parallel_loop3A_767 = tpu.unpack_subelements %parallel_loop3A_765, 1 {pack_format = #tpu.pack_format<interleaved>} : vector<32xbf16> -> vector<16xf32>
          %parallel_loop3A_768 = arith.index_cast %parallel_loop3A_756 : i32 to index
          %parallel_loop3A_769 = arith.constant 16 : index
          %parallel_loop3A_770 = tpu.vector_load %arg11[%parallel_loop3A_768, %parallel_loop3A_769] {strides = array<i32>} : memref<400x64xi32, #tpu.memory_space<vmem>>, vector<16xi32>,
          %parallel_loop3A_771 = vector.bitcast %parallel_loop3A_770 : vector<16xi32> to vector<32xbf16>
          %parallel_loop3A_772 = arith.index_cast %parallel_loop3A_756 : i32 to index
          %parallel_loop3A_773 = arith.constant 16 : index
          %parallel_loop3A_774 = tpu.vector_load %arg13[%parallel_loop3A_772, %parallel_loop3A_773] {strides = array<i32>} : memref<400x64xi32, #tpu.memory_space<vmem>>, vector<16xi32>,
          %parallel_loop3A_775 = vector.bitcast %parallel_loop3A_774 : vector<16xi32> to vector<32xbf16>
          %parallel_loop3A_776 = arith.mulf %parallel_loop3A_771, %parallel_loop3A_775 : vector<32xbf16>
          %parallel_loop3A_777 = tpu.unpack_subelements %parallel_loop3A_776, 0 {pack_format = #tpu.pack_format<interleaved>} : vector<32xbf16> -> vector<16xf32>
          %parallel_loop3A_778 = tpu.unpack_subelements %parallel_loop3A_776, 1 {pack_format = #tpu.pack_format<interleaved>} : vector<32xbf16> -> vector<16xf32>
          %parallel_loop3A_779 = arith.index_cast %parallel_loop3A_756 : i32 to index
          %parallel_loop3A_780 = arith.constant 32 : index
          %parallel_loop3A_781 = tpu.vector_load %arg11[%parallel_loop3A_779, %parallel_loop3A_780] {strides = array<i32>} : memref<400x64xi32, #tpu.memory_space<vmem>>, vector<16xi32>,
          %parallel_loop3A_782 = vector.bitcast %parallel_loop3A_781 : vector<16xi32> to vector<32xbf16>
          %parallel_loop3A_783 = arith.index_cast %parallel_loop3A_756 : i32 to index
          %parallel_loop3A_784 = arith.constant 32 : index
          %parallel_loop3A_785 = tpu.vector_load %arg13[%parallel_loop3A_783, %parallel_loop3A_784] {strides = array<i32>} : memref<400x64xi32, #tpu.memory_space<vmem>>, vector<16xi32>,
          %parallel_loop3A_786 = vector.bitcast %parallel_loop3A_785 : vector<16xi32> to vector<32xbf16>
          %parallel_loop3A_787 = arith.mulf %parallel_loop3A_782, %parallel_loop3A_786 : vector<32xbf16>
          %parallel_loop3A_788 = tpu.unpack_subelements %parallel_loop3A_787, 0 {pack_format = #tpu.pack_format<interleaved>} : vector<32xbf16> -> vector<16xf32>
          %parallel_loop3A_789 = tpu.unpack_subelements %parallel_loop3A_787, 1 {pack_format = #tpu.pack_format<interleaved>} : vector<32xbf16> -> vector<16xf32>
          %parallel_loop3A_790 = arith.index_cast %parallel_loop3A_756 : i32 to index
          %parallel_loop3A_791 = arith.constant 48 : index
          %parallel_loop3A_792 = tpu.vector_load %arg11[%parallel_loop3A_790, %parallel_loop3A_791] {strides = array<i32>} : memref<400x64xi32, #tpu.memory_space<vmem>>, vector<16xi32>,
          %parallel_loop3A_793 = vector.bitcast %parallel_loop3A_792 : vector<16xi32> to vector<32xbf16>
          %parallel_loop3A_794 = arith.index_cast %parallel_loop3A_756 : i32 to index
          %parallel_loop3A_795 = arith.constant 48 : index
          %parallel_loop3A_796 = tpu.vector_load %arg13[%parallel_loop3A_794, %parallel_loop3A_795] {strides = array<i32>} : memref<400x64xi32, #tpu.memory_space<vmem>>, vector<16xi32>,
          %parallel_loop3A_797 = vector.bitcast %parallel_loop3A_796 : vector<16xi32> to vector<32xbf16>
          %parallel_loop3A_798 = arith.mulf %parallel_loop3A_793, %parallel_loop3A_797 : vector<32xbf16>
          %parallel_loop3A_799 = tpu.unpack_subelements %parallel_loop3A_798, 0 {pack_format = #tpu.pack_format<interleaved>} : vector<32xbf16> -> vector<16xf32>
          %parallel_loop3A_800 = tpu.unpack_subelements %parallel_loop3A_798, 1 {pack_format = #tpu.pack_format<interleaved>} : vector<32xbf16> -> vector<16xf32>
          %parallel_loop3A_801 = arith.addf %parallel_loop3A_766, %parallel_loop3A_767 : vector<16xf32>
          %parallel_loop3A_802 = arith.addf %parallel_loop3A_777, %parallel_loop3A_778 : vector<16xf32>
          %parallel_loop3A_803 = arith.addf %parallel_loop3A_788, %parallel_loop3A_789 : vector<16xf32>
          %parallel_loop3A_804 = arith.addf %parallel_loop3A_799, %parallel_loop3A_800 : vector<16xf32>
          %parallel_loop3A_805 = arith.addf %parallel_loop3A_801, %parallel_loop3A_802 : vector<16xf32>
          %parallel_loop3A_806 = arith.addf %parallel_loop3A_803, %parallel_loop3A_804 : vector<16xf32>
          %parallel_loop3A_807 = arith.addf %parallel_loop3A_805, %parallel_loop3A_806 : vector<16xf32>
          %parallel_loop3A_808 = arith.constant 16 : i32
          %parallel_loop3A_809 = arith.muli %parallel_loop3A_142, %parallel_loop3A_808 : i32
          %parallel_loop3A_810 = arith.constant 16 : i32
          %parallel_loop3A_811 = arith.muli %parallel_loop3A_809, %parallel_loop3A_810 : i32
          %parallel_loop3A_812 = arith.constant 160 : i32
          %parallel_loop3A_813 = arith.addi %parallel_loop3A_811, %parallel_loop3A_812 : i32
          %parallel_loop3A_814 = arith.index_cast %parallel_loop3A_813 : i32 to index
          %parallel_loop3A_815 = tpu.vector_load %arg14[%parallel_loop3A_814] {strides = array<i32>} : memref<6400xf32, #tpu.memory_space<vmem>>, vector<16xf32>,
          tpu.vector_store %arg14[%parallel_loop3A_814], %parallel_loop3A_807 {strides = array<i32>} : memref<6400xf32, #tpu.memory_space<vmem>>, vector<16xf32>,
          %parallel_loop3A_816 = arith.constant 11 : i32
          %parallel_loop3A_817 = arith.addi %parallel_loop3A_144, %parallel_loop3A_816 : i32
          %parallel_loop3A_818 = arith.index_cast %parallel_loop3A_817 : i32 to index
          %parallel_loop3A_819 = arith.constant 0 : index
          %parallel_loop3A_820 = tpu.vector_load %arg11[%parallel_loop3A_818, %parallel_loop3A_819] {strides = array<i32>} : memref<400x64xi32, #tpu.memory_space<vmem>>, vector<16xi32>,
          %parallel_loop3A_821 = vector.bitcast %parallel_loop3A_820 : vector<16xi32> to vector<32xbf16>
          %parallel_loop3A_822 = arith.index_cast %parallel_loop3A_817 : i32 to index
          %parallel_loop3A_823 = arith.constant 0 : index
          %parallel_loop3A_824 = tpu.vector_load %arg13[%parallel_loop3A_822, %parallel_loop3A_823] {strides = array<i32>} : memref<400x64xi32, #tpu.memory_space<vmem>>, vector<16xi32>,
          %parallel_loop3A_825 = vector.bitcast %parallel_loop3A_824 : vector<16xi32> to vector<32xbf16>
          %parallel_loop3A_826 = arith.mulf %parallel_loop3A_821, %parallel_loop3A_825 : vector<32xbf16>
          %parallel_loop3A_827 = tpu.unpack_subelements %parallel_loop3A_826, 0 {pack_format = #tpu.pack_format<interleaved>} : vector<32xbf16> -> vector<16xf32>
          %parallel_loop3A_828 = tpu.unpack_subelements %parallel_loop3A_826, 1 {pack_format = #tpu.pack_format<interleaved>} : vector<32xbf16> -> vector<16xf32>
          %parallel_loop3A_829 = arith.index_cast %parallel_loop3A_817 : i32 to index
          %parallel_loop3A_830 = arith.constant 16 : index
          %parallel_loop3A_831 = tpu.vector_load %arg11[%parallel_loop3A_829, %parallel_loop3A_830] {strides = array<i32>} : memref<400x64xi32, #tpu.memory_space<vmem>>, vector<16xi32>,
          %parallel_loop3A_832 = vector.bitcast %parallel_loop3A_831 : vector<16xi32> to vector<32xbf16>
          %parallel_loop3A_833 = arith.index_cast %parallel_loop3A_817 : i32 to index
          %parallel_loop3A_834 = arith.constant 16 : index
          %parallel_loop3A_835 = tpu.vector_load %arg13[%parallel_loop3A_833, %parallel_loop3A_834] {strides = array<i32>} : memref<400x64xi32, #tpu.memory_space<vmem>>, vector<16xi32>,
          %parallel_loop3A_836 = vector.bitcast %parallel_loop3A_835 : vector<16xi32> to vector<32xbf16>
          %parallel_loop3A_837 = arith.mulf %parallel_loop3A_832, %parallel_loop3A_836 : vector<32xbf16>
          %parallel_loop3A_838 = tpu.unpack_subelements %parallel_loop3A_837, 0 {pack_format = #tpu.pack_format<interleaved>} : vector<32xbf16> -> vector<16xf32>
          %parallel_loop3A_839 = tpu.unpack_subelements %parallel_loop3A_837, 1 {pack_format = #tpu.pack_format<interleaved>} : vector<32xbf16> -> vector<16xf32>
          %parallel_loop3A_840 = arith.index_cast %parallel_loop3A_817 : i32 to index
          %parallel_loop3A_841 = arith.constant 32 : index
          %parallel_loop3A_842 = tpu.vector_load %arg11[%parallel_loop3A_840, %parallel_loop3A_841] {strides = array<i32>} : memref<400x64xi32, #tpu.memory_space<vmem>>, vector<16xi32>,
          %parallel_loop3A_843 = vector.bitcast %parallel_loop3A_842 : vector<16xi32> to vector<32xbf16>
          %parallel_loop3A_844 = arith.index_cast %parallel_loop3A_817 : i32 to index
          %parallel_loop3A_845 = arith.constant 32 : index
          %parallel_loop3A_846 = tpu.vector_load %arg13[%parallel_loop3A_844, %parallel_loop3A_845] {strides = array<i32>} : memref<400x64xi32, #tpu.memory_space<vmem>>, vector<16xi32>,
          %parallel_loop3A_847 = vector.bitcast %parallel_loop3A_846 : vector<16xi32> to vector<32xbf16>
          %parallel_loop3A_848 = arith.mulf %parallel_loop3A_843, %parallel_loop3A_847 : vector<32xbf16>
          %parallel_loop3A_849 = tpu.unpack_subelements %parallel_loop3A_848, 0 {pack_format = #tpu.pack_format<interleaved>} : vector<32xbf16> -> vector<16xf32>
          %parallel_loop3A_850 = tpu.unpack_subelements %parallel_loop3A_848, 1 {pack_format = #tpu.pack_format<interleaved>} : vector<32xbf16> -> vector<16xf32>
          %parallel_loop3A_851 = arith.index_cast %parallel_loop3A_817 : i32 to index
          %parallel_loop3A_852 = arith.constant 48 : index
          %parallel_loop3A_853 = tpu.vector_load %arg11[%parallel_loop3A_851, %parallel_loop3A_852] {strides = array<i32>} : memref<400x64xi32, #tpu.memory_space<vmem>>, vector<16xi32>,
          %parallel_loop3A_854 = vector.bitcast %parallel_loop3A_853 : vector<16xi32> to vector<32xbf16>
          %parallel_loop3A_855 = arith.index_cast %parallel_loop3A_817 : i32 to index
          %parallel_loop3A_856 = arith.constant 48 : index
          %parallel_loop3A_857 = tpu.vector_load %arg13[%parallel_loop3A_855, %parallel_loop3A_856] {strides = array<i32>} : memref<400x64xi32, #tpu.memory_space<vmem>>, vector<16xi32>,
          %parallel_loop3A_858 = vector.bitcast %parallel_loop3A_857 : vector<16xi32> to vector<32xbf16>
          %parallel_loop3A_859 = arith.mulf %parallel_loop3A_854, %parallel_loop3A_858 : vector<32xbf16>
          %parallel_loop3A_860 = tpu.unpack_subelements %parallel_loop3A_859, 0 {pack_format = #tpu.pack_format<interleaved>} : vector<32xbf16> -> vector<16xf32>
          %parallel_loop3A_861 = tpu.unpack_subelements %parallel_loop3A_859, 1 {pack_format = #tpu.pack_format<interleaved>} : vector<32xbf16> -> vector<16xf32>
          %parallel_loop3A_862 = arith.addf %parallel_loop3A_827, %parallel_loop3A_828 : vector<16xf32>
          %parallel_loop3A_863 = arith.addf %parallel_loop3A_838, %parallel_loop3A_839 : vector<16xf32>
          %parallel_loop3A_864 = arith.addf %parallel_loop3A_849, %parallel_loop3A_850 : vector<16xf32>
          %parallel_loop3A_865 = arith.addf %parallel_loop3A_860, %parallel_loop3A_861 : vector<16xf32>
          %parallel_loop3A_866 = arith.addf %parallel_loop3A_862, %parallel_loop3A_863 : vector<16xf32>
          %parallel_loop3A_867 = arith.addf %parallel_loop3A_864, %parallel_loop3A_865 : vector<16xf32>
          %parallel_loop3A_868 = arith.addf %parallel_loop3A_866, %parallel_loop3A_867 : vector<16xf32>
          %parallel_loop3A_869 = arith.constant 16 : i32
          %parallel_loop3A_870 = arith.muli %parallel_loop3A_142, %parallel_loop3A_869 : i32
          %parallel_loop3A_871 = arith.constant 16 : i32
          %parallel_loop3A_872 = arith.muli %parallel_loop3A_870, %parallel_loop3A_871 : i32
          %parallel_loop3A_873 = arith.constant 176 : i32
          %parallel_loop3A_874 = arith.addi %parallel_loop3A_872, %parallel_loop3A_873 : i32
          %parallel_loop3A_875 = arith.index_cast %parallel_loop3A_874 : i32 to index
          %parallel_loop3A_876 = tpu.vector_load %arg14[%parallel_loop3A_875] {strides = array<i32>} : memref<6400xf32, #tpu.memory_space<vmem>>, vector<16xf32>,
          tpu.vector_store %arg14[%parallel_loop3A_875], %parallel_loop3A_868 {strides = array<i32>} : memref<6400xf32, #tpu.memory_space<vmem>>, vector<16xf32>,
          %parallel_loop3A_877 = arith.constant 12 : i32
          %parallel_loop3A_878 = arith.addi %parallel_loop3A_144, %parallel_loop3A_877 : i32
          %parallel_loop3A_879 = arith.index_cast %parallel_loop3A_878 : i32 to index
          %parallel_loop3A_880 = arith.constant 0 : index
          %parallel_loop3A_881 = tpu.vector_load %arg11[%parallel_loop3A_879, %parallel_loop3A_880] {strides = array<i32>} : memref<400x64xi32, #tpu.memory_space<vmem>>, vector<16xi32>,
          %parallel_loop3A_882 = vector.bitcast %parallel_loop3A_881 : vector<16xi32> to vector<32xbf16>
          %parallel_loop3A_883 = arith.index_cast %parallel_loop3A_878 : i32 to index
          %parallel_loop3A_884 = arith.constant 0 : index
          %parallel_loop3A_885 = tpu.vector_load %arg13[%parallel_loop3A_883, %parallel_loop3A_884] {strides = array<i32>} : memref<400x64xi32, #tpu.memory_space<vmem>>, vector<16xi32>,
          %parallel_loop3A_886 = vector.bitcast %parallel_loop3A_885 : vector<16xi32> to vector<32xbf16>
          %parallel_loop3A_887 = arith.mulf %parallel_loop3A_882, %parallel_loop3A_886 : vector<32xbf16>
          %parallel_loop3A_888 = tpu.unpack_subelements %parallel_loop3A_887, 0 {pack_format = #tpu.pack_format<interleaved>} : vector<32xbf16> -> vector<16xf32>
          %parallel_loop3A_889 = tpu.unpack_subelements %parallel_loop3A_887, 1 {pack_format = #tpu.pack_format<interleaved>} : vector<32xbf16> -> vector<16xf32>
          %parallel_loop3A_890 = arith.index_cast %parallel_loop3A_878 : i32 to index
          %parallel_loop3A_891 = arith.constant 16 : index
          %parallel_loop3A_892 = tpu.vector_load %arg11[%parallel_loop3A_890, %parallel_loop3A_891] {strides = array<i32>} : memref<400x64xi32, #tpu.memory_space<vmem>>, vector<16xi32>,
          %parallel_loop3A_893 = vector.bitcast %parallel_loop3A_892 : vector<16xi32> to vector<32xbf16>
          %parallel_loop3A_894 = arith.index_cast %parallel_loop3A_878 : i32 to index
          %parallel_loop3A_895 = arith.constant 16 : index
          %parallel_loop3A_896 = tpu.vector_load %arg13[%parallel_loop3A_894, %parallel_loop3A_895] {strides = array<i32>} : memref<400x64xi32, #tpu.memory_space<vmem>>, vector<16xi32>,
          %parallel_loop3A_897 = vector.bitcast %parallel_loop3A_896 : vector<16xi32> to vector<32xbf16>
          %parallel_loop3A_898 = arith.mulf %parallel_loop3A_893, %parallel_loop3A_897 : vector<32xbf16>
          %parallel_loop3A_899 = tpu.unpack_subelements %parallel_loop3A_898, 0 {pack_format = #tpu.pack_format<interleaved>} : vector<32xbf16> -> vector<16xf32>
          %parallel_loop3A_900 = tpu.unpack_subelements %parallel_loop3A_898, 1 {pack_format = #tpu.pack_format<interleaved>} : vector<32xbf16> -> vector<16xf32>
          %parallel_loop3A_901 = arith.index_cast %parallel_loop3A_878 : i32 to index
          %parallel_loop3A_902 = arith.constant 32 : index
          %parallel_loop3A_903 = tpu.vector_load %arg11[%parallel_loop3A_901, %parallel_loop3A_902] {strides = array<i32>} : memref<400x64xi32, #tpu.memory_space<vmem>>, vector<16xi32>,
          %parallel_loop3A_904 = vector.bitcast %parallel_loop3A_903 : vector<16xi32> to vector<32xbf16>
          %parallel_loop3A_905 = arith.index_cast %parallel_loop3A_878 : i32 to index
          %parallel_loop3A_906 = arith.constant 32 : index
          %parallel_loop3A_907 = tpu.vector_load %arg13[%parallel_loop3A_905, %parallel_loop3A_906] {strides = array<i32>} : memref<400x64xi32, #tpu.memory_space<vmem>>, vector<16xi32>,
          %parallel_loop3A_908 = vector.bitcast %parallel_loop3A_907 : vector<16xi32> to vector<32xbf16>
          %parallel_loop3A_909 = arith.mulf %parallel_loop3A_904, %parallel_loop3A_908 : vector<32xbf16>
          %parallel_loop3A_910 = tpu.unpack_subelements %parallel_loop3A_909, 0 {pack_format = #tpu.pack_format<interleaved>} : vector<32xbf16> -> vector<16xf32>
          %parallel_loop3A_911 = tpu.unpack_subelements %parallel_loop3A_909, 1 {pack_format = #tpu.pack_format<interleaved>} : vector<32xbf16> -> vector<16xf32>
          %parallel_loop3A_912 = arith.index_cast %parallel_loop3A_878 : i32 to index
          %parallel_loop3A_913 = arith.constant 48 : index
          %parallel_loop3A_914 = tpu.vector_load %arg11[%parallel_loop3A_912, %parallel_loop3A_913] {strides = array<i32>} : memref<400x64xi32, #tpu.memory_space<vmem>>, vector<16xi32>,
          %parallel_loop3A_915 = vector.bitcast %parallel_loop3A_914 : vector<16xi32> to vector<32xbf16>
          %parallel_loop3A_916 = arith.index_cast %parallel_loop3A_878 : i32 to index
          %parallel_loop3A_917 = arith.constant 48 : index
          %parallel_loop3A_918 = tpu.vector_load %arg13[%parallel_loop3A_916, %parallel_loop3A_917] {strides = array<i32>} : memref<400x64xi32, #tpu.memory_space<vmem>>, vector<16xi32>,
          %parallel_loop3A_919 = vector.bitcast %parallel_loop3A_918 : vector<16xi32> to vector<32xbf16>
          %parallel_loop3A_920 = arith.mulf %parallel_loop3A_915, %parallel_loop3A_919 : vector<32xbf16>
          %parallel_loop3A_921 = tpu.unpack_subelements %parallel_loop3A_920, 0 {pack_format = #tpu.pack_format<interleaved>} : vector<32xbf16> -> vector<16xf32>
          %parallel_loop3A_922 = tpu.unpack_subelements %parallel_loop3A_920, 1 {pack_format = #tpu.pack_format<interleaved>} : vector<32xbf16> -> vector<16xf32>
          %parallel_loop3A_923 = arith.addf %parallel_loop3A_888, %parallel_loop3A_889 : vector<16xf32>
          %parallel_loop3A_924 = arith.addf %parallel_loop3A_899, %parallel_loop3A_900 : vector<16xf32>
          %parallel_loop3A_925 = arith.addf %parallel_loop3A_910, %parallel_loop3A_911 : vector<16xf32>
          %parallel_loop3A_926 = arith.addf %parallel_loop3A_921, %parallel_loop3A_922 : vector<16xf32>
          %parallel_loop3A_927 = arith.addf %parallel_loop3A_923, %parallel_loop3A_924 : vector<16xf32>
          %parallel_loop3A_928 = arith.addf %parallel_loop3A_925, %parallel_loop3A_926 : vector<16xf32>
          %parallel_loop3A_929 = arith.addf %parallel_loop3A_927, %parallel_loop3A_928 : vector<16xf32>
          %parallel_loop3A_930 = arith.constant 16 : i32
          %parallel_loop3A_931 = arith.muli %parallel_loop3A_142, %parallel_loop3A_930 : i32
          %parallel_loop3A_932 = arith.constant 16 : i32
          %parallel_loop3A_933 = arith.muli %parallel_loop3A_931, %parallel_loop3A_932 : i32
          %parallel_loop3A_934 = arith.constant 192 : i32
          %parallel_loop3A_935 = arith.addi %parallel_loop3A_933, %parallel_loop3A_934 : i32
          %parallel_loop3A_936 = arith.index_cast %parallel_loop3A_935 : i32 to index
          %parallel_loop3A_937 = tpu.vector_load %arg14[%parallel_loop3A_936] {strides = array<i32>} : memref<6400xf32, #tpu.memory_space<vmem>>, vector<16xf32>,
          tpu.vector_store %arg14[%parallel_loop3A_936], %parallel_loop3A_929 {strides = array<i32>} : memref<6400xf32, #tpu.memory_space<vmem>>, vector<16xf32>,
          %parallel_loop3A_938 = arith.constant 13 : i32
          %parallel_loop3A_939 = arith.addi %parallel_loop3A_144, %parallel_loop3A_938 : i32
          %parallel_loop3A_940 = arith.index_cast %parallel_loop3A_939 : i32 to index
          %parallel_loop3A_941 = arith.constant 0 : index
          %parallel_loop3A_942 = tpu.vector_load %arg11[%parallel_loop3A_940, %parallel_loop3A_941] {strides = array<i32>} : memref<400x64xi32, #tpu.memory_space<vmem>>, vector<16xi32>,
          %parallel_loop3A_943 = vector.bitcast %parallel_loop3A_942 : vector<16xi32> to vector<32xbf16>
          %parallel_loop3A_944 = arith.index_cast %parallel_loop3A_939 : i32 to index
          %parallel_loop3A_945 = arith.constant 0 : index
          %parallel_loop3A_946 = tpu.vector_load %arg13[%parallel_loop3A_944, %parallel_loop3A_945] {strides = array<i32>} : memref<400x64xi32, #tpu.memory_space<vmem>>, vector<16xi32>,
          %parallel_loop3A_947 = vector.bitcast %parallel_loop3A_946 : vector<16xi32> to vector<32xbf16>
          %parallel_loop3A_948 = arith.mulf %parallel_loop3A_943, %parallel_loop3A_947 : vector<32xbf16>
          %parallel_loop3A_949 = tpu.unpack_subelements %parallel_loop3A_948, 0 {pack_format = #tpu.pack_format<interleaved>} : vector<32xbf16> -> vector<16xf32>
          %parallel_loop3A_950 = tpu.unpack_subelements %parallel_loop3A_948, 1 {pack_format = #tpu.pack_format<interleaved>} : vector<32xbf16> -> vector<16xf32>
          %parallel_loop3A_951 = arith.index_cast %parallel_loop3A_939 : i32 to index
          %parallel_loop3A_952 = arith.constant 16 : index
          %parallel_loop3A_953 = tpu.vector_load %arg11[%parallel_loop3A_951, %parallel_loop3A_952] {strides = array<i32>} : memref<400x64xi32, #tpu.memory_space<vmem>>, vector<16xi32>,
          %parallel_loop3A_954 = vector.bitcast %parallel_loop3A_953 : vector<16xi32> to vector<32xbf16>
          %parallel_loop3A_955 = arith.index_cast %parallel_loop3A_939 : i32 to index
          %parallel_loop3A_956 = arith.constant 16 : index
          %parallel_loop3A_957 = tpu.vector_load %arg13[%parallel_loop3A_955, %parallel_loop3A_956] {strides = array<i32>} : memref<400x64xi32, #tpu.memory_space<vmem>>, vector<16xi32>,
          %parallel_loop3A_958 = vector.bitcast %parallel_loop3A_957 : vector<16xi32> to vector<32xbf16>
          %parallel_loop3A_959 = arith.mulf %parallel_loop3A_954, %parallel_loop3A_958 : vector<32xbf16>
          %parallel_loop3A_960 = tpu.unpack_subelements %parallel_loop3A_959, 0 {pack_format = #tpu.pack_format<interleaved>} : vector<32xbf16> -> vector<16xf32>
          %parallel_loop3A_961 = tpu.unpack_subelements %parallel_loop3A_959, 1 {pack_format = #tpu.pack_format<interleaved>} : vector<32xbf16> -> vector<16xf32>
          %parallel_loop3A_962 = arith.index_cast %parallel_loop3A_939 : i32 to index
          %parallel_loop3A_963 = arith.constant 32 : index
          %parallel_loop3A_964 = tpu.vector_load %arg11[%parallel_loop3A_962, %parallel_loop3A_963] {strides = array<i32>} : memref<400x64xi32, #tpu.memory_space<vmem>>, vector<16xi32>,
          %parallel_loop3A_965 = vector.bitcast %parallel_loop3A_964 : vector<16xi32> to vector<32xbf16>
          %parallel_loop3A_966 = arith.index_cast %parallel_loop3A_939 : i32 to index
          %parallel_loop3A_967 = arith.constant 32 : index
          %parallel_loop3A_968 = tpu.vector_load %arg13[%parallel_loop3A_966, %parallel_loop3A_967] {strides = array<i32>} : memref<400x64xi32, #tpu.memory_space<vmem>>, vector<16xi32>,
          %parallel_loop3A_969 = vector.bitcast %parallel_loop3A_968 : vector<16xi32> to vector<32xbf16>
          %parallel_loop3A_970 = arith.mulf %parallel_loop3A_965, %parallel_loop3A_969 : vector<32xbf16>
          %parallel_loop3A_971 = tpu.unpack_subelements %parallel_loop3A_970, 0 {pack_format = #tpu.pack_format<interleaved>} : vector<32xbf16> -> vector<16xf32>
          %parallel_loop3A_972 = tpu.unpack_subelements %parallel_loop3A_970, 1 {pack_format = #tpu.pack_format<interleaved>} : vector<32xbf16> -> vector<16xf32>
          %parallel_loop3A_973 = arith.index_cast %parallel_loop3A_939 : i32 to index
          %parallel_loop3A_974 = arith.constant 48 : index
          %parallel_loop3A_975 = tpu.vector_load %arg11[%parallel_loop3A_973, %parallel_loop3A_974] {strides = array<i32>} : memref<400x64xi32, #tpu.memory_space<vmem>>, vector<16xi32>,
          %parallel_loop3A_976 = vector.bitcast %parallel_loop3A_975 : vector<16xi32> to vector<32xbf16>
          %parallel_loop3A_977 = arith.index_cast %parallel_loop3A_939 : i32 to index
          %parallel_loop3A_978 = arith.constant 48 : index
          %parallel_loop3A_979 = tpu.vector_load %arg13[%parallel_loop3A_977, %parallel_loop3A_978] {strides = array<i32>} : memref<400x64xi32, #tpu.memory_space<vmem>>, vector<16xi32>,
          %parallel_loop3A_980 = vector.bitcast %parallel_loop3A_979 : vector<16xi32> to vector<32xbf16>
          %parallel_loop3A_981 = arith.mulf %parallel_loop3A_976, %parallel_loop3A_980 : vector<32xbf16>
          %parallel_loop3A_982 = tpu.unpack_subelements %parallel_loop3A_981, 0 {pack_format = #tpu.pack_format<interleaved>} : vector<32xbf16> -> vector<16xf32>
          %parallel_loop3A_983 = tpu.unpack_subelements %parallel_loop3A_981, 1 {pack_format = #tpu.pack_format<interleaved>} : vector<32xbf16> -> vector<16xf32>
          %parallel_loop3A_984 = arith.addf %parallel_loop3A_949, %parallel_loop3A_950 : vector<16xf32>
          %parallel_loop3A_985 = arith.addf %parallel_loop3A_960, %parallel_loop3A_961 : vector<16xf32>
          %parallel_loop3A_986 = arith.addf %parallel_loop3A_971, %parallel_loop3A_972 : vector<16xf32>
          %parallel_loop3A_987 = arith.addf %parallel_loop3A_982, %parallel_loop3A_983 : vector<16xf32>
          %parallel_loop3A_988 = arith.addf %parallel_loop3A_984, %parallel_loop3A_985 : vector<16xf32>
          %parallel_loop3A_989 = arith.addf %parallel_loop3A_986, %parallel_loop3A_987 : vector<16xf32>
          %parallel_loop3A_990 = arith.addf %parallel_loop3A_988, %parallel_loop3A_989 : vector<16xf32>
          %parallel_loop3A_991 = arith.constant 16 : i32
          %parallel_loop3A_992 = arith.muli %parallel_loop3A_142, %parallel_loop3A_991 : i32
          %parallel_loop3A_993 = arith.constant 16 : i32
          %parallel_loop3A_994 = arith.muli %parallel_loop3A_992, %parallel_loop3A_993 : i32
          %parallel_loop3A_995 = arith.constant 208 : i32
          %parallel_loop3A_996 = arith.addi %parallel_loop3A_994, %parallel_loop3A_995 : i32
          %parallel_loop3A_997 = arith.index_cast %parallel_loop3A_996 : i32 to index
          %parallel_loop3A_998 = tpu.vector_load %arg14[%parallel_loop3A_997] {strides = array<i32>} : memref<6400xf32, #tpu.memory_space<vmem>>, vector<16xf32>,
          tpu.vector_store %arg14[%parallel_loop3A_997], %parallel_loop3A_990 {strides = array<i32>} : memref<6400xf32, #tpu.memory_space<vmem>>, vector<16xf32>,
          %parallel_loop3A_999 = arith.constant 14 : i32
          %parallel_loop3A_1000 = arith.addi %parallel_loop3A_144, %parallel_loop3A_999 : i32
          %parallel_loop3A_1001 = arith.index_cast %parallel_loop3A_1000 : i32 to index
          %parallel_loop3A_1002 = arith.constant 0 : index
          %parallel_loop3A_1003 = tpu.vector_load %arg11[%parallel_loop3A_1001, %parallel_loop3A_1002] {strides = array<i32>} : memref<400x64xi32, #tpu.memory_space<vmem>>, vector<16xi32>,
          %parallel_loop3A_1004 = vector.bitcast %parallel_loop3A_1003 : vector<16xi32> to vector<32xbf16>
          %parallel_loop3A_1005 = arith.index_cast %parallel_loop3A_1000 : i32 to index
          %parallel_loop3A_1006 = arith.constant 0 : index
          %parallel_loop3A_1007 = tpu.vector_load %arg13[%parallel_loop3A_1005, %parallel_loop3A_1006] {strides = array<i32>} : memref<400x64xi32, #tpu.memory_space<vmem>>, vector<16xi32>,
          %parallel_loop3A_1008 = vector.bitcast %parallel_loop3A_1007 : vector<16xi32> to vector<32xbf16>
          %parallel_loop3A_1009 = arith.mulf %parallel_loop3A_1004, %parallel_loop3A_1008 : vector<32xbf16>
          %parallel_loop3A_1010 = tpu.unpack_subelements %parallel_loop3A_1009, 0 {pack_format = #tpu.pack_format<interleaved>} : vector<32xbf16> -> vector<16xf32>
          %parallel_loop3A_1011 = tpu.unpack_subelements %parallel_loop3A_1009, 1 {pack_format = #tpu.pack_format<interleaved>} : vector<32xbf16> -> vector<16xf32>
          %parallel_loop3A_1012 = arith.index_cast %parallel_loop3A_1000 : i32 to index
          %parallel_loop3A_1013 = arith.constant 16 : index
          %parallel_loop3A_1014 = tpu.vector_load %arg11[%parallel_loop3A_1012, %parallel_loop3A_1013] {strides = array<i32>} : memref<400x64xi32, #tpu.memory_space<vmem>>, vector<16xi32>,
          %parallel_loop3A_1015 = vector.bitcast %parallel_loop3A_1014 : vector<16xi32> to vector<32xbf16>
          %parallel_loop3A_1016 = arith.index_cast %parallel_loop3A_1000 : i32 to index
          %parallel_loop3A_1017 = arith.constant 16 : index
          %parallel_loop3A_1018 = tpu.vector_load %arg13[%parallel_loop3A_1016, %parallel_loop3A_1017] {strides = array<i32>} : memref<400x64xi32, #tpu.memory_space<vmem>>, vector<16xi32>,
          %parallel_loop3A_1019 = vector.bitcast %parallel_loop3A_1018 : vector<16xi32> to vector<32xbf16>
          %parallel_loop3A_1020 = arith.mulf %parallel_loop3A_1015, %parallel_loop3A_1019 : vector<32xbf16>
          %parallel_loop3A_1021 = tpu.unpack_subelements %parallel_loop3A_1020, 0 {pack_format = #tpu.pack_format<interleaved>} : vector<32xbf16> -> vector<16xf32>
          %parallel_loop3A_1022 = tpu.unpack_subelements %parallel_loop3A_1020, 1 {pack_format = #tpu.pack_format<interleaved>} : vector<32xbf16> -> vector<16xf32>
          %parallel_loop3A_1023 = arith.index_cast %parallel_loop3A_1000 : i32 to index
          %parallel_loop3A_1024 = arith.constant 32 : index
          %parallel_loop3A_1025 = tpu.vector_load %arg11[%parallel_loop3A_1023, %parallel_loop3A_1024] {strides = array<i32>} : memref<400x64xi32, #tpu.memory_space<vmem>>, vector<16xi32>,
          %parallel_loop3A_1026 = vector.bitcast %parallel_loop3A_1025 : vector<16xi32> to vector<32xbf16>
          %parallel_loop3A_1027 = arith.index_cast %parallel_loop3A_1000 : i32 to index
          %parallel_loop3A_1028 = arith.constant 32 : index
          %parallel_loop3A_1029 = tpu.vector_load %arg13[%parallel_loop3A_1027, %parallel_loop3A_1028] {strides = array<i32>} : memref<400x64xi32, #tpu.memory_space<vmem>>, vector<16xi32>,
          %parallel_loop3A_1030 = vector.bitcast %parallel_loop3A_1029 : vector<16xi32> to vector<32xbf16>
          %parallel_loop3A_1031 = arith.mulf %parallel_loop3A_1026, %parallel_loop3A_1030 : vector<32xbf16>
          %parallel_loop3A_1032 = tpu.unpack_subelements %parallel_loop3A_1031, 0 {pack_format = #tpu.pack_format<interleaved>} : vector<32xbf16> -> vector<16xf32>
          %parallel_loop3A_1033 = tpu.unpack_subelements %parallel_loop3A_1031, 1 {pack_format = #tpu.pack_format<interleaved>} : vector<32xbf16> -> vector<16xf32>
          %parallel_loop3A_1034 = arith.index_cast %parallel_loop3A_1000 : i32 to index
          %parallel_loop3A_1035 = arith.constant 48 : index
          %parallel_loop3A_1036 = tpu.vector_load %arg11[%parallel_loop3A_1034, %parallel_loop3A_1035] {strides = array<i32>} : memref<400x64xi32, #tpu.memory_space<vmem>>, vector<16xi32>,
          %parallel_loop3A_1037 = vector.bitcast %parallel_loop3A_1036 : vector<16xi32> to vector<32xbf16>
          %parallel_loop3A_1038 = arith.index_cast %parallel_loop3A_1000 : i32 to index
          %parallel_loop3A_1039 = arith.constant 48 : index
          %parallel_loop3A_1040 = tpu.vector_load %arg13[%parallel_loop3A_1038, %parallel_loop3A_1039] {strides = array<i32>} : memref<400x64xi32, #tpu.memory_space<vmem>>, vector<16xi32>,
          %parallel_loop3A_1041 = vector.bitcast %parallel_loop3A_1040 : vector<16xi32> to vector<32xbf16>
          %parallel_loop3A_1042 = arith.mulf %parallel_loop3A_1037, %parallel_loop3A_1041 : vector<32xbf16>
          %parallel_loop3A_1043 = tpu.unpack_subelements %parallel_loop3A_1042, 0 {pack_format = #tpu.pack_format<interleaved>} : vector<32xbf16> -> vector<16xf32>
          %parallel_loop3A_1044 = tpu.unpack_subelements %parallel_loop3A_1042, 1 {pack_format = #tpu.pack_format<interleaved>} : vector<32xbf16> -> vector<16xf32>
          %parallel_loop3A_1045 = arith.addf %parallel_loop3A_1010, %parallel_loop3A_1011 : vector<16xf32>
          %parallel_loop3A_1046 = arith.addf %parallel_loop3A_1021, %parallel_loop3A_1022 : vector<16xf32>
          %parallel_loop3A_1047 = arith.addf %parallel_loop3A_1032, %parallel_loop3A_1033 : vector<16xf32>
          %parallel_loop3A_1048 = arith.addf %parallel_loop3A_1043, %parallel_loop3A_1044 : vector<16xf32>
          %parallel_loop3A_1049 = arith.addf %parallel_loop3A_1045, %parallel_loop3A_1046 : vector<16xf32>
          %parallel_loop3A_1050 = arith.addf %parallel_loop3A_1047, %parallel_loop3A_1048 : vector<16xf32>
          %parallel_loop3A_1051 = arith.addf %parallel_loop3A_1049, %parallel_loop3A_1050 : vector<16xf32>
          %parallel_loop3A_1052 = arith.constant 16 : i32
          %parallel_loop3A_1053 = arith.muli %parallel_loop3A_142, %parallel_loop3A_1052 : i32
          %parallel_loop3A_1054 = arith.constant 16 : i32
          %parallel_loop3A_1055 = arith.muli %parallel_loop3A_1053, %parallel_loop3A_1054 : i32
          %parallel_loop3A_1056 = arith.constant 224 : i32
          %parallel_loop3A_1057 = arith.addi %parallel_loop3A_1055, %parallel_loop3A_1056 : i32
          %parallel_loop3A_1058 = arith.index_cast %parallel_loop3A_1057 : i32 to index
          %parallel_loop3A_1059 = tpu.vector_load %arg14[%parallel_loop3A_1058] {strides = array<i32>} : memref<6400xf32, #tpu.memory_space<vmem>>, vector<16xf32>,
          tpu.vector_store %arg14[%parallel_loop3A_1058], %parallel_loop3A_1051 {strides = array<i32>} : memref<6400xf32, #tpu.memory_space<vmem>>, vector<16xf32>,
          %parallel_loop3A_1060 = arith.constant 15 : i32
          %parallel_loop3A_1061 = arith.addi %parallel_loop3A_144, %parallel_loop3A_1060 : i32
          %parallel_loop3A_1062 = arith.index_cast %parallel_loop3A_1061 : i32 to index
          %parallel_loop3A_1063 = arith.constant 0 : index
          %parallel_loop3A_1064 = tpu.vector_load %arg11[%parallel_loop3A_1062, %parallel_loop3A_1063] {strides = array<i32>} : memref<400x64xi32, #tpu.memory_space<vmem>>, vector<16xi32>,
          %parallel_loop3A_1065 = vector.bitcast %parallel_loop3A_1064 : vector<16xi32> to vector<32xbf16>
          %parallel_loop3A_1066 = arith.index_cast %parallel_loop3A_1061 : i32 to index
          %parallel_loop3A_1067 = arith.constant 0 : index
          %parallel_loop3A_1068 = tpu.vector_load %arg13[%parallel_loop3A_1066, %parallel_loop3A_1067] {strides = array<i32>} : memref<400x64xi32, #tpu.memory_space<vmem>>, vector<16xi32>,
          %parallel_loop3A_1069 = vector.bitcast %parallel_loop3A_1068 : vector<16xi32> to vector<32xbf16>
          %parallel_loop3A_1070 = arith.mulf %parallel_loop3A_1065, %parallel_loop3A_1069 : vector<32xbf16>
          %parallel_loop3A_1071 = tpu.unpack_subelements %parallel_loop3A_1070, 0 {pack_format = #tpu.pack_format<interleaved>} : vector<32xbf16> -> vector<16xf32>
          %parallel_loop3A_1072 = tpu.unpack_subelements %parallel_loop3A_1070, 1 {pack_format = #tpu.pack_format<interleaved>} : vector<32xbf16> -> vector<16xf32>
          %parallel_loop3A_1073 = arith.index_cast %parallel_loop3A_1061 : i32 to index
          %parallel_loop3A_1074 = arith.constant 16 : index
          %parallel_loop3A_1075 = tpu.vector_load %arg11[%parallel_loop3A_1073, %parallel_loop3A_1074] {strides = array<i32>} : memref<400x64xi32, #tpu.memory_space<vmem>>, vector<16xi32>,
          %parallel_loop3A_1076 = vector.bitcast %parallel_loop3A_1075 : vector<16xi32> to vector<32xbf16>
          %parallel_loop3A_1077 = arith.index_cast %parallel_loop3A_1061 : i32 to index
          %parallel_loop3A_1078 = arith.constant 16 : index
          %parallel_loop3A_1079 = tpu.vector_load %arg13[%parallel_loop3A_1077, %parallel_loop3A_1078] {strides = array<i32>} : memref<400x64xi32, #tpu.memory_space<vmem>>, vector<16xi32>,
          %parallel_loop3A_1080 = vector.bitcast %parallel_loop3A_1079 : vector<16xi32> to vector<32xbf16>
          %parallel_loop3A_1081 = arith.mulf %parallel_loop3A_1076, %parallel_loop3A_1080 : vector<32xbf16>
          %parallel_loop3A_1082 = tpu.unpack_subelements %parallel_loop3A_1081, 0 {pack_format = #tpu.pack_format<interleaved>} : vector<32xbf16> -> vector<16xf32>
          %parallel_loop3A_1083 = tpu.unpack_subelements %parallel_loop3A_1081, 1 {pack_format = #tpu.pack_format<interleaved>} : vector<32xbf16> -> vector<16xf32>
          %parallel_loop3A_1084 = arith.index_cast %parallel_loop3A_1061 : i32 to index
          %parallel_loop3A_1085 = arith.constant 32 : index
          %parallel_loop3A_1086 = tpu.vector_load %arg11[%parallel_loop3A_1084, %parallel_loop3A_1085] {strides = array<i32>} : memref<400x64xi32, #tpu.memory_space<vmem>>, vector<16xi32>,
          %parallel_loop3A_1087 = vector.bitcast %parallel_loop3A_1086 : vector<16xi32> to vector<32xbf16>
          %parallel_loop3A_1088 = arith.index_cast %parallel_loop3A_1061 : i32 to index
          %parallel_loop3A_1089 = arith.constant 32 : index
          %parallel_loop3A_1090 = tpu.vector_load %arg13[%parallel_loop3A_1088, %parallel_loop3A_1089] {strides = array<i32>} : memref<400x64xi32, #tpu.memory_space<vmem>>, vector<16xi32>,
          %parallel_loop3A_1091 = vector.bitcast %parallel_loop3A_1090 : vector<16xi32> to vector<32xbf16>
          %parallel_loop3A_1092 = arith.mulf %parallel_loop3A_1087, %parallel_loop3A_1091 : vector<32xbf16>
          %parallel_loop3A_1093 = tpu.unpack_subelements %parallel_loop3A_1092, 0 {pack_format = #tpu.pack_format<interleaved>} : vector<32xbf16> -> vector<16xf32>
          %parallel_loop3A_1094 = tpu.unpack_subelements %parallel_loop3A_1092, 1 {pack_format = #tpu.pack_format<interleaved>} : vector<32xbf16> -> vector<16xf32>
          %parallel_loop3A_1095 = arith.index_cast %parallel_loop3A_1061 : i32 to index
          %parallel_loop3A_1096 = arith.constant 48 : index
          %parallel_loop3A_1097 = tpu.vector_load %arg11[%parallel_loop3A_1095, %parallel_loop3A_1096] {strides = array<i32>} : memref<400x64xi32, #tpu.memory_space<vmem>>, vector<16xi32>,
          %parallel_loop3A_1098 = vector.bitcast %parallel_loop3A_1097 : vector<16xi32> to vector<32xbf16>
          %parallel_loop3A_1099 = arith.index_cast %parallel_loop3A_1061 : i32 to index
          %parallel_loop3A_1100 = arith.constant 48 : index
          %parallel_loop3A_1101 = tpu.vector_load %arg13[%parallel_loop3A_1099, %parallel_loop3A_1100] {strides = array<i32>} : memref<400x64xi32, #tpu.memory_space<vmem>>, vector<16xi32>,
          %parallel_loop3A_1102 = vector.bitcast %parallel_loop3A_1101 : vector<16xi32> to vector<32xbf16>
          %parallel_loop3A_1103 = arith.mulf %parallel_loop3A_1098, %parallel_loop3A_1102 : vector<32xbf16>
          %parallel_loop3A_1104 = tpu.unpack_subelements %parallel_loop3A_1103, 0 {pack_format = #tpu.pack_format<interleaved>} : vector<32xbf16> -> vector<16xf32>
          %parallel_loop3A_1105 = tpu.unpack_subelements %parallel_loop3A_1103, 1 {pack_format = #tpu.pack_format<interleaved>} : vector<32xbf16> -> vector<16xf32>
          %parallel_loop3A_1106 = arith.addf %parallel_loop3A_1071, %parallel_loop3A_1072 : vector<16xf32>
          %parallel_loop3A_1107 = arith.addf %parallel_loop3A_1082, %parallel_loop3A_1083 : vector<16xf32>
          %parallel_loop3A_1108 = arith.addf %parallel_loop3A_1093, %parallel_loop3A_1094 : vector<16xf32>
          %parallel_loop3A_1109 = arith.addf %parallel_loop3A_1104, %parallel_loop3A_1105 : vector<16xf32>
          %parallel_loop3A_1110 = arith.addf %parallel_loop3A_1106, %parallel_loop3A_1107 : vector<16xf32>
          %parallel_loop3A_1111 = arith.addf %parallel_loop3A_1108, %parallel_loop3A_1109 : vector<16xf32>
          %parallel_loop3A_1112 = arith.addf %parallel_loop3A_1110, %parallel_loop3A_1111 : vector<16xf32>
          %parallel_loop3A_1113 = arith.constant 16 : i32
          %parallel_loop3A_1114 = arith.muli %parallel_loop3A_142, %parallel_loop3A_1113 : i32
          %parallel_loop3A_1115 = arith.constant 16 : i32
          %parallel_loop3A_1116 = arith.muli %parallel_loop3A_1114, %parallel_loop3A_1115 : i32
          %parallel_loop3A_1117 = arith.constant 240 : i32
          %parallel_loop3A_1118 = arith.addi %parallel_loop3A_1116, %parallel_loop3A_1117 : i32
          %parallel_loop3A_1119 = arith.index_cast %parallel_loop3A_1118 : i32 to index
          %parallel_loop3A_1120 = tpu.vector_load %arg14[%parallel_loop3A_1119] {strides = array<i32>} : memref<6400xf32, #tpu.memory_space<vmem>>, vector<16xf32>,
          tpu.vector_store %arg14[%parallel_loop3A_1119], %parallel_loop3A_1112 {strides = array<i32>} : memref<6400xf32, #tpu.memory_space<vmem>>, vector<16xf32>,
          %parallel_loop3A_1121 = arith.constant 16 : i32
          %parallel_loop3A_1122 = arith.muli %parallel_loop3A_142, %parallel_loop3A_1121 : i32
          %parallel_loop3A_1123 = arith.constant 16 : i32
          %parallel_loop3A_1124 = arith.muli %parallel_loop3A_1122, %parallel_loop3A_1123 : i32
          %parallel_loop3A_1125 = arith.constant 16 : i32
          %parallel_loop3A_1126 = vector.broadcast %parallel_loop3A_1125 : i32 to vector<16xi32>
          %parallel_loop3A_1127 = arith.muli %iota3A, %parallel_loop3A_1126 : vector<16xi32>
          %parallel_loop3A_1128 = vector.broadcast %parallel_loop3A_1124 : i32 to vector<16xi32>
          %parallel_loop3A_1129 = arith.addi %parallel_loop3A_1128, %parallel_loop3A_1127 : vector<16xi32>
          %parallel_loop3A_1130 = arith.constant 0 : i32
          %parallel_loop3A_1131 = vector.broadcast %parallel_loop3A_1130 : i32 to vector<16xi32>
          %parallel_loop3A_1132 = arith.addi %parallel_loop3A_1129, %parallel_loop3A_1131 : vector<16xi32>
          %parallel_loop3A_1133 = tpu.vector_load_idx %arg14[%parallel_loop3A_1132] : memref<6400xf32, #tpu.memory_space<vmem>>[vector<16xi32>], vector<16xf32>,
          %parallel_loop3A_1134 = arith.constant 16 : i32
          %parallel_loop3A_1135 = vector.broadcast %parallel_loop3A_1134 : i32 to vector<16xi32>
          %parallel_loop3A_1136 = arith.muli %iota3A, %parallel_loop3A_1135 : vector<16xi32>
          %parallel_loop3A_1137 = vector.broadcast %parallel_loop3A_1124 : i32 to vector<16xi32>
          %parallel_loop3A_1138 = arith.addi %parallel_loop3A_1137, %parallel_loop3A_1136 : vector<16xi32>
          %parallel_loop3A_1139 = arith.constant 1 : i32
          %parallel_loop3A_1140 = vector.broadcast %parallel_loop3A_1139 : i32 to vector<16xi32>
          %parallel_loop3A_1141 = arith.addi %parallel_loop3A_1138, %parallel_loop3A_1140 : vector<16xi32>
          %parallel_loop3A_1142 = tpu.vector_load_idx %arg14[%parallel_loop3A_1141] : memref<6400xf32, #tpu.memory_space<vmem>>[vector<16xi32>], vector<16xf32>,
          %parallel_loop3A_1143 = arith.constant 16 : i32
          %parallel_loop3A_1144 = vector.broadcast %parallel_loop3A_1143 : i32 to vector<16xi32>
          %parallel_loop3A_1145 = arith.muli %iota3A, %parallel_loop3A_1144 : vector<16xi32>
          %parallel_loop3A_1146 = vector.broadcast %parallel_loop3A_1124 : i32 to vector<16xi32>
          %parallel_loop3A_1147 = arith.addi %parallel_loop3A_1146, %parallel_loop3A_1145 : vector<16xi32>
          %parallel_loop3A_1148 = arith.constant 2 : i32
          %parallel_loop3A_1149 = vector.broadcast %parallel_loop3A_1148 : i32 to vector<16xi32>
          %parallel_loop3A_1150 = arith.addi %parallel_loop3A_1147, %parallel_loop3A_1149 : vector<16xi32>
          %parallel_loop3A_1151 = tpu.vector_load_idx %arg14[%parallel_loop3A_1150] : memref<6400xf32, #tpu.memory_space<vmem>>[vector<16xi32>], vector<16xf32>,
          %parallel_loop3A_1152 = arith.constant 16 : i32
          %parallel_loop3A_1153 = vector.broadcast %parallel_loop3A_1152 : i32 to vector<16xi32>
          %parallel_loop3A_1154 = arith.muli %iota3A, %parallel_loop3A_1153 : vector<16xi32>
          %parallel_loop3A_1155 = vector.broadcast %parallel_loop3A_1124 : i32 to vector<16xi32>
          %parallel_loop3A_1156 = arith.addi %parallel_loop3A_1155, %parallel_loop3A_1154 : vector<16xi32>
          %parallel_loop3A_1157 = arith.constant 3 : i32
          %parallel_loop3A_1158 = vector.broadcast %parallel_loop3A_1157 : i32 to vector<16xi32>
          %parallel_loop3A_1159 = arith.addi %parallel_loop3A_1156, %parallel_loop3A_1158 : vector<16xi32>
          %parallel_loop3A_1160 = tpu.vector_load_idx %arg14[%parallel_loop3A_1159] : memref<6400xf32, #tpu.memory_space<vmem>>[vector<16xi32>], vector<16xf32>,
          %parallel_loop3A_1161 = arith.constant 16 : i32
          %parallel_loop3A_1162 = vector.broadcast %parallel_loop3A_1161 : i32 to vector<16xi32>
          %parallel_loop3A_1163 = arith.muli %iota3A, %parallel_loop3A_1162 : vector<16xi32>
          %parallel_loop3A_1164 = vector.broadcast %parallel_loop3A_1124 : i32 to vector<16xi32>
          %parallel_loop3A_1165 = arith.addi %parallel_loop3A_1164, %parallel_loop3A_1163 : vector<16xi32>
          %parallel_loop3A_1166 = arith.constant 4 : i32
          %parallel_loop3A_1167 = vector.broadcast %parallel_loop3A_1166 : i32 to vector<16xi32>
          %parallel_loop3A_1168 = arith.addi %parallel_loop3A_1165, %parallel_loop3A_1167 : vector<16xi32>
          %parallel_loop3A_1169 = tpu.vector_load_idx %arg14[%parallel_loop3A_1168] : memref<6400xf32, #tpu.memory_space<vmem>>[vector<16xi32>], vector<16xf32>,
          %parallel_loop3A_1170 = arith.constant 16 : i32
          %parallel_loop3A_1171 = vector.broadcast %parallel_loop3A_1170 : i32 to vector<16xi32>
          %parallel_loop3A_1172 = arith.muli %iota3A, %parallel_loop3A_1171 : vector<16xi32>
          %parallel_loop3A_1173 = vector.broadcast %parallel_loop3A_1124 : i32 to vector<16xi32>
          %parallel_loop3A_1174 = arith.addi %parallel_loop3A_1173, %parallel_loop3A_1172 : vector<16xi32>
          %parallel_loop3A_1175 = arith.constant 5 : i32
          %parallel_loop3A_1176 = vector.broadcast %parallel_loop3A_1175 : i32 to vector<16xi32>
          %parallel_loop3A_1177 = arith.addi %parallel_loop3A_1174, %parallel_loop3A_1176 : vector<16xi32>
          %parallel_loop3A_1178 = tpu.vector_load_idx %arg14[%parallel_loop3A_1177] : memref<6400xf32, #tpu.memory_space<vmem>>[vector<16xi32>], vector<16xf32>,
          %parallel_loop3A_1179 = arith.constant 16 : i32
          %parallel_loop3A_1180 = vector.broadcast %parallel_loop3A_1179 : i32 to vector<16xi32>
          %parallel_loop3A_1181 = arith.muli %iota3A, %parallel_loop3A_1180 : vector<16xi32>
          %parallel_loop3A_1182 = vector.broadcast %parallel_loop3A_1124 : i32 to vector<16xi32>
          %parallel_loop3A_1183 = arith.addi %parallel_loop3A_1182, %parallel_loop3A_1181 : vector<16xi32>
          %parallel_loop3A_1184 = arith.constant 6 : i32
          %parallel_loop3A_1185 = vector.broadcast %parallel_loop3A_1184 : i32 to vector<16xi32>
          %parallel_loop3A_1186 = arith.addi %parallel_loop3A_1183, %parallel_loop3A_1185 : vector<16xi32>
          %parallel_loop3A_1187 = tpu.vector_load_idx %arg14[%parallel_loop3A_1186] : memref<6400xf32, #tpu.memory_space<vmem>>[vector<16xi32>], vector<16xf32>,
          %parallel_loop3A_1188 = arith.constant 16 : i32
          %parallel_loop3A_1189 = vector.broadcast %parallel_loop3A_1188 : i32 to vector<16xi32>
          %parallel_loop3A_1190 = arith.muli %iota3A, %parallel_loop3A_1189 : vector<16xi32>
          %parallel_loop3A_1191 = vector.broadcast %parallel_loop3A_1124 : i32 to vector<16xi32>
          %parallel_loop3A_1192 = arith.addi %parallel_loop3A_1191, %parallel_loop3A_1190 : vector<16xi32>
          %parallel_loop3A_1193 = arith.constant 7 : i32
          %parallel_loop3A_1194 = vector.broadcast %parallel_loop3A_1193 : i32 to vector<16xi32>
          %parallel_loop3A_1195 = arith.addi %parallel_loop3A_1192, %parallel_loop3A_1194 : vector<16xi32>
          %parallel_loop3A_1196 = tpu.vector_load_idx %arg14[%parallel_loop3A_1195] : memref<6400xf32, #tpu.memory_space<vmem>>[vector<16xi32>], vector<16xf32>,
          %parallel_loop3A_1197 = arith.constant 16 : i32
          %parallel_loop3A_1198 = vector.broadcast %parallel_loop3A_1197 : i32 to vector<16xi32>
          %parallel_loop3A_1199 = arith.muli %iota3A, %parallel_loop3A_1198 : vector<16xi32>
          %parallel_loop3A_1200 = vector.broadcast %parallel_loop3A_1124 : i32 to vector<16xi32>
          %parallel_loop3A_1201 = arith.addi %parallel_loop3A_1200, %parallel_loop3A_1199 : vector<16xi32>
          %parallel_loop3A_1202 = arith.constant 8 : i32
          %parallel_loop3A_1203 = vector.broadcast %parallel_loop3A_1202 : i32 to vector<16xi32>
          %parallel_loop3A_1204 = arith.addi %parallel_loop3A_1201, %parallel_loop3A_1203 : vector<16xi32>
          %parallel_loop3A_1205 = tpu.vector_load_idx %arg14[%parallel_loop3A_1204] : memref<6400xf32, #tpu.memory_space<vmem>>[vector<16xi32>], vector<16xf32>,
          %parallel_loop3A_1206 = arith.constant 16 : i32
          %parallel_loop3A_1207 = vector.broadcast %parallel_loop3A_1206 : i32 to vector<16xi32>
          %parallel_loop3A_1208 = arith.muli %iota3A, %parallel_loop3A_1207 : vector<16xi32>
          %parallel_loop3A_1209 = vector.broadcast %parallel_loop3A_1124 : i32 to vector<16xi32>
          %parallel_loop3A_1210 = arith.addi %parallel_loop3A_1209, %parallel_loop3A_1208 : vector<16xi32>
          %parallel_loop3A_1211 = arith.constant 9 : i32
          %parallel_loop3A_1212 = vector.broadcast %parallel_loop3A_1211 : i32 to vector<16xi32>
          %parallel_loop3A_1213 = arith.addi %parallel_loop3A_1210, %parallel_loop3A_1212 : vector<16xi32>
          %parallel_loop3A_1214 = tpu.vector_load_idx %arg14[%parallel_loop3A_1213] : memref<6400xf32, #tpu.memory_space<vmem>>[vector<16xi32>], vector<16xf32>,
          %parallel_loop3A_1215 = arith.constant 16 : i32
          %parallel_loop3A_1216 = vector.broadcast %parallel_loop3A_1215 : i32 to vector<16xi32>
          %parallel_loop3A_1217 = arith.muli %iota3A, %parallel_loop3A_1216 : vector<16xi32>
          %parallel_loop3A_1218 = vector.broadcast %parallel_loop3A_1124 : i32 to vector<16xi32>
          %parallel_loop3A_1219 = arith.addi %parallel_loop3A_1218, %parallel_loop3A_1217 : vector<16xi32>
          %parallel_loop3A_1220 = arith.constant 10 : i32
          %parallel_loop3A_1221 = vector.broadcast %parallel_loop3A_1220 : i32 to vector<16xi32>
          %parallel_loop3A_1222 = arith.addi %parallel_loop3A_1219, %parallel_loop3A_1221 : vector<16xi32>
          %parallel_loop3A_1223 = tpu.vector_load_idx %arg14[%parallel_loop3A_1222] : memref<6400xf32, #tpu.memory_space<vmem>>[vector<16xi32>], vector<16xf32>,
          %parallel_loop3A_1224 = arith.constant 16 : i32
          %parallel_loop3A_1225 = vector.broadcast %parallel_loop3A_1224 : i32 to vector<16xi32>
          %parallel_loop3A_1226 = arith.muli %iota3A, %parallel_loop3A_1225 : vector<16xi32>
          %parallel_loop3A_1227 = vector.broadcast %parallel_loop3A_1124 : i32 to vector<16xi32>
          %parallel_loop3A_1228 = arith.addi %parallel_loop3A_1227, %parallel_loop3A_1226 : vector<16xi32>
          %parallel_loop3A_1229 = arith.constant 11 : i32
          %parallel_loop3A_1230 = vector.broadcast %parallel_loop3A_1229 : i32 to vector<16xi32>
          %parallel_loop3A_1231 = arith.addi %parallel_loop3A_1228, %parallel_loop3A_1230 : vector<16xi32>
          %parallel_loop3A_1232 = tpu.vector_load_idx %arg14[%parallel_loop3A_1231] : memref<6400xf32, #tpu.memory_space<vmem>>[vector<16xi32>], vector<16xf32>,
          %parallel_loop3A_1233 = arith.constant 16 : i32
          %parallel_loop3A_1234 = vector.broadcast %parallel_loop3A_1233 : i32 to vector<16xi32>
          %parallel_loop3A_1235 = arith.muli %iota3A, %parallel_loop3A_1234 : vector<16xi32>
          %parallel_loop3A_1236 = vector.broadcast %parallel_loop3A_1124 : i32 to vector<16xi32>
          %parallel_loop3A_1237 = arith.addi %parallel_loop3A_1236, %parallel_loop3A_1235 : vector<16xi32>
          %parallel_loop3A_1238 = arith.constant 12 : i32
          %parallel_loop3A_1239 = vector.broadcast %parallel_loop3A_1238 : i32 to vector<16xi32>
          %parallel_loop3A_1240 = arith.addi %parallel_loop3A_1237, %parallel_loop3A_1239 : vector<16xi32>
          %parallel_loop3A_1241 = tpu.vector_load_idx %arg14[%parallel_loop3A_1240] : memref<6400xf32, #tpu.memory_space<vmem>>[vector<16xi32>], vector<16xf32>,
          %parallel_loop3A_1242 = arith.constant 16 : i32
          %parallel_loop3A_1243 = vector.broadcast %parallel_loop3A_1242 : i32 to vector<16xi32>
          %parallel_loop3A_1244 = arith.muli %iota3A, %parallel_loop3A_1243 : vector<16xi32>
          %parallel_loop3A_1245 = vector.broadcast %parallel_loop3A_1124 : i32 to vector<16xi32>
          %parallel_loop3A_1246 = arith.addi %parallel_loop3A_1245, %parallel_loop3A_1244 : vector<16xi32>
          %parallel_loop3A_1247 = arith.constant 13 : i32
          %parallel_loop3A_1248 = vector.broadcast %parallel_loop3A_1247 : i32 to vector<16xi32>
          %parallel_loop3A_1249 = arith.addi %parallel_loop3A_1246, %parallel_loop3A_1248 : vector<16xi32>
          %parallel_loop3A_1250 = tpu.vector_load_idx %arg14[%parallel_loop3A_1249] : memref<6400xf32, #tpu.memory_space<vmem>>[vector<16xi32>], vector<16xf32>,
          %parallel_loop3A_1251 = arith.constant 16 : i32
          %parallel_loop3A_1252 = vector.broadcast %parallel_loop3A_1251 : i32 to vector<16xi32>
          %parallel_loop3A_1253 = arith.muli %iota3A, %parallel_loop3A_1252 : vector<16xi32>
          %parallel_loop3A_1254 = vector.broadcast %parallel_loop3A_1124 : i32 to vector<16xi32>
          %parallel_loop3A_1255 = arith.addi %parallel_loop3A_1254, %parallel_loop3A_1253 : vector<16xi32>
          %parallel_loop3A_1256 = arith.constant 14 : i32
          %parallel_loop3A_1257 = vector.broadcast %parallel_loop3A_1256 : i32 to vector<16xi32>
          %parallel_loop3A_1258 = arith.addi %parallel_loop3A_1255, %parallel_loop3A_1257 : vector<16xi32>
          %parallel_loop3A_1259 = tpu.vector_load_idx %arg14[%parallel_loop3A_1258] : memref<6400xf32, #tpu.memory_space<vmem>>[vector<16xi32>], vector<16xf32>,
          %parallel_loop3A_1260 = arith.constant 16 : i32
          %parallel_loop3A_1261 = vector.broadcast %parallel_loop3A_1260 : i32 to vector<16xi32>
          %parallel_loop3A_1262 = arith.muli %iota3A, %parallel_loop3A_1261 : vector<16xi32>
          %parallel_loop3A_1263 = vector.broadcast %parallel_loop3A_1124 : i32 to vector<16xi32>
          %parallel_loop3A_1264 = arith.addi %parallel_loop3A_1263, %parallel_loop3A_1262 : vector<16xi32>
          %parallel_loop3A_1265 = arith.constant 15 : i32
          %parallel_loop3A_1266 = vector.broadcast %parallel_loop3A_1265 : i32 to vector<16xi32>
          %parallel_loop3A_1267 = arith.addi %parallel_loop3A_1264, %parallel_loop3A_1266 : vector<16xi32>
          %parallel_loop3A_1268 = tpu.vector_load_idx %arg14[%parallel_loop3A_1267] : memref<6400xf32, #tpu.memory_space<vmem>>[vector<16xi32>], vector<16xf32>,
          %parallel_loop3A_1269 = arith.addf %parallel_loop3A_1133, %parallel_loop3A_1142 : vector<16xf32>
          %parallel_loop3A_1270 = arith.addf %parallel_loop3A_1151, %parallel_loop3A_1160 : vector<16xf32>
          %parallel_loop3A_1271 = arith.addf %parallel_loop3A_1169, %parallel_loop3A_1178 : vector<16xf32>
          %parallel_loop3A_1272 = arith.addf %parallel_loop3A_1187, %parallel_loop3A_1196 : vector<16xf32>
          %parallel_loop3A_1273 = arith.addf %parallel_loop3A_1205, %parallel_loop3A_1214 : vector<16xf32>
          %parallel_loop3A_1274 = arith.addf %parallel_loop3A_1223, %parallel_loop3A_1232 : vector<16xf32>
          %parallel_loop3A_1275 = arith.addf %parallel_loop3A_1241, %parallel_loop3A_1250 : vector<16xf32>
          %parallel_loop3A_1276 = arith.addf %parallel_loop3A_1259, %parallel_loop3A_1268 : vector<16xf32>
          %parallel_loop3A_1277 = arith.addf %parallel_loop3A_1269, %parallel_loop3A_1270 : vector<16xf32>
          %parallel_loop3A_1278 = arith.addf %parallel_loop3A_1271, %parallel_loop3A_1272 : vector<16xf32>
          %parallel_loop3A_1279 = arith.addf %parallel_loop3A_1273, %parallel_loop3A_1274 : vector<16xf32>
          %parallel_loop3A_1280 = arith.addf %parallel_loop3A_1275, %parallel_loop3A_1276 : vector<16xf32>
          %parallel_loop3A_1281 = arith.addf %parallel_loop3A_1277, %parallel_loop3A_1278 : vector<16xf32>
          %parallel_loop3A_1282 = arith.addf %parallel_loop3A_1279, %parallel_loop3A_1280 : vector<16xf32>
          %parallel_loop3A_1283 = arith.addf %parallel_loop3A_1281, %parallel_loop3A_1282 : vector<16xf32>
          %parallel_loop3A_1284 = arith.constant 400 : i32
          %parallel_loop3A_1285 = arith.muli %add3A_114, %parallel_loop3A_1284 : i32
          %parallel_loop3A_1286 = arith.addi %parallel_loop3A_1285, %parallel_loop3A_144 : i32
          %parallel_loop3A_1287 = arith.index_cast %parallel_loop3A_1286 : i32 to index
          %parallel_loop3A_1288 = tpu.vector_load %arg15[%parallel_loop3A_1287] {strides = array<i32>} : memref<10000xf32, #tpu.memory_space<vmem>>, vector<16xf32>,
          tpu.vector_store %arg15[%parallel_loop3A_1287], %parallel_loop3A_1283 {strides = array<i32>} : memref<10000xf32, #tpu.memory_space<vmem>>, vector<16xf32>,
        } {sc.loop_unroll_factor = 3 : i64, sc.parallel_access}
      } else {
      }
    }
    %scan3A_90 = arith.constant 13 : i32
    %mul3A_91 = arith.constant 10000 : i32
    %mul3A_92 = arith.muli %add3A, %mul3A_91 : i32
    "tpu.region"() ({
      %run_scoped3A = tpu.sem_alloc : memref<!tpu.dma_semaphore, #tpu.memory_space<semaphore_mem>>
      %dma_start3A_93 = tpu.memref_slice %arg5[%mul3A_92] : memref<320000xf32, #tpu.memory_space<hbm>> -> memref<10000xf32, #tpu.memory_space<hbm>>
      %dma_start3A_94 = tpu.memref_slice %arg5[%mul3A_92] : memref<320000xf32, #tpu.memory_space<hbm>> -> memref<10000xf32, #tpu.memory_space<hbm>>
      tpu.enqueue_dma source(%arg15 : memref<10000xf32, #tpu.memory_space<vmem>>) target(%dma_start3A_94 : memref<10000xf32, #tpu.memory_space<hbm>>) target_semaphore(%run_scoped3A : memref<!tpu.dma_semaphore, #tpu.memory_space<semaphore_mem>>)
      %dma_wait3A_95 = tpu.memref_slice %arg5[%mul3A_92] : memref<320000xf32, #tpu.memory_space<hbm>> -> memref<10000xf32, #tpu.memory_space<hbm>>
      %dma_wait3A_96 = tpu.memref_slice %arg5[%mul3A_92] : memref<320000xf32, #tpu.memory_space<hbm>> -> memref<10000xf32, #tpu.memory_space<hbm>>
      tpu.wait_dma2 semaphore(%run_scoped3A : memref<!tpu.dma_semaphore, #tpu.memory_space<semaphore_mem>>) src(%arg15 : memref<10000xf32, #tpu.memory_space<vmem>>) dst(%dma_wait3A_96 : memref<10000xf32, #tpu.memory_space<hbm>>)
      tpu.yield
    }) : () -> ()
    return
  }
}

</mosaic_0001>

<sc_bundles>
// kernel: kernel.3.cloned.1.call-start
scs
__scs_entry_jumppad:
0x0: {  	(pc) =	sbr.rel $0x88, $3  }
0x1: {  	(tag) =	ssettag $0x0;
	lr =	simm.s32 $0x1  }
0x2: {  	[smem:$0x3F9F] =	sst lr;
	_ =	strace $0xD0000000  }
0x3: {  	_ = 	snop  }
0x4: {  	_ = 	snop  }
0x5: {  	_ = 	snop  }
0x6: {  	_ = 	snop  }
0x7: {  	_ = 	snop  }
__scs_overlays_trampoline_lowered:
0x8: {  	[smem:$0x3FAE] =	sst s0  }
0x9: {  	[smem:$0x3FAF] =	sst s1  }
0xa: {  	[smem:$0x3FB0] =	sst s2  }
0xb: {  	[smem:$0x3FB1] =	sst s3  }
0xc: {  	[smem:$0x3FB2] =	sst s4  }
0xd: {  	[smem:$0x3FB3] =	sst s5  }
0xe: {  	[smem:$0x3FB4] =	sst s6  }
0xf: {  	[smem:$0x3FB5] =	sst s7  }
0x10: {  	[smem:$0x3FB6] =	sst s8  }
0x11: {  	[smem:$0x3FB7] =	sst s9;
	s0 =	simm.s32 @!p0 $0x0  }
0x12: {  	s1 =	sld [smem:$0x3F9D];
	s0 =	simm.s32 @p0 $0x1  }
0x13: {  	[smem:$0x3FB8] =	sst s0;
	s0 =	simm.s32 @!p1 $0x0  }
0x14: {  	s2 =	sld [smem:$0x3F9C];
	s0 =	simm.s32 @p1 $0x1  }
0x15: {  	[smem:$0x3FB9] =	sst s0;
	s0 =	simm.s32 @!p2 $0x0  }
0x16: {  	s3 =	sld [smem:$0x3FDB];
	s0 =	simm.s32 @p2 $0x1  }
0x17: {  	s4 =	simm.s32 $0x1BF5;
	[smem:$0x3FBB] =	sst s0  }
0x18: {  	s0 =	sld [smem:$0x3F9E];
	_ =	swait.ge [sflag:s4], $0x0  }
0x19: {  	s7 =	sld [smem:$0x3F9F]  }
0x1a: {  	s8 =	sadd.s32 $0xFFFFE003, lr  }
0x1b: {  	s9 =	sadd.s32 $0xFFFFFEF7, lr;
	s5 =	simm.s32 $0xFFFFFFFF;
	p2 =	slt.u32 s8, $0xFFFFF086  }
0x1c: {  	p1 =	slt.u32 s9, $0xF7A;
	s5 =	simm.s32 @!p2 $0x0  }
0x1d: {  	s5 =	simm.s32 @p1 $0x1;
	p0 =	seq.s32 s7, s2  }
0x1e: {  	s7 =	smul.u32 @!p0 $0xF7A, s2;
	p2 =	seq.s32 @!p0 s5, $0x0  }
0x1f: {  	s9 =	smul.u32 $0xF7A, s1;
	s8 =	simm.s32 @!p0 $0x1BF5;
	p2 =	por !p2, p0  }
0x20: {  	[sflag:s8] =	ssyncset.s32 @!p0 $0xFFFFF086;
	s6 =	sadd.s32 @!p0 s3, s7;
	s7 =	simm.s32 @!p0 $0x108  }
0x21: {  	s3 =	sadd.s32 s3, s9;
	s6 =	sadd.s32 @!p0 $0x88, s6;
	s7 =	simm.s32 @p2 $0x1082  }
0x22: {  	[simem:s7], [sflag:s8] =	dma.local @!p0 [hbm:s6], $0xF7A  }
0x23: {  	s9 =	sor.u32 $0xD0000000, s2;
	s6 =	simm.s32 $0x108;
	_ =	swait.ge @!p0 [sflag:s8], $0x0  }
0x24: {  	s3 =	sadd.s32 $0x88, s3;
	s6 =	simm.s32 @!p1 $0x1082;
	[sflag:s4] =	ssyncset.s32 $0xFFFFF086  }
0x25: {  	[simem:s6], [sflag:s4] =	dma.local [hbm:s3], $0xF7A  }
0x26: {  	[smem:$0x3F9F] =	sst s1;
	(tag) =	ssettag s2;
	_ =	strace s9  }
0x27: {  	s1 =	sld [smem:$0x3FAF]  }
0x28: {  	s2 =	sld [smem:$0x3FB0]  }
0x29: {  	s4 =	sld [smem:$0x3FB2]  }
0x2a: {  	p0 =	seq.s32 s5, $0x0;
	s5 =	sld [smem:$0x3FB3]  }
0x2b: {  	s6 =	sld [smem:$0x3FB4]  }
0x2c: {  	s7 =	sld [smem:$0x3FB5]  }
0x2d: {  	s3 =	simm.s32 $0x108;
	s8 =	sld [smem:$0x3FB6]  }
0x2e: {  	s3 =	simm.s32 @!p0 $0x1082;
	s9 =	sld [smem:$0x3FB7]  }
0x2f: {  	lr =	sadd.s32 s0, s3;
	s0 =	sld [smem:$0x3FAE]  }
0x30: {  	s3 =	sld [smem:$0x3FB1]  }
0x31: {  	[smem:$0x3FBA] =	sst s10  }
0x32: {  	s10 =	sld [smem:$0x3FB8];
	_ =	sdelay $0x3  }
0x33: {  	p0 =	seq.s32 s10, $0x1;
	s10 =	sld [smem:$0x3FBA];
	_ =	sdelay $0x3  }
0x34: {  	[smem:$0x3FBA] =	sst s10  }
0x35: {  	s10 =	sld [smem:$0x3FB9];
	_ =	sdelay $0x3  }
0x36: {  	p1 =	seq.s32 s10, $0x1;
	s10 =	sld [smem:$0x3FBA];
	_ =	sdelay $0x3  }
0x37: {  	[smem:$0x3FBA] =	sst s10  }
0x38: {  	s10 =	sld [smem:$0x3FBB]  }
0x39: {  	_ = 	snop;
	(pc) =	sbr.ind lr, $3  }
0x3a: {  	_ = 	snop  }
0x3b: {  	_ = 	snop  }
0x3c: {  	p2 =	seq.s32 s10, $0x1;
	s10 =	sld [smem:$0x3FBA]  }
0x3d: {  	_ =	shalt  }
0x3e: {  	_ =	shalt  }
0x3f: {  	_ =	shalt  }
0x40: {  	_ =	shalt  }
0x41: {  	_ =	shalt  }
0x42: {  	_ =	shalt  }
0x43: {  	_ =	shalt  }
0x44: {  	_ =	shalt  }
0x45: {  	_ =	shalt  }
0x46: {  	_ =	shalt  }
0x47: {  	_ =	shalt  }
0x48: {  	_ =	shalt  }
0x49: {  	_ =	shalt  }
0x4a: {  	_ =	shalt  }
0x4b: {  	_ =	shalt  }
0x4c: {  	_ =	shalt  }
0x4d: {  	_ =	shalt  }
0x4e: {  	_ =	shalt  }
0x4f: {  	_ =	shalt  }
0x50: {  	_ =	shalt  }
0x51: {  	_ =	shalt  }
0x52: {  	_ =	shalt  }
0x53: {  	_ =	shalt  }
0x54: {  	_ =	shalt  }
0x55: {  	_ =	shalt  }
0x56: {  	_ =	shalt  }
0x57: {  	_ =	shalt  }
0x58: {  	_ =	shalt  }
0x59: {  	_ =	shalt  }
0x5a: {  	_ =	shalt  }
0x5b: {  	_ =	shalt  }
0x5c: {  	_ =	shalt  }
0x5d: {  	_ =	shalt  }
0x5e: {  	_ =	shalt  }
0x5f: {  	_ =	shalt  }
0x60: {  	_ =	shalt  }
0x61: {  	_ =	shalt  }
0x62: {  	_ =	shalt  }
0x63: {  	_ =	shalt  }
0x64: {  	_ =	shalt  }
0x65: {  	_ =	shalt  }
0x66: {  	_ =	shalt  }
0x67: {  	_ =	shalt  }
0x68: {  	_ =	shalt  }
0x69: {  	_ =	shalt  }
0x6a: {  	_ =	shalt  }
0x6b: {  	_ =	shalt  }
0x6c: {  	_ =	shalt  }
0x6d: {  	_ =	shalt  }
0x6e: {  	_ =	shalt  }
0x6f: {  	_ =	shalt  }
0x70: {  	_ =	shalt  }
0x71: {  	_ =	shalt  }
0x72: {  	_ =	shalt  }
0x73: {  	_ =	shalt  }
0x74: {  	_ =	shalt  }
0x75: {  	_ =	shalt  }
0x76: {  	_ =	shalt  }
0x77: {  	_ =	shalt  }
0x78: {  	_ =	shalt  }
0x79: {  	_ =	shalt  }
0x7a: {  	_ =	shalt  }
0x7b: {  	_ =	shalt  }
0x7c: {  	_ =	shalt  }
0x7d: {  	_ =	shalt  }
0x7e: {  	_ =	shalt  }
0x7f: {  	_ =	shalt  }
0x80: {  	_ =	shalt  }
0x81: {  	_ =	shalt  }
0x82: {  	_ =	shalt  }
0x83: {  	_ =	shalt  }
0x84: {  	_ =	shalt  }
0x85: {  	_ =	shalt  }
0x86: {  	_ =	shalt  }
0x87: {  	_ =	shalt  }
.Lfunc_end0:
.L_simem_size_0:
called_computation_lowered:
.L_overlay_start_0:
0x88: {  	s2 =	sld [smem:$0x3FD9]  }
0x89: {  	s3 =	sld [smem:$0x3FFE];
	_ =	sdelay $0x1  }
0x8a: {  	s1 =	srdreg.scid  }
0x8b: {  	s0 =	sand.u32 $0x1, s1  }
0x8c: {  	s16 =	sshll.u32 s0, $0xA;
	s2 =	sadd.s32 s3, s2  }
0x8d: {  	s2 =	sadd.s32 s2, s16  }
0x8e: {  	[smem:$0x3FC6] =	sst s2  }
0x8f: {  	_ = 	snop  }
0x90: {  	(tm) =	ssettm $0x1  }
0x91: {  	s17 =	sld [smem:$0x3FFB];
	_ =	sdelay $0x3  }
0x92: {  	_ =	strace s17  }
0x93: {  	s2 =	sld [smem:$0x3FFC];
	_ =	sdelay $0x3  }
0x94: {  	_ =	strace s2  }
0x95: {  	s2 =	sld [smem:$0x3FFD];
	_ =	sdelay $0x3  }
0x96: {  	_ =	strace s2  }
0x97: {  	_ =	strace $0x8FFFFFFF  }
0x98: {  	s18 =	sld [smem:$0x3FDB];
	_ =	sdelay $0x1  }
0x99: {  	s19 =	simm.s32 $_scs_section_size  }
0x9a: {  	s4 =	simm.s32 $_size__tile_overlayer_lowered;
	s5 =	simm.s32 $_tile_overlayer_lowered  }
0x9b: {  	s22 =	simm.s32 $0x1BFF;
	s21 =	sshll.u32 s5, $0x1;
	s2 =	sadd.s32 s19, s18  }
0x9c: {  	s6 =	simm.s32 $0x0;
	s20 =	sshll.u32 s4, $0x1;
	s4 =	sadd.s32 s21, s2  }
0x9d: {  	[timem:s6], [sflag:s22] =	dma.local [hbm:s4], s20  }
0x9e: {  	_ =	swait.ge [sflag:s22], s20  }
0x9f: {  	s3 =	ssub.s32 $0x0, s20;
	[sflag:s22] =	ssyncset.done $0x0  }
0xa0: {  	[sflag:s22] =	ssyncadd.s32 s3;
	_ =	sdelay $0x1  }
0xa1: {  	s23 =	simm.s32 $0x1B8B  }
0xa2: {  	_ =	swait.ge [sflag:s23], $0x1  }
0xa3: {  	[sflag:s23] =	ssyncset.done $0x0  }
0xa4: {  	s25 =	simm.s32 $0x1B8E;
	s24 =	sld [smem:$0x3FFE];
	[sflag:s23] =	ssyncadd.s32 $0xFFFFFFFF  }
0xa5: {  	s26 =	simm.s32 $execute0_lowered;
	[smem:$0x3FD2] =	sst s25  }
0xa6: {  	s4 =	sshll.u32 s26, $0x1;
	_ =	strace $0x80000046;
	[dreg:$0x1] =	wrdreg $0xFFFFFFFF  }
0xa7: {  	s28 =	simm.s32 $_size_execute0_lowered;
	s2 =	sadd.s32 s2, s4;
	[dreg:$0x0] =	wrdreg $0x0  }
0xa8: {  	s4 =	sshll.u32 s28, $0x1;
	[dreg:$0x2] =	wrdreg s2  }
0xa9: {  	[dreg:$0x3] =	wrdreg s4  }
0xaa: {  	[dreg:$0x4] =	wrdreg $0xC0  }
0xab: {  	_ =	task [dreg:s6], $0x5FFFF  }
0xac: {  	[dreg:$0x1] =	wrdreg $0xFFFFFFFF  }
0xad: {  	[dreg:$0x0] =	wrdreg $0x60  }
0xae: {  	[dreg:$0x2] =	wrdreg s24  }
0xaf: {  	[dreg:$0x3] =	wrdreg $0x9  }
0xb0: {  	_ =	task.clear_ibuf [dreg:s6], $0x4FFFF;
	_ =	strace $0x90000046  }
0xb1: {  	s29 =	simm.s32 $0x9;
	_ =	strace $0x80000048  }
0xb2: {  	_ =	swait.ge [sflag:s29], $0x1  }
0xb3: {  	[sflag:s29] =	ssyncadd.s32 $0xFFFFFFFF  }
0xb4: {  	_ =	strace $0x90000048  }
0xb5: {  	_ =	sfence  }
0xb6: {  	s30 =	sld [smem:$0x0];
	_ =	sdelay $0x2  }
0xb7: {  	s31 =	sshll.u32 s1, $0xD;
	s1 =	sshrl.u32 s1, $0x2  }
0xb8: {  	s3 =	sand.u32 $0x4000, s31;
	s1 =	sadd.s32 s1, s30  }
0xb9: {  	s0 =	sor.u32 s3, s0;
	s1 =	sshll.u32 s1, $0x11  }
0xba: {  	s0 =	sor.u32 s1, s0  }
0xbb: {  	s0 =	sadd.s32 $0x8F2B, s0  }
0xbc: {  	[sflag:s0] =	ssyncadd.remote.s32 $0x1  }
0xbd: {  	_ =	sfence.sel $0xFFFF  }
0xbe: {  	[dreg:$0x0] =	wrdreg $0xFFFFFFFF;
	(pc) =	sbr.abs _section_cstart, $3  }
0xbf: {  	[dreg:$0x1] =	wrdreg $0xFFFFFFFF  }
0xc0: {  	_ =	task.clear_ibuf [dreg:s6], $0x2FFFF;
	_ =	strace $0x9FFFFFFF  }
0xc1: {  	(tm) =	ssettm $0x7FFFFFFF  }
tec
execute0_lowered:
.L_overlay_start_1:
0x0: {  	(tag) =	ssettag $0x1  }
0x1: {  	s0 =	srdreg.scid  }
0x2: {  	s1 =	stileid.u32;
	s2 =	rddreg [dreg:$0x0];
	s3 =	simm.s32 $0x0  }
0x3: {  	s15 =	simm.s32 $0x3;
	s16 =	simm.s32 $0x80;
	s17 =	simm.s32 $0x1  }
0x4: {  	s18 =	simm.s32 $0x19640;
	s19 =	simm.s32 $0x2;
	s21 =	simm.s32 $0x5  }
0x5: {  	v0 =	vlaneseq.u32;
	s22 =	simm.s32 $0x0;
	s0 =	sand.u32 $0x1, s0;
	s1 =	sshll.u32 s1, $0x1  }
0x6: {  	[smem:$0x7FF] =	sst s3;
	s4 =	sadd.s32 $0x1D800, s2;
	v0 =	vmul.u32 $0x10, v0;
	s1 =	sor.u32 s0, s1  }
0x7: {  	s5 =	sadd.s32 $0x13A00, s2;
	s0 =	ssub.s32 $0x2, s0;
	s1 =	smul.u32 $0x2710, s1  }
.Ltmp0:
0x8: {  	_ =	strace $0x80000047;
	s6 =	sshrl.u32 s0, $0x1;
	v1 =	vor.u32 $0x1, v0;
	v2 =	vor.u32 $0x2, v0;
	v3 =	vor.u32 $0x3, v0;
	(pc) =	sbr.rel .LBB2_1-.Ltmp0, $4  }
0x9: {  	v4 =	vor.u32 $0x4, v0;
	v5 =	vor.u32 $0x5, v0;
	v6 =	vor.u32 $0x6, v0;
	s0 =	ssub.s32 s0, s6;
	s7 =	sshrl.u32 s1, $0x3;
	s10 =	sadd.s32 $0x320, s1  }
0xa: {  	v7 =	vor.u32 $0x7, v0;
	v8 =	vor.u32 $0x8, v0;
	v9 =	vor.u32 $0x9, v0;
	s11 =	sadd.s32 $0x4B0, s1;
	s13 =	smax.u32 s0, $0x1;
	s12 =	sadd.s32 s7, s2  }
0xb: {  	v10 =	vor.u32 $0xA, v0;
	v11 =	vor.u32 $0xB, v0;
	v12 =	vor.u32 $0xC, v0;
	s9 =	sadd.s32 $0x32, s7;
	s6 =	sadd.s32 s4, s7;
	s7 =	sadd.s32 s5, s7  }
0xc: {  	v13 =	vor.u32 $0xD, v0;
	v14 =	vor.u32 $0xE, v0;
	v15 =	vor.u32 $0xF, v0;
	s8 =	sadd.s32 s4, s9;
	s9 =	sadd.s32 s5, s9;
	s12 =	sadd.s32 $0x27600, s12  }
.LBB2_9:
0xd: {  	s22 =	sadd.s32 $0x1, s22  }
0xe: {  	p0 =	sne.s32 s22, s13  }
.Ltmp1:
0xf: {  	s0 =	simm.s32 $0x1AF40;
	(pc) =	sbr.rel @!p0 .LBB2_10-.Ltmp1, $4  }
0x10: {  	[hbm4b:s12+s3] =	stream.linear.scatter [tilespmem:s0], [sflag:$0x5], $0x2710, $0x38;
	[tilespmem:$0x1D650] =	vst v63  }
0x11: {  	_ =	swait.ge [sflag:s21], $0x2710  }
0x12: {  	[sflag:s21] =	ssyncset.done $0x0  }
0x13: {  	[sflag:s21] =	ssyncadd.s32 $0xFFFFD8F0  }
.LBB2_1:
0x14: {  	[tilespmem:s3], [sflag:$0x3] =	stream.linear.gather [hbm4b:s6+s3], $0x190, $0x38;
	[tilespmem:$0x1D650] =	vst v63  }
0x15: {  	s0 =	simm.s32 $0x320  }
0x16: {  	[tilespmem:s0], [sflag:$0x3] =	stream.linear.gather [hbm4b:s7+s3], $0x190, $0x38;
	[tilespmem:$0x1D650] =	vst v63  }
0x17: {  	_ =	swait.ge [sflag:s15], $0x190  }
0x18: {  	[sflag:s15] =	ssyncset.done $0x0  }
0x19: {  	[sflag:s15] =	ssyncadd.s32 $0xFFFFFE70  }
0x1a: {  	_ =	swait.ge [sflag:s15], $0x190  }
0x1b: {  	[sflag:s15] =	ssyncset.done $0x0  }
0x1c: {  	s1 =	simm.s32 $0x640;
	[sflag:s15] =	ssyncadd.s32 $0xFFFFFE70  }
0x1d: {  	[tilespmem:s1], [sflag:$0x1] =	stream.indirect.gather [hbm4b:s2+s16], $0x40, s3, s16, $0xb8;
	[tilespmem:$0x1D650] =	vst v63  }
0x1e: {  	s28 =	simm.s32 $0xCE40  }
0x1f: {  	[tilespmem:s28], [sflag:$0x1] =	stream.indirect.gather [hbm4b:s2+s16], $0x40, s0, s16, $0xb8;
	[tilespmem:$0x1D650] =	vst v63  }
0x20: {  	s29 =	simm.s32 $0x2640  }
0x21: {  	[tilespmem:s29], [sflag:$0x1] =	stream.indirect.gather [hbm4b:s2+s16], $0x40, s16, s16, $0xb8;
	[tilespmem:$0x1D650] =	vst v63  }
0x22: {  	s30 =	simm.s32 $0x3A0;
	s31 =	simm.s32 $0xEE40  }
0x23: {  	[tilespmem:s31], [sflag:$0x1] =	stream.indirect.gather [hbm4b:s2+s16], $0x40, s30, s16, $0xb8;
	[tilespmem:$0x1D650] =	vst v63  }
0x24: {  	s14 =	simm.s32 $0x100;
	s20 =	simm.s32 $0x4640  }
0x25: {  	[tilespmem:s20], [sflag:$0x1] =	stream.indirect.gather [hbm4b:s2+s16], $0x40, s14, s16, $0xb8;
	[tilespmem:$0x1D650] =	vst v63  }
0x26: {  	s23 =	simm.s32 $0x420;
	s24 =	simm.s32 $0x10E40  }
0x27: {  	[tilespmem:s24], [sflag:$0x1] =	stream.indirect.gather [hbm4b:s2+s16], $0x40, s23, s16, $0xb8;
	[tilespmem:$0x1D650] =	vst v63  }
0x28: {  	s25 =	simm.s32 $0x10;
	s26 =	simm.s32 $0x180;
	s14 =	simm.s32 $0x6640  }
0x29: {  	[tilespmem:s14], [sflag:$0x1] =	stream.indirect.gather [hbm4b:s2+s25], $0x40, s26, s25, $0xb8;
	[tilespmem:$0x1D650] =	vst v63  }
0x2a: {  	s28 =	simm.s32 $0x4A0;
	s29 =	simm.s32 $0x12E40  }
0x2b: {  	[tilespmem:s29], [sflag:$0x1] =	stream.indirect.gather [hbm4b:s2+s25], $0x40, s28, s25, $0xb8;
	[tilespmem:$0x1D650] =	vst v63  }
.Ltmp2:
0x2c: {  	_ = 	snop;
	(pc) =	sbr.rel .LBB2_2-.Ltmp2, $4  }
0x2d: {  	s30 =	simm.s32 $0x190  }
0x2e: {  	[tilespmem:s30], [sflag:$0x4] =	stream.linear.gather [hbm4b:s8+s3], $0x190, $0x38;
	[tilespmem:$0x1D650] =	vst v63  }
0x2f: {  	s31 =	simm.s32 $0x4B0;
	s23 =	simm.s32 $0x0  }
0x30: {  	[tilespmem:s31], [sflag:$0x4] =	stream.linear.gather [hbm4b:s9+s3], $0x190, $0x38;
	[tilespmem:$0x1D650] =	vst v63  }
.LBB2_8:
0x31: {  	s23 =	sadd.s32 $0x1, s23  }
0x32: {  	p0 =	sne.s32 s23, $0xD  }
.Ltmp3:
0x33: {  	_ = 	snop;
	(pc) =	sbr.rel @!p0 .LBB2_9-.Ltmp3, $1  }
0x34: {  	_ =	sdelay $0x3  }
.LBB2_2:
0x35: {  	s24 =	sshllo.u32 s23, $0x1  }
0x36: {  	p0 =	sgt.u32 s24, $0x18  }
0x37: {  	s0 =	simm.s32 @!p0 $0x4  }
0x38: {  	_ =	swait.ge @!p0 [sflag:s0], $0x190  }
0x39: {  	[sflag:s0] =	ssyncset.done @!p0 $0x0  }
0x3a: {  	[sflag:s0] =	ssyncadd.s32 @!p0 $0xFFFFFE70  }
0x3b: {  	_ =	swait.ge @!p0 [sflag:s0], $0x190  }
0x3c: {  	s1 =	simm.s32 @!p0 $0x190;
	[sflag:s0] =	ssyncset.done @!p0 $0x0  }
0x3d: {  	s14 =	simm.s32 @!p0 $0x6A40;
	[sflag:s0] =	ssyncadd.s32 @!p0 $0xFFFFFE70;
	s0 =	simm.s32 @!p0 $0x80  }
0x3e: {  	[tilespmem:s14], [sflag:$0x2] =	stream.indirect.gather @!p0 [hbm4b:s2+s0], $0x40, s1, s0, $0xb8;
	[tilespmem:$0x1D650] =	vst v63  }
0x3f: {  	s1 =	simm.s32 @!p0 $0x4B0;
	s14 =	simm.s32 @!p0 $0x13240  }
0x40: {  	[tilespmem:s14], [sflag:$0x2] =	stream.indirect.gather @!p0 [hbm4b:s2+s0], $0x40, s1, s0, $0xb8;
	[tilespmem:$0x1D650] =	vst v63  }
0x41: {  	s1 =	simm.s32 @!p0 $0x210;
	s14 =	simm.s32 @!p0 $0x8A40  }
0x42: {  	[tilespmem:s14], [sflag:$0x2] =	stream.indirect.gather @!p0 [hbm4b:s2+s0], $0x40, s1, s0, $0xb8;
	[tilespmem:$0x1D650] =	vst v63  }
0x43: {  	s1 =	simm.s32 @!p0 $0x530;
	s14 =	simm.s32 @!p0 $0x15240  }
0x44: {  	[tilespmem:s14], [sflag:$0x2] =	stream.indirect.gather @!p0 [hbm4b:s2+s0], $0x40, s1, s0, $0xb8;
	[tilespmem:$0x1D650] =	vst v63  }
0x45: {  	s1 =	simm.s32 @!p0 $0x290;
	s14 =	simm.s32 @!p0 $0xAA40  }
0x46: {  	[tilespmem:s14], [sflag:$0x2] =	stream.indirect.gather @!p0 [hbm4b:s2+s0], $0x40, s1, s0, $0xb8;
	[tilespmem:$0x1D650] =	vst v63  }
0x47: {  	s1 =	simm.s32 @!p0 $0x5B0;
	s14 =	simm.s32 @!p0 $0x17240  }
0x48: {  	[tilespmem:s14], [sflag:$0x2] =	stream.indirect.gather @!p0 [hbm4b:s2+s0], $0x40, s1, s0, $0xb8;
	[tilespmem:$0x1D650] =	vst v63  }
0x49: {  	s0 =	simm.s32 @!p0 $0x10;
	s1 =	simm.s32 @!p0 $0x310;
	s14 =	simm.s32 @!p0 $0xCA40  }
0x4a: {  	[tilespmem:s14], [sflag:$0x2] =	stream.indirect.gather @!p0 [hbm4b:s2+s0], $0x40, s1, s0, $0xb8;
	[tilespmem:$0x1D650] =	vst v63  }
0x4b: {  	s1 =	simm.s32 @!p0 $0x630;
	s14 =	simm.s32 @!p0 $0x19240  }
0x4c: {  	[tilespmem:s14], [sflag:$0x2] =	stream.indirect.gather @!p0 [hbm4b:s2+s0], $0x40, s1, s0, $0xb8;
	[tilespmem:$0x1D650] =	vst v63  }
0x4d: {  	p1 =	seq.s32 s23, $0xC;
	_ =	swait.ge [sflag:s17], $0x6400  }
0x4e: {  	s0 =	smul.u32 @!p1 $0x320, s23;
	[sflag:s17] =	ssyncset.done $0x0  }
0x4f: {  	s20 =	smul.u32 $0xC80, s23;
	[sflag:s17] =	ssyncadd.s32 $0xFFFF9C00  }
0x50: {  	s28 =	simm.s32 $0x0;
	s0 =	sadd.s32 @!p1 s0, s10;
	_ =	swait.ge [sflag:s17], $0x6400  }
0x51: {  	s25 =	sshra.s32 s20, $0x2;
	s0 =	sshrl.u32 @!p1 s0, $0x3;
	[sflag:s17] =	ssyncset.done $0x0  }
0x52: {  	s14 =	simm.s32 @!p1 $0x0;
	s1 =	sadd.s32 @!p1 s4, s0;
	[sflag:s17] =	ssyncadd.s32 $0xFFFF9C00  }
0x53: {  	[tilespmem:s14], [sflag:$0x3] =	stream.linear.gather @!p1 [hbm4b:s1+s14], $0x190, $0x38;
	[tilespmem:$0x1D650] =	vst v63  }
0x54: {  	s31 =	sadd.s32 $0x1AF40, s25;
	s0 =	sadd.s32 @!p1 s5, s0;
	s1 =	simm.s32 @!p1 $0x320  }
0x55: {  	v16 =	vmov s31;
	[tilespmem:s1], [sflag:$0x3] =	stream.linear.gather @!p1 [hbm4b:s0+s14], $0x190, $0x38;
	[tilespmem:$0x1D650] =	vst v63  }
.LBB2_3:
0x56: {  	s31 =	sshll.u32 s28, $0xA  }
0x57: {  	v17 =	vld [tilespmem:s31+$0x640]  }
0x58: {  	v18 =	vld [tilespmem:s31+$0xCE40]  }
0x59: {  	v19 =	vld [tilespmem:s31+$0x650]  }
0x5a: {  	v20 =	vld [tilespmem:s31+$0xCE50]  }
0x5b: {  	v21 =	vld [tilespmem:s31+$0x660]  }
0x5c: {  	v22 =	vld [tilespmem:s31+$0xCE60]  }
0x5d: {  	v23 =	vld [tilespmem:s31+$0x670]  }
0x5e: {  	v24 =	vld [tilespmem:s31+$0xCE70];
	_ =	sdelay $0x2  }
0x5f: {  	v17 =	vmul.bf16 v18, v17  }
0x60: {  	v18 =	vmul.bf16 v20, v19  }
0x61: {  	v46 =	vmul.bf16 v22, v21;
	v47 =	vmul.bf16 v24, v23;
	v19 =	vunpack.i.u.bf16.f32 v17  }
0x62: {  	v17 =	vunpack.i.l.bf16.f32 v17;
	v48 =	vunpack.i.u.bf16.f32 v18;
	v18 =	vunpack.i.l.bf16.f32 v18  }
0x63: {  	v49 =	vunpack.i.u.bf16.f32 v46;
	v20 =	vunpack.i.l.bf16.f32 v46;
	v24 =	vunpack.i.u.bf16.f32 v47  }
0x64: {  	v21 =	vunpack.i.l.bf16.f32 v47;
	v17 =	vadd.f32 v17, v19;
	v18 =	vadd.f32 v18, v48  }
0x65: {  	v19 =	vadd.f32 v20, v49;
	v50 =	vadd.f32 v21, v24;
	_ =	sdelay $0x1  }
0x66: {  	v17 =	vadd.f32 v18, v17;
	v18 =	vadd.f32 v50, v19;
	_ =	sdelay $0x1  }
0x67: {  	v17 =	vadd.f32 v18, v17  }
0x68: {  	s29 =	sshll.u32 s28, $0x8  }
0x69: {  	[tilespmem:s29+$0x19640] =	vst v17  }
0x6a: {  	v17 =	vld [tilespmem:s31+$0x680]  }
0x6b: {  	v18 =	vld [tilespmem:s31+$0xCE80]  }
0x6c: {  	v19 =	vld [tilespmem:s31+$0x690]  }
0x6d: {  	v51 =	vld [tilespmem:s31+$0xCE90]  }
0x6e: {  	v52 =	vld [tilespmem:s31+$0x6A0]  }
0x6f: {  	v53 =	vld [tilespmem:s31+$0xCEA0]  }
0x70: {  	v54 =	vld [tilespmem:s31+$0x6B0]  }
0x71: {  	v55 =	vld [tilespmem:s31+$0xCEB0];
	_ =	sdelay $0x2  }
0x72: {  	v17 =	vmul.bf16 v18, v17  }
0x73: {  	v18 =	vmul.bf16 v51, v19  }
0x74: {  	v56 =	vmul.bf16 v53, v52;
	v57 =	vmul.bf16 v55, v54;
	v19 =	vunpack.i.u.bf16.f32 v17  }
0x75: {  	v17 =	vunpack.i.l.bf16.f32 v17;
	v58 =	vunpack.i.u.bf16.f32 v18;
	v18 =	vunpack.i.l.bf16.f32 v18  }
0x76: {  	v59 =	vunpack.i.u.bf16.f32 v56;
	v20 =	vunpack.i.l.bf16.f32 v56;
	v24 =	vunpack.i.u.bf16.f32 v57  }
0x77: {  	v21 =	vunpack.i.l.bf16.f32 v57;
	v17 =	vadd.f32 v17, v19;
	v18 =	vadd.f32 v18, v58  }
0x78: {  	v19 =	vadd.f32 v20, v59;
	v60 =	vadd.f32 v21, v24;
	_ =	sdelay $0x1  }
0x79: {  	v17 =	vadd.f32 v18, v17;
	v18 =	vadd.f32 v60, v19;
	_ =	sdelay $0x1  }
0x7a: {  	v17 =	vadd.f32 v18, v17;
	_ =	sdelay $0x1  }
0x7b: {  	[tilespmem:s29+$0x19650] =	vst v17  }
0x7c: {  	v17 =	vld [tilespmem:s31+$0x6C0]  }
0x7d: {  	v18 =	vld [tilespmem:s31+$0xCEC0]  }
0x7e: {  	v19 =	vld [tilespmem:s31+$0x6D0]  }
0x7f: {  	v61 =	vld [tilespmem:s31+$0xCED0]  }
0x80: {  	v62 =	vld [tilespmem:s31+$0x6E0]  }
0x81: {  	v63 =	vld [tilespmem:s31+$0xCEE0]  }
0x82: {  	v28 =	vld [tilespmem:s31+$0x6F0]  }
0x83: {  	v29 =	vld [tilespmem:s31+$0xCEF0];
	_ =	sdelay $0x2  }
0x84: {  	v17 =	vmul.bf16 v18, v17  }
0x85: {  	v18 =	vmul.bf16 v61, v19  }
0x86: {  	v30 =	vmul.bf16 v63, v62;
	v31 =	vmul.bf16 v29, v28;
	v19 =	vunpack.i.u.bf16.f32 v17  }
0x87: {  	v17 =	vunpack.i.l.bf16.f32 v17;
	v32 =	vunpack.i.u.bf16.f32 v18;
	v18 =	vunpack.i.l.bf16.f32 v18  }
0x88: {  	v33 =	vunpack.i.u.bf16.f32 v30;
	v20 =	vunpack.i.l.bf16.f32 v30;
	v24 =	vunpack.i.u.bf16.f32 v31  }
0x89: {  	v21 =	vunpack.i.l.bf16.f32 v31;
	v17 =	vadd.f32 v17, v19;
	v18 =	vadd.f32 v18, v32  }
0x8a: {  	v19 =	vadd.f32 v20, v33;
	v34 =	vadd.f32 v21, v24;
	_ =	sdelay $0x1  }
0x8b: {  	v17 =	vadd.f32 v18, v17;
	v18 =	vadd.f32 v34, v19;
	_ =	sdelay $0x1  }
0x8c: {  	v17 =	vadd.f32 v18, v17;
	_ =	sdelay $0x1  }
0x8d: {  	[tilespmem:s29+$0x19660] =	vst v17  }
0x8e: {  	v17 =	vld [tilespmem:s31+$0x700]  }
0x8f: {  	v18 =	vld [tilespmem:s31+$0xCF00]  }
0x90: {  	v19 =	vld [tilespmem:s31+$0x710]  }
0x91: {  	v35 =	vld [tilespmem:s31+$0xCF10]  }
0x92: {  	v36 =	vld [tilespmem:s31+$0x720]  }
0x93: {  	v37 =	vld [tilespmem:s31+$0xCF20]  }
0x94: {  	v38 =	vld [tilespmem:s31+$0x730]  }
0x95: {  	v39 =	vld [tilespmem:s31+$0xCF30];
	_ =	sdelay $0x2  }
0x96: {  	v17 =	vmul.bf16 v18, v17  }
0x97: {  	v18 =	vmul.bf16 v35, v19  }
0x98: {  	v40 =	vmul.bf16 v37, v36;
	v41 =	vmul.bf16 v39, v38;
	v19 =	vunpack.i.u.bf16.f32 v17  }
0x99: {  	v17 =	vunpack.i.l.bf16.f32 v17;
	v42 =	vunpack.i.u.bf16.f32 v18;
	v18 =	vunpack.i.l.bf16.f32 v18  }
0x9a: {  	v43 =	vunpack.i.u.bf16.f32 v40;
	v20 =	vunpack.i.l.bf16.f32 v40;
	v24 =	vunpack.i.u.bf16.f32 v41  }
0x9b: {  	v21 =	vunpack.i.l.bf16.f32 v41;
	v17 =	vadd.f32 v17, v19;
	v18 =	vadd.f32 v18, v42  }
0x9c: {  	v19 =	vadd.f32 v20, v43;
	v44 =	vadd.f32 v21, v24;
	_ =	sdelay $0x1  }
0x9d: {  	v17 =	vadd.f32 v18, v17;
	v18 =	vadd.f32 v44, v19;
	_ =	sdelay $0x1  }
0x9e: {  	v17 =	vadd.f32 v18, v17;
	_ =	sdelay $0x1  }
0x9f: {  	[tilespmem:s29+$0x19670] =	vst v17  }
0xa0: {  	v17 =	vld [tilespmem:s31+$0x740]  }
0xa1: {  	v18 =	vld [tilespmem:s31+$0xCF40]  }
0xa2: {  	v19 =	vld [tilespmem:s31+$0x750]  }
0xa3: {  	v45 =	vld [tilespmem:s31+$0xCF50]  }
0xa4: {  	v46 =	vld [tilespmem:s31+$0x760]  }
0xa5: {  	v47 =	vld [tilespmem:s31+$0xCF60]  }
0xa6: {  	v48 =	vld [tilespmem:s31+$0x770]  }
0xa7: {  	v49 =	vld [tilespmem:s31+$0xCF70];
	_ =	sdelay $0x2  }
0xa8: {  	v17 =	vmul.bf16 v18, v17  }
0xa9: {  	v18 =	vmul.bf16 v45, v19  }
0xaa: {  	v50 =	vmul.bf16 v47, v46;
	v51 =	vmul.bf16 v49, v48;
	v19 =	vunpack.i.u.bf16.f32 v17  }
0xab: {  	v17 =	vunpack.i.l.bf16.f32 v17;
	v52 =	vunpack.i.u.bf16.f32 v18;
	v18 =	vunpack.i.l.bf16.f32 v18  }
0xac: {  	v53 =	vunpack.i.u.bf16.f32 v50;
	v20 =	vunpack.i.l.bf16.f32 v50;
	v24 =	vunpack.i.u.bf16.f32 v51  }
0xad: {  	v21 =	vunpack.i.l.bf16.f32 v51;
	v17 =	vadd.f32 v17, v19;
	v18 =	vadd.f32 v18, v52  }
0xae: {  	v19 =	vadd.f32 v20, v53;
	v54 =	vadd.f32 v21, v24;
	_ =	sdelay $0x1  }
0xaf: {  	v17 =	vadd.f32 v18, v17;
	v18 =	vadd.f32 v54, v19;
	_ =	sdelay $0x1  }
0xb0: {  	v17 =	vadd.f32 v18, v17;
	_ =	sdelay $0x1  }
0xb1: {  	[tilespmem:s29+$0x19680] =	vst v17  }
0xb2: {  	v17 =	vld [tilespmem:s31+$0x780]  }
0xb3: {  	v18 =	vld [tilespmem:s31+$0xCF80]  }
0xb4: {  	v19 =	vld [tilespmem:s31+$0x790]  }
0xb5: {  	v55 =	vld [tilespmem:s31+$0xCF90]  }
0xb6: {  	v56 =	vld [tilespmem:s31+$0x7A0]  }
0xb7: {  	v57 =	vld [tilespmem:s31+$0xCFA0]  }
0xb8: {  	v58 =	vld [tilespmem:s31+$0x7B0]  }
0xb9: {  	v59 =	vld [tilespmem:s31+$0xCFB0];
	_ =	sdelay $0x2  }
0xba: {  	v17 =	vmul.bf16 v18, v17  }
0xbb: {  	v18 =	vmul.bf16 v55, v19  }
0xbc: {  	v60 =	vmul.bf16 v57, v56;
	v61 =	vmul.bf16 v59, v58;
	v19 =	vunpack.i.u.bf16.f32 v17  }
0xbd: {  	v17 =	vunpack.i.l.bf16.f32 v17;
	v62 =	vunpack.i.u.bf16.f32 v18;
	v18 =	vunpack.i.l.bf16.f32 v18  }
0xbe: {  	v63 =	vunpack.i.u.bf16.f32 v60;
	v20 =	vunpack.i.l.bf16.f32 v60;
	v24 =	vunpack.i.u.bf16.f32 v61  }
0xbf: {  	v21 =	vunpack.i.l.bf16.f32 v61;
	v17 =	vadd.f32 v17, v19;
	v18 =	vadd.f32 v18, v62  }
0xc0: {  	v19 =	vadd.f32 v20, v63;
	v27 =	vadd.f32 v21, v24;
	_ =	sdelay $0x1  }
0xc1: {  	v17 =	vadd.f32 v18, v17;
	v18 =	vadd.f32 v27, v19;
	_ =	sdelay $0x1  }
0xc2: {  	v17 =	vadd.f32 v18, v17;
	_ =	sdelay $0x1  }
0xc3: {  	[tilespmem:s29+$0x19690] =	vst v17  }
0xc4: {  	v17 =	vld [tilespmem:s31+$0x7C0]  }
0xc5: {  	v18 =	vld [tilespmem:s31+$0xCFC0]  }
0xc6: {  	v19 =	vld [tilespmem:s31+$0x7D0]  }
0xc7: {  	v28 =	vld [tilespmem:s31+$0xCFD0]  }
0xc8: {  	v29 =	vld [tilespmem:s31+$0x7E0]  }
0xc9: {  	v30 =	vld [tilespmem:s31+$0xCFE0]  }
0xca: {  	v31 =	vld [tilespmem:s31+$0x7F0]  }
0xcb: {  	v32 =	vld [tilespmem:s31+$0xCFF0];
	_ =	sdelay $0x2  }
0xcc: {  	v17 =	vmul.bf16 v18, v17  }
0xcd: {  	v18 =	vmul.bf16 v28, v19  }
0xce: {  	v33 =	vmul.bf16 v30, v29;
	v34 =	vmul.bf16 v32, v31;
	v19 =	vunpack.i.u.bf16.f32 v17  }
0xcf: {  	v17 =	vunpack.i.l.bf16.f32 v17;
	v35 =	vunpack.i.u.bf16.f32 v18;
	v18 =	vunpack.i.l.bf16.f32 v18  }
0xd0: {  	v36 =	vunpack.i.u.bf16.f32 v33;
	v20 =	vunpack.i.l.bf16.f32 v33;
	v24 =	vunpack.i.u.bf16.f32 v34  }
0xd1: {  	v21 =	vunpack.i.l.bf16.f32 v34;
	v17 =	vadd.f32 v17, v19;
	v18 =	vadd.f32 v18, v35  }
0xd2: {  	v19 =	vadd.f32 v20, v36;
	v37 =	vadd.f32 v21, v24;
	_ =	sdelay $0x1  }
0xd3: {  	v17 =	vadd.f32 v18, v17;
	v18 =	vadd.f32 v37, v19;
	_ =	sdelay $0x1  }
0xd4: {  	v17 =	vadd.f32 v18, v17;
	_ =	sdelay $0x1  }
0xd5: {  	[tilespmem:s29+$0x196A0] =	vst v17  }
0xd6: {  	v17 =	vld [tilespmem:s31+$0x800]  }
0xd7: {  	v18 =	vld [tilespmem:s31+$0xD000]  }
0xd8: {  	v19 =	vld [tilespmem:s31+$0x810]  }
0xd9: {  	v38 =	vld [tilespmem:s31+$0xD010]  }
0xda: {  	v39 =	vld [tilespmem:s31+$0x820]  }
0xdb: {  	v40 =	vld [tilespmem:s31+$0xD020]  }
0xdc: {  	v41 =	vld [tilespmem:s31+$0x830]  }
0xdd: {  	v42 =	vld [tilespmem:s31+$0xD030];
	_ =	sdelay $0x1  }
0xde: {  	s30 =	sadd.s32 $0x1, s28  }
0xdf: {  	s26 =	sshll.u32 s30, $0xA;
	v17 =	vmul.bf16 v18, v17  }
0xe0: {  	v25 =	vld [tilespmem:s26+$0xCE70];
	v18 =	vmul.bf16 v38, v19  }
0xe1: {  	v48 =	vld [tilespmem:s26+$0x650];
	v43 =	vmul.bf16 v40, v39;
	v44 =	vmul.bf16 v42, v41;
	v19 =	vunpack.i.u.bf16.f32 v17  }
0xe2: {  	v49 =	vld [tilespmem:s26+$0xCE50];
	v17 =	vunpack.i.l.bf16.f32 v17;
	v45 =	vunpack.i.u.bf16.f32 v18;
	v18 =	vunpack.i.l.bf16.f32 v18  }
0xe3: {  	v50 =	vld [tilespmem:s26+$0x660];
	v46 =	vunpack.i.u.bf16.f32 v43;
	v20 =	vunpack.i.l.bf16.f32 v43;
	v24 =	vunpack.i.u.bf16.f32 v44  }
0xe4: {  	s1 =	sadd.s32 $0x2, s28;
	v51 =	vld [tilespmem:s26+$0xCE60];
	v21 =	vunpack.i.l.bf16.f32 v44;
	v17 =	vadd.f32 v17, v19;
	v18 =	vadd.f32 v18, v45  }
0xe5: {  	s14 =	sshll.u32 s1, $0xA;
	v52 =	vld [tilespmem:s26+$0x670];
	v19 =	vadd.f32 v20, v46;
	v47 =	vadd.f32 v21, v24  }
0xe6: {  	v53 =	vld [tilespmem:s14+$0x650]  }
0xe7: {  	v55 =	vld [tilespmem:s14+$0xCE50];
	v17 =	vadd.f32 v18, v17;
	v18 =	vadd.f32 v47, v19  }
0xe8: {  	v19 =	vld [tilespmem:s26+$0xCE40]  }
0xe9: {  	v17 =	vadd.f32 v18, v17;
	v18 =	vld [tilespmem:s26+$0x640]  }
0xea: {  	v57 =	vld [tilespmem:s14+$0x670]  }
0xeb: {  	v22 =	vmul.bf16 v51, v50;
	v54 =	vmul.bf16 v25, v52;
	v58 =	vld [tilespmem:s14+$0xCE70]  }
0xec: {  	v27 =	vld [tilespmem:s14+$0x640]  }
0xed: {  	v23 =	vunpack.i.l.bf16.f32 v54;
	v29 =	vld [tilespmem:s14+$0x660];
	v30 =	vunpack.i.u.bf16.f32 v22;
	v20 =	vmul.bf16 v49, v48  }
0xee: {  	v22 =	vunpack.i.l.bf16.f32 v22;
	v31 =	vunpack.i.u.bf16.f32 v54;
	v32 =	vld [tilespmem:s14+$0xCE60];
	[tilespmem:s29+$0x196B0] =	vst v17;
	v18 =	vmul.bf16 v19, v18  }
0xef: {  	v22 =	vadd.f32 v22, v30;
	v23 =	vadd.f32 v23, v31;
	v56 =	vunpack.i.u.bf16.f32 v20;
	v17 =	vld [tilespmem:s31+$0x840]  }
0xf0: {  	v20 =	vunpack.i.l.bf16.f32 v20;
	v26 =	vld [tilespmem:s31+$0xD040];
	v28 =	vunpack.i.u.bf16.f32 v18;
	v18 =	vunpack.i.l.bf16.f32 v18  }
0xf1: {  	v20 =	vadd.f32 v20, v56;
	v59 =	vld [tilespmem:s31+$0x850];
	v18 =	vadd.f32 v18, v28  }
0xf2: {  	v60 =	vld [tilespmem:s31+$0xD050]  }
0xf3: {  	v61 =	vadd.f32 v23, v22;
	v19 =	vld [tilespmem:s14+$0xCE40];
	v18 =	vadd.f32 v20, v18  }
0xf4: {  	v62 =	vld [tilespmem:s31+$0x860]  }
0xf5: {  	v25 =	vmul.bf16 v58, v57;
	v63 =	vld [tilespmem:s31+$0xD060];
	v18 =	vadd.f32 v61, v18  }
0xf6: {  	s20 =	sshll.u32 s30, $0x8;
	v38 =	vmul.bf16 v32, v29;
	v36 =	vld [tilespmem:s31+$0x870]  }
0xf7: {  	v33 =	vunpack.i.u.bf16.f32 v25;
	v25 =	vunpack.i.l.bf16.f32 v25;
	v35 =	vmul.bf16 v55, v53;
	v39 =	vld [tilespmem:s31+$0xD070];
	[tilespmem:s20+$0x19640] =	vst v18  }
0xf8: {  	v32 =	vunpack.i.u.bf16.f32 v38;
	v19 =	vmul.bf16 v19, v27;
	v27 =	vunpack.i.l.bf16.f32 v38;
	v40 =	vld [tilespmem:s26+$0x680]  }
0xf9: {  	v25 =	vadd.f32 v25, v33;
	v20 =	vunpack.i.l.bf16.f32 v35;
	v42 =	vadd.f32 v27, v32;
	v34 =	vld [tilespmem:s26+$0xCE80]  }
0xfa: {  	v37 =	vunpack.i.u.bf16.f32 v19;
	v18 =	vunpack.i.l.bf16.f32 v19;
	v19 =	vunpack.i.u.bf16.f32 v35;
	v41 =	vld [tilespmem:s26+$0x690]  }
0xfb: {  	v18 =	vadd.f32 v18, v37;
	v19 =	vadd.f32 v20, v19;
	v43 =	vld [tilespmem:s26+$0xCE90]  }
0xfc: {  	v44 =	vld [tilespmem:s26+$0x6A0]  }
0xfd: {  	v21 =	vmul.bf16 v39, v36;
	v45 =	vld [tilespmem:s26+$0xCEA0];
	v18 =	vadd.f32 v19, v18;
	v19 =	vadd.f32 v25, v42  }
0xfe: {  	v17 =	vmul.bf16 v26, v17;
	v46 =	vmul.bf16 v60, v59;
	v47 =	vld [tilespmem:s26+$0x6B0]  }
0xff: {  	v51 =	vunpack.i.u.bf16.f32 v21;
	v21 =	vunpack.i.l.bf16.f32 v21;
	v48 =	vld [tilespmem:s26+$0xCEB0];
	v18 =	vadd.f32 v19, v18  }
0x100: {  	s0 =	sshll.u32 s1, $0x8;
	v22 =	vmul.bf16 v63, v62;
	v49 =	vunpack.i.u.bf16.f32 v46;
	v21 =	vadd.f32 v21, v51  }
0x101: {  	v25 =	vunpack.i.l.bf16.f32 v46;
	v19 =	vunpack.i.u.bf16.f32 v17;
	v17 =	vunpack.i.l.bf16.f32 v17;
	[tilespmem:s0+$0x19640] =	vst v18  }
0x102: {  	v50 =	vunpack.i.u.bf16.f32 v22;
	v17 =	vadd.f32 v17, v19;
	v19 =	vadd.f32 v25, v49;
	v52 =	vld [tilespmem:s14+$0x680]  }
0x103: {  	v53 =	vmul.bf16 v34, v40;
	v20 =	vmul.bf16 v43, v41;
	v18 =	vunpack.i.l.bf16.f32 v22;
	v54 =	vld [tilespmem:s14+$0xCE80]  }
0x104: {  	v24 =	vmul.bf16 v45, v44;
	v23 =	vmul.bf16 v48, v47;
	v18 =	vadd.f32 v18, v50;
	v55 =	vld [tilespmem:s14+$0x690]  }
0x105: {  	v56 =	vunpack.i.u.bf16.f32 v53;
	v57 =	vld [tilespmem:s14+$0xCE90];
	v25 =	vunpack.i.l.bf16.f32 v53;
	v58 =	vunpack.i.u.bf16.f32 v20  }
0x106: {  	v20 =	vunpack.i.l.bf16.f32 v20;
	v59 =	vld [tilespmem:s14+$0x6A0];
	v32 =	vunpack.i.u.bf16.f32 v24;
	v24 =	vunpack.i.l.bf16.f32 v24  }
0x107: {  	v60 =	vunpack.i.u.bf16.f32 v23;
	v61 =	vld [tilespmem:s14+$0xCEA0];
	v17 =	vadd.f32 v19, v17;
	v25 =	vadd.f32 v25, v56  }
0x108: {  	v23 =	vunpack.i.l.bf16.f32 v23;
	v62 =	vld [tilespmem:s14+$0x6B0];
	v20 =	vadd.f32 v20, v58;
	v24 =	vadd.f32 v24, v32  }
0x109: {  	v63 =	vld [tilespmem:s14+$0xCEB0];
	v23 =	vadd.f32 v23, v60;
	v18 =	vadd.f32 v21, v18  }
0x10a: {  	v19 =	vadd.f32 v20, v25  }
0x10b: {  	v25 =	vadd.f32 v23, v24;
	v17 =	vadd.f32 v18, v17  }
0x10c: {  	v18 =	vmul.bf16 v54, v52  }
0x10d: {  	v19 =	vadd.f32 v25, v19;
	v32 =	vmul.bf16 v57, v55;
	[tilespmem:s29+$0x196C0] =	vst v17  }
0x10e: {  	v33 =	vmul.bf16 v61, v59;
	v34 =	vmul.bf16 v63, v62;
	v17 =	vunpack.i.u.bf16.f32 v18;
	v23 =	vld [tilespmem:s31+$0x880]  }
0x10f: {  	[tilespmem:s20+$0x19650] =	vst v19;
	v18 =	vunpack.i.l.bf16.f32 v18;
	v19 =	vunpack.i.u.bf16.f32 v32;
	v20 =	vunpack.i.l.bf16.f32 v32;
	v45 =	vld [tilespmem:s31+$0xD080]  }
0x110: {  	v36 =	vunpack.i.u.bf16.f32 v33;
	v21 =	vunpack.i.l.bf16.f32 v33;
	v37 =	vunpack.i.u.bf16.f32 v34;
	v35 =	vld [tilespmem:s26+$0x6C0]  }
0x111: {  	v22 =	vunpack.i.l.bf16.f32 v34;
	v38 =	vld [tilespmem:s26+$0xCEC0];
	v17 =	vadd.f32 v18, v17;
	v18 =	vadd.f32 v20, v19  }
0x112: {  	v19 =	vld [tilespmem:s26+$0x6D0];
	v39 =	vadd.f32 v21, v36;
	v40 =	vadd.f32 v22, v37  }
0x113: {  	v41 =	vld [tilespmem:s26+$0xCED0]  }
0x114: {  	v42 =	vld [tilespmem:s26+$0x6E0];
	v17 =	vadd.f32 v18, v17;
	v18 =	vadd.f32 v40, v39  }
0x115: {  	v43 =	vld [tilespmem:s26+$0xCEE0]  }
0x116: {  	v44 =	vld [tilespmem:s26+$0x6F0];
	v17 =	vadd.f32 v18, v17  }
0x117: {  	v18 =	vld [tilespmem:s26+$0xCEF0]  }
0x118: {  	v57 =	vld [tilespmem:s31+$0x890];
	[tilespmem:s0+$0x19650] =	vst v17  }
0x119: {  	v24 =	vmul.bf16 v38, v35;
	v17 =	vld [tilespmem:s14+$0x6C0]  }
0x11a: {  	v19 =	vmul.bf16 v41, v19;
	v46 =	vld [tilespmem:s14+$0xCEC0]  }
0x11b: {  	v20 =	vmul.bf16 v43, v42;
	v47 =	vld [tilespmem:s14+$0x6D0];
	v48 =	vunpack.i.u.bf16.f32 v24;
	v24 =	vunpack.i.l.bf16.f32 v24  }
0x11c: {  	v49 =	vld [tilespmem:s14+$0xCED0];
	v50 =	vunpack.i.u.bf16.f32 v19;
	v19 =	vunpack.i.l.bf16.f32 v19;
	v18 =	vmul.bf16 v18, v44  }
0x11d: {  	v51 =	vld [tilespmem:s14+$0x6E0];
	v52 =	vunpack.i.u.bf16.f32 v20;
	v20 =	vunpack.i.l.bf16.f32 v20;
	v24 =	vadd.f32 v24, v48  }
0x11e: {  	v54 =	vld [tilespmem:s14+$0xCEE0];
	v19 =	vadd.f32 v19, v50;
	v53 =	vunpack.i.u.bf16.f32 v18;
	v18 =	vunpack.i.l.bf16.f32 v18  }
0x11f: {  	v55 =	vld [tilespmem:s14+$0x6F0];
	v20 =	vadd.f32 v20, v52;
	v18 =	vadd.f32 v18, v53  }
0x120: {  	v56 =	vld [tilespmem:s14+$0xCEF0]  }
0x121: {  	v58 =	vld [tilespmem:s31+$0xD090];
	v19 =	vadd.f32 v19, v24;
	v18 =	vadd.f32 v18, v20  }
0x122: {  	v59 =	vld [tilespmem:s31+$0x8A0]  }
0x123: {  	v60 =	vld [tilespmem:s31+$0xD0A0];
	v17 =	vmul.bf16 v46, v17;
	v18 =	vadd.f32 v18, v19  }
0x124: {  	v61 =	vld [tilespmem:s31+$0x8B0];
	v63 =	vmul.bf16 v54, v51  }
0x125: {  	v36 =	vld [tilespmem:s31+$0xD0B0];
	v25 =	vmul.bf16 v56, v55;
	v62 =	vunpack.i.u.bf16.f32 v17;
	v19 =	vmul.bf16 v49, v47;
	[tilespmem:s20+$0x19660] =	vst v18  }
0x126: {  	v17 =	vunpack.i.l.bf16.f32 v17;
	v32 =	vunpack.i.u.bf16.f32 v63;
	v27 =	vunpack.i.l.bf16.f32 v63;
	v37 =	vld [tilespmem:s26+$0x700]  }
0x127: {  	v38 =	vunpack.i.u.bf16.f32 v25;
	v18 =	vunpack.i.u.bf16.f32 v19;
	v19 =	vunpack.i.l.bf16.f32 v19;
	v39 =	vld [tilespmem:s26+$0xCF00]  }
0x128: {  	v25 =	vunpack.i.l.bf16.f32 v25;
	v17 =	vadd.f32 v17, v62;
	v18 =	vadd.f32 v19, v18;
	v19 =	vld [tilespmem:s26+$0x710]  }
0x129: {  	v40 =	vadd.f32 v27, v32;
	v25 =	vadd.f32 v25, v38;
	v41 =	vld [tilespmem:s26+$0xCF10]  }
0x12a: {  	v42 =	vld [tilespmem:s26+$0x720]  }
0x12b: {  	v43 =	vmul.bf16 v45, v23;
	v44 =	vld [tilespmem:s26+$0xCF20];
	v17 =	vadd.f32 v18, v17;
	v18 =	vadd.f32 v25, v40  }
0x12c: {  	v45 =	vmul.bf16 v58, v57;
	v21 =	vmul.bf16 v36, v61;
	v46 =	vld [tilespmem:s26+$0x730]  }
0x12d: {  	v22 =	vunpack.i.l.bf16.f32 v43;
	v20 =	vmul.bf16 v60, v59;
	v47 =	vld [tilespmem:s26+$0xCF30];
	v17 =	vadd.f32 v18, v17  }
0x12e: {  	v48 =	vunpack.i.u.bf16.f32 v45;
	v50 =	vunpack.i.u.bf16.f32 v21;
	v21 =	vunpack.i.l.bf16.f32 v21  }
0x12f: {  	v49 =	vunpack.i.u.bf16.f32 v20;
	v25 =	vunpack.i.l.bf16.f32 v45;
	v18 =	vunpack.i.u.bf16.f32 v43;
	[tilespmem:s0+$0x19660] =	vst v17  }
0x130: {  	v52 =	vadd.f32 v25, v48;
	v18 =	vadd.f32 v22, v18;
	v53 =	vmul.bf16 v39, v37;
	v51 =	vld [tilespmem:s14+$0x700]  }
0x131: {  	v19 =	vmul.bf16 v41, v19;
	v23 =	vmul.bf16 v44, v42;
	v17 =	vunpack.i.l.bf16.f32 v20;
	v54 =	vld [tilespmem:s14+$0xCF00]  }
0x132: {  	v24 =	vmul.bf16 v47, v46;
	v20 =	vadd.f32 v21, v50;
	v17 =	vadd.f32 v17, v49;
	v55 =	vld [tilespmem:s14+$0x710]  }
0x133: {  	v56 =	vunpack.i.u.bf16.f32 v53;
	v57 =	vld [tilespmem:s14+$0xCF10];
	v25 =	vunpack.i.l.bf16.f32 v53;
	v58 =	vunpack.i.u.bf16.f32 v19  }
0x134: {  	v19 =	vunpack.i.l.bf16.f32 v19;
	v59 =	vld [tilespmem:s14+$0x720];
	v32 =	vunpack.i.u.bf16.f32 v23;
	v23 =	vunpack.i.l.bf16.f32 v23  }
0x135: {  	v60 =	vunpack.i.u.bf16.f32 v24;
	v61 =	vld [tilespmem:s14+$0xCF20];
	v18 =	vadd.f32 v52, v18;
	v25 =	vadd.f32 v25, v56  }
0x136: {  	v24 =	vunpack.i.l.bf16.f32 v24;
	v62 =	vld [tilespmem:s14+$0x730];
	v19 =	vadd.f32 v19, v58;
	v23 =	vadd.f32 v23, v32  }
0x137: {  	v63 =	vld [tilespmem:s14+$0xCF30];
	v24 =	vadd.f32 v24, v60;
	v17 =	vadd.f32 v20, v17  }
0x138: {  	v19 =	vadd.f32 v19, v25  }
0x139: {  	v25 =	vadd.f32 v24, v23;
	v17 =	vadd.f32 v17, v18  }
0x13a: {  	v18 =	vmul.bf16 v54, v51  }
0x13b: {  	v19 =	vadd.f32 v25, v19;
	v32 =	vmul.bf16 v57, v55;
	[tilespmem:s29+$0x196D0] =	vst v17  }
0x13c: {  	v33 =	vmul.bf16 v61, v59;
	v34 =	vmul.bf16 v63, v62;
	v17 =	vunpack.i.u.bf16.f32 v18;
	v23 =	vld [tilespmem:s31+$0x8C0]  }
0x13d: {  	[tilespmem:s20+$0x19670] =	vst v19;
	v18 =	vunpack.i.l.bf16.f32 v18;
	v19 =	vunpack.i.u.bf16.f32 v32;
	v20 =	vunpack.i.l.bf16.f32 v32;
	v45 =	vld [tilespmem:s31+$0xD0C0]  }
0x13e: {  	v36 =	vunpack.i.u.bf16.f32 v33;
	v21 =	vunpack.i.l.bf16.f32 v33;
	v37 =	vunpack.i.u.bf16.f32 v34;
	v35 =	vld [tilespmem:s26+$0x740]  }
0x13f: {  	v22 =	vunpack.i.l.bf16.f32 v34;
	v38 =	vld [tilespmem:s26+$0xCF40];
	v17 =	vadd.f32 v18, v17;
	v18 =	vadd.f32 v20, v19  }
0x140: {  	v19 =	vld [tilespmem:s26+$0x750];
	v39 =	vadd.f32 v21, v36;
	v40 =	vadd.f32 v22, v37  }
0x141: {  	v41 =	vld [tilespmem:s26+$0xCF50]  }
0x142: {  	v42 =	vld [tilespmem:s26+$0x760];
	v17 =	vadd.f32 v18, v17;
	v18 =	vadd.f32 v40, v39  }
0x143: {  	v43 =	vld [tilespmem:s26+$0xCF60]  }
0x144: {  	v44 =	vld [tilespmem:s26+$0x770];
	v17 =	vadd.f32 v18, v17  }
0x145: {  	v18 =	vld [tilespmem:s26+$0xCF70]  }
0x146: {  	v57 =	vld [tilespmem:s31+$0x8D0];
	[tilespmem:s0+$0x19670] =	vst v17  }
0x147: {  	v24 =	vmul.bf16 v38, v35;
	v17 =	vld [tilespmem:s14+$0x740]  }
0x148: {  	v19 =	vmul.bf16 v41, v19;
	v46 =	vld [tilespmem:s14+$0xCF40]  }
0x149: {  	v20 =	vmul.bf16 v43, v42;
	v47 =	vld [tilespmem:s14+$0x750];
	v48 =	vunpack.i.u.bf16.f32 v24;
	v24 =	vunpack.i.l.bf16.f32 v24  }
0x14a: {  	v49 =	vld [tilespmem:s14+$0xCF50];
	v50 =	vunpack.i.u.bf16.f32 v19;
	v19 =	vunpack.i.l.bf16.f32 v19;
	v18 =	vmul.bf16 v18, v44  }
0x14b: {  	v51 =	vld [tilespmem:s14+$0x760];
	v52 =	vunpack.i.u.bf16.f32 v20;
	v20 =	vunpack.i.l.bf16.f32 v20;
	v24 =	vadd.f32 v24, v48  }
0x14c: {  	v54 =	vld [tilespmem:s14+$0xCF60];
	v19 =	vadd.f32 v19, v50;
	v53 =	vunpack.i.u.bf16.f32 v18;
	v18 =	vunpack.i.l.bf16.f32 v18  }
0x14d: {  	v55 =	vld [tilespmem:s14+$0x770];
	v20 =	vadd.f32 v20, v52;
	v18 =	vadd.f32 v18, v53  }
0x14e: {  	v56 =	vld [tilespmem:s14+$0xCF70]  }
0x14f: {  	v58 =	vld [tilespmem:s31+$0xD0D0];
	v19 =	vadd.f32 v19, v24;
	v18 =	vadd.f32 v18, v20  }
0x150: {  	v59 =	vld [tilespmem:s31+$0x8E0]  }
0x151: {  	v60 =	vld [tilespmem:s31+$0xD0E0];
	v17 =	vmul.bf16 v46, v17;
	v18 =	vadd.f32 v18, v19  }
0x152: {  	v61 =	vld [tilespmem:s31+$0x8F0];
	v63 =	vmul.bf16 v54, v51  }
0x153: {  	v36 =	vld [tilespmem:s31+$0xD0F0];
	v25 =	vmul.bf16 v56, v55;
	v62 =	vunpack.i.u.bf16.f32 v17;
	v19 =	vmul.bf16 v49, v47;
	[tilespmem:s20+$0x19680] =	vst v18  }
0x154: {  	v17 =	vunpack.i.l.bf16.f32 v17;
	v32 =	vunpack.i.u.bf16.f32 v63;
	v27 =	vunpack.i.l.bf16.f32 v63;
	v37 =	vld [tilespmem:s26+$0x780]  }
0x155: {  	v38 =	vunpack.i.u.bf16.f32 v25;
	v18 =	vunpack.i.u.bf16.f32 v19;
	v19 =	vunpack.i.l.bf16.f32 v19;
	v39 =	vld [tilespmem:s26+$0xCF80]  }
0x156: {  	v25 =	vunpack.i.l.bf16.f32 v25;
	v17 =	vadd.f32 v17, v62;
	v18 =	vadd.f32 v19, v18;
	v19 =	vld [tilespmem:s26+$0x790]  }
0x157: {  	v40 =	vadd.f32 v27, v32;
	v25 =	vadd.f32 v25, v38;
	v41 =	vld [tilespmem:s26+$0xCF90]  }
0x158: {  	v42 =	vld [tilespmem:s26+$0x7A0]  }
0x159: {  	v43 =	vmul.bf16 v45, v23;
	v44 =	vld [tilespmem:s26+$0xCFA0];
	v17 =	vadd.f32 v18, v17;
	v18 =	vadd.f32 v25, v40  }
0x15a: {  	v45 =	vmul.bf16 v58, v57;
	v21 =	vmul.bf16 v36, v61;
	v46 =	vld [tilespmem:s26+$0x7B0]  }
0x15b: {  	v22 =	vunpack.i.l.bf16.f32 v43;
	v20 =	vmul.bf16 v60, v59;
	v47 =	vld [tilespmem:s26+$0xCFB0];
	v17 =	vadd.f32 v18, v17  }
0x15c: {  	v48 =	vunpack.i.u.bf16.f32 v45;
	v50 =	vunpack.i.u.bf16.f32 v21;
	v21 =	vunpack.i.l.bf16.f32 v21  }
0x15d: {  	v49 =	vunpack.i.u.bf16.f32 v20;
	v25 =	vunpack.i.l.bf16.f32 v45;
	v18 =	vunpack.i.u.bf16.f32 v43;
	[tilespmem:s0+$0x19680] =	vst v17  }
0x15e: {  	v52 =	vadd.f32 v25, v48;
	v18 =	vadd.f32 v22, v18;
	v53 =	vmul.bf16 v39, v37;
	v51 =	vld [tilespmem:s14+$0x780]  }
0x15f: {  	v19 =	vmul.bf16 v41, v19;
	v23 =	vmul.bf16 v44, v42;
	v17 =	vunpack.i.l.bf16.f32 v20;
	v54 =	vld [tilespmem:s14+$0xCF80]  }
0x160: {  	v24 =	vmul.bf16 v47, v46;
	v20 =	vadd.f32 v21, v50;
	v17 =	vadd.f32 v17, v49;
	v55 =	vld [tilespmem:s14+$0x790]  }
0x161: {  	v56 =	vunpack.i.u.bf16.f32 v53;
	v57 =	vld [tilespmem:s14+$0xCF90];
	v25 =	vunpack.i.l.bf16.f32 v53;
	v58 =	vunpack.i.u.bf16.f32 v19  }
0x162: {  	v19 =	vunpack.i.l.bf16.f32 v19;
	v59 =	vld [tilespmem:s14+$0x7A0];
	v32 =	vunpack.i.u.bf16.f32 v23;
	v23 =	vunpack.i.l.bf16.f32 v23  }
0x163: {  	v60 =	vunpack.i.u.bf16.f32 v24;
	v61 =	vld [tilespmem:s14+$0xCFA0];
	v18 =	vadd.f32 v52, v18;
	v25 =	vadd.f32 v25, v56  }
0x164: {  	v24 =	vunpack.i.l.bf16.f32 v24;
	v62 =	vld [tilespmem:s14+$0x7B0];
	v19 =	vadd.f32 v19, v58;
	v23 =	vadd.f32 v23, v32  }
0x165: {  	v63 =	vld [tilespmem:s14+$0xCFB0];
	v24 =	vadd.f32 v24, v60;
	v17 =	vadd.f32 v20, v17  }
0x166: {  	v19 =	vadd.f32 v19, v25  }
0x167: {  	v25 =	vadd.f32 v24, v23;
	v17 =	vadd.f32 v17, v18  }
0x168: {  	v18 =	vmul.bf16 v54, v51  }
0x169: {  	v19 =	vadd.f32 v25, v19;
	v32 =	vmul.bf16 v57, v55;
	[tilespmem:s29+$0x196E0] =	vst v17  }
0x16a: {  	v33 =	vmul.bf16 v61, v59;
	v34 =	vmul.bf16 v63, v62;
	v17 =	vunpack.i.u.bf16.f32 v18;
	v23 =	vld [tilespmem:s31+$0x900]  }
0x16b: {  	[tilespmem:s20+$0x19690] =	vst v19;
	v18 =	vunpack.i.l.bf16.f32 v18;
	v19 =	vunpack.i.u.bf16.f32 v32;
	v20 =	vunpack.i.l.bf16.f32 v32;
	v45 =	vld [tilespmem:s31+$0xD100]  }
0x16c: {  	v36 =	vunpack.i.u.bf16.f32 v33;
	v21 =	vunpack.i.l.bf16.f32 v33;
	v37 =	vunpack.i.u.bf16.f32 v34;
	v35 =	vld [tilespmem:s26+$0x7C0]  }
0x16d: {  	v22 =	vunpack.i.l.bf16.f32 v34;
	v38 =	vld [tilespmem:s26+$0xCFC0];
	v17 =	vadd.f32 v18, v17;
	v18 =	vadd.f32 v20, v19  }
0x16e: {  	v19 =	vld [tilespmem:s26+$0x7D0];
	v39 =	vadd.f32 v21, v36;
	v40 =	vadd.f32 v22, v37  }
0x16f: {  	v41 =	vld [tilespmem:s26+$0xCFD0]  }
0x170: {  	v42 =	vld [tilespmem:s26+$0x7E0];
	v17 =	vadd.f32 v18, v17;
	v18 =	vadd.f32 v40, v39  }
0x171: {  	v43 =	vld [tilespmem:s26+$0xCFE0]  }
0x172: {  	v44 =	vld [tilespmem:s26+$0x7F0];
	v17 =	vadd.f32 v18, v17  }
0x173: {  	v18 =	vld [tilespmem:s26+$0xCFF0]  }
0x174: {  	v57 =	vld [tilespmem:s31+$0x910];
	[tilespmem:s0+$0x19690] =	vst v17  }
0x175: {  	v24 =	vmul.bf16 v38, v35;
	v17 =	vld [tilespmem:s14+$0x7C0]  }
0x176: {  	v19 =	vmul.bf16 v41, v19;
	v46 =	vld [tilespmem:s14+$0xCFC0]  }
0x177: {  	v20 =	vmul.bf16 v43, v42;
	v47 =	vld [tilespmem:s14+$0x7D0];
	v48 =	vunpack.i.u.bf16.f32 v24;
	v24 =	vunpack.i.l.bf16.f32 v24  }
0x178: {  	v49 =	vld [tilespmem:s14+$0xCFD0];
	v50 =	vunpack.i.u.bf16.f32 v19;
	v19 =	vunpack.i.l.bf16.f32 v19;
	v18 =	vmul.bf16 v18, v44  }
0x179: {  	v51 =	vld [tilespmem:s14+$0x7E0];
	v52 =	vunpack.i.u.bf16.f32 v20;
	v20 =	vunpack.i.l.bf16.f32 v20;
	v24 =	vadd.f32 v24, v48  }
0x17a: {  	v54 =	vld [tilespmem:s14+$0xCFE0];
	v19 =	vadd.f32 v19, v50;
	v53 =	vunpack.i.u.bf16.f32 v18;
	v18 =	vunpack.i.l.bf16.f32 v18  }
0x17b: {  	v55 =	vld [tilespmem:s14+$0x7F0];
	v20 =	vadd.f32 v20, v52;
	v18 =	vadd.f32 v18, v53  }
0x17c: {  	v56 =	vld [tilespmem:s14+$0xCFF0]  }
0x17d: {  	v58 =	vld [tilespmem:s31+$0xD110];
	v19 =	vadd.f32 v19, v24;
	v18 =	vadd.f32 v18, v20  }
0x17e: {  	v59 =	vld [tilespmem:s31+$0x920]  }
0x17f: {  	v60 =	vld [tilespmem:s31+$0xD120];
	v17 =	vmul.bf16 v46, v17;
	v18 =	vadd.f32 v18, v19  }
0x180: {  	v61 =	vld [tilespmem:s31+$0x930];
	v63 =	vmul.bf16 v54, v51  }
0x181: {  	v36 =	vld [tilespmem:s31+$0xD130];
	v25 =	vmul.bf16 v56, v55;
	v62 =	vunpack.i.u.bf16.f32 v17;
	v19 =	vmul.bf16 v49, v47;
	[tilespmem:s20+$0x196A0] =	vst v18  }
0x182: {  	v17 =	vunpack.i.l.bf16.f32 v17;
	v32 =	vunpack.i.u.bf16.f32 v63;
	v27 =	vunpack.i.l.bf16.f32 v63;
	v37 =	vld [tilespmem:s26+$0x800]  }
0x183: {  	v38 =	vunpack.i.u.bf16.f32 v25;
	v18 =	vunpack.i.u.bf16.f32 v19;
	v19 =	vunpack.i.l.bf16.f32 v19;
	v39 =	vld [tilespmem:s26+$0xD000]  }
0x184: {  	v25 =	vunpack.i.l.bf16.f32 v25;
	v17 =	vadd.f32 v17, v62;
	v18 =	vadd.f32 v19, v18;
	v19 =	vld [tilespmem:s26+$0x810]  }
0x185: {  	v40 =	vadd.f32 v27, v32;
	v25 =	vadd.f32 v25, v38;
	v41 =	vld [tilespmem:s26+$0xD010]  }
0x186: {  	v42 =	vld [tilespmem:s26+$0x820]  }
0x187: {  	v43 =	vmul.bf16 v45, v23;
	v44 =	vld [tilespmem:s26+$0xD020];
	v17 =	vadd.f32 v18, v17;
	v18 =	vadd.f32 v25, v40  }
0x188: {  	v45 =	vmul.bf16 v58, v57;
	v21 =	vmul.bf16 v36, v61;
	v46 =	vld [tilespmem:s26+$0x830]  }
0x189: {  	v22 =	vunpack.i.l.bf16.f32 v43;
	v20 =	vmul.bf16 v60, v59;
	v47 =	vld [tilespmem:s26+$0xD030];
	v17 =	vadd.f32 v18, v17  }
0x18a: {  	v48 =	vunpack.i.u.bf16.f32 v45;
	v50 =	vunpack.i.u.bf16.f32 v21;
	v21 =	vunpack.i.l.bf16.f32 v21  }
0x18b: {  	v49 =	vunpack.i.u.bf16.f32 v20;
	v25 =	vunpack.i.l.bf16.f32 v45;
	v18 =	vunpack.i.u.bf16.f32 v43;
	[tilespmem:s0+$0x196A0] =	vst v17  }
0x18c: {  	v52 =	vadd.f32 v25, v48;
	v18 =	vadd.f32 v22, v18;
	v53 =	vmul.bf16 v39, v37;
	v51 =	vld [tilespmem:s14+$0x800]  }
0x18d: {  	v19 =	vmul.bf16 v41, v19;
	v23 =	vmul.bf16 v44, v42;
	v17 =	vunpack.i.l.bf16.f32 v20;
	v54 =	vld [tilespmem:s14+$0xD000]  }
0x18e: {  	v24 =	vmul.bf16 v47, v46;
	v20 =	vadd.f32 v21, v50;
	v17 =	vadd.f32 v17, v49;
	v55 =	vld [tilespmem:s14+$0x810]  }
0x18f: {  	v56 =	vunpack.i.u.bf16.f32 v53;
	v57 =	vld [tilespmem:s14+$0xD010];
	v25 =	vunpack.i.l.bf16.f32 v53;
	v58 =	vunpack.i.u.bf16.f32 v19  }
0x190: {  	v19 =	vunpack.i.l.bf16.f32 v19;
	v59 =	vld [tilespmem:s14+$0x820];
	v32 =	vunpack.i.u.bf16.f32 v23;
	v23 =	vunpack.i.l.bf16.f32 v23  }
0x191: {  	v60 =	vunpack.i.u.bf16.f32 v24;
	v61 =	vld [tilespmem:s14+$0xD020];
	v18 =	vadd.f32 v52, v18;
	v25 =	vadd.f32 v25, v56  }
0x192: {  	v24 =	vunpack.i.l.bf16.f32 v24;
	v62 =	vld [tilespmem:s14+$0x830];
	v19 =	vadd.f32 v19, v58;
	v23 =	vadd.f32 v23, v32  }
0x193: {  	v63 =	vld [tilespmem:s14+$0xD030];
	v24 =	vadd.f32 v24, v60;
	v17 =	vadd.f32 v20, v17  }
0x194: {  	v19 =	vadd.f32 v19, v25  }
0x195: {  	v25 =	vadd.f32 v24, v23;
	v17 =	vadd.f32 v17, v18  }
0x196: {  	v18 =	vmul.bf16 v54, v51  }
0x197: {  	v19 =	vadd.f32 v25, v19;
	v32 =	vmul.bf16 v57, v55;
	[tilespmem:s29+$0x196F0] =	vst v17  }
0x198: {  	v33 =	vmul.bf16 v61, v59;
	v34 =	vmul.bf16 v63, v62;
	v17 =	vunpack.i.u.bf16.f32 v18;
	v23 =	vld [tilespmem:s31+$0x940]  }
0x199: {  	[tilespmem:s20+$0x196B0] =	vst v19;
	v18 =	vunpack.i.l.bf16.f32 v18;
	v19 =	vunpack.i.u.bf16.f32 v32;
	v20 =	vunpack.i.l.bf16.f32 v32;
	v45 =	vld [tilespmem:s31+$0xD140]  }
0x19a: {  	v36 =	vunpack.i.u.bf16.f32 v33;
	v21 =	vunpack.i.l.bf16.f32 v33;
	v37 =	vunpack.i.u.bf16.f32 v34;
	v35 =	vld [tilespmem:s26+$0x840]  }
0x19b: {  	v22 =	vunpack.i.l.bf16.f32 v34;
	v38 =	vld [tilespmem:s26+$0xD040];
	v17 =	vadd.f32 v18, v17;
	v18 =	vadd.f32 v20, v19  }
0x19c: {  	v19 =	vld [tilespmem:s26+$0x850];
	v39 =	vadd.f32 v21, v36;
	v40 =	vadd.f32 v22, v37  }
0x19d: {  	v41 =	vld [tilespmem:s26+$0xD050]  }
0x19e: {  	v42 =	vld [tilespmem:s26+$0x860];
	v17 =	vadd.f32 v18, v17;
	v18 =	vadd.f32 v40, v39  }
0x19f: {  	v43 =	vld [tilespmem:s26+$0xD060]  }
0x1a0: {  	v44 =	vld [tilespmem:s26+$0x870];
	v17 =	vadd.f32 v18, v17  }
0x1a1: {  	v18 =	vld [tilespmem:s26+$0xD070]  }
0x1a2: {  	v57 =	vld [tilespmem:s31+$0x950];
	[tilespmem:s0+$0x196B0] =	vst v17  }
0x1a3: {  	v24 =	vmul.bf16 v38, v35;
	v17 =	vld [tilespmem:s14+$0x840]  }
0x1a4: {  	v19 =	vmul.bf16 v41, v19;
	v46 =	vld [tilespmem:s14+$0xD040]  }
0x1a5: {  	v20 =	vmul.bf16 v43, v42;
	v47 =	vld [tilespmem:s14+$0x850];
	v48 =	vunpack.i.u.bf16.f32 v24;
	v24 =	vunpack.i.l.bf16.f32 v24  }
0x1a6: {  	v49 =	vld [tilespmem:s14+$0xD050];
	v50 =	vunpack.i.u.bf16.f32 v19;
	v19 =	vunpack.i.l.bf16.f32 v19;
	v18 =	vmul.bf16 v18, v44  }
0x1a7: {  	v51 =	vld [tilespmem:s14+$0x860];
	v52 =	vunpack.i.u.bf16.f32 v20;
	v20 =	vunpack.i.l.bf16.f32 v20;
	v24 =	vadd.f32 v24, v48  }
0x1a8: {  	v54 =	vld [tilespmem:s14+$0xD060];
	v19 =	vadd.f32 v19, v50;
	v53 =	vunpack.i.u.bf16.f32 v18;
	v18 =	vunpack.i.l.bf16.f32 v18  }
0x1a9: {  	v55 =	vld [tilespmem:s14+$0x870];
	v20 =	vadd.f32 v20, v52;
	v18 =	vadd.f32 v18, v53  }
0x1aa: {  	v56 =	vld [tilespmem:s14+$0xD070]  }
0x1ab: {  	v58 =	vld [tilespmem:s31+$0xD150];
	v19 =	vadd.f32 v19, v24;
	v18 =	vadd.f32 v18, v20  }
0x1ac: {  	v59 =	vld [tilespmem:s31+$0x960]  }
0x1ad: {  	v60 =	vld [tilespmem:s31+$0xD160];
	v17 =	vmul.bf16 v46, v17;
	v18 =	vadd.f32 v18, v19  }
0x1ae: {  	v61 =	vld [tilespmem:s31+$0x970];
	v63 =	vmul.bf16 v54, v51  }
0x1af: {  	v36 =	vld [tilespmem:s31+$0xD170];
	v25 =	vmul.bf16 v56, v55;
	v62 =	vunpack.i.u.bf16.f32 v17;
	v19 =	vmul.bf16 v49, v47;
	[tilespmem:s20+$0x196C0] =	vst v18  }
0x1b0: {  	v17 =	vunpack.i.l.bf16.f32 v17;
	v32 =	vunpack.i.u.bf16.f32 v63;
	v27 =	vunpack.i.l.bf16.f32 v63;
	v37 =	vld [tilespmem:s26+$0x880]  }
0x1b1: {  	v38 =	vunpack.i.u.bf16.f32 v25;
	v18 =	vunpack.i.u.bf16.f32 v19;
	v19 =	vunpack.i.l.bf16.f32 v19;
	v39 =	vld [tilespmem:s26+$0xD080]  }
0x1b2: {  	v25 =	vunpack.i.l.bf16.f32 v25;
	v17 =	vadd.f32 v17, v62;
	v18 =	vadd.f32 v19, v18;
	v19 =	vld [tilespmem:s26+$0x890]  }
0x1b3: {  	v40 =	vadd.f32 v27, v32;
	v25 =	vadd.f32 v25, v38;
	v41 =	vld [tilespmem:s26+$0xD090]  }
0x1b4: {  	v42 =	vld [tilespmem:s26+$0x8A0]  }
0x1b5: {  	v43 =	vmul.bf16 v45, v23;
	v44 =	vld [tilespmem:s26+$0xD0A0];
	v17 =	vadd.f32 v18, v17;
	v18 =	vadd.f32 v25, v40  }
0x1b6: {  	v45 =	vmul.bf16 v58, v57;
	v21 =	vmul.bf16 v36, v61;
	v46 =	vld [tilespmem:s26+$0x8B0]  }
0x1b7: {  	v22 =	vunpack.i.l.bf16.f32 v43;
	v20 =	vmul.bf16 v60, v59;
	v47 =	vld [tilespmem:s26+$0xD0B0];
	v17 =	vadd.f32 v18, v17  }
0x1b8: {  	v48 =	vunpack.i.u.bf16.f32 v45;
	v50 =	vunpack.i.u.bf16.f32 v21;
	v21 =	vunpack.i.l.bf16.f32 v21  }
0x1b9: {  	v49 =	vunpack.i.u.bf16.f32 v20;
	v25 =	vunpack.i.l.bf16.f32 v45;
	v18 =	vunpack.i.u.bf16.f32 v43;
	[tilespmem:s0+$0x196C0] =	vst v17  }
0x1ba: {  	v52 =	vadd.f32 v25, v48;
	v18 =	vadd.f32 v22, v18;
	v53 =	vmul.bf16 v39, v37;
	v51 =	vld [tilespmem:s14+$0x880]  }
0x1bb: {  	v19 =	vmul.bf16 v41, v19;
	v23 =	vmul.bf16 v44, v42;
	v17 =	vunpack.i.l.bf16.f32 v20;
	v54 =	vld [tilespmem:s14+$0xD080]  }
0x1bc: {  	v24 =	vmul.bf16 v47, v46;
	v20 =	vadd.f32 v21, v50;
	v17 =	vadd.f32 v17, v49;
	v55 =	vld [tilespmem:s14+$0x890]  }
0x1bd: {  	v56 =	vunpack.i.u.bf16.f32 v53;
	v57 =	vld [tilespmem:s14+$0xD090];
	v25 =	vunpack.i.l.bf16.f32 v53;
	v58 =	vunpack.i.u.bf16.f32 v19  }
0x1be: {  	v19 =	vunpack.i.l.bf16.f32 v19;
	v59 =	vld [tilespmem:s14+$0x8A0];
	v32 =	vunpack.i.u.bf16.f32 v23;
	v23 =	vunpack.i.l.bf16.f32 v23  }
0x1bf: {  	v60 =	vunpack.i.u.bf16.f32 v24;
	v61 =	vld [tilespmem:s14+$0xD0A0];
	v18 =	vadd.f32 v52, v18;
	v25 =	vadd.f32 v25, v56  }
0x1c0: {  	v24 =	vunpack.i.l.bf16.f32 v24;
	v62 =	vld [tilespmem:s14+$0x8B0];
	v19 =	vadd.f32 v19, v58;
	v23 =	vadd.f32 v23, v32  }
0x1c1: {  	v63 =	vld [tilespmem:s14+$0xD0B0];
	v24 =	vadd.f32 v24, v60;
	v17 =	vadd.f32 v20, v17  }
0x1c2: {  	v19 =	vadd.f32 v19, v25  }
0x1c3: {  	v32 =	vadd.f32 v24, v23;
	v17 =	vadd.f32 v17, v18  }
0x1c4: {  	v18 =	vmul.bf16 v54, v51  }
0x1c5: {  	v19 =	vadd.f32 v32, v19;
	v33 =	vmul.bf16 v57, v55;
	[tilespmem:s29+$0x19700] =	vst v17  }
0x1c6: {  	v34 =	vmul.bf16 v61, v59;
	v35 =	vmul.bf16 v63, v62;
	v17 =	vunpack.i.u.bf16.f32 v18;
	v23 =	vld [tilespmem:s31+$0x980]  }
0x1c7: {  	[tilespmem:s20+$0x196D0] =	vst v19;
	v18 =	vunpack.i.l.bf16.f32 v18;
	v19 =	vunpack.i.u.bf16.f32 v33;
	v20 =	vunpack.i.l.bf16.f32 v33;
	v46 =	vld [tilespmem:s31+$0xD180]  }
0x1c8: {  	v37 =	vunpack.i.u.bf16.f32 v34;
	v21 =	vunpack.i.l.bf16.f32 v34;
	v38 =	vunpack.i.u.bf16.f32 v35;
	v36 =	vld [tilespmem:s26+$0x8C0]  }
0x1c9: {  	v22 =	vunpack.i.l.bf16.f32 v35;
	v39 =	vld [tilespmem:s26+$0xD0C0];
	v17 =	vadd.f32 v18, v17;
	v18 =	vadd.f32 v20, v19  }
0x1ca: {  	v19 =	vld [tilespmem:s26+$0x8D0];
	v40 =	vadd.f32 v21, v37;
	v41 =	vadd.f32 v22, v38  }
0x1cb: {  	v42 =	vld [tilespmem:s26+$0xD0D0]  }
0x1cc: {  	v43 =	vld [tilespmem:s26+$0x8E0];
	v17 =	vadd.f32 v18, v17;
	v18 =	vadd.f32 v41, v40  }
0x1cd: {  	v44 =	vld [tilespmem:s26+$0xD0E0]  }
0x1ce: {  	v45 =	vld [tilespmem:s26+$0x8F0];
	v17 =	vadd.f32 v18, v17  }
0x1cf: {  	v18 =	vld [tilespmem:s26+$0xD0F0]  }
0x1d0: {  	v58 =	vld [tilespmem:s31+$0x990];
	[tilespmem:s0+$0x196D0] =	vst v17  }
0x1d1: {  	v24 =	vmul.bf16 v39, v36;
	v17 =	vld [tilespmem:s14+$0x8C0]  }
0x1d2: {  	v19 =	vmul.bf16 v42, v19;
	v47 =	vld [tilespmem:s14+$0xD0C0]  }
0x1d3: {  	v20 =	vmul.bf16 v44, v43;
	v48 =	vld [tilespmem:s14+$0x8D0];
	v49 =	vunpack.i.u.bf16.f32 v24;
	v24 =	vunpack.i.l.bf16.f32 v24  }
0x1d4: {  	v50 =	vld [tilespmem:s14+$0xD0D0];
	v51 =	vunpack.i.u.bf16.f32 v19;
	v19 =	vunpack.i.l.bf16.f32 v19;
	v18 =	vmul.bf16 v18, v45  }
0x1d5: {  	v52 =	vld [tilespmem:s14+$0x8E0];
	v53 =	vunpack.i.u.bf16.f32 v20;
	v20 =	vunpack.i.l.bf16.f32 v20;
	v24 =	vadd.f32 v24, v49  }
0x1d6: {  	v55 =	vld [tilespmem:s14+$0xD0E0];
	v19 =	vadd.f32 v19, v51;
	v54 =	vunpack.i.u.bf16.f32 v18;
	v18 =	vunpack.i.l.bf16.f32 v18  }
0x1d7: {  	v56 =	vld [tilespmem:s14+$0x8F0];
	v20 =	vadd.f32 v20, v53;
	v18 =	vadd.f32 v18, v54  }
0x1d8: {  	v57 =	vld [tilespmem:s14+$0xD0F0]  }
0x1d9: {  	v59 =	vld [tilespmem:s31+$0xD190];
	v19 =	vadd.f32 v19, v24;
	v18 =	vadd.f32 v18, v20  }
0x1da: {  	v60 =	vld [tilespmem:s31+$0x9A0]  }
0x1db: {  	v61 =	vld [tilespmem:s31+$0xD1A0];
	v17 =	vmul.bf16 v47, v17;
	v18 =	vadd.f32 v18, v19  }
0x1dc: {  	v62 =	vld [tilespmem:s31+$0x9B0];
	v36 =	vmul.bf16 v55, v52  }
0x1dd: {  	v37 =	vld [tilespmem:s31+$0xD1B0];
	v25 =	vmul.bf16 v57, v56;
	v63 =	vunpack.i.u.bf16.f32 v17;
	v19 =	vmul.bf16 v50, v48;
	[tilespmem:s20+$0x196E0] =	vst v18  }
0x1de: {  	v17 =	vunpack.i.l.bf16.f32 v17;
	v32 =	vunpack.i.u.bf16.f32 v36;
	v27 =	vunpack.i.l.bf16.f32 v36;
	v38 =	vld [tilespmem:s26+$0x900]  }
0x1df: {  	v39 =	vunpack.i.u.bf16.f32 v25;
	v18 =	vunpack.i.u.bf16.f32 v19;
	v19 =	vunpack.i.l.bf16.f32 v19;
	v40 =	vld [tilespmem:s26+$0xD100]  }
0x1e0: {  	v25 =	vunpack.i.l.bf16.f32 v25;
	v17 =	vadd.f32 v17, v63;
	v18 =	vadd.f32 v19, v18;
	v19 =	vld [tilespmem:s26+$0x910]  }
0x1e1: {  	v41 =	vadd.f32 v27, v32;
	v25 =	vadd.f32 v25, v39;
	v42 =	vld [tilespmem:s26+$0xD110]  }
0x1e2: {  	v43 =	vld [tilespmem:s26+$0x920]  }
0x1e3: {  	v45 =	vld [tilespmem:s26+$0xD120];
	v17 =	vadd.f32 v18, v17;
	v18 =	vadd.f32 v25, v41  }
0x1e4: {  	v44 =	vmul.bf16 v46, v23;
	v46 =	vmul.bf16 v59, v58;
	v47 =	vld [tilespmem:s26+$0x930]  }
0x1e5: {  	v21 =	vmul.bf16 v37, v62;
	v48 =	vld [tilespmem:s26+$0xD130];
	v17 =	vadd.f32 v18, v17  }
0x1e6: {  	v22 =	vunpack.i.l.bf16.f32 v44;
	v49 =	vunpack.i.u.bf16.f32 v46;
	v20 =	vmul.bf16 v61, v60  }
0x1e7: {  	v51 =	vunpack.i.u.bf16.f32 v21;
	v21 =	vunpack.i.l.bf16.f32 v21;
	v25 =	vunpack.i.l.bf16.f32 v46;
	[tilespmem:s0+$0x196E0] =	vst v17  }
0x1e8: {  	v50 =	vunpack.i.u.bf16.f32 v20;
	v53 =	vadd.f32 v25, v49;
	v18 =	vunpack.i.u.bf16.f32 v44;
	v52 =	vld [tilespmem:s14+$0x900]  }
0x1e9: {  	v18 =	vadd.f32 v22, v18;
	v54 =	vmul.bf16 v40, v38;
	v19 =	vmul.bf16 v42, v19;
	v55 =	vld [tilespmem:s14+$0xD100]  }
0x1ea: {  	v23 =	vmul.bf16 v45, v43;
	v24 =	vmul.bf16 v48, v47;
	v17 =	vunpack.i.l.bf16.f32 v20;
	v56 =	vld [tilespmem:s14+$0x910]  }
0x1eb: {  	v20 =	vadd.f32 v21, v51;
	v17 =	vadd.f32 v17, v50;
	v57 =	vunpack.i.u.bf16.f32 v54;
	v58 =	vld [tilespmem:s14+$0xD110]  }
0x1ec: {  	v25 =	vunpack.i.l.bf16.f32 v54;
	v59 =	vunpack.i.u.bf16.f32 v19;
	v19 =	vunpack.i.l.bf16.f32 v19;
	v60 =	vld [tilespmem:s14+$0x920]  }
0x1ed: {  	v32 =	vunpack.i.u.bf16.f32 v23;
	v23 =	vunpack.i.l.bf16.f32 v23;
	v61 =	vunpack.i.u.bf16.f32 v24;
	v62 =	vld [tilespmem:s14+$0xD120]  }
0x1ee: {  	v24 =	vunpack.i.l.bf16.f32 v24;
	v63 =	vld [tilespmem:s14+$0x930];
	v25 =	vadd.f32 v25, v57;
	v19 =	vadd.f32 v19, v59  }
0x1ef: {  	v33 =	vld [tilespmem:s14+$0xD130];
	v23 =	vadd.f32 v23, v32;
	v24 =	vadd.f32 v24, v61  }
0x1f0: {  	v18 =	vadd.f32 v53, v18;
	v17 =	vadd.f32 v20, v17  }
0x1f1: {  	v19 =	vadd.f32 v19, v25;
	v35 =	vadd.f32 v24, v23  }
0x1f2: {  	v17 =	vadd.f32 v17, v18;
	v18 =	vmul.bf16 v55, v52  }
0x1f3: {  	v19 =	vadd.f32 v35, v19;
	v36 =	vmul.bf16 v58, v56  }
0x1f4: {  	v37 =	vmul.bf16 v62, v60;
	v38 =	vmul.bf16 v33, v63;
	[tilespmem:s29+$0x19710] =	vst v17;
	v17 =	vunpack.i.u.bf16.f32 v18  }
0x1f5: {  	v23 =	vld [tilespmem:s31+$0x9C0];
	[tilespmem:s20+$0x196F0] =	vst v19;
	v18 =	vunpack.i.l.bf16.f32 v18;
	v19 =	vunpack.i.u.bf16.f32 v36;
	v20 =	vunpack.i.l.bf16.f32 v36  }
0x1f6: {  	v40 =	vunpack.i.u.bf16.f32 v37;
	v21 =	vunpack.i.l.bf16.f32 v37;
	v41 =	vunpack.i.u.bf16.f32 v38;
	v49 =	vld [tilespmem:s31+$0xD1C0]  }
0x1f7: {  	v22 =	vunpack.i.l.bf16.f32 v38;
	v39 =	vld [tilespmem:s26+$0x940];
	v17 =	vadd.f32 v18, v17;
	v18 =	vadd.f32 v20, v19  }
0x1f8: {  	v42 =	vld [tilespmem:s26+$0xD140];
	v43 =	vadd.f32 v21, v40;
	v44 =	vadd.f32 v22, v41  }
0x1f9: {  	v19 =	vld [tilespmem:s26+$0x950]  }
0x1fa: {  	v45 =	vld [tilespmem:s26+$0xD150];
	v17 =	vadd.f32 v18, v17;
	v18 =	vadd.f32 v44, v43  }
0x1fb: {  	v46 =	vld [tilespmem:s26+$0x960]  }
0x1fc: {  	v47 =	vld [tilespmem:s26+$0xD160];
	v17 =	vadd.f32 v18, v17  }
0x1fd: {  	v48 =	vld [tilespmem:s26+$0x970]  }
0x1fe: {  	v18 =	vld [tilespmem:s26+$0xD170];
	[tilespmem:s0+$0x196F0] =	vst v17  }
0x1ff: {  	v17 =	vld [tilespmem:s14+$0x940]  }
0x200: {  	v24 =	vmul.bf16 v42, v39;
	v50 =	vld [tilespmem:s14+$0xD140]  }
0x201: {  	v19 =	vmul.bf16 v45, v19;
	v55 =	vld [tilespmem:s14+$0x960]  }
0x202: {  	v20 =	vmul.bf16 v47, v46;
	v52 =	vunpack.i.u.bf16.f32 v24;
	v24 =	vunpack.i.l.bf16.f32 v24;
	v58 =	vld [tilespmem:s14+$0xD160]  }
0x203: {  	v54 =	vunpack.i.u.bf16.f32 v19;
	v19 =	vunpack.i.l.bf16.f32 v19;
	v59 =	vld [tilespmem:s14+$0x970];
	v18 =	vmul.bf16 v18, v48  }
0x204: {  	v56 =	vunpack.i.u.bf16.f32 v20;
	v20 =	vunpack.i.l.bf16.f32 v20;
	v60 =	vld [tilespmem:s14+$0xD170];
	v24 =	vadd.f32 v24, v52  }
0x205: {  	v51 =	vld [tilespmem:s14+$0x950];
	v19 =	vadd.f32 v19, v54;
	v57 =	vunpack.i.u.bf16.f32 v18;
	v18 =	vunpack.i.l.bf16.f32 v18  }
0x206: {  	v53 =	vld [tilespmem:s14+$0xD150];
	v20 =	vadd.f32 v20, v56;
	v18 =	vadd.f32 v18, v57  }
0x207: {  	v61 =	vld [tilespmem:s31+$0x9D0]  }
0x208: {  	v62 =	vld [tilespmem:s31+$0xD1D0];
	v19 =	vadd.f32 v19, v24;
	v17 =	vmul.bf16 v50, v17;
	v18 =	vadd.f32 v18, v20  }
0x209: {  	v63 =	vld [tilespmem:s31+$0x9E0];
	v39 =	vmul.bf16 v58, v55;
	v25 =	vmul.bf16 v60, v59  }
0x20a: {  	v36 =	vld [tilespmem:s31+$0xD1E0];
	v38 =	vunpack.i.u.bf16.f32 v17;
	v17 =	vunpack.i.l.bf16.f32 v17;
	v18 =	vadd.f32 v18, v19  }
0x20b: {  	v37 =	vld [tilespmem:s31+$0x9F0];
	v32 =	vunpack.i.u.bf16.f32 v39;
	v27 =	vunpack.i.l.bf16.f32 v39;
	v19 =	vmul.bf16 v53, v51  }
0x20c: {  	v40 =	vld [tilespmem:s31+$0xD1F0];
	v42 =	vunpack.i.u.bf16.f32 v25;
	v25 =	vunpack.i.l.bf16.f32 v25;
	v17 =	vadd.f32 v17, v38;
	[tilespmem:s20+$0x19700] =	vst v18  }
0x20d: {  	v44 =	vadd.f32 v27, v32;
	v18 =	vunpack.i.u.bf16.f32 v19;
	v19 =	vunpack.i.l.bf16.f32 v19;
	v41 =	vld [tilespmem:s26+$0x980]  }
0x20e: {  	v25 =	vadd.f32 v25, v42;
	v43 =	vld [tilespmem:s26+$0xD180];
	v18 =	vadd.f32 v19, v18  }
0x20f: {  	v19 =	vld [tilespmem:s26+$0x990]  }
0x210: {  	v45 =	vld [tilespmem:s26+$0xD190];
	v17 =	vadd.f32 v18, v17;
	v18 =	vadd.f32 v25, v44  }
0x211: {  	v46 =	vld [tilespmem:s26+$0x9A0]  }
0x212: {  	v47 =	vld [tilespmem:s26+$0xD1A0];
	v17 =	vadd.f32 v18, v17  }
0x213: {  	v48 =	vld [tilespmem:s26+$0x9B0]  }
0x214: {  	v50 =	vmul.bf16 v62, v61;
	v18 =	vmul.bf16 v49, v23;
	v49 =	vld [tilespmem:s26+$0xD1B0];
	[tilespmem:s0+$0x19700] =	vst v17  }
0x215: {  	v21 =	vmul.bf16 v40, v37;
	v20 =	vmul.bf16 v36, v63;
	v51 =	vld [tilespmem:s14+$0x980]  }
0x216: {  	v31 =	vunpack.i.u.bf16.f32 v50;
	v26 =	vunpack.i.l.bf16.f32 v50;
	v52 =	vmul.bf16 v43, v41;
	v53 =	vld [tilespmem:s14+$0xD180]  }
0x217: {  	v63 =	vunpack.i.u.bf16.f32 v21;
	v61 =	vunpack.i.u.bf16.f32 v20;
	v19 =	vmul.bf16 v45, v19;
	v54 =	vld [tilespmem:s14+$0x990]  }
0x218: {  	v22 =	vmul.bf16 v47, v46;
	v55 =	vunpack.i.u.bf16.f32 v52;
	v56 =	vld [tilespmem:s14+$0xD190];
	v24 =	vunpack.i.l.bf16.f32 v52  }
0x219: {  	v57 =	vunpack.i.u.bf16.f32 v19;
	v19 =	vunpack.i.l.bf16.f32 v19;
	v58 =	vld [tilespmem:s14+$0x9A0];
	v23 =	vmul.bf16 v49, v48  }
0x21a: {  	v59 =	vunpack.i.u.bf16.f32 v22;
	v22 =	vunpack.i.l.bf16.f32 v22;
	v36 =	vld [tilespmem:s14+$0xD1A0];
	v24 =	vadd.f32 v24, v55  }
0x21b: {  	v60 =	vld [tilespmem:s14+$0x9B0];
	v19 =	vadd.f32 v19, v57;
	v35 =	vunpack.i.u.bf16.f32 v23;
	v23 =	vunpack.i.l.bf16.f32 v23  }
0x21c: {  	v20 =	vunpack.i.l.bf16.f32 v20;
	v62 =	vld [tilespmem:s14+$0xD1B0];
	v22 =	vadd.f32 v22, v59;
	v23 =	vadd.f32 v23, v35  }
0x21d: {  	v38 =	vadd.f32 v26, v31;
	v20 =	vadd.f32 v20, v61;
	v17 =	vunpack.i.u.bf16.f32 v18  }
0x21e: {  	v18 =	vunpack.i.l.bf16.f32 v18;
	v19 =	vadd.f32 v19, v24;
	v37 =	vadd.f32 v23, v22  }
0x21f: {  	v17 =	vadd.f32 v18, v17;
	v18 =	vunpack.i.l.bf16.f32 v21;
	v39 =	vmul.bf16 v53, v51  }
0x220: {  	v40 =	vmul.bf16 v56, v54;
	v42 =	vmul.bf16 v36, v58;
	v19 =	vadd.f32 v37, v19  }
0x221: {  	v18 =	vadd.f32 v18, v63;
	v43 =	vmul.bf16 v62, v60;
	v41 =	vunpack.i.u.bf16.f32 v39  }
0x222: {  	v44 =	vunpack.i.u.bf16.f32 v40;
	v21 =	vunpack.i.l.bf16.f32 v40;
	v46 =	vunpack.i.u.bf16.f32 v42;
	[tilespmem:s20+$0x19710] =	vst v19  }
0x223: {  	v25 =	vunpack.i.l.bf16.f32 v42;
	v47 =	vunpack.i.u.bf16.f32 v43;
	v26 =	vunpack.i.l.bf16.f32 v43;
	v45 =	vld [tilespmem:s26+$0x9C0]  }
0x224: {  	v21 =	vadd.f32 v21, v44;
	v50 =	vadd.f32 v25, v46;
	v19 =	vunpack.i.l.bf16.f32 v39;
	v48 =	vld [tilespmem:s26+$0xD1C0]  }
0x225: {  	v51 =	vadd.f32 v26, v47;
	v19 =	vadd.f32 v19, v41;
	v49 =	vld [tilespmem:s26+$0x9D0]  }
0x226: {  	v17 =	vadd.f32 v38, v17;
	v18 =	vadd.f32 v18, v20;
	v52 =	vld [tilespmem:s26+$0xD1D0]  }
0x227: {  	v54 =	vadd.f32 v51, v50;
	v53 =	vld [tilespmem:s26+$0x9E0];
	v19 =	vadd.f32 v21, v19  }
0x228: {  	v17 =	vadd.f32 v18, v17;
	v18 =	vld [tilespmem:s26+$0xD1E0]  }
0x229: {  	v55 =	vld [tilespmem:s26+$0x9F0];
	v19 =	vadd.f32 v54, v19  }
0x22a: {  	[tilespmem:s29+$0x19720] =	vst v17;
	v17 =	vld [tilespmem:s26+$0xD1F0]  }
0x22b: {  	v56 =	vld [tilespmem:s31+$0xA00];
	[tilespmem:s0+$0x19710] =	vst v19  }
0x22c: {  	v19 =	vld [tilespmem:s14+$0x9C0]  }
0x22d: {  	v57 =	vmul.bf16 v48, v45;
	v58 =	vld [tilespmem:s14+$0xD1C0]  }
0x22e: {  	v20 =	vmul.bf16 v52, v49;
	v59 =	vld [tilespmem:s14+$0x9D0]  }
0x22f: {  	v18 =	vmul.bf16 v18, v53;
	v17 =	vmul.bf16 v17, v55;
	v27 =	vunpack.i.u.bf16.f32 v57;
	v60 =	vld [tilespmem:s14+$0xD1D0]  }
0x230: {  	v61 =	vunpack.i.l.bf16.f32 v57;
	v62 =	vunpack.i.u.bf16.f32 v20;
	v20 =	vunpack.i.l.bf16.f32 v20;
	v63 =	vld [tilespmem:s14+$0x9E0]  }
0x231: {  	v33 =	vunpack.i.u.bf16.f32 v18;
	v18 =	vunpack.i.l.bf16.f32 v18;
	v34 =	vunpack.i.u.bf16.f32 v17;
	v35 =	vld [tilespmem:s14+$0xD1E0]  }
0x232: {  	v17 =	vunpack.i.l.bf16.f32 v17;
	v36 =	vld [tilespmem:s14+$0x9F0];
	v24 =	vadd.f32 v61, v27;
	v20 =	vadd.f32 v20, v62  }
0x233: {  	v37 =	vld [tilespmem:s14+$0xD1F0];
	v18 =	vadd.f32 v18, v33;
	v17 =	vadd.f32 v17, v34  }
0x234: {  	v38 =	vld [tilespmem:s31+$0xD200]  }
0x235: {  	v40 =	vld [tilespmem:s31+$0xA20];
	v20 =	vadd.f32 v20, v24;
	v17 =	vadd.f32 v17, v18  }
0x236: {  	v42 =	vld [tilespmem:s31+$0xD220];
	v19 =	vmul.bf16 v58, v19  }
0x237: {  	v47 =	vld [tilespmem:s31+$0xD230];
	v17 =	vadd.f32 v17, v20;
	v41 =	vmul.bf16 v60, v59  }
0x238: {  	v39 =	vld [tilespmem:s31+$0xA10];
	v44 =	vmul.bf16 v35, v63;
	v25 =	vmul.bf16 v37, v36;
	v43 =	vunpack.i.u.bf16.f32 v19  }
0x239: {  	v45 =	vld [tilespmem:s31+$0xA30];
	v19 =	vunpack.i.l.bf16.f32 v19;
	v46 =	vunpack.i.u.bf16.f32 v41;
	v20 =	vunpack.i.l.bf16.f32 v41  }
0x23a: {  	v18 =	vld [tilespmem:s31+$0xD210];
	[tilespmem:s20+$0x19720] =	vst v17;
	v17 =	vunpack.i.u.bf16.f32 v44;
	v26 =	vunpack.i.l.bf16.f32 v44;
	v48 =	vunpack.i.u.bf16.f32 v25  }
0x23b: {  	v25 =	vunpack.i.l.bf16.f32 v25;
	v33 =	vld [tilespmem:s26+$0xA00];
	v19 =	vadd.f32 v19, v43;
	v20 =	vadd.f32 v20, v46  }
0x23c: {  	v49 =	vld [tilespmem:s26+$0xD200];
	v17 =	vadd.f32 v26, v17;
	v25 =	vadd.f32 v25, v48  }
0x23d: {  	v48 =	vld [tilespmem:s26+$0xA10]  }
0x23e: {  	v21 =	vmul.bf16 v38, v56;
	v50 =	vld [tilespmem:s26+$0xD210];
	v19 =	vadd.f32 v20, v19;
	v17 =	vadd.f32 v25, v17  }
0x23f: {  	v22 =	vmul.bf16 v42, v40;
	v53 =	vmul.bf16 v47, v45;
	v52 =	vld [tilespmem:s26+$0xA20]  }
0x240: {  	v51 =	vunpack.i.u.bf16.f32 v21;
	v18 =	vmul.bf16 v18, v39;
	v54 =	vld [tilespmem:s26+$0xD220];
	v17 =	vadd.f32 v17, v19  }
0x241: {  	v58 =	vunpack.i.u.bf16.f32 v22;
	v22 =	vunpack.i.l.bf16.f32 v22;
	v59 =	vunpack.i.u.bf16.f32 v53;
	v56 =	vld [tilespmem:s26+$0xA30]  }
0x242: {  	v60 =	vadd.f32 v22, v58;
	v57 =	vld [tilespmem:s26+$0xD230];
	v55 =	vunpack.i.u.bf16.f32 v18;
	v18 =	vunpack.i.l.bf16.f32 v18;
	[tilespmem:s0+$0x19720] =	vst v17  }
0x243: {  	v18 =	vadd.f32 v18, v55;
	v19 =	vunpack.i.l.bf16.f32 v21;
	v17 =	vunpack.i.l.bf16.f32 v53;
	v20 =	vld [tilespmem:s14+$0xA00]  }
0x244: {  	v19 =	vadd.f32 v19, v51;
	v17 =	vadd.f32 v17, v59;
	v22 =	vld [tilespmem:s14+$0xD200]  }
0x245: {  	v24 =	vld [tilespmem:s14+$0xA10]  }
0x246: {  	v18 =	vadd.f32 v18, v19;
	v19 =	vor.u32 s29, v0;
	v21 =	vld [tilespmem:s14+$0xD210];
	v17 =	vadd.f32 v17, v60  }
0x247: {  	v61 =	vor.u32 s29, v1;
	v32 =	vld [tilespmem:s14+$0xA20]  }
0x248: {  	v62 =	vor.u32 s29, v3;
	v34 =	vld [tilespmem:s14+$0xD220];
	v17 =	vadd.f32 v17, v18  }
0x249: {  	v38 =	vor.u32 s29, v5;
	v63 =	vld [tilespmem:s14+$0xA30]  }
0x24a: {  	v39 =	vor.u32 s29, v6;
	v37 =	vld [tilespmem:s14+$0xD230];
	[tilespmem:s29+$0x19730] =	vst v17  }
0x24b: {  	v40 =	vor.u32 s29, v7;
	v42 =	vor.u32 s29, v9;
	v45 =	vor.u32 s29, v13;
	v19 =	vld.idx.msk [tilespmem:v19+s18+$0x0], $0xffff  }
0x24c: {  	v41 =	vor.u32 s29, v8;
	v44 =	vor.u32 s29, v11;
	v23 =	vmul.bf16 v49, v33;
	v31 =	vld.idx.msk [tilespmem:v61+s18+$0x0], $0xffff  }
0x24d: {  	v43 =	vor.u32 s29, v10;
	v49 =	vor.u32 s29, v12;
	v26 =	vmul.bf16 v50, v48;
	v35 =	vld.idx.msk [tilespmem:v62+s18+$0x0], $0xffff  }
0x24e: {  	v25 =	vmul.bf16 v54, v52;
	v51 =	vmul.bf16 v57, v56;
	v50 =	vunpack.i.u.bf16.f32 v23;
	v28 =	vld.idx.msk [tilespmem:v38+s18+$0x0], $0xffff  }
0x24f: {  	v23 =	vunpack.i.l.bf16.f32 v23;
	v52 =	vunpack.i.u.bf16.f32 v26;
	v26 =	vunpack.i.l.bf16.f32 v26;
	v29 =	vld.idx.msk [tilespmem:v39+s18+$0x0], $0xffff  }
0x250: {  	v53 =	vunpack.i.u.bf16.f32 v25;
	v25 =	vunpack.i.l.bf16.f32 v25;
	v46 =	vunpack.i.u.bf16.f32 v51;
	v39 =	vld.idx.msk [tilespmem:v40+s18+$0x0], $0xffff  }
0x251: {  	v27 =	vunpack.i.l.bf16.f32 v51;
	v23 =	vadd.f32 v23, v50;
	v26 =	vadd.f32 v26, v52;
	v41 =	vld.idx.msk [tilespmem:v41+s18+$0x0], $0xffff  }
0x252: {  	v54 =	vor.u32 s29, v14;
	v25 =	vadd.f32 v25, v53;
	v27 =	vadd.f32 v27, v46;
	v30 =	vld.idx.msk [tilespmem:v42+s18+$0x0], $0xffff  }
0x253: {  	v55 =	vor.u32 s29, v15;
	v42 =	vld.idx.msk [tilespmem:v43+s18+$0x0], $0xffff  }
0x254: {  	v56 =	vor.u32 s20, v0;
	v23 =	vadd.f32 v26, v23;
	v25 =	vadd.f32 v27, v25;
	v43 =	vld.idx.msk [tilespmem:v44+s18+$0x0], $0xffff  }
0x255: {  	v57 =	vor.u32 s20, v1;
	v27 =	vld.idx.msk [tilespmem:v49+s18+$0x0], $0xffff  }
0x256: {  	v58 =	vor.u32 s20, v2;
	v23 =	vadd.f32 v25, v23;
	v44 =	vld.idx.msk [tilespmem:v45+s18+$0x0], $0xffff  }
0x257: {  	v59 =	vor.u32 s20, v3;
	v38 =	vld.idx.msk [tilespmem:v54+s18+$0x0], $0xffff  }
0x258: {  	v60 =	vor.u32 s20, v4;
	v40 =	vld.idx.msk [tilespmem:v55+s18+$0x0], $0xffff;
	[tilespmem:s20+$0x19730] =	vst v23  }
0x259: {  	v47 =	vor.u32 s20, v6;
	v26 =	vld.idx.msk [tilespmem:v56+s18+$0x0], $0xffff  }
0x25a: {  	v48 =	vor.u32 s20, v7;
	v33 =	vld.idx.msk [tilespmem:v57+s18+$0x0], $0xffff  }
0x25b: {  	v50 =	vor.u32 s20, v9;
	v25 =	vld.idx.msk [tilespmem:v58+s18+$0x0], $0xffff  }
0x25c: {  	v51 =	vor.u32 s20, v10;
	v45 =	vld.idx.msk [tilespmem:v59+s18+$0x0], $0xffff  }
0x25d: {  	v52 =	vor.u32 s20, v11;
	v53 =	vor.u32 s20, v13;
	v20 =	vmul.bf16 v22, v20;
	v22 =	vld.idx.msk [tilespmem:v60+s18+$0x0], $0xffff  }
0x25e: {  	v18 =	vor.u32 s29, v2;
	v21 =	vmul.bf16 v21, v24;
	v32 =	vmul.bf16 v34, v32;
	v36 =	vld.idx.msk [tilespmem:v47+s18+$0x0], $0xffff  }
0x25f: {  	v63 =	vmul.bf16 v37, v63;
	v17 =	vor.u32 s29, v4;
	v61 =	vor.u32 s20, v5;
	v47 =	vld.idx.msk [tilespmem:v48+s18+$0x0], $0xffff  }
0x260: {  	v49 =	vor.u32 s20, v8;
	v23 =	vor.u32 s20, v12;
	v62 =	vunpack.i.u.bf16.f32 v20;
	v37 =	vld.idx.msk [tilespmem:v50+s18+$0x0], $0xffff  }
0x261: {  	v20 =	vunpack.i.l.bf16.f32 v20;
	v54 =	vunpack.i.u.bf16.f32 v63;
	v34 =	vunpack.i.l.bf16.f32 v63;
	v50 =	vld.idx.msk [tilespmem:v51+s18+$0x0], $0xffff  }
0x262: {  	v57 =	vunpack.i.u.bf16.f32 v21;
	v21 =	vunpack.i.l.bf16.f32 v21;
	v58 =	vunpack.i.u.bf16.f32 v32;
	v51 =	vld.idx.msk [tilespmem:v52+s18+$0x0], $0xffff  }
0x263: {  	v32 =	vunpack.i.l.bf16.f32 v32;
	v20 =	vadd.f32 v20, v62;
	v34 =	vadd.f32 v34, v54;
	v52 =	vld.idx.msk [tilespmem:v53+s18+$0x0], $0xffff  }
0x264: {  	v59 =	vor.u32 s20, v14;
	v18 =	vld.idx.msk [tilespmem:v18+s18+$0x0], $0xffff;
	v21 =	vadd.f32 v21, v57;
	v32 =	vadd.f32 v32, v58  }
0x265: {  	v60 =	vor.u32 s20, v15;
	v17 =	vld.idx.msk [tilespmem:v17+s18+$0x0], $0xffff  }
0x266: {  	v62 =	vor.u32 s0, v0;
	v20 =	vadd.f32 v21, v20;
	v24 =	vld.idx.msk [tilespmem:v61+s18+$0x0], $0xffff;
	v61 =	vadd.f32 v34, v32  }
0x267: {  	v63 =	vor.u32 s0, v1;
	v49 =	vld.idx.msk [tilespmem:v49+s18+$0x0], $0xffff  }
0x268: {  	v57 =	vor.u32 s0, v2;
	v23 =	vld.idx.msk [tilespmem:v23+s18+$0x0], $0xffff;
	v20 =	vadd.f32 v61, v20  }
0x269: {  	v58 =	vor.u32 s0, v3;
	v46 =	vld.idx.msk [tilespmem:v59+s18+$0x0], $0xffff  }
0x26a: {  	v48 =	vld.idx.msk [tilespmem:v60+s18+$0x0], $0xffff;
	v59 =	vor.u32 s0, v4;
	[tilespmem:s0+$0x19730] =	vst v20  }
0x26b: {  	v60 =	vor.u32 s0, v5;
	v32 =	vld.idx.msk [tilespmem:v62+s18+$0x0], $0xffff  }
0x26c: {  	v19 =	vadd.f32 v31, v19;
	v61 =	vor.u32 s0, v6;
	v31 =	vld.idx.msk [tilespmem:v63+s18+$0x0], $0xffff  }
0x26d: {  	v56 =	vor.u32 s0, v8;
	v30 =	vadd.f32 v30, v41;
	v55 =	vadd.f32 v43, v42;
	v21 =	vld.idx.msk [tilespmem:v57+s18+$0x0], $0xffff  }
0x26e: {  	v18 =	vadd.f32 v35, v18;
	v62 =	vadd.f32 v39, v29;
	v63 =	vor.u32 s0, v7;
	v39 =	vld.idx.msk [tilespmem:v58+s18+$0x0], $0xffff  }
0x26f: {  	v27 =	vadd.f32 v44, v27;
	v38 =	vadd.f32 v40, v38;
	v57 =	vor.u32 s0, v9;
	v20 =	vld.idx.msk [tilespmem:v59+s18+$0x0], $0xffff  }
0x270: {  	v44 =	vor.u32 s0, v15;
	v17 =	vadd.f32 v28, v17;
	v18 =	vadd.f32 v18, v19;
	v19 =	vld.idx.msk [tilespmem:v60+s18+$0x0], $0xffff  }
0x271: {  	v30 =	vadd.f32 v55, v30;
	v58 =	vor.u32 s0, v10;
	v34 =	vld.idx.msk [tilespmem:v61+s18+$0x0], $0xffff  }
0x272: {  	v27 =	vadd.f32 v38, v27;
	v59 =	vor.u32 s0, v11;
	v17 =	vadd.f32 v62, v17;
	v61 =	vld.idx.msk [tilespmem:v56+s18+$0x0], $0xffff  }
0x273: {  	v60 =	vor.u32 s0, v12;
	v29 =	vld.idx.msk [tilespmem:v63+s18+$0x0], $0xffff  }
0x274: {  	v62 =	vor.u32 s0, v13;
	v17 =	vadd.f32 v17, v18;
	v18 =	vadd.f32 v27, v30;
	v40 =	vld.idx.msk [tilespmem:v57+s18+$0x0], $0xffff  }
0x275: {  	v26 =	vadd.f32 v33, v26;
	v63 =	vor.u32 s0, v14;
	v57 =	vld.idx.msk [tilespmem:v44+s18+$0x0], $0xffff  }
0x276: {  	v25 =	vadd.f32 v45, v25;
	v17 =	vadd.f32 v18, v17;
	v18 =	vld.idx.msk [tilespmem:v58+s18+$0x0], $0xffff  }
0x277: {  	v47 =	vadd.f32 v47, v36;
	v55 =	vadd.f32 v51, v50;
	v45 =	vld.idx.msk [tilespmem:v59+s18+$0x0], $0xffff  }
0x278: {  	v25 =	vadd.f32 v25, v26;
	v22 =	vadd.f32 v24, v22;
	v53 =	vld.idx.msk [tilespmem:v60+s18+$0x0], $0xffff  }
0x279: {  	v23 =	vadd.f32 v52, v23;
	v56 =	vadd.f32 v48, v46;
	v30 =	vld.idx.msk [tilespmem:v62+s18+$0x0], $0xffff  }
0x27a: {  	v54 =	vadd.f32 v37, v49;
	v22 =	vadd.f32 v47, v22;
	v41 =	vld.idx.msk [tilespmem:v63+s18+$0x0], $0xffff  }
0x27b: {  	v23 =	vadd.f32 v56, v23;
	v21 =	vadd.f32 v39, v21  }
0x27c: {  	v58 =	vadd.f32 v55, v54;
	v59 =	vadd.f32 v31, v32  }
0x27d: {  	v19 =	vadd.f32 v19, v20;
	v60 =	vadd.f32 v29, v34  }
0x27e: {  	v27 =	vadd.f32 v40, v61;
	v18 =	vadd.f32 v45, v18  }
0x27f: {  	v61 =	vadd.f32 v30, v53;
	v24 =	vadd.f32 v57, v41  }
0x280: {  	v21 =	vadd.f32 v21, v59;
	v19 =	vadd.f32 v60, v19  }
0x281: {  	v18 =	vadd.f32 v18, v27;
	v62 =	vadd.f32 v24, v61  }
0x282: {  	p2 =	slt.u32 s28, $0x15;
	v22 =	vadd.f32 v22, v25;
	v23 =	vadd.f32 v23, v58  }
.Ltmp4:
0x283: {  	s20 =	sshll.u32 s28, $0x4;
	v19 =	vadd.f32 v19, v21;
	v18 =	vadd.f32 v62, v18;
	(pc) =	sbr.rel @p2 .LBB2_3-.Ltmp4, $4  }
0x284: {  	s26 =	sshll.u32 s30, $0x4;
	s0 =	sand.u32 $0x3FFFFFF0, s20;
	v63 =	vadd.f32 v23, v22  }
0x285: {  	s1 =	sshll.u32 s1, $0x4;
	s29 =	sand.u32 $0x3FFFFFF0, s26;
	[tilespmem:v16+s0+$0x0 ss:$0x1] =	vst.idx.msk $0xffff, v17;
	v17 =	vadd.f32 v18, v19  }
0x286: {  	s31 =	sadd.s32 $0x3, s28;
	s30 =	sand.u32 $0x3FFFFFF0, s1;
	[tilespmem:v16+s29+$0x0 ss:$0x1] =	vst.idx.msk $0xffff, v63  }
0x287: {  	s28 =	smov.u32 s31;
	[tilespmem:v16+s30+$0x0 ss:$0x1] =	vst.idx.msk $0xffff, v17  }
0x288: {  	v16 =	vld [tilespmem:$0x6640]  }
0x289: {  	v17 =	vld [tilespmem:$0x12E40]  }
0x28a: {  	v18 =	vld [tilespmem:$0x6650]  }
0x28b: {  	v19 =	vld [tilespmem:$0x12E50]  }
0x28c: {  	v20 =	vld [tilespmem:$0x6660]  }
0x28d: {  	v21 =	vld [tilespmem:$0x12E60]  }
0x28e: {  	v22 =	vld [tilespmem:$0x6670]  }
0x28f: {  	v23 =	vld [tilespmem:$0x12E70]  }
0x290: {  	v24 =	vld [tilespmem:$0x6680]  }
0x291: {  	v25 =	vld [tilespmem:$0x12E80]  }
0x292: {  	v26 =	vld [tilespmem:$0x6690]  }
0x293: {  	v27 =	vld [tilespmem:$0x12E90]  }
0x294: {  	v28 =	vld [tilespmem:$0x66A0]  }
0x295: {  	v29 =	vld [tilespmem:$0x12EA0]  }
0x296: {  	v30 =	vld [tilespmem:$0x66B0]  }
0x297: {  	v31 =	vld [tilespmem:$0x12EB0]  }
0x298: {  	v32 =	vld [tilespmem:$0x66C0]  }
0x299: {  	v33 =	vld [tilespmem:$0x12EC0]  }
0x29a: {  	v34 =	vld [tilespmem:$0x66D0]  }
0x29b: {  	v35 =	vld [tilespmem:$0x12ED0]  }
0x29c: {  	v36 =	vld [tilespmem:$0x66E0]  }
0x29d: {  	v37 =	vld [tilespmem:$0x12EE0]  }
0x29e: {  	v38 =	vld [tilespmem:$0x66F0]  }
0x29f: {  	v39 =	vld [tilespmem:$0x12EF0]  }
0x2a0: {  	v40 =	vld [tilespmem:$0x6700]  }
0x2a1: {  	v41 =	vld [tilespmem:$0x12F00]  }
0x2a2: {  	v42 =	vld [tilespmem:$0x6710]  }
0x2a3: {  	v43 =	vld [tilespmem:$0x12F10]  }
0x2a4: {  	v44 =	vld [tilespmem:$0x6720]  }
0x2a5: {  	v45 =	vld [tilespmem:$0x12F20]  }
0x2a6: {  	v46 =	vld [tilespmem:$0x6730]  }
0x2a7: {  	v47 =	vld [tilespmem:$0x12F30]  }
0x2a8: {  	v49 =	vld [tilespmem:$0x6750]  }
0x2a9: {  	v51 =	vld [tilespmem:$0x12F50]  }
0x2aa: {  	v57 =	vld [tilespmem:$0x12FF0]  }
0x2ab: {  	v16 =	vmul.bf16 v17, v16;
	v17 =	vmul.bf16 v19, v18;
	v19 =	vld [tilespmem:$0x6740]  }
0x2ac: {  	v18 =	vmul.bf16 v21, v20;
	v21 =	vmul.bf16 v23, v22;
	v22 =	vld [tilespmem:$0x12F40]  }
0x2ad: {  	v30 =	vmul.bf16 v31, v30;
	v31 =	vld [tilespmem:$0x12F70]  }
0x2ae: {  	v62 =	vmul.bf16 v39, v38;
	v38 =	vld [tilespmem:$0x67C0];
	v52 =	vmul.bf16 v41, v40  }
0x2af: {  	v53 =	vmul.bf16 v43, v42;
	v54 =	vmul.bf16 v45, v44;
	v42 =	vld [tilespmem:$0x67E0]  }
0x2b0: {  	v55 =	vmul.bf16 v47, v46;
	v45 =	vld [tilespmem:$0x12FE0];
	v59 =	vmul.bf16 v51, v49;
	v20 =	vunpack.i.u.bf16.f32 v16  }
0x2b1: {  	v46 =	vld [tilespmem:$0x6800];
	v16 =	vunpack.i.l.bf16.f32 v16;
	v23 =	vunpack.i.u.bf16.f32 v17;
	v17 =	vunpack.i.l.bf16.f32 v17  }
0x2b2: {  	v48 =	vunpack.i.u.bf16.f32 v18;
	v18 =	vunpack.i.l.bf16.f32 v18;
	v17 =	vadd.f32 v17, v23;
	v23 =	vld [tilespmem:$0x6760]  }
0x2b3: {  	v50 =	vunpack.i.u.bf16.f32 v21;
	v16 =	vadd.f32 v16, v20;
	v20 =	vmul.bf16 v25, v24;
	v25 =	vld [tilespmem:$0x12F60]  }
0x2b4: {  	v21 =	vunpack.i.l.bf16.f32 v21;
	v24 =	vmul.bf16 v27, v26;
	v27 =	vmul.bf16 v29, v28;
	v28 =	vld [tilespmem:$0x6770]  }
0x2b5: {  	v61 =	vunpack.i.u.bf16.f32 v30;
	v30 =	vunpack.i.l.bf16.f32 v30;
	v18 =	vadd.f32 v18, v48;
	v48 =	vld [tilespmem:$0x6790]  }
0x2b6: {  	v47 =	vunpack.i.u.bf16.f32 v55;
	v44 =	vunpack.i.l.bf16.f32 v55;
	v21 =	vadd.f32 v21, v50;
	v50 =	vld [tilespmem:$0x12FC0]  }
0x2b7: {  	v44 =	vadd.f32 v44, v47;
	v47 =	vld [tilespmem:$0x131D0];
	v26 =	vunpack.i.u.bf16.f32 v20;
	v20 =	vunpack.i.l.bf16.f32 v20  }
0x2b8: {  	v29 =	vunpack.i.u.bf16.f32 v24;
	v16 =	vadd.f32 v17, v16;
	v17 =	vadd.f32 v21, v18;
	v21 =	vld [tilespmem:$0x12F90]  }
0x2b9: {  	v24 =	vunpack.i.l.bf16.f32 v24;
	v60 =	vunpack.i.u.bf16.f32 v27;
	v19 =	vmul.bf16 v22, v19;
	v22 =	vld [tilespmem:$0x13000]  }
0x2ba: {  	v27 =	vunpack.i.l.bf16.f32 v27;
	v20 =	vadd.f32 v20, v26;
	v26 =	vld [tilespmem:$0x6780];
	v24 =	vadd.f32 v24, v29  }
0x2bb: {  	v39 =	vunpack.i.u.bf16.f32 v62;
	v30 =	vadd.f32 v30, v61;
	v29 =	vld [tilespmem:$0x12F80];
	v27 =	vadd.f32 v27, v60  }
0x2bc: {  	v56 =	vunpack.i.u.bf16.f32 v54;
	v41 =	vunpack.i.l.bf16.f32 v54;
	v18 =	vadd.f32 v24, v20;
	v24 =	vld [tilespmem:$0x67A0]  }
0x2bd: {  	v40 =	vunpack.i.u.bf16.f32 v52;
	v41 =	vadd.f32 v41, v56;
	v20 =	vadd.f32 v30, v27;
	v30 =	vld [tilespmem:$0x12FA0]  }
0x2be: {  	v43 =	vunpack.i.u.bf16.f32 v53;
	v61 =	vunpack.i.u.bf16.f32 v59;
	v27 =	vmul.bf16 v33, v32;
	v32 =	vld [tilespmem:$0x67B0]  }
0x2bf: {  	v58 =	vadd.f32 v44, v41;
	v17 =	vadd.f32 v17, v16;
	v23 =	vmul.bf16 v25, v23;
	v25 =	vld [tilespmem:$0x13010]  }
0x2c0: {  	v60 =	vunpack.i.u.bf16.f32 v19;
	v19 =	vunpack.i.l.bf16.f32 v19;
	v28 =	vmul.bf16 v31, v28;
	v31 =	vld [tilespmem:$0x6820]  }
0x2c1: {  	v41 =	vadd.f32 v19, v60;
	v60 =	vld [tilespmem:$0x13090];
	v16 =	vadd.f32 v20, v18;
	v18 =	vmul.bf16 v35, v34  }
0x2c2: {  	v20 =	vmul.bf16 v37, v36;
	v33 =	vunpack.i.u.bf16.f32 v27;
	v27 =	vunpack.i.l.bf16.f32 v27;
	v35 =	vld [tilespmem:$0x12FB0]  }
0x2c3: {  	v34 =	vunpack.i.l.bf16.f32 v62;
	v36 =	vld [tilespmem:$0x67D0];
	v62 =	vunpack.i.u.bf16.f32 v23;
	v23 =	vunpack.i.l.bf16.f32 v23  }
0x2c4: {  	v19 =	vunpack.i.u.bf16.f32 v28;
	v28 =	vunpack.i.l.bf16.f32 v28;
	v21 =	vmul.bf16 v21, v48;
	v48 =	vld [tilespmem:$0x6860]  }
0x2c5: {  	v22 =	vmul.bf16 v22, v46;
	v46 =	vld [tilespmem:$0x6940];
	v27 =	vadd.f32 v27, v33;
	v34 =	vadd.f32 v34, v39  }
0x2c6: {  	v39 =	vld [tilespmem:$0x12FD0];
	v33 =	vunpack.i.l.bf16.f32 v52;
	v23 =	vadd.f32 v23, v62;
	v28 =	vadd.f32 v28, v19  }
0x2c7: {  	v52 =	vld [tilespmem:$0x6830];
	v63 =	vunpack.i.u.bf16.f32 v18;
	v18 =	vunpack.i.l.bf16.f32 v18;
	v37 =	vunpack.i.u.bf16.f32 v20  }
0x2c8: {  	v62 =	vld [tilespmem:$0x68B0];
	v20 =	vunpack.i.l.bf16.f32 v20;
	v33 =	vadd.f32 v33, v40;
	v54 =	vunpack.i.u.bf16.f32 v21  }
0x2c9: {  	v40 =	vld [tilespmem:$0x67F0];
	v21 =	vunpack.i.l.bf16.f32 v21;
	v18 =	vadd.f32 v18, v63;
	v20 =	vadd.f32 v20, v37  }
0x2ca: {  	v37 =	vunpack.i.l.bf16.f32 v53;
	v63 =	vld [tilespmem:$0x13020];
	v23 =	vadd.f32 v28, v23;
	v21 =	vadd.f32 v21, v54  }
0x2cb: {  	v53 =	vld [tilespmem:$0x13030];
	v24 =	vmul.bf16 v30, v24;
	v37 =	vadd.f32 v37, v43;
	v18 =	vadd.f32 v18, v27  }
0x2cc: {  	v28 =	vld [tilespmem:$0x13040];
	v20 =	vadd.f32 v34, v20;
	v34 =	vunpack.i.l.bf16.f32 v59;
	v30 =	vmul.bf16 v35, v32  }
0x2cd: {  	v54 =	vld [tilespmem:$0x68C0];
	v55 =	vunpack.i.u.bf16.f32 v24;
	v24 =	vunpack.i.l.bf16.f32 v24;
	v27 =	vadd.f32 v37, v33  }
0x2ce: {  	v43 =	vld [tilespmem:$0x6890];
	v34 =	vadd.f32 v34, v61;
	v24 =	vadd.f32 v24, v55;
	v61 =	vunpack.i.u.bf16.f32 v22  }
0x2cf: {  	v32 =	vld [tilespmem:$0x6850];
	v22 =	vunpack.i.l.bf16.f32 v22;
	v19 =	vadd.f32 v20, v18;
	v20 =	vmul.bf16 v29, v26  }
0x2d0: {  	v35 =	vld [tilespmem:$0x6870];
	v56 =	vunpack.i.u.bf16.f32 v30;
	v30 =	vunpack.i.l.bf16.f32 v30;
	v22 =	vadd.f32 v22, v61  }
0x2d1: {  	v37 =	vld [tilespmem:$0x6810];
	v57 =	vmul.bf16 v57, v40;
	v18 =	vadd.f32 v58, v27;
	v27 =	vadd.f32 v34, v41  }
0x2d2: {  	v33 =	vld [tilespmem:$0x13060];
	v30 =	vadd.f32 v30, v56;
	v31 =	vmul.bf16 v63, v31;
	v44 =	vmul.bf16 v53, v52  }
0x2d3: {  	v26 =	vld [tilespmem:$0x6840];
	v29 =	vunpack.i.u.bf16.f32 v20;
	v20 =	vunpack.i.l.bf16.f32 v20;
	v59 =	vunpack.i.u.bf16.f32 v57  }
0x2d4: {  	v40 =	vld [tilespmem:$0x13080];
	v60 =	vmul.bf16 v60, v43;
	v29 =	vadd.f32 v20, v29;
	v20 =	vadd.f32 v23, v27  }
0x2d5: {  	v34 =	vld [tilespmem:$0x13050];
	v23 =	vmul.bf16 v50, v38;
	v24 =	vadd.f32 v30, v24;
	v30 =	vmul.bf16 v45, v42  }
0x2d6: {  	v52 =	vld [tilespmem:$0x130B0];
	v53 =	vunpack.i.u.bf16.f32 v31;
	v31 =	vunpack.i.l.bf16.f32 v31;
	v55 =	vunpack.i.u.bf16.f32 v44  }
0x2d7: {  	v56 =	vld [tilespmem:$0x130C0];
	v44 =	vunpack.i.l.bf16.f32 v44;
	v25 =	vmul.bf16 v25, v37;
	v31 =	vadd.f32 v31, v53  }
0x2d8: {  	v43 =	vld [tilespmem:$0x13120];
	v44 =	vadd.f32 v44, v55;
	v21 =	vadd.f32 v21, v29;
	v29 =	vmul.bf16 v39, v36  }
0x2d9: {  	v27 =	vld [tilespmem:$0x13070];
	v38 =	vunpack.i.u.bf16.f32 v23;
	v23 =	vunpack.i.l.bf16.f32 v23;
	v42 =	vunpack.i.u.bf16.f32 v30  }
0x2da: {  	v45 =	vld [tilespmem:$0x69D0];
	v30 =	vunpack.i.l.bf16.f32 v30;
	v39 =	vunpack.i.l.bf16.f32 v57;
	v23 =	vadd.f32 v23, v38  }
0x2db: {  	v37 =	vld [tilespmem:$0x130A0];
	v30 =	vadd.f32 v30, v42;
	v39 =	vadd.f32 v39, v59;
	v63 =	vunpack.i.u.bf16.f32 v25  }
0x2dc: {  	v53 =	vld [tilespmem:$0x13130];
	v25 =	vunpack.i.l.bf16.f32 v25;
	v31 =	vadd.f32 v44, v31;
	v42 =	vmul.bf16 v52, v62  }
0x2dd: {  	v36 =	vld [tilespmem:$0x6880];
	v58 =	vunpack.i.u.bf16.f32 v29;
	v29 =	vunpack.i.l.bf16.f32 v29;
	v25 =	vadd.f32 v25, v63  }
0x2de: {  	v61 =	vunpack.i.u.bf16.f32 v60;
	v38 =	vld [tilespmem:$0x68A0];
	v29 =	vadd.f32 v29, v58;
	v30 =	vadd.f32 v39, v30  }
0x2df: {  	v57 =	vld [tilespmem:$0x68D0];
	v52 =	vunpack.i.u.bf16.f32 v42;
	v42 =	vunpack.i.l.bf16.f32 v42;
	v25 =	vadd.f32 v25, v22  }
0x2e0: {  	v59 =	vld [tilespmem:$0x68E0];
	v27 =	vmul.bf16 v27, v35;
	v42 =	vadd.f32 v42, v52;
	v29 =	vadd.f32 v29, v23  }
0x2e1: {  	v63 =	vld [tilespmem:$0x6930];
	v23 =	vadd.f32 v24, v21;
	v24 =	vmul.bf16 v28, v26;
	v28 =	vmul.bf16 v33, v48  }
0x2e2: {  	v58 =	vld [tilespmem:$0x130D0];
	v35 =	vunpack.i.u.bf16.f32 v27;
	v27 =	vunpack.i.l.bf16.f32 v27;
	v21 =	vadd.f32 v31, v25  }
0x2e3: {  	v39 =	vld [tilespmem:$0x6950];
	v25 =	vmul.bf16 v34, v32;
	v27 =	vadd.f32 v27, v35;
	v37 =	vmul.bf16 v37, v38  }
0x2e4: {  	v52 =	vld [tilespmem:$0x13190];
	v22 =	vadd.f32 v30, v29;
	v30 =	vunpack.i.u.bf16.f32 v24;
	v24 =	vunpack.i.l.bf16.f32 v24  }
0x2e5: {  	v26 =	vld [tilespmem:$0x130E0];
	v33 =	vunpack.i.u.bf16.f32 v28;
	v28 =	vunpack.i.l.bf16.f32 v28;
	v32 =	vunpack.i.u.bf16.f32 v25  }
0x2e6: {  	v31 =	vld [tilespmem:$0x130F0];
	v25 =	vunpack.i.l.bf16.f32 v25;
	v24 =	vadd.f32 v24, v30;
	v30 =	vmul.bf16 v40, v36  }
0x2e7: {  	v38 =	vld [tilespmem:$0x6920];
	v28 =	vadd.f32 v28, v33;
	v33 =	vunpack.i.l.bf16.f32 v60;
	v62 =	vunpack.i.u.bf16.f32 v37  }
0x2e8: {  	v29 =	vld [tilespmem:$0x68F0];
	v37 =	vunpack.i.l.bf16.f32 v37;
	v55 =	vmul.bf16 v58, v57;
	v25 =	vadd.f32 v25, v32  }
0x2e9: {  	v48 =	vld [tilespmem:$0x13100];
	v33 =	vadd.f32 v33, v61;
	v36 =	vunpack.i.u.bf16.f32 v30;
	v30 =	vunpack.i.l.bf16.f32 v30  }
0x2ea: {  	v34 =	vld [tilespmem:$0x6900];
	v37 =	vadd.f32 v37, v62;
	v26 =	vmul.bf16 v26, v59;
	v30 =	vadd.f32 v30, v36  }
0x2eb: {  	v35 =	vld [tilespmem:$0x13110];
	v24 =	vadd.f32 v25, v24;
	v25 =	vadd.f32 v27, v28;
	v27 =	vmul.bf16 v56, v54  }
0x2ec: {  	v60 =	vld [tilespmem:$0x6970];
	v54 =	vadd.f32 v42, v37;
	v56 =	vunpack.i.u.bf16.f32 v55;
	v62 =	vmul.bf16 v43, v38  }
0x2ed: {  	v32 =	vld [tilespmem:$0x6910];
	v37 =	vunpack.i.l.bf16.f32 v55;
	v36 =	vmul.bf16 v53, v63;
	v29 =	vmul.bf16 v31, v29  }
0x2ee: {  	v61 =	vld [tilespmem:$0x13170];
	v57 =	vunpack.i.u.bf16.f32 v26;
	v26 =	vunpack.i.l.bf16.f32 v26;
	v37 =	vadd.f32 v37, v56  }
0x2ef: {  	v28 =	vld [tilespmem:$0x13140];
	v30 =	vadd.f32 v33, v30;
	v41 =	vunpack.i.u.bf16.f32 v27;
	v27 =	vunpack.i.l.bf16.f32 v27  }
0x2f0: {  	v42 =	vld [tilespmem:$0x13150];
	v26 =	vadd.f32 v26, v57;
	v24 =	vadd.f32 v25, v24;
	v43 =	vunpack.i.u.bf16.f32 v62  }
0x2f1: {  	v58 =	vld [tilespmem:$0x13160];
	v53 =	vunpack.i.u.bf16.f32 v36;
	v36 =	vunpack.i.l.bf16.f32 v36;
	v27 =	vadd.f32 v27, v41  }
0x2f2: {  	v31 =	vld [tilespmem:$0x6960];
	v59 =	vunpack.i.u.bf16.f32 v29;
	v29 =	vunpack.i.l.bf16.f32 v29;
	v36 =	vadd.f32 v36, v53  }
0x2f3: {  	v55 =	vld [tilespmem:$0x131A0];
	v29 =	vadd.f32 v29, v59;
	v25 =	vadd.f32 v54, v30;
	v30 =	vmul.bf16 v48, v34  }
0x2f4: {  	v56 =	vld [tilespmem:$0x69B0];
	v59 =	vmul.bf16 v61, v60;
	v27 =	vadd.f32 v37, v27;
	v28 =	vmul.bf16 v28, v46  }
0x2f5: {  	v33 =	vld [tilespmem:$0x6980];
	v57 =	vmul.bf16 v42, v39;
	v26 =	vadd.f32 v29, v26;
	v29 =	vmul.bf16 v35, v32  }
0x2f6: {  	v54 =	vld [tilespmem:$0x69A0];
	v34 =	vunpack.i.u.bf16.f32 v30;
	v30 =	vunpack.i.l.bf16.f32 v30;
	v35 =	vunpack.i.l.bf16.f32 v62  }
0x2f7: {  	v37 =	vld [tilespmem:$0x6990];
	v31 =	vmul.bf16 v58, v31;
	v62 =	vunpack.i.u.bf16.f32 v59;
	v30 =	vadd.f32 v30, v34  }
0x2f8: {  	v48 =	vld [tilespmem:$0x13230];
	v35 =	vadd.f32 v35, v43;
	v58 =	vunpack.i.u.bf16.f32 v28;
	v28 =	vunpack.i.l.bf16.f32 v28  }
0x2f9: {  	v32 =	vld [tilespmem:$0x13180];
	v63 =	vunpack.i.u.bf16.f32 v29;
	v29 =	vunpack.i.l.bf16.f32 v29;
	v26 =	vadd.f32 v26, v27  }
0x2fa: {  	v42 =	vld [tilespmem:$0x131C0];
	v61 =	vunpack.i.u.bf16.f32 v31;
	v31 =	vunpack.i.l.bf16.f32 v31;
	v28 =	vadd.f32 v28, v58  }
0x2fb: {  	v41 =	vunpack.i.l.bf16.f32 v59;
	v58 =	vld [tilespmem:$0x6A00];
	v29 =	vadd.f32 v29, v63;
	v31 =	vadd.f32 v31, v61  }
0x2fc: {  	v63 =	vadd.f32 v41, v62;
	v34 =	vmul.bf16 v55, v54;
	v37 =	vmul.bf16 v52, v37;
	v52 =	vld [tilespmem:$0x131E0]  }
0x2fd: {  	v60 =	vunpack.i.u.bf16.f32 v57;
	v27 =	vadd.f32 v29, v30;
	v29 =	vld [tilespmem:$0x131B0];
	v30 =	vadd.f32 v36, v35  }
0x2fe: {  	v36 =	vld [tilespmem:$0x69C0];
	v35 =	vunpack.i.l.bf16.f32 v57;
	v32 =	vmul.bf16 v32, v33;
	v57 =	vunpack.i.u.bf16.f32 v34  }
0x2ff: {  	v33 =	vld [tilespmem:$0x69E0];
	v31 =	vadd.f32 v63, v31;
	v35 =	vadd.f32 v35, v60;
	v55 =	vunpack.i.u.bf16.f32 v37  }
0x300: {  	v37 =	vunpack.i.l.bf16.f32 v37;
	v60 =	vld [tilespmem:$0x13200];
	v53 =	vunpack.i.u.bf16.f32 v32;
	v32 =	vunpack.i.l.bf16.f32 v32  }
0x301: {  	v54 =	vld [tilespmem:$0x69F0];
	v34 =	vunpack.i.l.bf16.f32 v34;
	v37 =	vadd.f32 v37, v55;
	v32 =	vadd.f32 v32, v53  }
0x302: {  	v61 =	vld [tilespmem:$0x6A10];
	v34 =	vadd.f32 v34, v57;
	v28 =	vadd.f32 v35, v28  }
0x303: {  	v62 =	vld [tilespmem:$0x13210];
	v27 =	vadd.f32 v30, v27;
	v29 =	vmul.bf16 v29, v56;
	v32 =	vadd.f32 v37, v32  }
0x304: {  	v63 =	vld [tilespmem:$0x6A20];
	v28 =	vadd.f32 v31, v28;
	v30 =	vmul.bf16 v42, v36;
	v42 =	vmul.bf16 v47, v45  }
0x305: {  	[tilespmem:$0x1AE70] =	vst v18;
	v56 =	vld [tilespmem:$0x131F0];
	v33 =	vmul.bf16 v52, v33;
	v18 =	vmul.bf16 v60, v58;
	v59 =	vunpack.i.u.bf16.f32 v29  }
0x306: {  	[tilespmem:$0x1AE40] =	vst v17;
	v31 =	vld [tilespmem:$0x13220];
	v29 =	vunpack.i.l.bf16.f32 v29;
	v17 =	vunpack.i.u.bf16.f32 v30;
	v30 =	vunpack.i.l.bf16.f32 v30  }
0x307: {  	[tilespmem:$0x1AE60] =	vst v19;
	v45 =	vld [tilespmem:$0x6A30];
	v49 =	vunpack.i.u.bf16.f32 v33;
	v19 =	vunpack.i.l.bf16.f32 v33;
	v29 =	vadd.f32 v29, v59  }
0x308: {  	[tilespmem:$0x1AE50] =	vst v16;
	v16 =	vunpack.i.u.bf16.f32 v42;
	v17 =	vadd.f32 v30, v17;
	v19 =	vadd.f32 v19, v49  }
0x309: {  	[tilespmem:$0x1AE90] =	vst v23;
	v30 =	vmul.bf16 v62, v61;
	v23 =	vunpack.i.u.bf16.f32 v18;
	v18 =	vunpack.i.l.bf16.f32 v18  }
0x30a: {  	v18 =	vadd.f32 v18, v23;
	v29 =	vadd.f32 v29, v34;
	v47 =	vmul.bf16 v56, v54  }
0x30b: {  	[tilespmem:$0x1AEA0] =	vst v22;
	v31 =	vmul.bf16 v31, v63;
	v22 =	vunpack.i.u.bf16.f32 v30;
	v30 =	vunpack.i.l.bf16.f32 v30  }
0x30c: {  	v51 =	vmul.bf16 v48, v45;
	v22 =	vadd.f32 v30, v22;
	v29 =	vadd.f32 v29, v32  }
0x30d: {  	[tilespmem:$0x1AE80] =	vst v20;
	v32 =	vunpack.i.l.bf16.f32 v42;
	v50 =	vunpack.i.u.bf16.f32 v47;
	v37 =	vunpack.i.l.bf16.f32 v47  }
0x30e: {  	[tilespmem:$0x1AEB0] =	vst v21;
	v21 =	vunpack.i.u.bf16.f32 v31;
	v31 =	vunpack.i.l.bf16.f32 v31;
	v52 =	vunpack.i.u.bf16.f32 v51  }
0x30f: {  	[tilespmem:$0x1AEC0] =	vst v24;
	v24 =	vunpack.i.l.bf16.f32 v51;
	v16 =	vadd.f32 v32, v16;
	v20 =	vadd.f32 v37, v50  }
0x310: {  	[tilespmem:$0x1AED0] =	vst v25;
	v21 =	vadd.f32 v31, v21;
	v23 =	vadd.f32 v24, v52  }
0x311: {  	[tilespmem:$0x1AEE0] =	vst v26;
	v17 =	vadd.f32 v16, v17;
	v19 =	vadd.f32 v20, v19  }
0x312: {  	[tilespmem:$0x1AEF0] =	vst v27;
	v18 =	vadd.f32 v22, v18;
	v20 =	vadd.f32 v23, v21;
	v16 =	vor.u32 $0x1800, v0  }
0x313: {  	[tilespmem:$0x1AF00] =	vst v28;
	v21 =	vor.u32 $0x1805, v0;
	v19 =	vadd.f32 v19, v17  }
0x314: {  	v22 =	vor.u32 $0x1806, v0;
	[tilespmem:$0x1AF10] =	vst v29;
	v20 =	vadd.f32 v20, v18  }
0x315: {  	v23 =	vor.u32 $0x1807, v0;
	[tilespmem:$0x1AF20] =	vst v19  }
0x316: {  	v24 =	vor.u32 $0x1808, v0;
	[tilespmem:$0x1AF30] =	vst v20  }
0x317: {  	v25 =	vor.u32 $0x1809, v0;
	v53 =	vld.idx.msk [tilespmem:v16+s18+$0x0], $0xffff  }
0x318: {  	v26 =	vor.u32 $0x180A, v0;
	v58 =	vld.idx.msk [tilespmem:v21+s18+$0x0], $0xffff  }
0x319: {  	v27 =	vor.u32 $0x180B, v0;
	v59 =	vld.idx.msk [tilespmem:v22+s18+$0x0], $0xffff  }
0x31a: {  	v28 =	vor.u32 $0x180C, v0;
	v60 =	vld.idx.msk [tilespmem:v23+s18+$0x0], $0xffff  }
0x31b: {  	v29 =	vor.u32 $0x180D, v0;
	v61 =	vld.idx.msk [tilespmem:v24+s18+$0x0], $0xffff  }
0x31c: {  	v17 =	vor.u32 $0x1801, v0;
	v62 =	vld.idx.msk [tilespmem:v25+s18+$0x0], $0xffff  }
0x31d: {  	v18 =	vor.u32 $0x1802, v0;
	v63 =	vld.idx.msk [tilespmem:v26+s18+$0x0], $0xffff  }
0x31e: {  	v19 =	vor.u32 $0x1803, v0;
	v48 =	vld.idx.msk [tilespmem:v27+s18+$0x0], $0xffff  }
0x31f: {  	v20 =	vor.u32 $0x1804, v0;
	v49 =	vld.idx.msk [tilespmem:v28+s18+$0x0], $0xffff  }
0x320: {  	v30 =	vor.u32 $0x180E, v0;
	v50 =	vld.idx.msk [tilespmem:v29+s18+$0x0], $0xffff  }
0x321: {  	v31 =	vor.u32 $0x180F, v0;
	v54 =	vld.idx.msk [tilespmem:v17+s18+$0x0], $0xffff  }
0x322: {  	v55 =	vld.idx.msk [tilespmem:v18+s18+$0x0], $0xffff  }
0x323: {  	v56 =	vld.idx.msk [tilespmem:v19+s18+$0x0], $0xffff  }
0x324: {  	v57 =	vld.idx.msk [tilespmem:v20+s18+$0x0], $0xffff  }
0x325: {  	v51 =	vld.idx.msk [tilespmem:v30+s18+$0x0], $0xffff  }
0x326: {  	v52 =	vld.idx.msk [tilespmem:v31+s18+$0x0], $0xffff;
	_ =	sdelay $0x1  }
0x327: {  	v32 =	vadd.f32 v54, v53;
	v53 =	vadd.f32 v56, v55  }
0x328: {  	v54 =	vadd.f32 v58, v57;
	v55 =	vadd.f32 v60, v59  }
0x329: {  	v56 =	vadd.f32 v62, v61;
	v57 =	vadd.f32 v48, v63  }
0x32a: {  	v58 =	vadd.f32 v50, v49;
	v59 =	vadd.f32 v52, v51  }
0x32b: {  	v32 =	vadd.f32 v53, v32;
	v60 =	vadd.f32 v55, v54  }
0x32c: {  	v61 =	vadd.f32 v57, v56;
	v62 =	vadd.f32 v59, v58;
	_ =	sdelay $0x1  }
0x32d: {  	v32 =	vadd.f32 v60, v32;
	v63 =	vadd.f32 v62, v61;
	_ =	sdelay $0x1  }
0x32e: {  	v32 =	vadd.f32 v63, v32;
	_ =	sdelay $0x1  }
0x32f: {  	s0 =	simm.s32 @!p1 $0x3;
	[tilespmem:s25+$0x1B0C0] =	vst v32  }
0x330: {  	_ =	swait.ge @!p1 [sflag:s0], $0x190  }
0x331: {  	[sflag:s0] =	ssyncset.done @!p1 $0x0  }
0x332: {  	[sflag:s0] =	ssyncadd.s32 @!p1 $0xFFFFFE70  }
0x333: {  	_ =	swait.ge @!p1 [sflag:s0], $0x190  }
0x334: {  	s1 =	simm.s32 @!p1 $0x0;
	[sflag:s0] =	ssyncset.done @!p1 $0x0  }
0x335: {  	s14 =	simm.s32 @!p1 $0x640;
	[sflag:s0] =	ssyncadd.s32 @!p1 $0xFFFFFE70;
	s0 =	simm.s32 @!p1 $0x80  }
0x336: {  	[tilespmem:s14], [sflag:$0x1] =	stream.indirect.gather @!p1 [hbm4b:s2+s0], $0x40, s1, s0, $0xb8;
	[tilespmem:$0x1D650] =	vst v63  }
0x337: {  	s1 =	simm.s32 @!p1 $0x320;
	s14 =	simm.s32 @!p1 $0xCE40  }
0x338: {  	[tilespmem:s14], [sflag:$0x1] =	stream.indirect.gather @!p1 [hbm4b:s2+s0], $0x40, s1, s0, $0xb8;
	[tilespmem:$0x1D650] =	vst v63  }
0x339: {  	s1 =	simm.s32 @!p1 $0x2640  }
0x33a: {  	[tilespmem:s1], [sflag:$0x1] =	stream.indirect.gather @!p1 [hbm4b:s2+s0], $0x40, s0, s0, $0xb8;
	[tilespmem:$0x1D650] =	vst v63  }
0x33b: {  	s14 =	simm.s32 @!p1 $0xEE40;
	s1 =	simm.s32 @!p1 $0x3A0  }
0x33c: {  	[tilespmem:s14], [sflag:$0x1] =	stream.indirect.gather @!p1 [hbm4b:s2+s0], $0x40, s1, s0, $0xb8;
	[tilespmem:$0x1D650] =	vst v63  }
0x33d: {  	s1 =	simm.s32 @!p1 $0x100;
	s14 =	simm.s32 @!p1 $0x4640  }
0x33e: {  	[tilespmem:s14], [sflag:$0x1] =	stream.indirect.gather @!p1 [hbm4b:s2+s0], $0x40, s1, s0, $0xb8;
	[tilespmem:$0x1D650] =	vst v63  }
0x33f: {  	s1 =	simm.s32 @!p1 $0x420;
	s14 =	simm.s32 @!p1 $0x10E40  }
0x340: {  	[tilespmem:s14], [sflag:$0x1] =	stream.indirect.gather @!p1 [hbm4b:s2+s0], $0x40, s1, s0, $0xb8;
	[tilespmem:$0x1D650] =	vst v63  }
.Ltmp5:
0x341: {  	_ = 	snop;
	(pc) =	sbr.rel @p0 .LBB2_8-.Ltmp5, $4  }
0x342: {  	s0 =	simm.s32 @!p1 $0x10;
	s1 =	simm.s32 @!p1 $0x180;
	s14 =	simm.s32 @!p1 $0x6640  }
0x343: {  	[tilespmem:s14], [sflag:$0x1] =	stream.indirect.gather @!p1 [hbm4b:s2+s0], $0x40, s1, s0, $0xb8;
	[tilespmem:$0x1D650] =	vst v63  }
0x344: {  	s1 =	simm.s32 @!p1 $0x4A0;
	s14 =	simm.s32 @!p1 $0x12E40  }
0x345: {  	[tilespmem:s14], [sflag:$0x1] =	stream.indirect.gather @!p1 [hbm4b:s2+s0], $0x40, s1, s0, $0xb8;
	[tilespmem:$0x1D650] =	vst v63  }
0x346: {  	[tilespmem:$0x1FF90] =	vst v22  }
0x347: {  	[tilespmem:$0x1FFA0] =	vst v21  }
0x348: {  	[tilespmem:$0x1FFB0] =	vst v20  }
0x349: {  	[tilespmem:$0x1FFC0] =	vst v19  }
0x34a: {  	[tilespmem:$0x1FFD0] =	vst v18  }
0x34b: {  	[tilespmem:$0x1FFE0] =	vst v17  }
0x34c: {  	[tilespmem:$0x1FFF0] =	vst v16  }
0x34d: {  	p0 =	sgt.u32 s23, $0xA;
	_ =	swait.ge [sflag:s19], $0x6400  }
0x34e: {  	s0 =	smul.u32 @!p0 $0x320, s23;
	[sflag:s19] =	ssyncset.done $0x0  }
0x34f: {  	s30 =	smul.u32 $0x640, s24;
	s25 =	simm.s32 $0x0;
	[sflag:s19] =	ssyncadd.s32 $0xFFFF9C00  }
0x350: {  	s14 =	simm.s32 @!p0 $0x0;
	s0 =	sadd.s32 @!p0 s0, s11;
	_ =	swait.ge [sflag:s19], $0x6400  }
0x351: {  	s20 =	simm.s32 @!p0 $0x190;
	s0 =	sshrl.u32 @!p0 s0, $0x3;
	[sflag:s19] =	ssyncset.done $0x0  }
0x352: {  	s24 =	sshra.s32 s30, $0x2;
	s1 =	sadd.s32 @!p0 s4, s0;
	[sflag:s19] =	ssyncadd.s32 $0xFFFF9C00  }
0x353: {  	[tilespmem:s20], [sflag:$0x4] =	stream.linear.gather @!p0 [hbm4b:s1+s14], $0x190, $0x38;
	[tilespmem:$0x1D650] =	vst v63  }
0x354: {  	s31 =	sadd.s32 $0x1AF40, s24;
	s0 =	sadd.s32 @!p0 s5, s0;
	s1 =	simm.s32 @!p0 $0x4B0  }
0x355: {  	v32 =	vmov s31;
	[tilespmem:s1], [sflag:$0x4] =	stream.linear.gather @!p0 [hbm4b:s0+s14], $0x190, $0x38;
	[tilespmem:$0x1D650] =	vst v63  }
.LBB2_6:
0x356: {  	s30 =	sshll.u32 s25, $0xA  }
0x357: {  	v33 =	vld [tilespmem:s30+$0x6A40]  }
0x358: {  	v34 =	vld [tilespmem:s30+$0x13240]  }
0x359: {  	v35 =	vld [tilespmem:s30+$0x6A50]  }
0x35a: {  	v36 =	vld [tilespmem:s30+$0x13250]  }
0x35b: {  	v37 =	vld [tilespmem:s30+$0x6A60]  }
0x35c: {  	v38 =	vld [tilespmem:s30+$0x13260]  }
0x35d: {  	v39 =	vld [tilespmem:s30+$0x6A70]  }
0x35e: {  	v40 =	vld [tilespmem:s30+$0x13270];
	_ =	sdelay $0x2  }
0x35f: {  	v33 =	vmul.bf16 v34, v33  }
0x360: {  	v46 =	vmul.bf16 v36, v35  }
0x361: {  	v48 =	vmul.bf16 v38, v37;
	v49 =	vmul.bf16 v40, v39;
	v47 =	vunpack.i.u.bf16.f32 v33  }
0x362: {  	v33 =	vunpack.i.l.bf16.f32 v33;
	v50 =	vunpack.i.u.bf16.f32 v46;
	v34 =	vunpack.i.l.bf16.f32 v46  }
0x363: {  	v51 =	vunpack.i.u.bf16.f32 v48;
	v36 =	vunpack.i.l.bf16.f32 v48;
	v40 =	vunpack.i.u.bf16.f32 v49  }
0x364: {  	v37 =	vunpack.i.l.bf16.f32 v49;
	v33 =	vadd.f32 v33, v47;
	v34 =	vadd.f32 v34, v50  }
0x365: {  	v52 =	vadd.f32 v36, v51;
	v53 =	vadd.f32 v37, v40;
	_ =	sdelay $0x1  }
0x366: {  	v33 =	vadd.f32 v34, v33;
	v54 =	vadd.f32 v53, v52;
	_ =	sdelay $0x1  }
0x367: {  	v33 =	vadd.f32 v54, v33  }
0x368: {  	s28 =	sshll.u32 s25, $0x8  }
0x369: {  	[tilespmem:s28+$0x19640] =	vst v33  }
0x36a: {  	v33 =	vld [tilespmem:s30+$0x6A80]  }
0x36b: {  	v55 =	vld [tilespmem:s30+$0x13280]  }
0x36c: {  	v56 =	vld [tilespmem:s30+$0x6A90]  }
0x36d: {  	v57 =	vld [tilespmem:s30+$0x13290]  }
0x36e: {  	v58 =	vld [tilespmem:s30+$0x6AA0]  }
0x36f: {  	v59 =	vld [tilespmem:s30+$0x132A0]  }
0x370: {  	v60 =	vld [tilespmem:s30+$0x6AB0]  }
0x371: {  	v61 =	vld [tilespmem:s30+$0x132B0];
	_ =	sdelay $0x2  }
0x372: {  	v33 =	vmul.bf16 v55, v33  }
0x373: {  	v62 =	vmul.bf16 v57, v56  }
0x374: {  	v18 =	vmul.bf16 v59, v58;
	v19 =	vmul.bf16 v61, v60;
	v63 =	vunpack.i.u.bf16.f32 v33  }
0x375: {  	v33 =	vunpack.i.l.bf16.f32 v33;
	v44 =	vunpack.i.u.bf16.f32 v62;
	v34 =	vunpack.i.l.bf16.f32 v62  }
0x376: {  	v45 =	vunpack.i.u.bf16.f32 v18;
	v36 =	vunpack.i.l.bf16.f32 v18;
	v40 =	vunpack.i.u.bf16.f32 v19  }
0x377: {  	v37 =	vunpack.i.l.bf16.f32 v19;
	v33 =	vadd.f32 v33, v63;
	v34 =	vadd.f32 v34, v44  }
0x378: {  	v46 =	vadd.f32 v36, v45;
	v47 =	vadd.f32 v37, v40;
	_ =	sdelay $0x1  }
0x379: {  	v33 =	vadd.f32 v34, v33;
	v48 =	vadd.f32 v47, v46;
	_ =	sdelay $0x1  }
0x37a: {  	v33 =	vadd.f32 v48, v33;
	_ =	sdelay $0x1  }
0x37b: {  	[tilespmem:s28+$0x19650] =	vst v33  }
0x37c: {  	v33 =	vld [tilespmem:s30+$0x6AC0]  }
0x37d: {  	v49 =	vld [tilespmem:s30+$0x132C0]  }
0x37e: {  	v50 =	vld [tilespmem:s30+$0x6AD0]  }
0x37f: {  	v51 =	vld [tilespmem:s30+$0x132D0]  }
0x380: {  	v52 =	vld [tilespmem:s30+$0x6AE0]  }
0x381: {  	v53 =	vld [tilespmem:s30+$0x132E0]  }
0x382: {  	v54 =	vld [tilespmem:s30+$0x6AF0]  }
0x383: {  	v55 =	vld [tilespmem:s30+$0x132F0];
	_ =	sdelay $0x2  }
0x384: {  	v33 =	vmul.bf16 v49, v33  }
0x385: {  	v56 =	vmul.bf16 v51, v50  }
0x386: {  	v58 =	vmul.bf16 v53, v52;
	v59 =	vmul.bf16 v55, v54;
	v57 =	vunpack.i.u.bf16.f32 v33  }
0x387: {  	v33 =	vunpack.i.l.bf16.f32 v33;
	v60 =	vunpack.i.u.bf16.f32 v56;
	v34 =	vunpack.i.l.bf16.f32 v56  }
0x388: {  	v61 =	vunpack.i.u.bf16.f32 v58;
	v36 =	vunpack.i.l.bf16.f32 v58;
	v40 =	vunpack.i.u.bf16.f32 v59  }
0x389: {  	v37 =	vunpack.i.l.bf16.f32 v59;
	v33 =	vadd.f32 v33, v57;
	v34 =	vadd.f32 v34, v60  }
0x38a: {  	v62 =	vadd.f32 v36, v61;
	v63 =	vadd.f32 v37, v40;
	_ =	sdelay $0x1  }
0x38b: {  	v33 =	vadd.f32 v34, v33;
	v18 =	vadd.f32 v63, v62;
	_ =	sdelay $0x1  }
0x38c: {  	v33 =	vadd.f32 v18, v33;
	_ =	sdelay $0x1  }
0x38d: {  	[tilespmem:s28+$0x19660] =	vst v33  }
0x38e: {  	v33 =	vld [tilespmem:s30+$0x6B00]  }
0x38f: {  	v19 =	vld [tilespmem:s30+$0x13300]  }
0x390: {  	v44 =	vld [tilespmem:s30+$0x6B10]  }
0x391: {  	v45 =	vld [tilespmem:s30+$0x13310]  }
0x392: {  	v46 =	vld [tilespmem:s30+$0x6B20]  }
0x393: {  	v47 =	vld [tilespmem:s30+$0x13320]  }
0x394: {  	v48 =	vld [tilespmem:s30+$0x6B30]  }
0x395: {  	v49 =	vld [tilespmem:s30+$0x13330];
	_ =	sdelay $0x2  }
0x396: {  	v33 =	vmul.bf16 v19, v33  }
0x397: {  	v50 =	vmul.bf16 v45, v44  }
0x398: {  	v52 =	vmul.bf16 v47, v46;
	v53 =	vmul.bf16 v49, v48;
	v51 =	vunpack.i.u.bf16.f32 v33  }
0x399: {  	v33 =	vunpack.i.l.bf16.f32 v33;
	v54 =	vunpack.i.u.bf16.f32 v50;
	v34 =	vunpack.i.l.bf16.f32 v50  }
0x39a: {  	v55 =	vunpack.i.u.bf16.f32 v52;
	v36 =	vunpack.i.l.bf16.f32 v52;
	v40 =	vunpack.i.u.bf16.f32 v53  }
0x39b: {  	v37 =	vunpack.i.l.bf16.f32 v53;
	v33 =	vadd.f32 v33, v51;
	v34 =	vadd.f32 v34, v54  }
0x39c: {  	v56 =	vadd.f32 v36, v55;
	v57 =	vadd.f32 v37, v40;
	_ =	sdelay $0x1  }
0x39d: {  	v33 =	vadd.f32 v34, v33;
	v58 =	vadd.f32 v57, v56;
	_ =	sdelay $0x1  }
0x39e: {  	v33 =	vadd.f32 v58, v33;
	_ =	sdelay $0x1  }
0x39f: {  	[tilespmem:s28+$0x19670] =	vst v33  }
0x3a0: {  	v33 =	vld [tilespmem:s30+$0x6B40]  }
0x3a1: {  	v59 =	vld [tilespmem:s30+$0x13340]  }
0x3a2: {  	v60 =	vld [tilespmem:s30+$0x6B50]  }
0x3a3: {  	v61 =	vld [tilespmem:s30+$0x13350]  }
0x3a4: {  	v62 =	vld [tilespmem:s30+$0x6B60]  }
0x3a5: {  	v63 =	vld [tilespmem:s30+$0x13360]  }
0x3a6: {  	v18 =	vld [tilespmem:s30+$0x6B70]  }
0x3a7: {  	v19 =	vld [tilespmem:s30+$0x13370];
	_ =	sdelay $0x2  }
0x3a8: {  	v33 =	vmul.bf16 v59, v33  }
0x3a9: {  	v44 =	vmul.bf16 v61, v60  }
0x3aa: {  	v46 =	vmul.bf16 v63, v62;
	v47 =	vmul.bf16 v19, v18;
	v45 =	vunpack.i.u.bf16.f32 v33  }
0x3ab: {  	v33 =	vunpack.i.l.bf16.f32 v33;
	v48 =	vunpack.i.u.bf16.f32 v44;
	v34 =	vunpack.i.l.bf16.f32 v44  }
0x3ac: {  	v49 =	vunpack.i.u.bf16.f32 v46;
	v36 =	vunpack.i.l.bf16.f32 v46;
	v40 =	vunpack.i.u.bf16.f32 v47  }
0x3ad: {  	v37 =	vunpack.i.l.bf16.f32 v47;
	v33 =	vadd.f32 v33, v45;
	v34 =	vadd.f32 v34, v48  }
0x3ae: {  	v50 =	vadd.f32 v36, v49;
	v51 =	vadd.f32 v37, v40;
	_ =	sdelay $0x1  }
0x3af: {  	v33 =	vadd.f32 v34, v33;
	v52 =	vadd.f32 v51, v50;
	_ =	sdelay $0x1  }
0x3b0: {  	v33 =	vadd.f32 v52, v33;
	_ =	sdelay $0x1  }
0x3b1: {  	[tilespmem:s28+$0x19680] =	vst v33  }
0x3b2: {  	v33 =	vld [tilespmem:s30+$0x6B80]  }
0x3b3: {  	v53 =	vld [tilespmem:s30+$0x13380]  }
0x3b4: {  	v54 =	vld [tilespmem:s30+$0x6B90]  }
0x3b5: {  	v55 =	vld [tilespmem:s30+$0x13390]  }
0x3b6: {  	v56 =	vld [tilespmem:s30+$0x6BA0]  }
0x3b7: {  	v57 =	vld [tilespmem:s30+$0x133A0]  }
0x3b8: {  	v58 =	vld [tilespmem:s30+$0x6BB0]  }
0x3b9: {  	v59 =	vld [tilespmem:s30+$0x133B0];
	_ =	sdelay $0x2  }
0x3ba: {  	v33 =	vmul.bf16 v53, v33  }
0x3bb: {  	v60 =	vmul.bf16 v55, v54  }
0x3bc: {  	v62 =	vmul.bf16 v57, v56;
	v63 =	vmul.bf16 v59, v58;
	v61 =	vunpack.i.u.bf16.f32 v33  }
0x3bd: {  	v33 =	vunpack.i.l.bf16.f32 v33;
	v18 =	vunpack.i.u.bf16.f32 v60;
	v34 =	vunpack.i.l.bf16.f32 v60  }
0x3be: {  	v19 =	vunpack.i.u.bf16.f32 v62;
	v36 =	vunpack.i.l.bf16.f32 v62;
	v40 =	vunpack.i.u.bf16.f32 v63  }
0x3bf: {  	v37 =	vunpack.i.l.bf16.f32 v63;
	v33 =	vadd.f32 v33, v61;
	v34 =	vadd.f32 v34, v18  }
0x3c0: {  	v41 =	vadd.f32 v36, v19;
	v42 =	vadd.f32 v37, v40;
	_ =	sdelay $0x1  }
0x3c1: {  	v33 =	vadd.f32 v34, v33;
	v43 =	vadd.f32 v42, v41;
	_ =	sdelay $0x1  }
0x3c2: {  	v33 =	vadd.f32 v43, v33;
	_ =	sdelay $0x1  }
0x3c3: {  	[tilespmem:s28+$0x19690] =	vst v33  }
0x3c4: {  	v33 =	vld [tilespmem:s30+$0x6BC0]  }
0x3c5: {  	v44 =	vld [tilespmem:s30+$0x133C0]  }
0x3c6: {  	v45 =	vld [tilespmem:s30+$0x6BD0]  }
0x3c7: {  	v46 =	vld [tilespmem:s30+$0x133D0]  }
0x3c8: {  	v47 =	vld [tilespmem:s30+$0x6BE0]  }
0x3c9: {  	v48 =	vld [tilespmem:s30+$0x133E0]  }
0x3ca: {  	v49 =	vld [tilespmem:s30+$0x6BF0]  }
0x3cb: {  	v50 =	vld [tilespmem:s30+$0x133F0];
	_ =	sdelay $0x2  }
0x3cc: {  	v33 =	vmul.bf16 v44, v33  }
0x3cd: {  	v51 =	vmul.bf16 v46, v45  }
0x3ce: {  	v53 =	vmul.bf16 v48, v47;
	v54 =	vmul.bf16 v50, v49;
	v52 =	vunpack.i.u.bf16.f32 v33  }
0x3cf: {  	v33 =	vunpack.i.l.bf16.f32 v33;
	v55 =	vunpack.i.u.bf16.f32 v51;
	v34 =	vunpack.i.l.bf16.f32 v51  }
0x3d0: {  	v56 =	vunpack.i.u.bf16.f32 v53;
	v36 =	vunpack.i.l.bf16.f32 v53;
	v40 =	vunpack.i.u.bf16.f32 v54  }
0x3d1: {  	v37 =	vunpack.i.l.bf16.f32 v54;
	v33 =	vadd.f32 v33, v52;
	v34 =	vadd.f32 v34, v55  }
0x3d2: {  	v57 =	vadd.f32 v36, v56;
	v58 =	vadd.f32 v37, v40;
	_ =	sdelay $0x1  }
0x3d3: {  	v33 =	vadd.f32 v34, v33;
	v59 =	vadd.f32 v58, v57;
	_ =	sdelay $0x1  }
0x3d4: {  	s29 =	sadd.s32 $0x1, s25;
	v33 =	vadd.f32 v59, v33  }
0x3d5: {  	s26 =	sshll.u32 s29, $0xA  }
0x3d6: {  	v41 =	vld [tilespmem:s26+$0x13270];
	[tilespmem:s28+$0x196A0] =	vst v33  }
0x3d7: {  	v33 =	vld [tilespmem:s30+$0x6C00]  }
0x3d8: {  	v60 =	vld [tilespmem:s30+$0x13400]  }
0x3d9: {  	v61 =	vld [tilespmem:s30+$0x6C10]  }
0x3da: {  	v62 =	vld [tilespmem:s30+$0x13410]  }
0x3db: {  	v63 =	vld [tilespmem:s30+$0x6C20]  }
0x3dc: {  	v18 =	vld [tilespmem:s30+$0x13420]  }
0x3dd: {  	s1 =	sadd.s32 $0x2, s25;
	v19 =	vld [tilespmem:s30+$0x6C30]  }
0x3de: {  	s14 =	sshll.u32 s1, $0xA;
	v44 =	vld [tilespmem:s30+$0x13430]  }
0x3df: {  	v43 =	vld [tilespmem:s14+$0x6A40]  }
0x3e0: {  	v54 =	vld [tilespmem:s26+$0x6A40]  }
0x3e1: {  	v55 =	vld [tilespmem:s26+$0x13240];
	v33 =	vmul.bf16 v60, v33  }
0x3e2: {  	v58 =	vld [tilespmem:s26+$0x6A60];
	v45 =	vmul.bf16 v62, v61  }
0x3e3: {  	v59 =	vld [tilespmem:s26+$0x13260];
	v47 =	vmul.bf16 v18, v63;
	v48 =	vmul.bf16 v44, v19;
	v46 =	vunpack.i.u.bf16.f32 v33  }
0x3e4: {  	v56 =	vld [tilespmem:s26+$0x6A50];
	v33 =	vunpack.i.l.bf16.f32 v33;
	v49 =	vunpack.i.u.bf16.f32 v45;
	v34 =	vunpack.i.l.bf16.f32 v45  }
0x3e5: {  	v57 =	vld [tilespmem:s26+$0x13250];
	v50 =	vunpack.i.u.bf16.f32 v47;
	v36 =	vunpack.i.l.bf16.f32 v47;
	v40 =	vunpack.i.u.bf16.f32 v48  }
0x3e6: {  	v60 =	vld [tilespmem:s26+$0x6A70];
	v37 =	vunpack.i.l.bf16.f32 v48;
	v33 =	vadd.f32 v33, v46;
	v34 =	vadd.f32 v34, v49  }
0x3e7: {  	v61 =	vld [tilespmem:s14+$0x13240];
	v51 =	vadd.f32 v36, v50;
	v52 =	vadd.f32 v37, v40  }
0x3e8: {  	v38 =	vmul.bf16 v59, v58;
	v62 =	vld [tilespmem:s14+$0x6A50]  }
0x3e9: {  	v18 =	vld [tilespmem:s14+$0x13250];
	v33 =	vadd.f32 v34, v33;
	v53 =	vadd.f32 v52, v51  }
0x3ea: {  	v45 =	vld [tilespmem:s14+$0x6A60];
	v36 =	vmul.bf16 v57, v56;
	v46 =	vunpack.i.u.bf16.f32 v38  }
0x3eb: {  	v48 =	vld [tilespmem:s14+$0x13260];
	v38 =	vunpack.i.l.bf16.f32 v38;
	v34 =	vmul.bf16 v55, v54;
	v33 =	vadd.f32 v53, v33  }
0x3ec: {  	v49 =	vld [tilespmem:s14+$0x6A70];
	v63 =	vmul.bf16 v41, v60;
	v19 =	vunpack.i.u.bf16.f32 v36;
	v36 =	vunpack.i.l.bf16.f32 v36  }
0x3ed: {  	v50 =	vld [tilespmem:s14+$0x13270];
	v38 =	vadd.f32 v38, v46;
	v36 =	vadd.f32 v36, v19;
	v44 =	vunpack.i.u.bf16.f32 v34;
	[tilespmem:s28+$0x196B0] =	vst v33  }
0x3ee: {  	v34 =	vunpack.i.l.bf16.f32 v34;
	v47 =	vunpack.i.u.bf16.f32 v63;
	v39 =	vunpack.i.l.bf16.f32 v63;
	v33 =	vld [tilespmem:s30+$0x6C40]  }
0x3ef: {  	v34 =	vadd.f32 v34, v44;
	v39 =	vadd.f32 v39, v47;
	v42 =	vld [tilespmem:s30+$0x13440]  }
0x3f0: {  	v46 =	vld [tilespmem:s30+$0x6C50]  }
0x3f1: {  	v47 =	vld [tilespmem:s30+$0x13450];
	v34 =	vadd.f32 v36, v34;
	v51 =	vadd.f32 v39, v38  }
0x3f2: {  	v35 =	vmul.bf16 v61, v43;
	v38 =	vld [tilespmem:s30+$0x6C60]  }
0x3f3: {  	v53 =	vmul.bf16 v18, v62;
	v56 =	vmul.bf16 v48, v45;
	v52 =	vld [tilespmem:s30+$0x13460];
	v34 =	vadd.f32 v51, v34  }
0x3f4: {  	s20 =	sshll.u32 s29, $0x8;
	v55 =	vunpack.i.u.bf16.f32 v35;
	v41 =	vmul.bf16 v50, v49;
	v54 =	vld [tilespmem:s30+$0x6C70]  }
0x3f5: {  	v58 =	vunpack.i.l.bf16.f32 v35;
	v59 =	vunpack.i.u.bf16.f32 v53;
	v48 =	vunpack.i.u.bf16.f32 v56;
	v57 =	vld [tilespmem:s30+$0x13470];
	[tilespmem:s20+$0x19640] =	vst v34  }
0x3f6: {  	v43 =	vunpack.i.l.bf16.f32 v56;
	v36 =	vunpack.i.l.bf16.f32 v53;
	v49 =	vunpack.i.u.bf16.f32 v41;
	v60 =	vld [tilespmem:s26+$0x6A80]  }
0x3f7: {  	v41 =	vunpack.i.l.bf16.f32 v41;
	v61 =	vadd.f32 v43, v48;
	v35 =	vadd.f32 v36, v59;
	v50 =	vld [tilespmem:s26+$0x13280]  }
0x3f8: {  	v41 =	vadd.f32 v41, v49;
	v34 =	vadd.f32 v58, v55;
	v36 =	vld [tilespmem:s26+$0x6A90]  }
0x3f9: {  	v62 =	vld [tilespmem:s26+$0x13290]  }
0x3fa: {  	v18 =	vadd.f32 v41, v61;
	v63 =	vld [tilespmem:s26+$0x6AA0];
	v34 =	vadd.f32 v35, v34  }
0x3fb: {  	v33 =	vmul.bf16 v42, v33;
	v19 =	vld [tilespmem:s26+$0x132A0]  }
0x3fc: {  	v49 =	vmul.bf16 v47, v46;
	v38 =	vmul.bf16 v52, v38;
	v51 =	vld [tilespmem:s26+$0x6AB0];
	v34 =	vadd.f32 v18, v34  }
0x3fd: {  	s0 =	sshll.u32 s1, $0x8;
	v37 =	vmul.bf16 v57, v54;
	v53 =	vld [tilespmem:s26+$0x132B0];
	v52 =	vunpack.i.u.bf16.f32 v33;
	v33 =	vunpack.i.l.bf16.f32 v33  }
0x3fe: {  	v54 =	vunpack.i.u.bf16.f32 v49;
	v41 =	vunpack.i.l.bf16.f32 v49;
	v55 =	vunpack.i.u.bf16.f32 v38;
	[tilespmem:s0+$0x19640] =	vst v34  }
0x3ff: {  	v56 =	vunpack.i.l.bf16.f32 v38;
	v57 =	vunpack.i.u.bf16.f32 v37;
	v37 =	vunpack.i.l.bf16.f32 v37;
	v47 =	vld [tilespmem:s14+$0x6A80]  }
0x400: {  	v33 =	vadd.f32 v33, v52;
	v58 =	vadd.f32 v41, v54;
	v59 =	vmul.bf16 v50, v60;
	v60 =	vld [tilespmem:s14+$0x13280]  }
0x401: {  	v37 =	vadd.f32 v37, v57;
	v34 =	vadd.f32 v56, v55;
	v36 =	vmul.bf16 v62, v36;
	v61 =	vld [tilespmem:s14+$0x6A90]  }
0x402: {  	v40 =	vmul.bf16 v19, v63;
	v39 =	vmul.bf16 v53, v51;
	v63 =	vld [tilespmem:s14+$0x13290];
	v62 =	vunpack.i.u.bf16.f32 v59  }
0x403: {  	v19 =	vld [tilespmem:s14+$0x6AA0];
	v41 =	vunpack.i.l.bf16.f32 v59;
	v18 =	vunpack.i.u.bf16.f32 v36;
	v36 =	vunpack.i.l.bf16.f32 v36  }
0x404: {  	v53 =	vld [tilespmem:s14+$0x132A0];
	v48 =	vunpack.i.u.bf16.f32 v40;
	v40 =	vunpack.i.l.bf16.f32 v40;
	v52 =	vunpack.i.u.bf16.f32 v39  }
0x405: {  	v54 =	vld [tilespmem:s14+$0x6AB0];
	v39 =	vunpack.i.l.bf16.f32 v39;
	v41 =	vadd.f32 v41, v62;
	v36 =	vadd.f32 v36, v18  }
0x406: {  	v55 =	vld [tilespmem:s14+$0x132B0];
	v40 =	vadd.f32 v40, v48;
	v39 =	vadd.f32 v39, v52  }
0x407: {  	v33 =	vadd.f32 v58, v33;
	v34 =	vadd.f32 v37, v34  }
0x408: {  	v56 =	vadd.f32 v36, v41;
	v57 =	vadd.f32 v39, v40  }
0x409: {  	v33 =	vadd.f32 v34, v33;
	v58 =	vmul.bf16 v60, v47  }
0x40a: {  	v59 =	vmul.bf16 v63, v61;
	v35 =	vadd.f32 v57, v56  }
0x40b: {  	[tilespmem:s28+$0x196C0] =	vst v33;
	v61 =	vmul.bf16 v53, v19;
	v62 =	vmul.bf16 v55, v54;
	v60 =	vunpack.i.u.bf16.f32 v58  }
0x40c: {  	v39 =	vld [tilespmem:s30+$0x6C80];
	v34 =	vunpack.i.l.bf16.f32 v58;
	v63 =	vunpack.i.u.bf16.f32 v59;
	v36 =	vunpack.i.l.bf16.f32 v59;
	[tilespmem:s20+$0x19650] =	vst v35  }
0x40d: {  	v19 =	vunpack.i.u.bf16.f32 v61;
	v37 =	vunpack.i.l.bf16.f32 v61;
	v45 =	vunpack.i.u.bf16.f32 v62;
	v18 =	vld [tilespmem:s26+$0x6AC0]  }
0x40e: {  	v38 =	vunpack.i.l.bf16.f32 v62;
	v33 =	vadd.f32 v34, v60;
	v47 =	vadd.f32 v36, v63;
	v46 =	vld [tilespmem:s26+$0x132C0]  }
0x40f: {  	v49 =	vadd.f32 v37, v19;
	v50 =	vadd.f32 v38, v45;
	v48 =	vld [tilespmem:s26+$0x6AD0]  }
0x410: {  	v51 =	vld [tilespmem:s26+$0x132D0]  }
0x411: {  	v52 =	vld [tilespmem:s26+$0x6AE0];
	v33 =	vadd.f32 v47, v33;
	v53 =	vadd.f32 v50, v49  }
0x412: {  	v54 =	vld [tilespmem:s26+$0x132E0]  }
0x413: {  	v55 =	vld [tilespmem:s26+$0x6AF0];
	v33 =	vadd.f32 v53, v33  }
0x414: {  	v56 =	vld [tilespmem:s26+$0x132F0]  }
0x415: {  	v42 =	vld [tilespmem:s30+$0x13480];
	[tilespmem:s0+$0x19650] =	vst v33  }
0x416: {  	v33 =	vld [tilespmem:s14+$0x6AC0]  }
0x417: {  	v40 =	vmul.bf16 v46, v18;
	v57 =	vld [tilespmem:s14+$0x132C0]  }
0x418: {  	v35 =	vmul.bf16 v51, v48;
	v58 =	vld [tilespmem:s14+$0x6AD0]  }
0x419: {  	v36 =	vmul.bf16 v54, v52;
	v34 =	vmul.bf16 v56, v55;
	v60 =	vld [tilespmem:s14+$0x132D0];
	v59 =	vunpack.i.u.bf16.f32 v40  }
0x41a: {  	v62 =	vld [tilespmem:s14+$0x6AE0];
	v40 =	vunpack.i.l.bf16.f32 v40;
	v61 =	vunpack.i.u.bf16.f32 v35;
	v35 =	vunpack.i.l.bf16.f32 v35  }
0x41b: {  	v19 =	vld [tilespmem:s14+$0x132E0];
	v63 =	vunpack.i.u.bf16.f32 v36;
	v36 =	vunpack.i.l.bf16.f32 v36;
	v18 =	vunpack.i.u.bf16.f32 v34  }
0x41c: {  	v50 =	vld [tilespmem:s14+$0x6AF0];
	v34 =	vunpack.i.l.bf16.f32 v34;
	v40 =	vadd.f32 v40, v59;
	v35 =	vadd.f32 v35, v61  }
0x41d: {  	v51 =	vld [tilespmem:s14+$0x132F0];
	v36 =	vadd.f32 v36, v63;
	v34 =	vadd.f32 v34, v18  }
0x41e: {  	v47 =	vld [tilespmem:s30+$0x13490]  }
0x41f: {  	v46 =	vld [tilespmem:s30+$0x6C90];
	v35 =	vadd.f32 v35, v40;
	v34 =	vadd.f32 v34, v36  }
0x420: {  	v52 =	vld [tilespmem:s30+$0x134A0];
	v33 =	vmul.bf16 v57, v33  }
0x421: {  	v54 =	vld [tilespmem:s30+$0x6CB0];
	v53 =	vmul.bf16 v60, v58;
	v34 =	vadd.f32 v34, v35  }
0x422: {  	v36 =	vld [tilespmem:s30+$0x6CA0];
	v56 =	vmul.bf16 v19, v62;
	v41 =	vmul.bf16 v51, v50;
	v55 =	vunpack.i.u.bf16.f32 v33  }
0x423: {  	v57 =	vld [tilespmem:s30+$0x134B0];
	v33 =	vunpack.i.l.bf16.f32 v33;
	v58 =	vunpack.i.u.bf16.f32 v53;
	v35 =	vunpack.i.l.bf16.f32 v53;
	[tilespmem:s20+$0x19660] =	vst v34  }
0x424: {  	v48 =	vunpack.i.u.bf16.f32 v56;
	v43 =	vunpack.i.l.bf16.f32 v56;
	v59 =	vunpack.i.u.bf16.f32 v41;
	v45 =	vld [tilespmem:s26+$0x6B00]  }
0x425: {  	v41 =	vunpack.i.l.bf16.f32 v41;
	v33 =	vadd.f32 v33, v55;
	v34 =	vadd.f32 v35, v58;
	v60 =	vld [tilespmem:s26+$0x13300]  }
0x426: {  	v61 =	vadd.f32 v43, v48;
	v41 =	vadd.f32 v41, v59;
	v35 =	vld [tilespmem:s26+$0x6B10]  }
0x427: {  	v62 =	vld [tilespmem:s26+$0x13310]  }
0x428: {  	v18 =	vmul.bf16 v42, v39;
	v48 =	vld [tilespmem:s26+$0x6B20];
	v33 =	vadd.f32 v34, v33;
	v63 =	vadd.f32 v41, v61  }
0x429: {  	v19 =	vld [tilespmem:s26+$0x13320]  }
0x42a: {  	v49 =	vmul.bf16 v47, v46;
	v38 =	vunpack.i.l.bf16.f32 v18;
	v51 =	vld [tilespmem:s26+$0x6B30];
	v33 =	vadd.f32 v63, v33  }
0x42b: {  	v36 =	vmul.bf16 v52, v36;
	v52 =	vunpack.i.u.bf16.f32 v18;
	v53 =	vld [tilespmem:s26+$0x13330];
	v37 =	vmul.bf16 v57, v54  }
0x42c: {  	v54 =	vunpack.i.u.bf16.f32 v49;
	v41 =	vunpack.i.l.bf16.f32 v49;
	v34 =	vadd.f32 v38, v52;
	[tilespmem:s0+$0x19660] =	vst v33  }
0x42d: {  	v55 =	vunpack.i.u.bf16.f32 v36;
	v56 =	vunpack.i.l.bf16.f32 v36;
	v59 =	vadd.f32 v41, v54;
	v58 =	vld [tilespmem:s14+$0x6B00]  }
0x42e: {  	v57 =	vunpack.i.u.bf16.f32 v37;
	v37 =	vunpack.i.l.bf16.f32 v37;
	v60 =	vmul.bf16 v60, v45;
	v61 =	vld [tilespmem:s14+$0x13300]  }
0x42f: {  	v36 =	vadd.f32 v37, v57;
	v33 =	vadd.f32 v56, v55;
	v35 =	vmul.bf16 v62, v35;
	v62 =	vld [tilespmem:s14+$0x6B10]  }
0x430: {  	v39 =	vmul.bf16 v19, v48;
	v40 =	vmul.bf16 v53, v51;
	v18 =	vld [tilespmem:s14+$0x13310];
	v63 =	vunpack.i.u.bf16.f32 v60  }
0x431: {  	v52 =	vld [tilespmem:s14+$0x6B20];
	v41 =	vunpack.i.l.bf16.f32 v60;
	v19 =	vunpack.i.u.bf16.f32 v35;
	v35 =	vunpack.i.l.bf16.f32 v35  }
0x432: {  	v54 =	vld [tilespmem:s14+$0x13320];
	v48 =	vunpack.i.u.bf16.f32 v39;
	v39 =	vunpack.i.l.bf16.f32 v39;
	v53 =	vunpack.i.u.bf16.f32 v40  }
0x433: {  	v55 =	vld [tilespmem:s14+$0x6B30];
	v40 =	vunpack.i.l.bf16.f32 v40;
	v41 =	vadd.f32 v41, v63;
	v35 =	vadd.f32 v35, v19  }
0x434: {  	v56 =	vld [tilespmem:s14+$0x13330];
	v39 =	vadd.f32 v39, v48;
	v40 =	vadd.f32 v40, v53  }
0x435: {  	v34 =	vadd.f32 v59, v34;
	v33 =	vadd.f32 v36, v33  }
0x436: {  	v35 =	vadd.f32 v35, v41;
	v57 =	vadd.f32 v40, v39  }
0x437: {  	v33 =	vadd.f32 v33, v34;
	v58 =	vmul.bf16 v61, v58  }
0x438: {  	v59 =	vmul.bf16 v18, v62;
	v35 =	vadd.f32 v57, v35  }
0x439: {  	[tilespmem:s28+$0x196D0] =	vst v33;
	v61 =	vmul.bf16 v54, v52;
	v62 =	vmul.bf16 v56, v55;
	v60 =	vunpack.i.u.bf16.f32 v58  }
0x43a: {  	v39 =	vld [tilespmem:s30+$0x6CC0];
	v34 =	vunpack.i.l.bf16.f32 v58;
	v63 =	vunpack.i.u.bf16.f32 v59;
	v36 =	vunpack.i.l.bf16.f32 v59;
	[tilespmem:s20+$0x19670] =	vst v35  }
0x43b: {  	v19 =	vunpack.i.u.bf16.f32 v61;
	v37 =	vunpack.i.l.bf16.f32 v61;
	v45 =	vunpack.i.u.bf16.f32 v62;
	v18 =	vld [tilespmem:s26+$0x6B40]  }
0x43c: {  	v38 =	vunpack.i.l.bf16.f32 v62;
	v33 =	vadd.f32 v34, v60;
	v47 =	vadd.f32 v36, v63;
	v46 =	vld [tilespmem:s26+$0x13340]  }
0x43d: {  	v49 =	vadd.f32 v37, v19;
	v50 =	vadd.f32 v38, v45;
	v48 =	vld [tilespmem:s26+$0x6B50]  }
0x43e: {  	v51 =	vld [tilespmem:s26+$0x13350]  }
0x43f: {  	v52 =	vld [tilespmem:s26+$0x6B60];
	v33 =	vadd.f32 v47, v33;
	v53 =	vadd.f32 v50, v49  }
0x440: {  	v54 =	vld [tilespmem:s26+$0x13360]  }
0x441: {  	v55 =	vld [tilespmem:s26+$0x6B70];
	v33 =	vadd.f32 v53, v33  }
0x442: {  	v56 =	vld [tilespmem:s26+$0x13370]  }
0x443: {  	v42 =	vld [tilespmem:s30+$0x134C0];
	[tilespmem:s0+$0x19670] =	vst v33  }
0x444: {  	v33 =	vld [tilespmem:s14+$0x6B40]  }
0x445: {  	v40 =	vmul.bf16 v46, v18;
	v57 =	vld [tilespmem:s14+$0x13340]  }
0x446: {  	v35 =	vmul.bf16 v51, v48;
	v58 =	vld [tilespmem:s14+$0x6B50]  }
0x447: {  	v36 =	vmul.bf16 v54, v52;
	v34 =	vmul.bf16 v56, v55;
	v60 =	vld [tilespmem:s14+$0x13350];
	v59 =	vunpack.i.u.bf16.f32 v40  }
0x448: {  	v62 =	vld [tilespmem:s14+$0x6B60];
	v40 =	vunpack.i.l.bf16.f32 v40;
	v61 =	vunpack.i.u.bf16.f32 v35;
	v35 =	vunpack.i.l.bf16.f32 v35  }
0x449: {  	v19 =	vld [tilespmem:s14+$0x13360];
	v63 =	vunpack.i.u.bf16.f32 v36;
	v36 =	vunpack.i.l.bf16.f32 v36;
	v18 =	vunpack.i.u.bf16.f32 v34  }
0x44a: {  	v50 =	vld [tilespmem:s14+$0x6B70];
	v34 =	vunpack.i.l.bf16.f32 v34;
	v40 =	vadd.f32 v40, v59;
	v35 =	vadd.f32 v35, v61  }
0x44b: {  	v51 =	vld [tilespmem:s14+$0x13370];
	v36 =	vadd.f32 v36, v63;
	v34 =	vadd.f32 v34, v18  }
0x44c: {  	v47 =	vld [tilespmem:s30+$0x134D0]  }
0x44d: {  	v46 =	vld [tilespmem:s30+$0x6CD0];
	v35 =	vadd.f32 v35, v40;
	v34 =	vadd.f32 v34, v36  }
0x44e: {  	v52 =	vld [tilespmem:s30+$0x134E0];
	v33 =	vmul.bf16 v57, v33  }
0x44f: {  	v54 =	vld [tilespmem:s30+$0x6CF0];
	v53 =	vmul.bf16 v60, v58;
	v34 =	vadd.f32 v34, v35  }
0x450: {  	v36 =	vld [tilespmem:s30+$0x6CE0];
	v56 =	vmul.bf16 v19, v62;
	v41 =	vmul.bf16 v51, v50;
	v55 =	vunpack.i.u.bf16.f32 v33  }
0x451: {  	v57 =	vld [tilespmem:s30+$0x134F0];
	v33 =	vunpack.i.l.bf16.f32 v33;
	v58 =	vunpack.i.u.bf16.f32 v53;
	v35 =	vunpack.i.l.bf16.f32 v53;
	[tilespmem:s20+$0x19680] =	vst v34  }
0x452: {  	v48 =	vunpack.i.u.bf16.f32 v56;
	v43 =	vunpack.i.l.bf16.f32 v56;
	v59 =	vunpack.i.u.bf16.f32 v41;
	v45 =	vld [tilespmem:s26+$0x6B80]  }
0x453: {  	v41 =	vunpack.i.l.bf16.f32 v41;
	v33 =	vadd.f32 v33, v55;
	v34 =	vadd.f32 v35, v58;
	v60 =	vld [tilespmem:s26+$0x13380]  }
0x454: {  	v61 =	vadd.f32 v43, v48;
	v41 =	vadd.f32 v41, v59;
	v35 =	vld [tilespmem:s26+$0x6B90]  }
0x455: {  	v62 =	vld [tilespmem:s26+$0x13390]  }
0x456: {  	v18 =	vmul.bf16 v42, v39;
	v48 =	vld [tilespmem:s26+$0x6BA0];
	v33 =	vadd.f32 v34, v33;
	v63 =	vadd.f32 v41, v61  }
0x457: {  	v19 =	vld [tilespmem:s26+$0x133A0]  }
0x458: {  	v49 =	vmul.bf16 v47, v46;
	v38 =	vunpack.i.l.bf16.f32 v18;
	v51 =	vld [tilespmem:s26+$0x6BB0];
	v33 =	vadd.f32 v63, v33  }
0x459: {  	v36 =	vmul.bf16 v52, v36;
	v52 =	vunpack.i.u.bf16.f32 v18;
	v53 =	vld [tilespmem:s26+$0x133B0];
	v37 =	vmul.bf16 v57, v54  }
0x45a: {  	v54 =	vunpack.i.u.bf16.f32 v49;
	v41 =	vunpack.i.l.bf16.f32 v49;
	v34 =	vadd.f32 v38, v52;
	[tilespmem:s0+$0x19680] =	vst v33  }
0x45b: {  	v55 =	vunpack.i.u.bf16.f32 v36;
	v56 =	vunpack.i.l.bf16.f32 v36;
	v59 =	vadd.f32 v41, v54;
	v58 =	vld [tilespmem:s14+$0x6B80]  }
0x45c: {  	v57 =	vunpack.i.u.bf16.f32 v37;
	v37 =	vunpack.i.l.bf16.f32 v37;
	v60 =	vmul.bf16 v60, v45;
	v61 =	vld [tilespmem:s14+$0x13380]  }
0x45d: {  	v36 =	vadd.f32 v37, v57;
	v33 =	vadd.f32 v56, v55;
	v35 =	vmul.bf16 v62, v35;
	v62 =	vld [tilespmem:s14+$0x6B90]  }
0x45e: {  	v39 =	vmul.bf16 v19, v48;
	v40 =	vmul.bf16 v53, v51;
	v18 =	vld [tilespmem:s14+$0x13390];
	v63 =	vunpack.i.u.bf16.f32 v60  }
0x45f: {  	v52 =	vld [tilespmem:s14+$0x6BA0];
	v41 =	vunpack.i.l.bf16.f32 v60;
	v19 =	vunpack.i.u.bf16.f32 v35;
	v35 =	vunpack.i.l.bf16.f32 v35  }
0x460: {  	v54 =	vld [tilespmem:s14+$0x133A0];
	v48 =	vunpack.i.u.bf16.f32 v39;
	v39 =	vunpack.i.l.bf16.f32 v39;
	v53 =	vunpack.i.u.bf16.f32 v40  }
0x461: {  	v55 =	vld [tilespmem:s14+$0x6BB0];
	v40 =	vunpack.i.l.bf16.f32 v40;
	v41 =	vadd.f32 v41, v63;
	v35 =	vadd.f32 v35, v19  }
0x462: {  	v56 =	vld [tilespmem:s14+$0x133B0];
	v39 =	vadd.f32 v39, v48;
	v40 =	vadd.f32 v40, v53  }
0x463: {  	v34 =	vadd.f32 v59, v34;
	v33 =	vadd.f32 v36, v33  }
0x464: {  	v35 =	vadd.f32 v35, v41;
	v57 =	vadd.f32 v40, v39  }
0x465: {  	v33 =	vadd.f32 v33, v34;
	v58 =	vmul.bf16 v61, v58  }
0x466: {  	v59 =	vmul.bf16 v18, v62;
	v35 =	vadd.f32 v57, v35  }
0x467: {  	[tilespmem:s28+$0x196E0] =	vst v33;
	v61 =	vmul.bf16 v54, v52;
	v62 =	vmul.bf16 v56, v55;
	v60 =	vunpack.i.u.bf16.f32 v58  }
0x468: {  	v39 =	vld [tilespmem:s30+$0x6D00];
	v34 =	vunpack.i.l.bf16.f32 v58;
	v63 =	vunpack.i.u.bf16.f32 v59;
	v36 =	vunpack.i.l.bf16.f32 v59;
	[tilespmem:s20+$0x19690] =	vst v35  }
0x469: {  	v19 =	vunpack.i.u.bf16.f32 v61;
	v37 =	vunpack.i.l.bf16.f32 v61;
	v45 =	vunpack.i.u.bf16.f32 v62;
	v18 =	vld [tilespmem:s26+$0x6BC0]  }
0x46a: {  	v38 =	vunpack.i.l.bf16.f32 v62;
	v33 =	vadd.f32 v34, v60;
	v47 =	vadd.f32 v36, v63;
	v46 =	vld [tilespmem:s26+$0x133C0]  }
0x46b: {  	v49 =	vadd.f32 v37, v19;
	v50 =	vadd.f32 v38, v45;
	v48 =	vld [tilespmem:s26+$0x6BD0]  }
0x46c: {  	v51 =	vld [tilespmem:s26+$0x133D0]  }
0x46d: {  	v52 =	vld [tilespmem:s26+$0x6BE0];
	v33 =	vadd.f32 v47, v33;
	v53 =	vadd.f32 v50, v49  }
0x46e: {  	v54 =	vld [tilespmem:s26+$0x133E0]  }
0x46f: {  	v55 =	vld [tilespmem:s26+$0x6BF0];
	v33 =	vadd.f32 v53, v33  }
0x470: {  	v56 =	vld [tilespmem:s26+$0x133F0]  }
0x471: {  	v42 =	vld [tilespmem:s30+$0x13500];
	[tilespmem:s0+$0x19690] =	vst v33  }
0x472: {  	v33 =	vld [tilespmem:s14+$0x6BC0]  }
0x473: {  	v40 =	vmul.bf16 v46, v18;
	v57 =	vld [tilespmem:s14+$0x133C0]  }
0x474: {  	v35 =	vmul.bf16 v51, v48;
	v58 =	vld [tilespmem:s14+$0x6BD0]  }
0x475: {  	v36 =	vmul.bf16 v54, v52;
	v34 =	vmul.bf16 v56, v55;
	v60 =	vld [tilespmem:s14+$0x133D0];
	v59 =	vunpack.i.u.bf16.f32 v40  }
0x476: {  	v62 =	vld [tilespmem:s14+$0x6BE0];
	v40 =	vunpack.i.l.bf16.f32 v40;
	v61 =	vunpack.i.u.bf16.f32 v35;
	v35 =	vunpack.i.l.bf16.f32 v35  }
0x477: {  	v19 =	vld [tilespmem:s14+$0x133E0];
	v63 =	vunpack.i.u.bf16.f32 v36;
	v36 =	vunpack.i.l.bf16.f32 v36;
	v18 =	vunpack.i.u.bf16.f32 v34  }
0x478: {  	v50 =	vld [tilespmem:s14+$0x6BF0];
	v34 =	vunpack.i.l.bf16.f32 v34;
	v40 =	vadd.f32 v40, v59;
	v35 =	vadd.f32 v35, v61  }
0x479: {  	v51 =	vld [tilespmem:s14+$0x133F0];
	v36 =	vadd.f32 v36, v63;
	v34 =	vadd.f32 v34, v18  }
0x47a: {  	v47 =	vld [tilespmem:s30+$0x13510]  }
0x47b: {  	v46 =	vld [tilespmem:s30+$0x6D10];
	v35 =	vadd.f32 v35, v40;
	v34 =	vadd.f32 v34, v36  }
0x47c: {  	v52 =	vld [tilespmem:s30+$0x13520];
	v33 =	vmul.bf16 v57, v33  }
0x47d: {  	v54 =	vld [tilespmem:s30+$0x6D30];
	v53 =	vmul.bf16 v60, v58;
	v34 =	vadd.f32 v34, v35  }
0x47e: {  	v36 =	vld [tilespmem:s30+$0x6D20];
	v56 =	vmul.bf16 v19, v62;
	v41 =	vmul.bf16 v51, v50;
	v55 =	vunpack.i.u.bf16.f32 v33  }
0x47f: {  	v57 =	vld [tilespmem:s30+$0x13530];
	v33 =	vunpack.i.l.bf16.f32 v33;
	v58 =	vunpack.i.u.bf16.f32 v53;
	v35 =	vunpack.i.l.bf16.f32 v53;
	[tilespmem:s20+$0x196A0] =	vst v34  }
0x480: {  	v48 =	vunpack.i.u.bf16.f32 v56;
	v43 =	vunpack.i.l.bf16.f32 v56;
	v59 =	vunpack.i.u.bf16.f32 v41;
	v45 =	vld [tilespmem:s26+$0x6C00]  }
0x481: {  	v41 =	vunpack.i.l.bf16.f32 v41;
	v33 =	vadd.f32 v33, v55;
	v34 =	vadd.f32 v35, v58;
	v60 =	vld [tilespmem:s26+$0x13400]  }
0x482: {  	v61 =	vadd.f32 v43, v48;
	v41 =	vadd.f32 v41, v59;
	v35 =	vld [tilespmem:s26+$0x6C10]  }
0x483: {  	v62 =	vld [tilespmem:s26+$0x13410]  }
0x484: {  	v18 =	vmul.bf16 v42, v39;
	v48 =	vld [tilespmem:s26+$0x6C20];
	v33 =	vadd.f32 v34, v33;
	v63 =	vadd.f32 v41, v61  }
0x485: {  	v19 =	vld [tilespmem:s26+$0x13420]  }
0x486: {  	v49 =	vmul.bf16 v47, v46;
	v38 =	vunpack.i.l.bf16.f32 v18;
	v51 =	vld [tilespmem:s26+$0x6C30];
	v33 =	vadd.f32 v63, v33  }
0x487: {  	v36 =	vmul.bf16 v52, v36;
	v52 =	vunpack.i.u.bf16.f32 v18;
	v53 =	vld [tilespmem:s26+$0x13430];
	v37 =	vmul.bf16 v57, v54  }
0x488: {  	v54 =	vunpack.i.u.bf16.f32 v49;
	v41 =	vunpack.i.l.bf16.f32 v49;
	v34 =	vadd.f32 v38, v52;
	[tilespmem:s0+$0x196A0] =	vst v33  }
0x489: {  	v55 =	vunpack.i.u.bf16.f32 v36;
	v56 =	vunpack.i.l.bf16.f32 v36;
	v59 =	vadd.f32 v41, v54;
	v58 =	vld [tilespmem:s14+$0x6C00]  }
0x48a: {  	v57 =	vunpack.i.u.bf16.f32 v37;
	v37 =	vunpack.i.l.bf16.f32 v37;
	v60 =	vmul.bf16 v60, v45;
	v61 =	vld [tilespmem:s14+$0x13400]  }
0x48b: {  	v36 =	vadd.f32 v37, v57;
	v33 =	vadd.f32 v56, v55;
	v35 =	vmul.bf16 v62, v35;
	v62 =	vld [tilespmem:s14+$0x6C10]  }
0x48c: {  	v39 =	vmul.bf16 v19, v48;
	v40 =	vmul.bf16 v53, v51;
	v18 =	vld [tilespmem:s14+$0x13410];
	v63 =	vunpack.i.u.bf16.f32 v60  }
0x48d: {  	v52 =	vld [tilespmem:s14+$0x6C20];
	v41 =	vunpack.i.l.bf16.f32 v60;
	v19 =	vunpack.i.u.bf16.f32 v35;
	v35 =	vunpack.i.l.bf16.f32 v35  }
0x48e: {  	v54 =	vld [tilespmem:s14+$0x13420];
	v48 =	vunpack.i.u.bf16.f32 v39;
	v39 =	vunpack.i.l.bf16.f32 v39;
	v53 =	vunpack.i.u.bf16.f32 v40  }
0x48f: {  	v55 =	vld [tilespmem:s14+$0x6C30];
	v40 =	vunpack.i.l.bf16.f32 v40;
	v41 =	vadd.f32 v41, v63;
	v35 =	vadd.f32 v35, v19  }
0x490: {  	v56 =	vld [tilespmem:s14+$0x13430];
	v39 =	vadd.f32 v39, v48;
	v40 =	vadd.f32 v40, v53  }
0x491: {  	v34 =	vadd.f32 v59, v34;
	v33 =	vadd.f32 v36, v33  }
0x492: {  	v35 =	vadd.f32 v35, v41;
	v57 =	vadd.f32 v40, v39  }
0x493: {  	v33 =	vadd.f32 v33, v34;
	v58 =	vmul.bf16 v61, v58  }
0x494: {  	v59 =	vmul.bf16 v18, v62;
	v35 =	vadd.f32 v57, v35  }
0x495: {  	[tilespmem:s28+$0x196F0] =	vst v33;
	v61 =	vmul.bf16 v54, v52;
	v62 =	vmul.bf16 v56, v55;
	v60 =	vunpack.i.u.bf16.f32 v58  }
0x496: {  	v39 =	vld [tilespmem:s30+$0x6D40];
	v34 =	vunpack.i.l.bf16.f32 v58;
	v63 =	vunpack.i.u.bf16.f32 v59;
	v36 =	vunpack.i.l.bf16.f32 v59;
	[tilespmem:s20+$0x196B0] =	vst v35  }
0x497: {  	v19 =	vunpack.i.u.bf16.f32 v61;
	v37 =	vunpack.i.l.bf16.f32 v61;
	v45 =	vunpack.i.u.bf16.f32 v62;
	v18 =	vld [tilespmem:s26+$0x6C40]  }
0x498: {  	v38 =	vunpack.i.l.bf16.f32 v62;
	v33 =	vadd.f32 v34, v60;
	v47 =	vadd.f32 v36, v63;
	v46 =	vld [tilespmem:s26+$0x13440]  }
0x499: {  	v49 =	vadd.f32 v37, v19;
	v50 =	vadd.f32 v38, v45;
	v48 =	vld [tilespmem:s26+$0x6C50]  }
0x49a: {  	v51 =	vld [tilespmem:s26+$0x13450]  }
0x49b: {  	v52 =	vld [tilespmem:s26+$0x6C60];
	v33 =	vadd.f32 v47, v33;
	v53 =	vadd.f32 v50, v49  }
0x49c: {  	v54 =	vld [tilespmem:s26+$0x13460]  }
0x49d: {  	v55 =	vld [tilespmem:s26+$0x6C70];
	v33 =	vadd.f32 v53, v33  }
0x49e: {  	v56 =	vld [tilespmem:s26+$0x13470]  }
0x49f: {  	v42 =	vld [tilespmem:s30+$0x13540];
	[tilespmem:s0+$0x196B0] =	vst v33  }
0x4a0: {  	v33 =	vld [tilespmem:s14+$0x6C40]  }
0x4a1: {  	v40 =	vmul.bf16 v46, v18;
	v57 =	vld [tilespmem:s14+$0x13440]  }
0x4a2: {  	v35 =	vmul.bf16 v51, v48;
	v58 =	vld [tilespmem:s14+$0x6C50]  }
0x4a3: {  	v36 =	vmul.bf16 v54, v52;
	v34 =	vmul.bf16 v56, v55;
	v60 =	vld [tilespmem:s14+$0x13450];
	v59 =	vunpack.i.u.bf16.f32 v40  }
0x4a4: {  	v62 =	vld [tilespmem:s14+$0x6C60];
	v40 =	vunpack.i.l.bf16.f32 v40;
	v61 =	vunpack.i.u.bf16.f32 v35;
	v35 =	vunpack.i.l.bf16.f32 v35  }
0x4a5: {  	v19 =	vld [tilespmem:s14+$0x13460];
	v63 =	vunpack.i.u.bf16.f32 v36;
	v36 =	vunpack.i.l.bf16.f32 v36;
	v18 =	vunpack.i.u.bf16.f32 v34  }
0x4a6: {  	v50 =	vld [tilespmem:s14+$0x6C70];
	v34 =	vunpack.i.l.bf16.f32 v34;
	v40 =	vadd.f32 v40, v59;
	v35 =	vadd.f32 v35, v61  }
0x4a7: {  	v51 =	vld [tilespmem:s14+$0x13470];
	v36 =	vadd.f32 v36, v63;
	v34 =	vadd.f32 v34, v18  }
0x4a8: {  	v47 =	vld [tilespmem:s30+$0x13550]  }
0x4a9: {  	v46 =	vld [tilespmem:s30+$0x6D50];
	v35 =	vadd.f32 v35, v40;
	v34 =	vadd.f32 v34, v36  }
0x4aa: {  	v52 =	vld [tilespmem:s30+$0x13560];
	v33 =	vmul.bf16 v57, v33  }
0x4ab: {  	v54 =	vld [tilespmem:s30+$0x6D70];
	v53 =	vmul.bf16 v60, v58;
	v34 =	vadd.f32 v34, v35  }
0x4ac: {  	v36 =	vld [tilespmem:s30+$0x6D60];
	v56 =	vmul.bf16 v19, v62;
	v41 =	vmul.bf16 v51, v50;
	v55 =	vunpack.i.u.bf16.f32 v33  }
0x4ad: {  	v57 =	vld [tilespmem:s30+$0x13570];
	v33 =	vunpack.i.l.bf16.f32 v33;
	v58 =	vunpack.i.u.bf16.f32 v53;
	v35 =	vunpack.i.l.bf16.f32 v53;
	[tilespmem:s20+$0x196C0] =	vst v34  }
0x4ae: {  	v48 =	vunpack.i.u.bf16.f32 v56;
	v43 =	vunpack.i.l.bf16.f32 v56;
	v59 =	vunpack.i.u.bf16.f32 v41;
	v45 =	vld [tilespmem:s26+$0x6C80]  }
0x4af: {  	v41 =	vunpack.i.l.bf16.f32 v41;
	v33 =	vadd.f32 v33, v55;
	v34 =	vadd.f32 v35, v58;
	v60 =	vld [tilespmem:s26+$0x13480]  }
0x4b0: {  	v61 =	vadd.f32 v43, v48;
	v41 =	vadd.f32 v41, v59;
	v35 =	vld [tilespmem:s26+$0x6C90]  }
0x4b1: {  	v62 =	vld [tilespmem:s26+$0x13490]  }
0x4b2: {  	v18 =	vmul.bf16 v42, v39;
	v48 =	vld [tilespmem:s26+$0x6CA0];
	v33 =	vadd.f32 v34, v33;
	v63 =	vadd.f32 v41, v61  }
0x4b3: {  	v19 =	vld [tilespmem:s26+$0x134A0]  }
0x4b4: {  	v49 =	vmul.bf16 v47, v46;
	v38 =	vunpack.i.l.bf16.f32 v18;
	v51 =	vld [tilespmem:s26+$0x6CB0];
	v33 =	vadd.f32 v63, v33  }
0x4b5: {  	v36 =	vmul.bf16 v52, v36;
	v52 =	vunpack.i.u.bf16.f32 v18;
	v53 =	vld [tilespmem:s26+$0x134B0];
	v37 =	vmul.bf16 v57, v54  }
0x4b6: {  	v54 =	vunpack.i.u.bf16.f32 v49;
	v41 =	vunpack.i.l.bf16.f32 v49;
	v34 =	vadd.f32 v38, v52;
	[tilespmem:s0+$0x196C0] =	vst v33  }
0x4b7: {  	v55 =	vunpack.i.u.bf16.f32 v36;
	v56 =	vunpack.i.l.bf16.f32 v36;
	v59 =	vadd.f32 v41, v54;
	v58 =	vld [tilespmem:s14+$0x6C80]  }
0x4b8: {  	v57 =	vunpack.i.u.bf16.f32 v37;
	v37 =	vunpack.i.l.bf16.f32 v37;
	v60 =	vmul.bf16 v60, v45;
	v61 =	vld [tilespmem:s14+$0x13480]  }
0x4b9: {  	v36 =	vadd.f32 v37, v57;
	v33 =	vadd.f32 v56, v55;
	v35 =	vmul.bf16 v62, v35;
	v62 =	vld [tilespmem:s14+$0x6C90]  }
0x4ba: {  	v39 =	vmul.bf16 v19, v48;
	v40 =	vmul.bf16 v53, v51;
	v18 =	vld [tilespmem:s14+$0x13490];
	v63 =	vunpack.i.u.bf16.f32 v60  }
0x4bb: {  	v52 =	vld [tilespmem:s14+$0x6CA0];
	v41 =	vunpack.i.l.bf16.f32 v60;
	v19 =	vunpack.i.u.bf16.f32 v35;
	v35 =	vunpack.i.l.bf16.f32 v35  }
0x4bc: {  	v54 =	vld [tilespmem:s14+$0x134A0];
	v48 =	vunpack.i.u.bf16.f32 v39;
	v39 =	vunpack.i.l.bf16.f32 v39;
	v53 =	vunpack.i.u.bf16.f32 v40  }
0x4bd: {  	v55 =	vld [tilespmem:s14+$0x6CB0];
	v40 =	vunpack.i.l.bf16.f32 v40;
	v41 =	vadd.f32 v41, v63;
	v35 =	vadd.f32 v35, v19  }
0x4be: {  	v56 =	vld [tilespmem:s14+$0x134B0];
	v39 =	vadd.f32 v39, v48;
	v40 =	vadd.f32 v40, v53  }
0x4bf: {  	v34 =	vadd.f32 v59, v34;
	v33 =	vadd.f32 v36, v33  }
0x4c0: {  	v35 =	vadd.f32 v35, v41;
	v57 =	vadd.f32 v40, v39  }
0x4c1: {  	v33 =	vadd.f32 v33, v34;
	v58 =	vmul.bf16 v61, v58  }
0x4c2: {  	v59 =	vmul.bf16 v18, v62;
	v35 =	vadd.f32 v57, v35  }
0x4c3: {  	[tilespmem:s28+$0x19700] =	vst v33;
	v61 =	vmul.bf16 v54, v52;
	v62 =	vmul.bf16 v56, v55;
	v60 =	vunpack.i.u.bf16.f32 v58  }
0x4c4: {  	v39 =	vld [tilespmem:s30+$0x6D80];
	v34 =	vunpack.i.l.bf16.f32 v58;
	v63 =	vunpack.i.u.bf16.f32 v59;
	v36 =	vunpack.i.l.bf16.f32 v59;
	[tilespmem:s20+$0x196D0] =	vst v35  }
0x4c5: {  	v19 =	vunpack.i.u.bf16.f32 v61;
	v37 =	vunpack.i.l.bf16.f32 v61;
	v45 =	vunpack.i.u.bf16.f32 v62;
	v18 =	vld [tilespmem:s26+$0x6CC0]  }
0x4c6: {  	v38 =	vunpack.i.l.bf16.f32 v62;
	v33 =	vadd.f32 v34, v60;
	v47 =	vadd.f32 v36, v63;
	v46 =	vld [tilespmem:s26+$0x134C0]  }
0x4c7: {  	v49 =	vadd.f32 v37, v19;
	v50 =	vadd.f32 v38, v45;
	v48 =	vld [tilespmem:s26+$0x6CD0]  }
0x4c8: {  	v51 =	vld [tilespmem:s26+$0x134D0]  }
0x4c9: {  	v52 =	vld [tilespmem:s26+$0x6CE0];
	v33 =	vadd.f32 v47, v33;
	v53 =	vadd.f32 v50, v49  }
0x4ca: {  	v54 =	vld [tilespmem:s26+$0x134E0]  }
0x4cb: {  	v55 =	vld [tilespmem:s26+$0x6CF0];
	v33 =	vadd.f32 v53, v33  }
0x4cc: {  	v56 =	vld [tilespmem:s26+$0x134F0]  }
0x4cd: {  	v42 =	vld [tilespmem:s30+$0x13580];
	[tilespmem:s0+$0x196D0] =	vst v33  }
0x4ce: {  	v33 =	vld [tilespmem:s14+$0x6CC0]  }
0x4cf: {  	v40 =	vmul.bf16 v46, v18;
	v57 =	vld [tilespmem:s14+$0x134C0]  }
0x4d0: {  	v35 =	vmul.bf16 v51, v48;
	v58 =	vld [tilespmem:s14+$0x6CD0]  }
0x4d1: {  	v36 =	vmul.bf16 v54, v52;
	v34 =	vmul.bf16 v56, v55;
	v60 =	vld [tilespmem:s14+$0x134D0];
	v59 =	vunpack.i.u.bf16.f32 v40  }
0x4d2: {  	v62 =	vld [tilespmem:s14+$0x6CE0];
	v40 =	vunpack.i.l.bf16.f32 v40;
	v61 =	vunpack.i.u.bf16.f32 v35;
	v35 =	vunpack.i.l.bf16.f32 v35  }
0x4d3: {  	v19 =	vld [tilespmem:s14+$0x134E0];
	v63 =	vunpack.i.u.bf16.f32 v36;
	v36 =	vunpack.i.l.bf16.f32 v36;
	v18 =	vunpack.i.u.bf16.f32 v34  }
0x4d4: {  	v50 =	vld [tilespmem:s14+$0x6CF0];
	v34 =	vunpack.i.l.bf16.f32 v34;
	v40 =	vadd.f32 v40, v59;
	v35 =	vadd.f32 v35, v61  }
0x4d5: {  	v51 =	vld [tilespmem:s14+$0x134F0];
	v36 =	vadd.f32 v36, v63;
	v34 =	vadd.f32 v34, v18  }
0x4d6: {  	v47 =	vld [tilespmem:s30+$0x13590]  }
0x4d7: {  	v53 =	vld [tilespmem:s30+$0x135A0];
	v35 =	vadd.f32 v35, v40;
	v34 =	vadd.f32 v34, v36  }
0x4d8: {  	v46 =	vld [tilespmem:s30+$0x6D90];
	v33 =	vmul.bf16 v57, v33  }
0x4d9: {  	v52 =	vld [tilespmem:s30+$0x6DA0];
	v54 =	vmul.bf16 v60, v58;
	v34 =	vadd.f32 v34, v35  }
0x4da: {  	v55 =	vld [tilespmem:s30+$0x6DB0];
	v57 =	vmul.bf16 v19, v62;
	v41 =	vmul.bf16 v51, v50;
	v56 =	vunpack.i.u.bf16.f32 v33  }
0x4db: {  	v58 =	vld [tilespmem:s30+$0x135B0];
	v33 =	vunpack.i.l.bf16.f32 v33;
	v59 =	vunpack.i.u.bf16.f32 v54;
	v35 =	vunpack.i.l.bf16.f32 v54;
	[tilespmem:s20+$0x196E0] =	vst v34  }
0x4dc: {  	v48 =	vunpack.i.u.bf16.f32 v57;
	v43 =	vunpack.i.l.bf16.f32 v57;
	v60 =	vunpack.i.u.bf16.f32 v41;
	v45 =	vld [tilespmem:s26+$0x6D00]  }
0x4dd: {  	v41 =	vunpack.i.l.bf16.f32 v41;
	v33 =	vadd.f32 v33, v56;
	v34 =	vadd.f32 v35, v59;
	v61 =	vld [tilespmem:s26+$0x13500]  }
0x4de: {  	v62 =	vadd.f32 v43, v48;
	v41 =	vadd.f32 v41, v60;
	v35 =	vld [tilespmem:s26+$0x6D10]  }
0x4df: {  	v63 =	vld [tilespmem:s26+$0x13510]  }
0x4e0: {  	v48 =	vld [tilespmem:s26+$0x6D20];
	v33 =	vadd.f32 v34, v33;
	v18 =	vadd.f32 v41, v62  }
0x4e1: {  	v36 =	vmul.bf16 v53, v52;
	v19 =	vmul.bf16 v42, v39;
	v49 =	vld [tilespmem:s26+$0x13520]  }
0x4e2: {  	v51 =	vmul.bf16 v47, v46;
	v52 =	vld [tilespmem:s26+$0x6D30];
	v33 =	vadd.f32 v18, v33  }
0x4e3: {  	v53 =	vunpack.i.u.bf16.f32 v19;
	v38 =	vunpack.i.l.bf16.f32 v19;
	v57 =	vunpack.i.l.bf16.f32 v36;
	v54 =	vld [tilespmem:s26+$0x13530]  }
0x4e4: {  	v37 =	vmul.bf16 v58, v55;
	v55 =	vunpack.i.u.bf16.f32 v51;
	v41 =	vunpack.i.l.bf16.f32 v51;
	[tilespmem:s0+$0x196E0] =	vst v33  }
0x4e5: {  	v56 =	vunpack.i.u.bf16.f32 v36;
	v34 =	vadd.f32 v38, v53;
	v60 =	vadd.f32 v41, v55;
	v59 =	vld [tilespmem:s14+$0x6D00]  }
0x4e6: {  	v58 =	vunpack.i.u.bf16.f32 v37;
	v37 =	vunpack.i.l.bf16.f32 v37;
	v61 =	vmul.bf16 v61, v45;
	v62 =	vld [tilespmem:s14+$0x13500]  }
0x4e7: {  	v36 =	vadd.f32 v37, v58;
	v33 =	vadd.f32 v57, v56;
	v35 =	vmul.bf16 v63, v35;
	v63 =	vld [tilespmem:s14+$0x6D10]  }
0x4e8: {  	v39 =	vmul.bf16 v49, v48;
	v40 =	vmul.bf16 v54, v52;
	v19 =	vld [tilespmem:s14+$0x13510];
	v18 =	vunpack.i.u.bf16.f32 v61  }
0x4e9: {  	v53 =	vld [tilespmem:s14+$0x6D20];
	v41 =	vunpack.i.l.bf16.f32 v61;
	v52 =	vunpack.i.u.bf16.f32 v35;
	v35 =	vunpack.i.l.bf16.f32 v35  }
0x4ea: {  	v55 =	vld [tilespmem:s14+$0x13520];
	v48 =	vunpack.i.u.bf16.f32 v39;
	v39 =	vunpack.i.l.bf16.f32 v39;
	v54 =	vunpack.i.u.bf16.f32 v40  }
0x4eb: {  	v56 =	vld [tilespmem:s14+$0x6D30];
	v40 =	vunpack.i.l.bf16.f32 v40;
	v41 =	vadd.f32 v41, v18;
	v35 =	vadd.f32 v35, v52  }
0x4ec: {  	v57 =	vld [tilespmem:s14+$0x13530];
	v39 =	vadd.f32 v39, v48;
	v40 =	vadd.f32 v40, v54  }
0x4ed: {  	v34 =	vadd.f32 v60, v34;
	v33 =	vadd.f32 v36, v33  }
0x4ee: {  	v35 =	vadd.f32 v35, v41;
	v58 =	vadd.f32 v40, v39  }
0x4ef: {  	v33 =	vadd.f32 v33, v34;
	v59 =	vmul.bf16 v62, v59  }
0x4f0: {  	v60 =	vmul.bf16 v19, v63;
	v35 =	vadd.f32 v58, v35  }
0x4f1: {  	[tilespmem:s28+$0x19710] =	vst v33;
	v62 =	vmul.bf16 v55, v53;
	v63 =	vmul.bf16 v57, v56;
	v61 =	vunpack.i.u.bf16.f32 v59  }
0x4f2: {  	v39 =	vld [tilespmem:s30+$0x6DC0];
	v34 =	vunpack.i.l.bf16.f32 v59;
	v18 =	vunpack.i.u.bf16.f32 v60;
	v36 =	vunpack.i.l.bf16.f32 v60;
	[tilespmem:s20+$0x196F0] =	vst v35  }
0x4f3: {  	v45 =	vunpack.i.u.bf16.f32 v62;
	v37 =	vunpack.i.l.bf16.f32 v62;
	v46 =	vunpack.i.u.bf16.f32 v63;
	v19 =	vld [tilespmem:s26+$0x6D40]  }
0x4f4: {  	v38 =	vunpack.i.l.bf16.f32 v63;
	v33 =	vadd.f32 v34, v61;
	v48 =	vadd.f32 v36, v18;
	v47 =	vld [tilespmem:s26+$0x13540]  }
0x4f5: {  	v50 =	vadd.f32 v37, v45;
	v51 =	vadd.f32 v38, v46;
	v49 =	vld [tilespmem:s26+$0x6D50]  }
0x4f6: {  	v52 =	vld [tilespmem:s26+$0x13550]  }
0x4f7: {  	v53 =	vld [tilespmem:s26+$0x6D60];
	v33 =	vadd.f32 v48, v33;
	v54 =	vadd.f32 v51, v50  }
0x4f8: {  	v55 =	vld [tilespmem:s26+$0x13560]  }
0x4f9: {  	v56 =	vld [tilespmem:s26+$0x6D70];
	v33 =	vadd.f32 v54, v33  }
0x4fa: {  	v57 =	vld [tilespmem:s26+$0x13570]  }
0x4fb: {  	v42 =	vld [tilespmem:s30+$0x135C0];
	[tilespmem:s0+$0x196F0] =	vst v33  }
0x4fc: {  	v33 =	vld [tilespmem:s14+$0x6D40]  }
0x4fd: {  	v40 =	vmul.bf16 v47, v19;
	v58 =	vld [tilespmem:s14+$0x13540]  }
0x4fe: {  	v35 =	vmul.bf16 v52, v49;
	v59 =	vld [tilespmem:s14+$0x6D50]  }
0x4ff: {  	v36 =	vmul.bf16 v55, v53;
	v34 =	vmul.bf16 v57, v56;
	v61 =	vld [tilespmem:s14+$0x13550];
	v60 =	vunpack.i.u.bf16.f32 v40  }
0x500: {  	v63 =	vld [tilespmem:s14+$0x6D60];
	v40 =	vunpack.i.l.bf16.f32 v40;
	v62 =	vunpack.i.u.bf16.f32 v35;
	v35 =	vunpack.i.l.bf16.f32 v35  }
0x501: {  	v52 =	vld [tilespmem:s14+$0x13560];
	v18 =	vunpack.i.u.bf16.f32 v36;
	v36 =	vunpack.i.l.bf16.f32 v36;
	v19 =	vunpack.i.u.bf16.f32 v34  }
0x502: {  	v53 =	vld [tilespmem:s14+$0x6D70];
	v34 =	vunpack.i.l.bf16.f32 v34;
	v40 =	vadd.f32 v40, v60;
	v35 =	vadd.f32 v35, v62  }
0x503: {  	v54 =	vld [tilespmem:s14+$0x13570];
	v36 =	vadd.f32 v36, v18;
	v34 =	vadd.f32 v34, v19  }
0x504: {  	v44 =	vld [tilespmem:s30+$0x135F0]  }
0x505: {  	v46 =	vld [tilespmem:s30+$0x6DD0];
	v35 =	vadd.f32 v35, v40;
	v34 =	vadd.f32 v34, v36  }
0x506: {  	v37 =	vld [tilespmem:s30+$0x6DF0];
	v33 =	vmul.bf16 v58, v33  }
0x507: {  	v47 =	vld [tilespmem:s30+$0x135D0];
	v55 =	vmul.bf16 v61, v59;
	v34 =	vadd.f32 v34, v35  }
0x508: {  	v36 =	vld [tilespmem:s30+$0x6DE0];
	v57 =	vmul.bf16 v52, v63;
	v41 =	vmul.bf16 v54, v53;
	v56 =	vunpack.i.u.bf16.f32 v33  }
0x509: {  	v40 =	vld [tilespmem:s30+$0x135E0];
	v33 =	vunpack.i.l.bf16.f32 v33;
	v58 =	vunpack.i.u.bf16.f32 v55;
	v35 =	vunpack.i.l.bf16.f32 v55;
	[tilespmem:s20+$0x19700] =	vst v34  }
0x50a: {  	v48 =	vunpack.i.u.bf16.f32 v57;
	v43 =	vunpack.i.l.bf16.f32 v57;
	v60 =	vunpack.i.u.bf16.f32 v41;
	v59 =	vld [tilespmem:s26+$0x6D80]  }
0x50b: {  	v41 =	vunpack.i.l.bf16.f32 v41;
	v33 =	vadd.f32 v33, v56;
	v34 =	vadd.f32 v35, v58;
	v61 =	vld [tilespmem:s26+$0x13580]  }
0x50c: {  	v63 =	vadd.f32 v43, v48;
	v41 =	vadd.f32 v41, v60;
	v62 =	vld [tilespmem:s26+$0x6D90]  }
0x50d: {  	v18 =	vld [tilespmem:s26+$0x13590]  }
0x50e: {  	v19 =	vld [tilespmem:s26+$0x6DA0];
	v33 =	vadd.f32 v34, v33;
	v49 =	vadd.f32 v41, v63  }
0x50f: {  	v51 =	vld [tilespmem:s26+$0x135A0]  }
0x510: {  	v52 =	vld [tilespmem:s26+$0x6DB0];
	v33 =	vadd.f32 v49, v33  }
0x511: {  	v53 =	vmul.bf16 v42, v39;
	v54 =	vld [tilespmem:s26+$0x135B0]  }
0x512: {  	v55 =	vmul.bf16 v47, v46;
	[tilespmem:s0+$0x19700] =	vst v33  }
0x513: {  	v37 =	vmul.bf16 v44, v37;
	v56 =	vunpack.i.u.bf16.f32 v53;
	v46 =	vld [tilespmem:s14+$0x6D80]  }
0x514: {  	v47 =	vunpack.i.u.bf16.f32 v55;
	v36 =	vmul.bf16 v40, v36;
	v57 =	vmul.bf16 v61, v59;
	v45 =	vld [tilespmem:s14+$0x13580]  }
0x515: {  	v42 =	vunpack.i.l.bf16.f32 v55;
	v55 =	vunpack.i.l.bf16.f32 v37;
	v35 =	vmul.bf16 v18, v62;
	v43 =	vld [tilespmem:s14+$0x6D90]  }
0x516: {  	v38 =	vmul.bf16 v51, v19;
	v39 =	vmul.bf16 v54, v52;
	v59 =	vld [tilespmem:s14+$0x13590];
	v58 =	vunpack.i.u.bf16.f32 v57  }
0x517: {  	v61 =	vld [tilespmem:s14+$0x6DA0];
	v40 =	vunpack.i.l.bf16.f32 v57;
	v60 =	vunpack.i.u.bf16.f32 v35;
	v35 =	vunpack.i.l.bf16.f32 v35  }
0x518: {  	v52 =	vld [tilespmem:s14+$0x135A0];
	v62 =	vunpack.i.u.bf16.f32 v38;
	v38 =	vunpack.i.l.bf16.f32 v38;
	v51 =	vunpack.i.u.bf16.f32 v39  }
0x519: {  	v63 =	vld [tilespmem:s14+$0x6DB0];
	v39 =	vunpack.i.l.bf16.f32 v39;
	v40 =	vadd.f32 v40, v58;
	v35 =	vadd.f32 v35, v60  }
0x51a: {  	v34 =	vunpack.i.l.bf16.f32 v53;
	v19 =	vld [tilespmem:s14+$0x135B0];
	v38 =	vadd.f32 v38, v62;
	v39 =	vadd.f32 v39, v51  }
0x51b: {  	v18 =	vunpack.i.u.bf16.f32 v36;
	v36 =	vunpack.i.l.bf16.f32 v36;
	v33 =	vadd.f32 v34, v56  }
0x51c: {  	v54 =	vunpack.i.u.bf16.f32 v37;
	v35 =	vadd.f32 v35, v40;
	v56 =	vadd.f32 v39, v38  }
0x51d: {  	v36 =	vadd.f32 v36, v18;
	v34 =	vadd.f32 v55, v54;
	v58 =	vmul.bf16 v45, v46  }
0x51e: {  	v57 =	vadd.f32 v42, v47;
	v59 =	vmul.bf16 v59, v43;
	v35 =	vadd.f32 v56, v35  }
0x51f: {  	v61 =	vmul.bf16 v52, v61;
	v62 =	vmul.bf16 v19, v63;
	v60 =	vunpack.i.u.bf16.f32 v58  }
0x520: {  	v63 =	vunpack.i.l.bf16.f32 v58;
	v18 =	vunpack.i.u.bf16.f32 v59;
	v37 =	vunpack.i.l.bf16.f32 v59;
	[tilespmem:s20+$0x19710] =	vst v35  }
0x521: {  	v48 =	vunpack.i.u.bf16.f32 v61;
	v41 =	vunpack.i.l.bf16.f32 v61;
	v49 =	vunpack.i.u.bf16.f32 v62;
	v19 =	vld [tilespmem:s26+$0x6DC0]  }
0x522: {  	v42 =	vunpack.i.l.bf16.f32 v62;
	v35 =	vadd.f32 v63, v60;
	v37 =	vadd.f32 v37, v18;
	v50 =	vld [tilespmem:s26+$0x135C0]  }
0x523: {  	v52 =	vadd.f32 v41, v48;
	v53 =	vadd.f32 v42, v49;
	v51 =	vld [tilespmem:s26+$0x6DD0]  }
0x524: {  	v34 =	vadd.f32 v34, v36;
	v33 =	vadd.f32 v57, v33;
	v54 =	vld [tilespmem:s26+$0x135D0]  }
0x525: {  	v55 =	vld [tilespmem:s26+$0x6DE0];
	v35 =	vadd.f32 v37, v35;
	v56 =	vadd.f32 v53, v52  }
0x526: {  	v33 =	vadd.f32 v34, v33;
	v57 =	vld [tilespmem:s26+$0x135E0]  }
0x527: {  	v58 =	vld [tilespmem:s26+$0x6DF0];
	v35 =	vadd.f32 v56, v35  }
0x528: {  	[tilespmem:s28+$0x19720] =	vst v33;
	v59 =	vld [tilespmem:s26+$0x135F0]  }
0x529: {  	v37 =	vld [tilespmem:s30+$0x6E00];
	[tilespmem:s0+$0x19710] =	vst v35  }
0x52a: {  	v35 =	vld [tilespmem:s14+$0x6DC0]  }
0x52b: {  	v61 =	vld [tilespmem:s14+$0x135C0]  }
0x52c: {  	v60 =	vmul.bf16 v50, v19;
	v62 =	vld [tilespmem:s14+$0x6DD0]  }
0x52d: {  	v36 =	vmul.bf16 v54, v51;
	v63 =	vld [tilespmem:s14+$0x135D0]  }
0x52e: {  	v34 =	vmul.bf16 v57, v55;
	v33 =	vmul.bf16 v59, v58;
	v48 =	vld [tilespmem:s14+$0x6DE0];
	v43 =	vunpack.i.u.bf16.f32 v60  }
0x52f: {  	v51 =	vld [tilespmem:s14+$0x135E0];
	v18 =	vunpack.i.l.bf16.f32 v60;
	v19 =	vunpack.i.u.bf16.f32 v36;
	v36 =	vunpack.i.l.bf16.f32 v36  }
0x530: {  	v52 =	vld [tilespmem:s14+$0x6DF0];
	v49 =	vunpack.i.u.bf16.f32 v34;
	v34 =	vunpack.i.l.bf16.f32 v34;
	v50 =	vunpack.i.u.bf16.f32 v33  }
0x531: {  	v53 =	vld [tilespmem:s14+$0x135F0];
	v33 =	vunpack.i.l.bf16.f32 v33;
	v40 =	vadd.f32 v18, v43;
	v36 =	vadd.f32 v36, v19  }
0x532: {  	v56 =	vld [tilespmem:s30+$0x13610];
	v34 =	vadd.f32 v34, v49;
	v33 =	vadd.f32 v33, v50  }
0x533: {  	v54 =	vld [tilespmem:s30+$0x13600]  }
0x534: {  	v55 =	vld [tilespmem:s30+$0x6E10];
	v36 =	vadd.f32 v36, v40;
	v33 =	vadd.f32 v33, v34;
	v35 =	vmul.bf16 v61, v35  }
0x535: {  	v57 =	vld [tilespmem:s30+$0x6E20];
	v58 =	vmul.bf16 v63, v62;
	v61 =	vmul.bf16 v51, v48  }
0x536: {  	v59 =	vld [tilespmem:s30+$0x13620];
	v41 =	vmul.bf16 v53, v52;
	v33 =	vadd.f32 v33, v36;
	v60 =	vunpack.i.u.bf16.f32 v35  }
0x537: {  	v18 =	vld [tilespmem:s30+$0x13630];
	v35 =	vunpack.i.l.bf16.f32 v35;
	v63 =	vunpack.i.u.bf16.f32 v58;
	v36 =	vunpack.i.l.bf16.f32 v58  }
0x538: {  	v62 =	vld [tilespmem:s30+$0x6E30];
	v19 =	vunpack.i.u.bf16.f32 v61;
	v42 =	vunpack.i.l.bf16.f32 v61;
	v52 =	vunpack.i.u.bf16.f32 v41;
	[tilespmem:s20+$0x19720] =	vst v33  }
0x539: {  	v41 =	vunpack.i.l.bf16.f32 v41;
	v35 =	vadd.f32 v35, v60;
	v36 =	vadd.f32 v36, v63;
	v49 =	vld [tilespmem:s26+$0x6E00]  }
0x53a: {  	v33 =	vadd.f32 v42, v19;
	v41 =	vadd.f32 v41, v52;
	v39 =	vld [tilespmem:s26+$0x13600]  }
0x53b: {  	v42 =	vld [tilespmem:s26+$0x6E10]  }
0x53c: {  	v37 =	vmul.bf16 v54, v37;
	v44 =	vld [tilespmem:s26+$0x13610];
	v35 =	vadd.f32 v36, v35;
	v33 =	vadd.f32 v41, v33  }
0x53d: {  	v34 =	vmul.bf16 v56, v55;
	v38 =	vmul.bf16 v59, v57;
	v43 =	vld [tilespmem:s26+$0x13620]  }
0x53e: {  	v53 =	vunpack.i.u.bf16.f32 v37;
	v55 =	vunpack.i.l.bf16.f32 v37;
	v45 =	vld [tilespmem:s26+$0x6E30];
	v33 =	vadd.f32 v33, v35  }
0x53f: {  	v56 =	vunpack.i.u.bf16.f32 v34;
	v34 =	vunpack.i.l.bf16.f32 v34;
	v46 =	vld [tilespmem:s26+$0x13630];
	v54 =	vmul.bf16 v18, v62  }
0x540: {  	v57 =	vunpack.i.u.bf16.f32 v38;
	v38 =	vunpack.i.l.bf16.f32 v38;
	v34 =	vadd.f32 v34, v56;
	v41 =	vld [tilespmem:s26+$0x6E20];
	[tilespmem:s0+$0x19720] =	vst v33  }
0x541: {  	v60 =	vadd.f32 v38, v57;
	v58 =	vunpack.i.u.bf16.f32 v54;
	v59 =	vunpack.i.l.bf16.f32 v54;
	v36 =	vld [tilespmem:s14+$0x6E00]  }
0x542: {  	v35 =	vadd.f32 v55, v53;
	v33 =	vadd.f32 v59, v58;
	v38 =	vld [tilespmem:s14+$0x13600]  }
0x543: {  	v40 =	vld [tilespmem:s14+$0x6E10]  }
0x544: {  	v61 =	vor.u32 s28, v0;
	v34 =	vadd.f32 v34, v35;
	v37 =	vld [tilespmem:s14+$0x13610];
	v33 =	vadd.f32 v33, v60  }
0x545: {  	v62 =	vor.u32 s28, v1;
	v48 =	vld [tilespmem:s14+$0x6E20]  }
0x546: {  	v63 =	vor.u32 s28, v2;
	v50 =	vld [tilespmem:s14+$0x13620];
	v33 =	vadd.f32 v33, v34  }
0x547: {  	v18 =	vor.u32 s28, v3;
	v52 =	vld [tilespmem:s14+$0x6E30]  }
0x548: {  	v19 =	vor.u32 s28, v4;
	v53 =	vld [tilespmem:s14+$0x13630];
	[tilespmem:s28+$0x19730] =	vst v33  }
0x549: {  	v54 =	vor.u32 s28, v5;
	v35 =	vld.idx.msk [tilespmem:v61+s18+$0x0], $0xffff  }
0x54a: {  	v55 =	vor.u32 s28, v6;
	v47 =	vld.idx.msk [tilespmem:v62+s18+$0x0], $0xffff  }
0x54b: {  	v56 =	vor.u32 s28, v7;
	v57 =	vor.u32 s28, v8;
	v58 =	vor.u32 s28, v9;
	v34 =	vld.idx.msk [tilespmem:v63+s18+$0x0], $0xffff  }
0x54c: {  	v59 =	vor.u32 s28, v10;
	v39 =	vmul.bf16 v39, v49;
	v42 =	vmul.bf16 v44, v42;
	v51 =	vld.idx.msk [tilespmem:v18+s18+$0x0], $0xffff  }
0x54d: {  	v49 =	vor.u32 s28, v12;
	v41 =	vmul.bf16 v43, v41;
	v43 =	vmul.bf16 v46, v45;
	v33 =	vld.idx.msk [tilespmem:v19+s18+$0x0], $0xffff  }
0x54e: {  	v60 =	vor.u32 s28, v11;
	v61 =	vor.u32 s28, v13;
	v44 =	vld.idx.msk [tilespmem:v54+s18+$0x0], $0xffff;
	v54 =	vunpack.i.u.bf16.f32 v39  }
0x54f: {  	v45 =	vld.idx.msk [tilespmem:v55+s18+$0x0], $0xffff;
	v39 =	vunpack.i.l.bf16.f32 v39;
	v18 =	vunpack.i.u.bf16.f32 v42;
	v42 =	vunpack.i.l.bf16.f32 v42  }
0x550: {  	v55 =	vld.idx.msk [tilespmem:v56+s18+$0x0], $0xffff;
	v19 =	vunpack.i.u.bf16.f32 v41;
	v41 =	vunpack.i.l.bf16.f32 v41;
	v62 =	vunpack.i.u.bf16.f32 v43  }
0x551: {  	v57 =	vld.idx.msk [tilespmem:v57+s18+$0x0], $0xffff;
	v43 =	vunpack.i.l.bf16.f32 v43;
	v39 =	vadd.f32 v39, v54;
	v42 =	vadd.f32 v42, v18  }
0x552: {  	v46 =	vld.idx.msk [tilespmem:v58+s18+$0x0], $0xffff;
	v56 =	vor.u32 s28, v15;
	v41 =	vadd.f32 v41, v19;
	v43 =	vadd.f32 v43, v62  }
0x553: {  	v58 =	vld.idx.msk [tilespmem:v59+s18+$0x0], $0xffff;
	v54 =	vor.u32 s28, v14  }
0x554: {  	v59 =	vld.idx.msk [tilespmem:v60+s18+$0x0], $0xffff;
	v39 =	vadd.f32 v42, v39;
	v41 =	vadd.f32 v43, v41;
	v42 =	vor.u32 s20, v0  }
0x555: {  	v18 =	vor.u32 s20, v1;
	v43 =	vld.idx.msk [tilespmem:v49+s18+$0x0], $0xffff  }
0x556: {  	v19 =	vor.u32 s20, v2;
	v60 =	vld.idx.msk [tilespmem:v61+s18+$0x0], $0xffff;
	v39 =	vadd.f32 v41, v39  }
0x557: {  	v62 =	vor.u32 s20, v5;
	v56 =	vld.idx.msk [tilespmem:v56+s18+$0x0], $0xffff  }
0x558: {  	v63 =	vor.u32 s20, v6;
	v54 =	vld.idx.msk [tilespmem:v54+s18+$0x0], $0xffff;
	[tilespmem:s20+$0x19730] =	vst v39  }
0x559: {  	v16 =	vor.u32 s20, v7;
	v37 =	vmul.bf16 v37, v40;
	v42 =	vld.idx.msk [tilespmem:v42+s18+$0x0], $0xffff  }
0x55a: {  	v17 =	vor.u32 s20, v8;
	v48 =	vmul.bf16 v50, v48;
	v50 =	vmul.bf16 v53, v52;
	v49 =	vld.idx.msk [tilespmem:v18+s18+$0x0], $0xffff  }
0x55b: {  	v20 =	vor.u32 s20, v11;
	v21 =	vor.u32 s20, v13;
	v36 =	vmul.bf16 v38, v36;
	v41 =	vld.idx.msk [tilespmem:v19+s18+$0x0], $0xffff  }
0x55c: {  	v53 =	vunpack.i.u.bf16.f32 v37;
	v22 =	vunpack.i.u.bf16.f32 v50;
	v50 =	vunpack.i.l.bf16.f32 v50;
	v40 =	vld.idx.msk [tilespmem:v62+s18+$0x0], $0xffff  }
0x55d: {  	v37 =	vunpack.i.l.bf16.f32 v37;
	v22 =	vadd.f32 v50, v22;
	v50 =	vor.u32 s20, v15;
	v52 =	vld.idx.msk [tilespmem:v63+s18+$0x0], $0xffff  }
0x55e: {  	v37 =	vadd.f32 v37, v53;
	v61 =	vor.u32 s20, v3;
	v16 =	vld.idx.msk [tilespmem:v16+s18+$0x0], $0xffff  }
0x55f: {  	v39 =	vor.u32 s20, v4;
	v18 =	vor.u32 s20, v9;
	v62 =	vunpack.i.u.bf16.f32 v36;
	v17 =	vld.idx.msk [tilespmem:v17+s18+$0x0], $0xffff  }
0x560: {  	v36 =	vunpack.i.l.bf16.f32 v36;
	v63 =	vunpack.i.u.bf16.f32 v48;
	v48 =	vunpack.i.l.bf16.f32 v48;
	v20 =	vld.idx.msk [tilespmem:v20+s18+$0x0], $0xffff  }
0x561: {  	v19 =	vor.u32 s20, v10;
	v21 =	vld.idx.msk [tilespmem:v21+s18+$0x0], $0xffff;
	v36 =	vadd.f32 v36, v62;
	v48 =	vadd.f32 v48, v63  }
0x562: {  	v50 =	vld.idx.msk [tilespmem:v50+s18+$0x0], $0xffff;
	v62 =	vor.u32 s20, v14  }
0x563: {  	v61 =	vld.idx.msk [tilespmem:v61+s18+$0x0], $0xffff;
	v36 =	vadd.f32 v37, v36;
	v22 =	vadd.f32 v22, v48;
	v37 =	vor.u32 s0, v0  }
0x564: {  	v35 =	vadd.f32 v47, v35;
	v48 =	vor.u32 s0, v1;
	v38 =	vld.idx.msk [tilespmem:v39+s18+$0x0], $0xffff  }
0x565: {  	v34 =	vadd.f32 v51, v34;
	v63 =	vor.u32 s0, v5;
	v18 =	vld.idx.msk [tilespmem:v18+s18+$0x0], $0xffff;
	v22 =	vadd.f32 v22, v36  }
0x566: {  	v33 =	vadd.f32 v44, v33;
	v44 =	vadd.f32 v55, v45;
	v45 =	vor.u32 s0, v7;
	v19 =	vld.idx.msk [tilespmem:v19+s18+$0x0], $0xffff  }
0x567: {  	v46 =	vadd.f32 v46, v57;
	v51 =	vadd.f32 v59, v58;
	v57 =	vor.u32 s0, v8;
	v53 =	vld.idx.msk [tilespmem:v62+s18+$0x0], $0xffff;
	[tilespmem:s0+$0x19730] =	vst v22  }
0x568: {  	v43 =	vadd.f32 v60, v43;
	v60 =	vor.u32 s0, v9;
	v54 =	vadd.f32 v56, v54;
	v37 =	vld.idx.msk [tilespmem:v37+s18+$0x0], $0xffff  }
0x569: {  	v34 =	vadd.f32 v34, v35;
	v62 =	vor.u32 s0, v3;
	v47 =	vld.idx.msk [tilespmem:v48+s18+$0x0], $0xffff  }
0x56a: {  	v46 =	vadd.f32 v51, v46;
	v39 =	vor.u32 s20, v12;
	v43 =	vadd.f32 v54, v43;
	v35 =	vld.idx.msk [tilespmem:v63+s18+$0x0], $0xffff  }
0x56b: {  	v36 =	vor.u32 s0, v2;
	v45 =	vld.idx.msk [tilespmem:v45+s18+$0x0], $0xffff  }
0x56c: {  	v51 =	vor.u32 s0, v11;
	v63 =	vadd.f32 v43, v46;
	v43 =	vld.idx.msk [tilespmem:v57+s18+$0x0], $0xffff  }
0x56d: {  	v33 =	vadd.f32 v44, v33;
	v54 =	vor.u32 s0, v12;
	v56 =	vld.idx.msk [tilespmem:v60+s18+$0x0], $0xffff  }
0x56e: {  	v55 =	vld.idx.msk [tilespmem:v62+s18+$0x0], $0xffff;
	v62 =	vor.u32 s0, v10  }
0x56f: {  	v33 =	vadd.f32 v33, v34;
	v22 =	vor.u32 s0, v4;
	v39 =	vld.idx.msk [tilespmem:v39+s18+$0x0], $0xffff  }
0x570: {  	v48 =	vor.u32 s0, v6;
	v36 =	vld.idx.msk [tilespmem:v36+s18+$0x0], $0xffff  }
0x571: {  	v46 =	vor.u32 s0, v13;
	v33 =	vadd.f32 v63, v33;
	v63 =	vld.idx.msk [tilespmem:v51+s18+$0x0], $0xffff  }
0x572: {  	v60 =	vor.u32 s0, v14;
	v51 =	vld.idx.msk [tilespmem:v54+s18+$0x0], $0xffff  }
0x573: {  	v34 =	vld.idx.msk [tilespmem:v62+s18+$0x0], $0xffff;
	v62 =	vor.u32 s0, v15  }
0x574: {  	v42 =	vadd.f32 v49, v42;
	v41 =	vadd.f32 v61, v41;
	v22 =	vld.idx.msk [tilespmem:v22+s18+$0x0], $0xffff  }
0x575: {  	v16 =	vadd.f32 v16, v52;
	v38 =	vadd.f32 v40, v38;
	v48 =	vld.idx.msk [tilespmem:v48+s18+$0x0], $0xffff  }
0x576: {  	v41 =	vadd.f32 v41, v42;
	v17 =	vadd.f32 v18, v17;
	v54 =	vld.idx.msk [tilespmem:v46+s18+$0x0], $0xffff  }
0x577: {  	v52 =	vadd.f32 v20, v19;
	v16 =	vadd.f32 v16, v38;
	v57 =	vld.idx.msk [tilespmem:v60+s18+$0x0], $0xffff  }
0x578: {  	v20 =	vadd.f32 v21, v39;
	v21 =	vadd.f32 v50, v53;
	v58 =	vld.idx.msk [tilespmem:v62+s18+$0x0], $0xffff  }
0x579: {  	v17 =	vadd.f32 v52, v17;
	v61 =	vadd.f32 v56, v43  }
0x57a: {  	v59 =	vadd.f32 v21, v20;
	v20 =	vadd.f32 v47, v37  }
0x57b: {  	v21 =	vadd.f32 v55, v36;
	v22 =	vadd.f32 v35, v22  }
0x57c: {  	v60 =	vadd.f32 v45, v48;
	v19 =	vadd.f32 v54, v51  }
0x57d: {  	v34 =	vadd.f32 v63, v34;
	v62 =	vadd.f32 v58, v57  }
0x57e: {  	v20 =	vadd.f32 v21, v20;
	v21 =	vadd.f32 v60, v22  }
0x57f: {  	v22 =	vadd.f32 v34, v61;
	v19 =	vadd.f32 v62, v19  }
0x580: {  	p0 =	slt.u32 s25, $0x15;
	v16 =	vadd.f32 v16, v41;
	v17 =	vadd.f32 v59, v17  }
.Ltmp6:
0x581: {  	s26 =	sshll.u32 s25, $0x4;
	v63 =	vadd.f32 v21, v20;
	v19 =	vadd.f32 v19, v22;
	(pc) =	sbr.rel @p0 .LBB2_6-.Ltmp6, $4  }
0x582: {  	s28 =	sshll.u32 s29, $0x4;
	s0 =	sand.u32 $0x3FFFFFF0, s26;
	v16 =	vadd.f32 v17, v16  }
0x583: {  	s1 =	sshll.u32 s1, $0x4;
	s29 =	sand.u32 $0x3FFFFFF0, s28;
	[tilespmem:v32+s0+$0x0 ss:$0x1] =	vst.idx.msk $0xffff, v33;
	v17 =	vadd.f32 v19, v63  }
0x584: {  	s31 =	sadd.s32 $0x3, s25;
	s30 =	sand.u32 $0x3FFFFFF0, s1;
	[tilespmem:v32+s29+$0x0 ss:$0x1] =	vst.idx.msk $0xffff, v16  }
0x585: {  	s25 =	smov.u32 s31;
	[tilespmem:v32+s30+$0x0 ss:$0x1] =	vst.idx.msk $0xffff, v17  }
0x586: {  	v16 =	vld [tilespmem:$0xCA40]  }
0x587: {  	v17 =	vld [tilespmem:$0x19240]  }
0x588: {  	v18 =	vld [tilespmem:$0xCA50]  }
0x589: {  	v19 =	vld [tilespmem:$0x19250]  }
0x58a: {  	v20 =	vld [tilespmem:$0xCA60]  }
0x58b: {  	v21 =	vld [tilespmem:$0x19260]  }
0x58c: {  	v22 =	vld [tilespmem:$0xCA70]  }
0x58d: {  	v32 =	vld [tilespmem:$0x19270]  }
0x58e: {  	v33 =	vld [tilespmem:$0xCA80]  }
0x58f: {  	v34 =	vld [tilespmem:$0x19280]  }
0x590: {  	v35 =	vld [tilespmem:$0xCA90]  }
0x591: {  	v36 =	vld [tilespmem:$0x19290]  }
0x592: {  	v37 =	vld [tilespmem:$0xCAA0]  }
0x593: {  	v38 =	vld [tilespmem:$0x192A0]  }
0x594: {  	v39 =	vld [tilespmem:$0xCAB0]  }
0x595: {  	v40 =	vld [tilespmem:$0x192B0]  }
0x596: {  	v41 =	vld [tilespmem:$0xCAC0]  }
0x597: {  	v42 =	vld [tilespmem:$0x192C0]  }
0x598: {  	v43 =	vld [tilespmem:$0xCAD0]  }
0x599: {  	v44 =	vld [tilespmem:$0x192D0]  }
0x59a: {  	v45 =	vld [tilespmem:$0xCAE0]  }
0x59b: {  	v46 =	vld [tilespmem:$0x192E0]  }
0x59c: {  	v47 =	vld [tilespmem:$0xCAF0]  }
0x59d: {  	v48 =	vld [tilespmem:$0x192F0]  }
0x59e: {  	v49 =	vld [tilespmem:$0xCB00]  }
0x59f: {  	v50 =	vld [tilespmem:$0x19300]  }
0x5a0: {  	v51 =	vld [tilespmem:$0xCB10]  }
0x5a1: {  	v52 =	vld [tilespmem:$0x19310]  }
0x5a2: {  	v53 =	vld [tilespmem:$0xCB20]  }
0x5a3: {  	v54 =	vld [tilespmem:$0x19320]  }
0x5a4: {  	v55 =	vld [tilespmem:$0xCB40]  }
0x5a5: {  	v57 =	vld [tilespmem:$0x19340];
	v16 =	vmul.bf16 v17, v16  }
0x5a6: {  	v59 =	vld [tilespmem:$0xCB50];
	v18 =	vmul.bf16 v19, v18;
	v62 =	vmul.bf16 v21, v20  }
0x5a7: {  	v17 =	vld [tilespmem:$0xCB30];
	v22 =	vmul.bf16 v32, v22;
	v61 =	vmul.bf16 v34, v33  }
0x5a8: {  	v20 =	vld [tilespmem:$0x19330];
	v39 =	vmul.bf16 v40, v39;
	v63 =	vunpack.i.u.bf16.f32 v16;
	v16 =	vunpack.i.l.bf16.f32 v16  }
0x5a9: {  	v34 =	vld [tilespmem:$0x19350];
	v60 =	vunpack.i.u.bf16.f32 v18;
	v18 =	vunpack.i.l.bf16.f32 v18;
	v56 =	vunpack.i.u.bf16.f32 v62  }
0x5aa: {  	v40 =	vld [tilespmem:$0xCB70];
	v19 =	vunpack.i.l.bf16.f32 v62;
	v58 =	vunpack.i.u.bf16.f32 v22;
	v22 =	vunpack.i.l.bf16.f32 v22  }
0x5ab: {  	v62 =	vmul.bf16 v36, v35;
	v35 =	vld [tilespmem:$0xCB60];
	v33 =	vunpack.i.u.bf16.f32 v61;
	v21 =	vunpack.i.l.bf16.f32 v61  }
0x5ac: {  	v16 =	vadd.f32 v16, v63;
	v18 =	vadd.f32 v18, v60;
	v63 =	vmul.bf16 v38, v37;
	v37 =	vld [tilespmem:$0x19360]  }
0x5ad: {  	v19 =	vadd.f32 v19, v56;
	v22 =	vadd.f32 v22, v58;
	v58 =	vld [tilespmem:$0x19370];
	v60 =	vunpack.i.u.bf16.f32 v62  }
0x5ae: {  	v38 =	vld [tilespmem:$0xCB80];
	v32 =	vunpack.i.l.bf16.f32 v62;
	v62 =	vunpack.i.u.bf16.f32 v39;
	v39 =	vunpack.i.l.bf16.f32 v39  }
0x5af: {  	v21 =	vadd.f32 v21, v33;
	v33 =	vadd.f32 v39, v62;
	v39 =	vld [tilespmem:$0x19380]  }
0x5b0: {  	v61 =	vunpack.i.u.bf16.f32 v63;
	v36 =	vunpack.i.l.bf16.f32 v63;
	v63 =	vadd.f32 v22, v19;
	v19 =	vld [tilespmem:$0xCB90]  }
0x5b1: {  	v16 =	vadd.f32 v18, v16;
	v18 =	vld [tilespmem:$0xCBA0]  }
0x5b2: {  	v32 =	vadd.f32 v32, v60;
	v60 =	vmul.bf16 v44, v43;
	v44 =	vld [tilespmem:$0xCBB0]  }
0x5b3: {  	v62 =	vmul.bf16 v48, v47;
	v47 =	vld [tilespmem:$0x193B0];
	v17 =	vmul.bf16 v20, v17  }
0x5b4: {  	v20 =	vld [tilespmem:$0xCBE0];
	v34 =	vmul.bf16 v34, v59;
	v36 =	vadd.f32 v36, v61;
	v61 =	vmul.bf16 v46, v45  }
0x5b5: {  	v59 =	vld [tilespmem:$0x19420];
	v21 =	vadd.f32 v32, v21;
	v48 =	vunpack.i.u.bf16.f32 v62;
	v43 =	vunpack.i.l.bf16.f32 v62  }
0x5b6: {  	v45 =	vld [tilespmem:$0x193C0];
	v62 =	vmul.bf16 v54, v53;
	v56 =	vadd.f32 v33, v36;
	v33 =	vadd.f32 v63, v16  }
0x5b7: {  	v36 =	vld [tilespmem:$0x19390];
	v16 =	vmul.bf16 v42, v41;
	v63 =	vunpack.i.u.bf16.f32 v60;
	v46 =	vunpack.i.u.bf16.f32 v61  }
0x5b8: {  	v41 =	vld [tilespmem:$0x193A0];
	v22 =	vunpack.i.l.bf16.f32 v61;
	v43 =	vadd.f32 v43, v48;
	v61 =	vmul.bf16 v52, v51  }
0x5b9: {  	v48 =	vld [tilespmem:$0xCBD0];
	v35 =	vmul.bf16 v37, v35;
	v40 =	vmul.bf16 v58, v40;
	v22 =	vadd.f32 v22, v46  }
0x5ba: {  	v51 =	vld [tilespmem:$0x193D0];
	v53 =	vunpack.i.u.bf16.f32 v62;
	v32 =	vadd.f32 v56, v21;
	v42 =	vunpack.i.u.bf16.f32 v16  }
0x5bb: {  	v37 =	vld [tilespmem:$0xCC10];
	v16 =	vunpack.i.l.bf16.f32 v16;
	v21 =	vunpack.i.l.bf16.f32 v60;
	v60 =	vmul.bf16 v50, v49  }
0x5bc: {  	v56 =	vld [tilespmem:$0xCBC0];
	v52 =	vunpack.i.u.bf16.f32 v61;
	v46 =	vunpack.i.l.bf16.f32 v61;
	v50 =	vunpack.i.l.bf16.f32 v62  }
0x5bd: {  	v58 =	vunpack.i.u.bf16.f32 v40;
	v16 =	vadd.f32 v16, v42;
	v46 =	vadd.f32 v46, v52;
	v52 =	vld [tilespmem:$0xCBF0]  }
0x5be: {  	v40 =	vunpack.i.l.bf16.f32 v40;
	v21 =	vadd.f32 v21, v63;
	v50 =	vadd.f32 v50, v53;
	v53 =	vld [tilespmem:$0x193F0]  }
0x5bf: {  	v63 =	vunpack.i.u.bf16.f32 v17;
	v17 =	vunpack.i.l.bf16.f32 v17;
	v40 =	vadd.f32 v40, v58;
	v58 =	vld [tilespmem:$0xCC30]  }
0x5c0: {  	v49 =	vunpack.i.u.bf16.f32 v60;
	v42 =	vunpack.i.l.bf16.f32 v60;
	v60 =	vmul.bf16 v57, v55;
	v55 =	vld [tilespmem:$0x19410]  }
0x5c1: {  	v17 =	vadd.f32 v17, v63;
	v63 =	vunpack.i.u.bf16.f32 v35;
	v42 =	vadd.f32 v42, v49;
	v49 =	vld [tilespmem:$0x193E0]  }
0x5c2: {  	v35 =	vunpack.i.l.bf16.f32 v35;
	v16 =	vadd.f32 v21, v16;
	v21 =	vadd.f32 v43, v22;
	v43 =	vld [tilespmem:$0xCC00]  }
0x5c3: {  	v62 =	vunpack.i.u.bf16.f32 v34;
	v57 =	vadd.f32 v35, v63;
	v18 =	vmul.bf16 v41, v18;
	v41 =	vld [tilespmem:$0x19440]  }
0x5c4: {  	v17 =	vadd.f32 v17, v50;
	v61 =	vunpack.i.u.bf16.f32 v60;
	v22 =	vunpack.i.l.bf16.f32 v60;
	v50 =	vld [tilespmem:$0xCC20]  }
0x5c5: {  	v34 =	vunpack.i.l.bf16.f32 v34;
	v42 =	vadd.f32 v46, v42;
	v46 =	vld [tilespmem:$0x19400];
	v22 =	vadd.f32 v22, v61  }
0x5c6: {  	v61 =	vmul.bf16 v47, v44;
	v63 =	vunpack.i.u.bf16.f32 v18;
	v18 =	vunpack.i.l.bf16.f32 v18;
	v44 =	vld [tilespmem:$0x19460]  }
0x5c7: {  	v54 =	vadd.f32 v34, v62;
	v18 =	vadd.f32 v18, v63;
	v63 =	vmul.bf16 v53, v52;
	v53 =	vld [tilespmem:$0xCC90]  }
0x5c8: {  	v35 =	vadd.f32 v21, v16;
	v34 =	vadd.f32 v17, v42;
	v17 =	vld [tilespmem:$0x19430]  }
0x5c9: {  	v19 =	vmul.bf16 v36, v19;
	v21 =	vadd.f32 v54, v22;
	v22 =	vadd.f32 v40, v57;
	v40 =	vld [tilespmem:$0xCC40]  }
0x5ca: {  	v16 =	vmul.bf16 v39, v38;
	v42 =	vld [tilespmem:$0xCC50]  }
0x5cb: {  	v62 =	vunpack.i.u.bf16.f32 v19;
	v54 =	vld [tilespmem:$0x19450]  }
0x5cc: {  	v19 =	vunpack.i.l.bf16.f32 v19;
	v60 =	vunpack.i.u.bf16.f32 v16;
	v16 =	vunpack.i.l.bf16.f32 v16;
	v57 =	vld [tilespmem:$0xCC60]  }
0x5cd: {  	v47 =	vunpack.i.u.bf16.f32 v61;
	v38 =	vunpack.i.l.bf16.f32 v61;
	v61 =	vmul.bf16 v51, v48;
	v51 =	vld [tilespmem:$0x19480]  }
0x5ce: {  	v19 =	vadd.f32 v19, v62;
	v37 =	vmul.bf16 v55, v37;
	v55 =	vld [tilespmem:$0xCCB0];
	v16 =	vadd.f32 v16, v60  }
0x5cf: {  	v38 =	vadd.f32 v38, v47;
	v60 =	vmul.bf16 v45, v56;
	v20 =	vmul.bf16 v49, v20;
	v45 =	vld [tilespmem:$0x19470]  }
0x5d0: {  	v47 =	vld [tilespmem:$0xCC80];
	v52 =	vunpack.i.u.bf16.f32 v63;
	v39 =	vunpack.i.l.bf16.f32 v63;
	v36 =	vadd.f32 v22, v21  }
0x5d1: {  	v21 =	vld [tilespmem:$0xCC70];
	v48 =	vunpack.i.u.bf16.f32 v61;
	v22 =	vunpack.i.l.bf16.f32 v61;
	v39 =	vadd.f32 v39, v52  }
0x5d2: {  	v61 =	vmul.bf16 v59, v50;
	v50 =	vld [tilespmem:$0x194A0];
	v16 =	vadd.f32 v19, v16;
	v18 =	vadd.f32 v38, v18  }
0x5d3: {  	v52 =	vld [tilespmem:$0xCD70];
	v62 =	vunpack.i.u.bf16.f32 v60;
	v19 =	vunpack.i.l.bf16.f32 v60;
	v49 =	vunpack.i.u.bf16.f32 v20  }
0x5d4: {  	v20 =	vunpack.i.l.bf16.f32 v20;
	v22 =	vadd.f32 v22, v48;
	v56 =	vmul.bf16 v46, v43;
	v43 =	vld [tilespmem:$0x19490]  }
0x5d5: {  	v46 =	vld [tilespmem:$0xCCA0];
	v19 =	vadd.f32 v19, v62;
	v20 =	vadd.f32 v20, v49  }
0x5d6: {  	v48 =	vld [tilespmem:$0x194B0];
	v62 =	vunpack.i.u.bf16.f32 v37;
	v37 =	vunpack.i.l.bf16.f32 v37;
	v63 =	vunpack.i.u.bf16.f32 v61  }
0x5d7: {  	v49 =	vunpack.i.l.bf16.f32 v61;
	v61 =	vld [tilespmem:$0x194C0];
	v60 =	vunpack.i.u.bf16.f32 v56;
	v38 =	vunpack.i.l.bf16.f32 v56  }
0x5d8: {  	v37 =	vadd.f32 v37, v62;
	v49 =	vadd.f32 v49, v63;
	v62 =	vmul.bf16 v44, v57;
	v57 =	vld [tilespmem:$0xCD00]  }
0x5d9: {  	v17 =	vmul.bf16 v17, v58;
	v38 =	vadd.f32 v38, v60;
	v60 =	vld [tilespmem:$0xCCC0];
	v19 =	vadd.f32 v22, v19  }
0x5da: {  	v20 =	vadd.f32 v39, v20;
	v22 =	vld [tilespmem:$0xCCD0];
	v39 =	vadd.f32 v18, v16;
	v16 =	vmul.bf16 v41, v40  }
0x5db: {  	v18 =	vld [tilespmem:$0xCCE0];
	v51 =	vmul.bf16 v51, v47;
	v58 =	vunpack.i.u.bf16.f32 v17;
	v17 =	vunpack.i.l.bf16.f32 v17  }
0x5dc: {  	v41 =	vld [tilespmem:$0xCCF0];
	v21 =	vmul.bf16 v45, v21;
	v44 =	vunpack.i.u.bf16.f32 v62;
	v17 =	vadd.f32 v17, v58  }
0x5dd: {  	v45 =	vld [tilespmem:$0x194F0];
	v37 =	vadd.f32 v37, v38;
	v38 =	vadd.f32 v20, v19;
	v40 =	vunpack.i.u.bf16.f32 v16  }
0x5de: {  	v20 =	vld [tilespmem:$0x194E0];
	v16 =	vunpack.i.l.bf16.f32 v16;
	v19 =	vunpack.i.l.bf16.f32 v62;
	v43 =	vmul.bf16 v43, v53  }
0x5df: {  	v47 =	vunpack.i.u.bf16.f32 v51;
	v46 =	vmul.bf16 v50, v46;
	v50 =	vld [tilespmem:$0x19510];
	v48 =	vmul.bf16 v48, v55  }
0x5e0: {  	v53 =	vld [tilespmem:$0xCD20];
	v63 =	vunpack.i.u.bf16.f32 v21;
	v21 =	vunpack.i.l.bf16.f32 v21;
	v16 =	vadd.f32 v16, v40  }
0x5e1: {  	v19 =	vadd.f32 v19, v44;
	v44 =	vld [tilespmem:$0xCD10];
	v40 =	vunpack.i.l.bf16.f32 v51;
	v17 =	vadd.f32 v17, v49  }
0x5e2: {  	v51 =	vld [tilespmem:$0xCD30];
	v21 =	vadd.f32 v21, v63;
	v58 =	vunpack.i.u.bf16.f32 v43;
	v43 =	vunpack.i.l.bf16.f32 v43  }
0x5e3: {  	v49 =	vld [tilespmem:$0x194D0];
	v59 =	vunpack.i.u.bf16.f32 v46;
	v46 =	vunpack.i.l.bf16.f32 v46;
	v40 =	vadd.f32 v40, v47  }
0x5e4: {  	v47 =	vld [tilespmem:$0x19520];
	v55 =	vunpack.i.u.bf16.f32 v48;
	v48 =	vunpack.i.l.bf16.f32 v48;
	v43 =	vadd.f32 v43, v58  }
0x5e5: {  	v46 =	vadd.f32 v46, v59;
	v48 =	vadd.f32 v48, v55;
	v55 =	vld [tilespmem:$0xCDD0]  }
0x5e6: {  	v60 =	vmul.bf16 v61, v60;
	v37 =	vadd.f32 v17, v37;
	v17 =	vmul.bf16 v54, v42;
	v54 =	vld [tilespmem:$0x19530]  }
0x5e7: {  	v41 =	vmul.bf16 v45, v41;
	v45 =	vld [tilespmem:$0x19550];
	v40 =	vadd.f32 v43, v40;
	v61 =	vadd.f32 v48, v46  }
0x5e8: {  	v46 =	vld [tilespmem:$0x19540];
	v62 =	vunpack.i.u.bf16.f32 v60;
	v18 =	vmul.bf16 v20, v18;
	v42 =	vunpack.i.u.bf16.f32 v17  }
0x5e9: {  	v20 =	vld [tilespmem:$0xCD50];
	v17 =	vunpack.i.l.bf16.f32 v17;
	v58 =	vunpack.i.u.bf16.f32 v41;
	v41 =	vunpack.i.l.bf16.f32 v41  }
0x5ea: {  	v48 =	vld [tilespmem:$0xCD60];
	v17 =	vadd.f32 v17, v42;
	v63 =	vunpack.i.u.bf16.f32 v18;
	v18 =	vunpack.i.l.bf16.f32 v18  }
0x5eb: {  	v42 =	vld [tilespmem:$0x19500];
	v22 =	vmul.bf16 v49, v22;
	v41 =	vadd.f32 v41, v58;
	v18 =	vadd.f32 v18, v63  }
0x5ec: {  	v58 =	vld [tilespmem:$0x195B0];
	v16 =	vadd.f32 v17, v16;
	v17 =	vadd.f32 v21, v19;
	v19 =	vunpack.i.l.bf16.f32 v60  }
0x5ed: {  	v21 =	vld [tilespmem:$0xCD40];
	v49 =	vunpack.i.u.bf16.f32 v22;
	v22 =	vunpack.i.l.bf16.f32 v22;
	v19 =	vadd.f32 v19, v62  }
0x5ee: {  	v60 =	vmul.bf16 v50, v44;
	v50 =	vld [tilespmem:$0x19580];
	v22 =	vadd.f32 v22, v49;
	v18 =	vadd.f32 v41, v18  }
0x5ef: {  	v49 =	vld [tilespmem:$0x19560];
	v20 =	vmul.bf16 v45, v20;
	v16 =	vadd.f32 v17, v16;
	v17 =	vadd.f32 v61, v40  }
0x5f0: {  	v41 =	vld [tilespmem:$0xCD80];
	v61 =	vmul.bf16 v47, v53;
	v47 =	vmul.bf16 v54, v51;
	v62 =	vunpack.i.u.bf16.f32 v60  }
0x5f1: {  	v45 =	vld [tilespmem:$0xCDF0];
	v59 =	vmul.bf16 v42, v57;
	v19 =	vadd.f32 v22, v19;
	v22 =	vunpack.i.l.bf16.f32 v60  }
0x5f2: {  	v53 =	vld [tilespmem:$0xCD90];
	v63 =	vunpack.i.u.bf16.f32 v61;
	v44 =	vunpack.i.l.bf16.f32 v61;
	v60 =	vunpack.i.u.bf16.f32 v47  }
0x5f3: {  	v51 =	vld [tilespmem:$0x195E0];
	v47 =	vunpack.i.l.bf16.f32 v47;
	v22 =	vadd.f32 v22, v62;
	v43 =	vunpack.i.u.bf16.f32 v59  }
0x5f4: {  	v42 =	vld [tilespmem:$0x19570];
	v40 =	vunpack.i.l.bf16.f32 v59;
	v44 =	vadd.f32 v44, v63;
	v47 =	vadd.f32 v47, v60  }
0x5f5: {  	v61 =	vld [tilespmem:$0x19590];
	v18 =	vadd.f32 v18, v19;
	v21 =	vmul.bf16 v46, v21;
	v59 =	vunpack.i.u.bf16.f32 v20  }
0x5f6: {  	v62 =	vld [tilespmem:$0x195A0];
	v20 =	vunpack.i.l.bf16.f32 v20;
	v40 =	vadd.f32 v40, v43;
	v57 =	vmul.bf16 v49, v48  }
0x5f7: {  	v63 =	vld [tilespmem:$0xCDB0];
	v20 =	vadd.f32 v20, v59;
	v41 =	vmul.bf16 v50, v41;
	v46 =	vunpack.i.u.bf16.f32 v21  }
0x5f8: {  	v43 =	vld [tilespmem:$0xCDA0];
	v21 =	vunpack.i.l.bf16.f32 v21;
	v19 =	vadd.f32 v22, v40;
	v40 =	vadd.f32 v47, v44  }
0x5f9: {  	v42 =	vmul.bf16 v42, v52;
	v47 =	vld [tilespmem:$0xCDC0];
	v49 =	vunpack.i.u.bf16.f32 v57;
	v44 =	vunpack.i.l.bf16.f32 v57  }
0x5fa: {  	v52 =	vld [tilespmem:$0x195C0];
	v21 =	vadd.f32 v21, v46;
	v50 =	vunpack.i.u.bf16.f32 v41;
	v41 =	vunpack.i.l.bf16.f32 v41  }
0x5fb: {  	v46 =	vld [tilespmem:$0x195D0];
	v44 =	vadd.f32 v44, v49;
	v61 =	vmul.bf16 v61, v53;
	v41 =	vadd.f32 v41, v50  }
0x5fc: {  	v57 =	vld [tilespmem:$0x19630];
	v60 =	vunpack.i.u.bf16.f32 v42;
	v42 =	vunpack.i.l.bf16.f32 v42;
	v20 =	vadd.f32 v20, v21  }
0x5fd: {  	v49 =	vld [tilespmem:$0xCDE0];
	v22 =	vmul.bf16 v58, v63;
	v19 =	vadd.f32 v40, v19;
	v42 =	vadd.f32 v42, v60  }
0x5fe: {  	v50 =	vld [tilespmem:$0x195F0];
	v43 =	vmul.bf16 v62, v43;
	v53 =	vunpack.i.u.bf16.f32 v61;
	v48 =	vunpack.i.l.bf16.f32 v61  }
0x5ff: {  	v60 =	vld [tilespmem:$0xCE00];
	v63 =	vunpack.i.u.bf16.f32 v22;
	v22 =	vunpack.i.l.bf16.f32 v22;
	v48 =	vadd.f32 v48, v53  }
0x600: {  	v61 =	vld [tilespmem:$0x19600];
	v62 =	vunpack.i.u.bf16.f32 v43;
	v43 =	vunpack.i.l.bf16.f32 v43;
	v22 =	vadd.f32 v22, v63  }
0x601: {  	v40 =	vld [tilespmem:$0xCE20];
	v63 =	vmul.bf16 v52, v47;
	v43 =	vadd.f32 v43, v62;
	v62 =	vadd.f32 v42, v44  }
0x602: {  	v42 =	vld [tilespmem:$0xCE10];
	v41 =	vadd.f32 v48, v41;
	v48 =	vmul.bf16 v46, v55;
	v49 =	vmul.bf16 v51, v49  }
0x603: {  	v51 =	vld [tilespmem:$0x19620];
	v52 =	vunpack.i.u.bf16.f32 v63;
	v21 =	vunpack.i.l.bf16.f32 v63;
	v22 =	vadd.f32 v22, v43  }
0x604: {  	[tilespmem:$0x1AE40] =	vst v33;
	v45 =	vmul.bf16 v50, v45;
	v55 =	vld [tilespmem:$0xCE30];
	v20 =	vadd.f32 v62, v20;
	v21 =	vadd.f32 v21, v52  }
0x605: {  	[tilespmem:$0x1AE50] =	vst v32;
	v43 =	vld [tilespmem:$0x19610];
	v58 =	vunpack.i.u.bf16.f32 v49;
	v59 =	vunpack.i.l.bf16.f32 v49;
	v60 =	vmul.bf16 v61, v60  }
0x606: {  	[tilespmem:$0x1AE60] =	vst v35;
	v61 =	vunpack.i.u.bf16.f32 v45;
	v45 =	vunpack.i.l.bf16.f32 v45;
	v35 =	vadd.f32 v59, v58  }
0x607: {  	[tilespmem:$0x1AE70] =	vst v34;
	v56 =	vunpack.i.u.bf16.f32 v48;
	v62 =	vadd.f32 v45, v61;
	v22 =	vadd.f32 v22, v41  }
0x608: {  	[tilespmem:$0x1AE80] =	vst v36;
	v41 =	vunpack.i.l.bf16.f32 v48;
	v45 =	vunpack.i.u.bf16.f32 v60;
	v44 =	vmul.bf16 v51, v40  }
0x609: {  	[tilespmem:$0x1AE90] =	vst v39;
	v34 =	vunpack.i.l.bf16.f32 v60;
	v32 =	vadd.f32 v41, v56;
	v33 =	vmul.bf16 v57, v55  }
0x60a: {  	[tilespmem:$0x1AEA0] =	vst v38;
	v34 =	vadd.f32 v34, v45;
	v63 =	vmul.bf16 v43, v42;
	v47 =	vunpack.i.u.bf16.f32 v44  }
0x60b: {  	[tilespmem:$0x1AEB0] =	vst v37;
	v39 =	vunpack.i.l.bf16.f32 v44;
	v48 =	vunpack.i.u.bf16.f32 v33;
	v33 =	vunpack.i.l.bf16.f32 v33  }
0x60c: {  	[tilespmem:$0x1AED0] =	vst v17;
	v51 =	vld [tilespmem:$0x1FFD0];
	v17 =	vadd.f32 v39, v47;
	v46 =	vunpack.i.u.bf16.f32 v63;
	v41 =	vunpack.i.l.bf16.f32 v63  }
0x60d: {  	[tilespmem:$0x1AEC0] =	vst v16;
	v52 =	vld [tilespmem:$0x1FFC0];
	v33 =	vadd.f32 v33, v48;
	v16 =	vadd.f32 v41, v46  }
0x60e: {  	[tilespmem:$0x1AEE0] =	vst v18;
	v53 =	vld [tilespmem:$0x1FFB0];
	v50 =	vadd.f32 v62, v35;
	v49 =	vadd.f32 v32, v21  }
0x60f: {  	v54 =	vld [tilespmem:$0x1FFA0];
	[tilespmem:$0x1AEF0] =	vst v19;
	v17 =	vadd.f32 v33, v17;
	v16 =	vadd.f32 v16, v34  }
0x610: {  	[tilespmem:$0x1AF00] =	vst v20;
	v55 =	vld [tilespmem:$0x1FF90];
	v18 =	vadd.f32 v50, v49  }
0x611: {  	[tilespmem:$0x1AF10] =	vst v22;
	v16 =	vadd.f32 v17, v16  }
0x612: {  	[tilespmem:$0x1AF20] =	vst v18;
	v17 =	vld [tilespmem:$0x1FFE0]  }
0x613: {  	[tilespmem:$0x1AF30] =	vst v16;
	v16 =	vld [tilespmem:$0x1FFF0]  }
0x614: {  	v18 =	vld.idx.msk [tilespmem:v51+s18+$0x0], $0xffff  }
0x615: {  	v19 =	vld.idx.msk [tilespmem:v52+s18+$0x0], $0xffff  }
0x616: {  	v20 =	vld.idx.msk [tilespmem:v53+s18+$0x0], $0xffff  }
0x617: {  	v21 =	vld.idx.msk [tilespmem:v54+s18+$0x0], $0xffff  }
0x618: {  	v22 =	vld.idx.msk [tilespmem:v55+s18+$0x0], $0xffff  }
0x619: {  	v23 =	vld.idx.msk [tilespmem:v23+s18+$0x0], $0xffff  }
0x61a: {  	v24 =	vld.idx.msk [tilespmem:v24+s18+$0x0], $0xffff  }
0x61b: {  	v25 =	vld.idx.msk [tilespmem:v25+s18+$0x0], $0xffff  }
0x61c: {  	v26 =	vld.idx.msk [tilespmem:v26+s18+$0x0], $0xffff  }
0x61d: {  	v27 =	vld.idx.msk [tilespmem:v27+s18+$0x0], $0xffff  }
0x61e: {  	v28 =	vld.idx.msk [tilespmem:v28+s18+$0x0], $0xffff  }
0x61f: {  	v29 =	vld.idx.msk [tilespmem:v29+s18+$0x0], $0xffff  }
0x620: {  	v30 =	vld.idx.msk [tilespmem:v30+s18+$0x0], $0xffff  }
0x621: {  	v31 =	vld.idx.msk [tilespmem:v31+s18+$0x0], $0xffff  }
0x622: {  	v17 =	vld.idx.msk [tilespmem:v17+s18+$0x0], $0xffff  }
0x623: {  	v16 =	vld.idx.msk [tilespmem:v16+s18+$0x0], $0xffff;
	_ =	sdelay $0x1  }
0x624: {  	v56 =	vadd.f32 v21, v20;
	v57 =	vadd.f32 v23, v22  }
0x625: {  	v58 =	vadd.f32 v25, v24;
	v59 =	vadd.f32 v27, v26  }
0x626: {  	v60 =	vadd.f32 v29, v28;
	v61 =	vadd.f32 v31, v30  }
0x627: {  	v16 =	vadd.f32 v17, v16;
	v17 =	vadd.f32 v19, v18  }
0x628: {  	v62 =	vadd.f32 v59, v58;
	v63 =	vadd.f32 v61, v60  }
0x629: {  	v16 =	vadd.f32 v17, v16;
	v17 =	vadd.f32 v57, v56;
	_ =	sdelay $0x1  }
.Ltmp7:
0x62a: {  	v16 =	vadd.f32 v17, v16;
	v17 =	vadd.f32 v63, v62;
	(pc) =	sbr.rel .LBB2_8-.Ltmp7, $3  }
0x62b: {  	_ = 	snop  }
0x62c: {  	v16 =	vadd.f32 v17, v16;
	_ =	sdelay $0x1  }
0x62d: {  	[tilespmem:s24+$0x1B0C0] =	vst v16  }
.LBB2_10:
0x62e: {  	_ =	sfence.sel $0x180000  }
0x62f: {  	[bflag:$0x0] =	sbarrier.arrive $0xFFFF  }
0x630: {  	_ =	strace $0x90000047  }
0x631: {  	s0 =	stileid.u32;
	[bflag:$0x2] =	sbarrier.arrive $0xFFFF  }
0x632: {  	p0 =	sne.s32 s0, $0x0;
	s0 =	rddreg [dreg:$0x1]  }
0x633: {  	s0 =	sadd.s32 @!p0 $0x100000, s0  }
0x634: {  	[sflag:s0] =	ssyncadd.tile.s32 @!p0 $0x1;
	_ =	shalt  }
.Lfunc_end2:
_tile_overlayer_lowered:
.L_overlay_start_2:
0x635: {  	(tag) =	ssettag $0x2  }
0x636: {  	s0 =	rddreg [dreg:$0x0];
	s2 =	stileid.u32  }
0x637: {  	s1 =	rddreg [dreg:$0x1];
	p0 =	sne.s32 s2, $0x0  }
0x638: {  	s3 =	rddreg [dreg:$0x2];
	[bflag:$0x3] =	sbarrier.arrive $0xFFFF;
	s2 =	simm.s32 @!p0 $0x1C05  }
0x639: {  	[timem:s3], [sflag:s2] =	dma.local @!p0 [hbm:s0], s1  }
0x63a: {  	s0 =	simm.s32 @!p0 $0x5  }
0x63b: {  	_ =	swait.ge @!p0 [sflag:s0], s1  }
0x63c: {  	s1 =	ssub.s32 @!p0 $0x0, s1;
	[sflag:s0] =	ssyncset.done @!p0 $0x0  }
0x63d: {  	[sflag:s0] =	ssyncadd.s32 @!p0 s1  }
0x63e: {  	[bflag:$0x3] =	sbarrier.arrive $0xFFFF  }
0x63f: {  	_ =	shalt  }

</sc_bundles>
